<compile_context>
chip_gen: v7x
topology: tpu7x:2x2x1
jax: 0.10.2.dev20260603
libtpu: 0.0.44.dev20260713+nightly
codegen_flags: <defaults>
</compile_context>

<pallas_src>
import functools

import jax
import jax.numpy as jnp
from jax import lax
from jax.experimental import pallas as pl
from jax.experimental.pallas import tpu as pltpu
from jax.experimental.pallas import tpu_sc as plsc

NN = 10000
EE = 320000
DD = 128
HH = 128
OO = 64
GG = 16

N_PAD = 10240
ROWS_PER_TILE = N_PAD // 16
CHUNK = 64
WORKERS = 32
CHUNKS_PER_W = 164
NQUAD = CHUNKS_PER_W // 4
E_CAP = WORKERS * CHUNKS_PER_W * CHUNK

_MESH = plsc.VectorSubcoreMesh(core_axis_name="c", subcore_axis_name="s",
                               num_cores=2, num_subcores=16)


def _zero_acc(zeros_v, acc, sid):
    for k in range(ROWS_PER_TILE // CHUNK):
        row = pl.multiple_of(sid * ROWS_PER_TILE + k * CHUNK, CHUNK)
        pltpu.sync_copy(zeros_v, acc.at[pl.ds(row, CHUNK)])


def _writeback(acc, out, cid, sid):
    row = pl.multiple_of(sid * ROWS_PER_TILE, 8)
    pltpu.sync_copy(acc.at[pl.ds(row, ROWS_PER_TILE)],
                    out.at[cid, pl.ds(row, ROWS_PER_TILE)])


@functools.partial(
    pl.kernel,
    out_type=jax.ShapeDtypeStruct((2, N_PAD, 16), jnp.float32),
    mesh=_MESH,
    scratch_types=[
        pltpu.VMEM((CHUNKS_PER_W, CHUNK), jnp.int32),
        pltpu.VMEM((CHUNK, 16), jnp.float32),
        pltpu.VMEM((CHUNK, 16), jnp.float32),
        pltpu.VMEM_SHARED((N_PAD, 16), jnp.float32),
        pltpu.SemaphoreType.DMA,
    ],
)
def _deg_kernel(dst2d, ones_hbm, zeros_hbm, out, dsts_v, ones_v, zbuf_v, acc,
                sem):
    cid = lax.axis_index("c")
    sid = lax.axis_index("s")
    wid = sid * 2 + cid
    pltpu.sync_copy(dst2d.at[wid], dsts_v)
    pltpu.sync_copy(zeros_hbm, zbuf_v)
    pltpu.sync_copy(ones_hbm, ones_v)
    _zero_acc(zbuf_v, acc, sid)
    plsc.subcore_barrier()

    def fire(c, carry):
        pltpu.async_copy(ones_v, acc.at[dsts_v.at[c]], sem, add=True)
        return carry

    lax.fori_loop(0, CHUNKS_PER_W, fire, 0)

    def drain(c, carry):
        pltpu.make_async_copy(ones_v, acc.at[dsts_v.at[c]], sem).wait()
        return carry

    lax.fori_loop(0, CHUNKS_PER_W, drain, 0)
    plsc.subcore_barrier()
    _writeback(acc, out, cid, sid)


def _make_agg(w):

    @functools.partial(
        pl.kernel,
        out_type=jax.ShapeDtypeStruct((2, N_PAD, w), jnp.float32),
        mesh=_MESH,
        scratch_types=(
            [pltpu.VMEM((CHUNKS_PER_W // 2, 2 * CHUNK), jnp.int32)]
            + [pltpu.VMEM((CHUNK,), jnp.int32) for _ in range(4)]
            + [pltpu.VMEM((CHUNK,), jnp.int32) for _ in range(4)]
            + [pltpu.VMEM((CHUNK, w), jnp.float32) for _ in range(4)]
            + [pltpu.VMEM_SHARED((N_PAD, w), jnp.float32)]
            + [pltpu.SemaphoreType.DMA for _ in range(8)]
        ),
    )
    def agg(hp, packed3d, zeros_hbm, out, packed_v,
            src0, src1, src2, src3, dst0, dst1, dst2, dst3,
            rows0, rows1, rows2, rows3, acc,
            sg0, sg1, sg2, sg3, ss0, ss1, ss2, ss3):
        cid = lax.axis_index("c")
        sid = lax.axis_index("s")
        wid = sid * 2 + cid
        srcs = [src0, src1, src2, src3]
        dsts = [dst0, dst1, dst2, dst3]
        rows = [rows0, rows1, rows2, rows3]
        sg = [sg0, sg1, sg2, sg3]
        ss = [ss0, ss1, ss2, ss3]

        def unpack(row, half, src_v, dst_v):
            for j in range(CHUNK // 16):
                p16 = packed_v[row, pl.ds(half * CHUNK + j * 16, 16)]
                src_v[pl.ds(j * 16, 16)] = p16 & 0x3FFF
                dst_v[pl.ds(j * 16, 16)] = lax.shift_right_logical(p16, 14)

        pltpu.sync_copy(packed3d.at[wid], packed_v)
        unpack(0, 0, src0, dst0)
        unpack(0, 1, src1, dst1)
        pltpu.async_copy(hp.at[src0], rows0, sg0)
        pltpu.async_copy(hp.at[src1], rows1, sg1)
        pltpu.sync_copy(zeros_hbm, rows3)
        _zero_acc(rows3, acc, sid)
        plsc.subcore_barrier()

        def quad(p, carry):
            for k in range(4):
                c = p * 4 + k
                k2 = (k + 2) % 4
                pltpu.make_async_copy(hp.at[srcs[k]], rows[k], sg[k]).wait()
                pltpu.async_copy(rows[k], acc.at[dsts[k]], ss[k], add=True)

                @pl.when(c >= 2)
                def _():
                    pltpu.make_async_copy(rows[k2], acc.at[dsts[k2]],
                                          ss[k2]).wait()

                @pl.when(c + 2 < CHUNKS_PER_W)
                def _():
                    unpack(p * 2 + (k + 2) // 2, k % 2, srcs[k2], dsts[k2])
                    pltpu.async_copy(hp.at[srcs[k2]], rows[k2], sg[k2])

            return carry

        lax.fori_loop(0, NQUAD, quad, 0)
        pltpu.make_async_copy(rows2, acc.at[dst2], ss2).wait()
        pltpu.make_async_copy(rows3, acc.at[dst3], ss3).wait()
        plsc.subcore_barrier()
        _writeback(acc, out, cid, sid)

    return agg


_agg128 = _make_agg(HH)


_TCGRID = 8
_BLK = N_PAD // _TCGRID


def _tc_prep1(deg2, x_pad, w1):

    def body(deg_ref, x_ref, w_ref, dinv_ref, hp_ref):
        deg = deg_ref[0, :, 0:1] + deg_ref[1, :, 0:1]
        dinv = jnp.where(deg > 0, lax.rsqrt(deg), 0.0)
        dinv_ref[...] = dinv
        hp_ref[...] = dinv * jnp.dot(x_ref[...], w_ref[...],
                                     preferred_element_type=jnp.float32)

    return pl.pallas_call(
        body,
        grid=(_TCGRID,),
        in_specs=[pl.BlockSpec((2, _BLK, 16), lambda i: (0, i, 0)),
                  pl.BlockSpec((_BLK, DD), lambda i: (i, 0)),
                  pl.BlockSpec((DD, DD), lambda i: (0, 0))],
        out_specs=(pl.BlockSpec((_BLK, 1), lambda i: (i, 0)),
                   pl.BlockSpec((_BLK, DD), lambda i: (i, 0))),
        out_shape=(jax.ShapeDtypeStruct((N_PAD, 1), jnp.float32),
                   jax.ShapeDtypeStruct((N_PAD, DD), jnp.float32)),
    )(deg2, x_pad, w1)


def _tc_mid(acc2, dinv, b_row, w_next):

    def body(acc_ref, dinv_ref, b_ref, w_ref, out_ref):
        dinv = dinv_ref[...]
        a = jnp.maximum(dinv * (acc_ref[0] + acc_ref[1]) + b_ref[...], 0.0)
        out_ref[...] = dinv * jnp.dot(a, w_ref[...],
                                      preferred_element_type=jnp.float32)

    return pl.pallas_call(
        body,
        grid=(_TCGRID,),
        in_specs=[pl.BlockSpec((2, _BLK, HH), lambda i: (0, i, 0)),
                  pl.BlockSpec((_BLK, 1), lambda i: (i, 0)),
                  pl.BlockSpec((1, HH), lambda i: (0, 0)),
                  pl.BlockSpec((HH, HH), lambda i: (0, 0))],
        out_specs=pl.BlockSpec((_BLK, HH), lambda i: (i, 0)),
        out_shape=jax.ShapeDtypeStruct((N_PAD, HH), jnp.float32),
    )(acc2, dinv, b_row, w_next)


def _tc_prep3(acc2, dinv, b_row, x_pad, w3a, w3b):

    def body(acc_ref, dinv_ref, b_ref, x_ref, wa_ref, wb_ref, out_ref):
        dinv = dinv_ref[...]
        a = jnp.maximum(dinv * (acc_ref[0] + acc_ref[1]) + b_ref[...], 0.0)
        hp3 = dinv * (
            jnp.dot(a, wa_ref[...], preferred_element_type=jnp.float32)
            + jnp.dot(x_ref[...], wb_ref[...], preferred_element_type=jnp.float32))
        out_ref[...] = jnp.concatenate(
            [hp3, jnp.zeros((_BLK, HH - OO), jnp.float32)], axis=1)

    return pl.pallas_call(
        body,
        grid=(_TCGRID,),
        in_specs=[pl.BlockSpec((2, _BLK, HH), lambda i: (0, i, 0)),
                  pl.BlockSpec((_BLK, 1), lambda i: (i, 0)),
                  pl.BlockSpec((1, HH), lambda i: (0, 0)),
                  pl.BlockSpec((_BLK, DD), lambda i: (i, 0)),
                  pl.BlockSpec((HH, OO), lambda i: (0, 0)),
                  pl.BlockSpec((DD, OO), lambda i: (0, 0))],
        out_specs=pl.BlockSpec((_BLK, HH), lambda i: (i, 0)),
        out_shape=jax.ShapeDtypeStruct((N_PAD, HH), jnp.float32),
    )(acc2, dinv, b_row, x_pad, w3a, w3b)


def _tc_pool(acc2, dinv, b3_row, gate_w, gate_b11, batch_col):

    def body(acc_ref, dinv_ref, b_ref, gw_ref, gb_ref, batch_ref, out_ref):
        dinv = dinv_ref[...]
        h3 = dinv * (acc_ref[0, :, :OO] + acc_ref[1, :, :OO]) + b_ref[...]
        gate = jnp.dot(h3, gw_ref[...],
                       preferred_element_type=jnp.float32) + gb_ref[0, 0]
        gidx = lax.broadcasted_iota(jnp.int32, (1, GG), 1)
        mask = batch_ref[...] == gidx
        gm = jnp.max(jnp.where(mask, gate, -1e30), axis=0, keepdims=True)
        em = jnp.where(mask, jnp.exp(gate - gm), 0.0)
        denom = jnp.sum(em, axis=0, keepdims=True)
        attn = em / (denom + 1e-16)
        pooled = lax.dot_general(attn, h3, (((0,), (0,)), ((), ())),
                                 preferred_element_type=jnp.float32)
        m = jnp.max(pooled, axis=1, keepdims=True)
        s = jnp.log(jnp.sum(jnp.exp(pooled - m), axis=1, keepdims=True))
        out_ref[...] = pooled - m - s

    return pl.pallas_call(
        body,
        out_shape=jax.ShapeDtypeStruct((GG, OO), jnp.float32),
    )(acc2, dinv, b3_row, gate_w, gate_b11, batch_col)


def kernel(x, edge_index, batch, W1, b1, W2, b2, W3, b3, gate_W, gate_b):
    loop = jnp.arange(NN, dtype=jnp.int32)
    pad_e = E_CAP - (EE + NN)
    pad_idx = NN + (jnp.arange(pad_e, dtype=jnp.int32) % (N_PAD - NN))
    src = jnp.concatenate([edge_index[0], loop, pad_idx])
    dst = jnp.concatenate([edge_index[1], loop, pad_idx])
    packed3d = (src + (dst << 14)).reshape(WORKERS, CHUNKS_PER_W // 2,
                                           2 * CHUNK)
    dst3d = dst.reshape(WORKERS, CHUNKS_PER_W, CHUNK)
    x_pad = jnp.zeros((N_PAD, DD), jnp.float32).at[:NN].set(x)
    batch_col = jnp.concatenate(
        [batch, jnp.full((N_PAD - NN,), GG, jnp.int32)])[:, None]
    ones16 = jnp.ones((CHUNK, 16), jnp.float32)
    zeros16 = jnp.zeros((CHUNK, 16), jnp.float32)
    zeros128 = jnp.zeros((CHUNK, HH), jnp.float32)

    deg2 = _deg_kernel(dst3d, ones16, zeros16)
    dinv, hp1 = _tc_prep1(deg2, x_pad, W1)

    acc1 = _agg128(hp1, packed3d, zeros128)
    hp2 = _tc_mid(acc1, dinv, b1[None, :], W2)

    acc2 = _agg128(hp2, packed3d, zeros128)
    hp3 = _tc_prep3(acc2, dinv, b2[None, :], x_pad, W3[:HH], W3[HH:])

    acc3 = _agg128(hp3, packed3d, zeros128)
    return _tc_pool(acc3, dinv, b3[None, :], gate_W, gate_b[None, :], batch_col)

# --- scband reference (transcript-rebuilt; emitter-appended) ---
"""Pipeline reference for scband-gcn-26903675142382 (READ-ONLY COPY).

The authoritative reference and input builder live on the scoring server;
editing this copy changes nothing except your own understanding.
"""

import jax, jax.numpy as jnp
import numpy as np

N = 10000
E = 320000
D = 128
H1 = 128
H2 = 128
OUT = 64
G = 16


def setup_inputs(seed: int = 0) -> dict:
    key = jax.random.key(seed)
    ks = jax.random.split(key, 12)
    x = jax.random.normal(ks[0], (N, D), dtype=jnp.float32)
    edge_index = jax.random.randint(ks[1], (2, E), 0, N, dtype=jnp.int32)
    batch = jnp.sort(jax.random.randint(ks[2], (N,), 0, G, dtype=jnp.int32))
    W1 = jax.random.normal(ks[3], (D, H1), dtype=jnp.float32) * 0.05
    b1 = jnp.zeros((H1,), dtype=jnp.float32)
    W2 = jax.random.normal(ks[4], (H1, H2), dtype=jnp.float32) * 0.05
    b2 = jnp.zeros((H2,), dtype=jnp.float32)
    W3 = jax.random.normal(ks[5], (H2 + D, OUT), dtype=jnp.float32) * 0.05
    b3 = jnp.zeros((OUT,), dtype=jnp.float32)
    gate_W = jax.random.normal(ks[6], (OUT, 1), dtype=jnp.float32) * 0.05
    gate_b = jnp.zeros((1,), dtype=jnp.float32)
    return {"x": x, "edge_index": edge_index, "batch": batch,
            "W1": W1, "b1": b1, "W2": W2, "b2": b2, "W3": W3, "b3": b3,
            "gate_W": gate_W, "gate_b": gate_b}


def _gcn_conv(x, edge_index, W, b):
    n = x.shape[0]
    loop = jnp.arange(n, dtype=edge_index.dtype)
    src = jnp.concatenate([edge_index[0], loop])
    dst = jnp.concatenate([edge_index[1], loop])
    ones = jnp.ones((src.shape[0],), dtype=x.dtype)
    deg = jax.ops.segment_sum(ones, dst, num_segments=n)
    dinv = jnp.where(deg > 0, jax.lax.rsqrt(jnp.maximum(deg, 1e-12)), 0.0)
    norm = dinv[src] * dinv[dst]
    h = x @ W
    msg = h[src] * norm[:, None]
    out = jax.ops.segment_sum(msg, dst, num_segments=n)
    return out + b


def reference(x, edge_index, batch, W1, b1, W2, b2, W3, b3, gate_W, gate_b):
    x0 = x
    h = _gcn_conv(x, edge_index, W1, b1)
    h = jax.nn.relu(h)
    h = _gcn_conv(h, edge_index, W2, b2)
    h = jax.nn.relu(h)
    h = jnp.concatenate([h, x0], axis=1)
    h = _gcn_conv(h, edge_index, W3, b3)
    # GlobalAttention pooling: softmax(gate) over each graph segment, weighted sum
    gate = h @ gate_W + gate_b  # [N, 1]
    gmax = jax.ops.segment_max(gate, batch, num_segments=G)
    e = jnp.exp(gate - gmax[batch])
    denom = jax.ops.segment_sum(e, batch, num_segments=G)
    att = e / (denom[batch] + 1e-16)
    pooled = jax.ops.segment_sum(att * h, batch, num_segments=G)  # [G, OUT]
    return jax.nn.log_softmax(pooled, axis=1)

if __name__ == "__main__":
    import jax
    _d = setup_inputs()
    print(jax.jit(kernel)(*tuple(_d.values())))

</pallas_src>

<mosaic_0001>
#map = affine_map<(d0, d1) -> (0, 0)>
#map1 = affine_map<(d0, d1) -> (0, 0, 0)>
module attributes {stable_mosaic.version = 14 : i64} {
  func.func @agg(%arg0: i32, %arg1: i32, %arg2: memref<10240x128xf32, #tpu.memory_space<hbm>>, %arg3: memref<32x82x128xi32, #tpu.memory_space<hbm>>, %arg4: memref<64x128xf32, #tpu.memory_space<hbm>>, %arg5: memref<2x10240x128xf32, #tpu.memory_space<hbm>>, %arg6: memref<82x128xi32, #tpu.memory_space<vmem>>, %arg7: memref<64xi32, #tpu.memory_space<vmem>>, %arg8: memref<64xi32, #tpu.memory_space<vmem>>, %arg9: memref<64xi32, #tpu.memory_space<vmem>>, %arg10: memref<64xi32, #tpu.memory_space<vmem>>, %arg11: memref<64xi32, #tpu.memory_space<vmem>>, %arg12: memref<64xi32, #tpu.memory_space<vmem>>, %arg13: memref<64xi32, #tpu.memory_space<vmem>>, %arg14: memref<64xi32, #tpu.memory_space<vmem>>, %arg15: memref<64x128xf32, #tpu.memory_space<vmem>>, %arg16: memref<64x128xf32, #tpu.memory_space<vmem>>, %arg17: memref<64x128xf32, #tpu.memory_space<vmem>>, %arg18: memref<64x128xf32, #tpu.memory_space<vmem>>, %arg19: memref<10240x128xf32, #tpu.memory_space<vmem_shared>>, %arg20: memref<!tpu.dma_semaphore, #tpu.memory_space<semaphore_mem>>, %arg21: memref<!tpu.dma_semaphore, #tpu.memory_space<semaphore_mem>>, %arg22: memref<!tpu.dma_semaphore, #tpu.memory_space<semaphore_mem>>, %arg23: memref<!tpu.dma_semaphore, #tpu.memory_space<semaphore_mem>>, %arg24: memref<!tpu.dma_semaphore, #tpu.memory_space<semaphore_mem>>, %arg25: memref<!tpu.dma_semaphore, #tpu.memory_space<semaphore_mem>>, %arg26: memref<!tpu.dma_semaphore, #tpu.memory_space<semaphore_mem>>, %arg27: memref<!tpu.dma_semaphore, #tpu.memory_space<semaphore_mem>>) attributes {dimension_semantics = [#tpu.dimension_semantics<core_parallel>, #tpu.dimension_semantics<subcore_parallel>], iteration_bounds = array<i64: 2, 16>, scalar_prefetch = 0 : i64, scratch_operands = 22 : i64, tpu.core_type = #tpu.core_type<sc_vector_subcore>, window_params = [{transform_indices = #map}, {transform_indices = #map1}, {transform_indices = #map}, {transform_indices = #map1}]} {
    %mul3A = arith.constant 2 : i32
    %mul3A_0 = arith.muli %arg1, %mul3A : i32
    %add3A = arith.addi %mul3A_0, %arg0 : i32
    "tpu.region"() ({
      %run_scoped3A = tpu.sem_alloc : memref<!tpu.dma_semaphore, #tpu.memory_space<semaphore_mem>>
      %dma_start3A_217 = arith.constant 0 : i32
      %dma_start3A_218 = arith.constant 0 : i32
      %dma_start3A_219 = tpu.memref_slice %arg3[%add3A, %dma_start3A_217, %dma_start3A_218] : memref<32x82x128xi32, #tpu.memory_space<hbm>> -> memref<1x82x128xi32, #tpu.memory_space<hbm>>
      %dma_start3A_220 = tpu.memref_squeeze %dma_start3A_219 : memref<1x82x128xi32, #tpu.memory_space<hbm>> -> memref<82x128xi32, #tpu.memory_space<hbm>>
      %dma_start3A_221 = arith.constant 0 : i32
      %dma_start3A_222 = arith.constant 0 : i32
      %dma_start3A_223 = tpu.memref_slice %arg3[%add3A, %dma_start3A_221, %dma_start3A_222] : memref<32x82x128xi32, #tpu.memory_space<hbm>> -> memref<1x82x128xi32, #tpu.memory_space<hbm>>
      %dma_start3A_224 = tpu.memref_squeeze %dma_start3A_223 : memref<1x82x128xi32, #tpu.memory_space<hbm>> -> memref<82x128xi32, #tpu.memory_space<hbm>>
      tpu.enqueue_dma source(%dma_start3A_224 : memref<82x128xi32, #tpu.memory_space<hbm>>) target(%arg6 : memref<82x128xi32, #tpu.memory_space<vmem>>) target_semaphore(%run_scoped3A : memref<!tpu.dma_semaphore, #tpu.memory_space<semaphore_mem>>)
      %dma_wait3A_225 = arith.constant 0 : i32
      %dma_wait3A_226 = arith.constant 0 : i32
      %dma_wait3A_227 = tpu.memref_slice %arg3[%add3A, %dma_wait3A_225, %dma_wait3A_226] : memref<32x82x128xi32, #tpu.memory_space<hbm>> -> memref<1x82x128xi32, #tpu.memory_space<hbm>>
      %dma_wait3A_228 = tpu.memref_squeeze %dma_wait3A_227 : memref<1x82x128xi32, #tpu.memory_space<hbm>> -> memref<82x128xi32, #tpu.memory_space<hbm>>
      %dma_wait3A_229 = arith.constant 0 : i32
      %dma_wait3A_230 = arith.constant 0 : i32
      %dma_wait3A_231 = tpu.memref_slice %arg3[%add3A, %dma_wait3A_229, %dma_wait3A_230] : memref<32x82x128xi32, #tpu.memory_space<hbm>> -> memref<1x82x128xi32, #tpu.memory_space<hbm>>
      %dma_wait3A_232 = tpu.memref_squeeze %dma_wait3A_231 : memref<1x82x128xi32, #tpu.memory_space<hbm>> -> memref<82x128xi32, #tpu.memory_space<hbm>>
      tpu.wait_dma2 semaphore(%run_scoped3A : memref<!tpu.dma_semaphore, #tpu.memory_space<semaphore_mem>>) src(%dma_wait3A_232 : memref<82x128xi32, #tpu.memory_space<hbm>>) dst(%arg6 : memref<82x128xi32, #tpu.memory_space<vmem>>)
      tpu.yield
    }) : () -> ()
    %get3A = arith.constant 0 : i32
    %get3A_1 = arith.index_cast %get3A : i32 to index
    %get3A_2 = arith.constant 0 : index
    %get3A_3 = tpu.vector_load %arg6[%get3A_1, %get3A_2] {strides = array<i32>} : memref<82x128xi32, #tpu.memory_space<vmem>>, vector<1x16xi32>,
    %get3A_4 = vector.shape_cast %get3A_3 : vector<1x16xi32> to vector<16xi32>
    %and3A = arith.constant 16383 : i32
    %and3A_5 = vector.broadcast %and3A : i32 to vector<16xi32>
    %and3A_6 = arith.andi %get3A_4, %and3A_5 : vector<16xi32>
    %swap3A = arith.constant 0 : index
    %swap3A_7 = tpu.vector_load %arg7[%swap3A] {strides = array<i32>} : memref<64xi32, #tpu.memory_space<vmem>>, vector<16xi32>,
    %swap3A_8 = vector.shape_cast %swap3A_7 : vector<16xi32> to vector<16xi32>
    %swap3A_9 = vector.shape_cast %and3A_6 : vector<16xi32> to vector<16xi32>
    tpu.vector_store %arg7[%swap3A], %swap3A_9 {strides = array<i32>} : memref<64xi32, #tpu.memory_space<vmem>>, vector<16xi32>,
    %shift_right_logical3A = arith.constant 14 : i32
    %shift_right_logical3A_10 = vector.broadcast %shift_right_logical3A : i32 to vector<16xi32>
    %shift_right_logical3A_11 = arith.shrui %get3A_4, %shift_right_logical3A_10 : vector<16xi32>
    %swap3A_12 = arith.constant 0 : index
    %swap3A_13 = tpu.vector_load %arg11[%swap3A_12] {strides = array<i32>} : memref<64xi32, #tpu.memory_space<vmem>>, vector<16xi32>,
    %swap3A_14 = vector.shape_cast %swap3A_13 : vector<16xi32> to vector<16xi32>
    %swap3A_15 = vector.shape_cast %shift_right_logical3A_11 : vector<16xi32> to vector<16xi32>
    tpu.vector_store %arg11[%swap3A_12], %swap3A_15 {strides = array<i32>} : memref<64xi32, #tpu.memory_space<vmem>>, vector<16xi32>,
    %get3A_16 = arith.constant 0 : i32
    %get3A_17 = arith.index_cast %get3A_16 : i32 to index
    %get3A_18 = arith.constant 16 : index
    %get3A_19 = tpu.vector_load %arg6[%get3A_17, %get3A_18] {strides = array<i32>} : memref<82x128xi32, #tpu.memory_space<vmem>>, vector<1x16xi32>,
    %get3A_20 = vector.shape_cast %get3A_19 : vector<1x16xi32> to vector<16xi32>
    %and3A_21 = arith.constant 16383 : i32
    %and3A_22 = vector.broadcast %and3A_21 : i32 to vector<16xi32>
    %and3A_23 = arith.andi %get3A_20, %and3A_22 : vector<16xi32>
    %swap3A_24 = arith.constant 16 : index
    %swap3A_25 = tpu.vector_load %arg7[%swap3A_24] {strides = array<i32>} : memref<64xi32, #tpu.memory_space<vmem>>, vector<16xi32>,
    %swap3A_26 = vector.shape_cast %swap3A_25 : vector<16xi32> to vector<16xi32>
    %swap3A_27 = vector.shape_cast %and3A_23 : vector<16xi32> to vector<16xi32>
    tpu.vector_store %arg7[%swap3A_24], %swap3A_27 {strides = array<i32>} : memref<64xi32, #tpu.memory_space<vmem>>, vector<16xi32>,
    %shift_right_logical3A_28 = arith.constant 14 : i32
    %shift_right_logical3A_29 = vector.broadcast %shift_right_logical3A_28 : i32 to vector<16xi32>
    %shift_right_logical3A_30 = arith.shrui %get3A_20, %shift_right_logical3A_29 : vector<16xi32>
    %swap3A_31 = arith.constant 16 : index
    %swap3A_32 = tpu.vector_load %arg11[%swap3A_31] {strides = array<i32>} : memref<64xi32, #tpu.memory_space<vmem>>, vector<16xi32>,
    %swap3A_33 = vector.shape_cast %swap3A_32 : vector<16xi32> to vector<16xi32>
    %swap3A_34 = vector.shape_cast %shift_right_logical3A_30 : vector<16xi32> to vector<16xi32>
    tpu.vector_store %arg11[%swap3A_31], %swap3A_34 {strides = array<i32>} : memref<64xi32, #tpu.memory_space<vmem>>, vector<16xi32>,
    %get3A_35 = arith.constant 0 : i32
    %get3A_36 = arith.index_cast %get3A_35 : i32 to index
    %get3A_37 = arith.constant 32 : index
    %get3A_38 = tpu.vector_load %arg6[%get3A_36, %get3A_37] {strides = array<i32>} : memref<82x128xi32, #tpu.memory_space<vmem>>, vector<1x16xi32>,
    %get3A_39 = vector.shape_cast %get3A_38 : vector<1x16xi32> to vector<16xi32>
    %and3A_40 = arith.constant 16383 : i32
    %and3A_41 = vector.broadcast %and3A_40 : i32 to vector<16xi32>
    %and3A_42 = arith.andi %get3A_39, %and3A_41 : vector<16xi32>
    %swap3A_43 = arith.constant 32 : index
    %swap3A_44 = tpu.vector_load %arg7[%swap3A_43] {strides = array<i32>} : memref<64xi32, #tpu.memory_space<vmem>>, vector<16xi32>,
    %swap3A_45 = vector.shape_cast %swap3A_44 : vector<16xi32> to vector<16xi32>
    %swap3A_46 = vector.shape_cast %and3A_42 : vector<16xi32> to vector<16xi32>
    tpu.vector_store %arg7[%swap3A_43], %swap3A_46 {strides = array<i32>} : memref<64xi32, #tpu.memory_space<vmem>>, vector<16xi32>,
    %shift_right_logical3A_47 = arith.constant 14 : i32
    %shift_right_logical3A_48 = vector.broadcast %shift_right_logical3A_47 : i32 to vector<16xi32>
    %shift_right_logical3A_49 = arith.shrui %get3A_39, %shift_right_logical3A_48 : vector<16xi32>
    %swap3A_50 = arith.constant 32 : index
    %swap3A_51 = tpu.vector_load %arg11[%swap3A_50] {strides = array<i32>} : memref<64xi32, #tpu.memory_space<vmem>>, vector<16xi32>,
    %swap3A_52 = vector.shape_cast %swap3A_51 : vector<16xi32> to vector<16xi32>
    %swap3A_53 = vector.shape_cast %shift_right_logical3A_49 : vector<16xi32> to vector<16xi32>
    tpu.vector_store %arg11[%swap3A_50], %swap3A_53 {strides = array<i32>} : memref<64xi32, #tpu.memory_space<vmem>>, vector<16xi32>,
    %get3A_54 = arith.constant 0 : i32
    %get3A_55 = arith.index_cast %get3A_54 : i32 to index
    %get3A_56 = arith.constant 48 : index
    %get3A_57 = tpu.vector_load %arg6[%get3A_55, %get3A_56] {strides = array<i32>} : memref<82x128xi32, #tpu.memory_space<vmem>>, vector<1x16xi32>,
    %get3A_58 = vector.shape_cast %get3A_57 : vector<1x16xi32> to vector<16xi32>
    %and3A_59 = arith.constant 16383 : i32
    %and3A_60 = vector.broadcast %and3A_59 : i32 to vector<16xi32>
    %and3A_61 = arith.andi %get3A_58, %and3A_60 : vector<16xi32>
    %swap3A_62 = arith.constant 48 : index
    %swap3A_63 = tpu.vector_load %arg7[%swap3A_62] {strides = array<i32>} : memref<64xi32, #tpu.memory_space<vmem>>, vector<16xi32>,
    %swap3A_64 = vector.shape_cast %swap3A_63 : vector<16xi32> to vector<16xi32>
    %swap3A_65 = vector.shape_cast %and3A_61 : vector<16xi32> to vector<16xi32>
    tpu.vector_store %arg7[%swap3A_62], %swap3A_65 {strides = array<i32>} : memref<64xi32, #tpu.memory_space<vmem>>, vector<16xi32>,
    %shift_right_logical3A_66 = arith.constant 14 : i32
    %shift_right_logical3A_67 = vector.broadcast %shift_right_logical3A_66 : i32 to vector<16xi32>
    %shift_right_logical3A_68 = arith.shrui %get3A_58, %shift_right_logical3A_67 : vector<16xi32>
    %swap3A_69 = arith.constant 48 : index
    %swap3A_70 = tpu.vector_load %arg11[%swap3A_69] {strides = array<i32>} : memref<64xi32, #tpu.memory_space<vmem>>, vector<16xi32>,
    %swap3A_71 = vector.shape_cast %swap3A_70 : vector<16xi32> to vector<16xi32>
    %swap3A_72 = vector.shape_cast %shift_right_logical3A_68 : vector<16xi32> to vector<16xi32>
    tpu.vector_store %arg11[%swap3A_69], %swap3A_72 {strides = array<i32>} : memref<64xi32, #tpu.memory_space<vmem>>, vector<16xi32>,
    %get3A_73 = arith.constant 0 : i32
    %get3A_74 = arith.index_cast %get3A_73 : i32 to index
    %get3A_75 = arith.constant 64 : index
    %get3A_76 = tpu.vector_load %arg6[%get3A_74, %get3A_75] {strides = array<i32>} : memref<82x128xi32, #tpu.memory_space<vmem>>, vector<1x16xi32>,
    %get3A_77 = vector.shape_cast %get3A_76 : vector<1x16xi32> to vector<16xi32>
    %and3A_78 = arith.constant 16383 : i32
    %and3A_79 = vector.broadcast %and3A_78 : i32 to vector<16xi32>
    %and3A_80 = arith.andi %get3A_77, %and3A_79 : vector<16xi32>
    %swap3A_81 = arith.constant 0 : index
    %swap3A_82 = tpu.vector_load %arg8[%swap3A_81] {strides = array<i32>} : memref<64xi32, #tpu.memory_space<vmem>>, vector<16xi32>,
    %swap3A_83 = vector.shape_cast %swap3A_82 : vector<16xi32> to vector<16xi32>
    %swap3A_84 = vector.shape_cast %and3A_80 : vector<16xi32> to vector<16xi32>
    tpu.vector_store %arg8[%swap3A_81], %swap3A_84 {strides = array<i32>} : memref<64xi32, #tpu.memory_space<vmem>>, vector<16xi32>,
    %shift_right_logical3A_85 = arith.constant 14 : i32
    %shift_right_logical3A_86 = vector.broadcast %shift_right_logical3A_85 : i32 to vector<16xi32>
    %shift_right_logical3A_87 = arith.shrui %get3A_77, %shift_right_logical3A_86 : vector<16xi32>
    %swap3A_88 = arith.constant 0 : index
    %swap3A_89 = tpu.vector_load %arg12[%swap3A_88] {strides = array<i32>} : memref<64xi32, #tpu.memory_space<vmem>>, vector<16xi32>,
    %swap3A_90 = vector.shape_cast %swap3A_89 : vector<16xi32> to vector<16xi32>
    %swap3A_91 = vector.shape_cast %shift_right_logical3A_87 : vector<16xi32> to vector<16xi32>
    tpu.vector_store %arg12[%swap3A_88], %swap3A_91 {strides = array<i32>} : memref<64xi32, #tpu.memory_space<vmem>>, vector<16xi32>,
    %get3A_92 = arith.constant 0 : i32
    %get3A_93 = arith.index_cast %get3A_92 : i32 to index
    %get3A_94 = arith.constant 80 : index
    %get3A_95 = tpu.vector_load %arg6[%get3A_93, %get3A_94] {strides = array<i32>} : memref<82x128xi32, #tpu.memory_space<vmem>>, vector<1x16xi32>,
    %get3A_96 = vector.shape_cast %get3A_95 : vector<1x16xi32> to vector<16xi32>
    %and3A_97 = arith.constant 16383 : i32
    %and3A_98 = vector.broadcast %and3A_97 : i32 to vector<16xi32>
    %and3A_99 = arith.andi %get3A_96, %and3A_98 : vector<16xi32>
    %swap3A_100 = arith.constant 16 : index
    %swap3A_101 = tpu.vector_load %arg8[%swap3A_100] {strides = array<i32>} : memref<64xi32, #tpu.memory_space<vmem>>, vector<16xi32>,
    %swap3A_102 = vector.shape_cast %swap3A_101 : vector<16xi32> to vector<16xi32>
    %swap3A_103 = vector.shape_cast %and3A_99 : vector<16xi32> to vector<16xi32>
    tpu.vector_store %arg8[%swap3A_100], %swap3A_103 {strides = array<i32>} : memref<64xi32, #tpu.memory_space<vmem>>, vector<16xi32>,
    %shift_right_logical3A_104 = arith.constant 14 : i32
    %shift_right_logical3A_105 = vector.broadcast %shift_right_logical3A_104 : i32 to vector<16xi32>
    %shift_right_logical3A_106 = arith.shrui %get3A_96, %shift_right_logical3A_105 : vector<16xi32>
    %swap3A_107 = arith.constant 16 : index
    %swap3A_108 = tpu.vector_load %arg12[%swap3A_107] {strides = array<i32>} : memref<64xi32, #tpu.memory_space<vmem>>, vector<16xi32>,
    %swap3A_109 = vector.shape_cast %swap3A_108 : vector<16xi32> to vector<16xi32>
    %swap3A_110 = vector.shape_cast %shift_right_logical3A_106 : vector<16xi32> to vector<16xi32>
    tpu.vector_store %arg12[%swap3A_107], %swap3A_110 {strides = array<i32>} : memref<64xi32, #tpu.memory_space<vmem>>, vector<16xi32>,
    %get3A_111 = arith.constant 0 : i32
    %get3A_112 = arith.index_cast %get3A_111 : i32 to index
    %get3A_113 = arith.constant 96 : index
    %get3A_114 = tpu.vector_load %arg6[%get3A_112, %get3A_113] {strides = array<i32>} : memref<82x128xi32, #tpu.memory_space<vmem>>, vector<1x16xi32>,
    %get3A_115 = vector.shape_cast %get3A_114 : vector<1x16xi32> to vector<16xi32>
    %and3A_116 = arith.constant 16383 : i32
    %and3A_117 = vector.broadcast %and3A_116 : i32 to vector<16xi32>
    %and3A_118 = arith.andi %get3A_115, %and3A_117 : vector<16xi32>
    %swap3A_119 = arith.constant 32 : index
    %swap3A_120 = tpu.vector_load %arg8[%swap3A_119] {strides = array<i32>} : memref<64xi32, #tpu.memory_space<vmem>>, vector<16xi32>,
    %swap3A_121 = vector.shape_cast %swap3A_120 : vector<16xi32> to vector<16xi32>
    %swap3A_122 = vector.shape_cast %and3A_118 : vector<16xi32> to vector<16xi32>
    tpu.vector_store %arg8[%swap3A_119], %swap3A_122 {strides = array<i32>} : memref<64xi32, #tpu.memory_space<vmem>>, vector<16xi32>,
    %shift_right_logical3A_123 = arith.constant 14 : i32
    %shift_right_logical3A_124 = vector.broadcast %shift_right_logical3A_123 : i32 to vector<16xi32>
    %shift_right_logical3A_125 = arith.shrui %get3A_115, %shift_right_logical3A_124 : vector<16xi32>
    %swap3A_126 = arith.constant 32 : index
    %swap3A_127 = tpu.vector_load %arg12[%swap3A_126] {strides = array<i32>} : memref<64xi32, #tpu.memory_space<vmem>>, vector<16xi32>,
    %swap3A_128 = vector.shape_cast %swap3A_127 : vector<16xi32> to vector<16xi32>
    %swap3A_129 = vector.shape_cast %shift_right_logical3A_125 : vector<16xi32> to vector<16xi32>
    tpu.vector_store %arg12[%swap3A_126], %swap3A_129 {strides = array<i32>} : memref<64xi32, #tpu.memory_space<vmem>>, vector<16xi32>,
    %get3A_130 = arith.constant 0 : i32
    %get3A_131 = arith.index_cast %get3A_130 : i32 to index
    %get3A_132 = arith.constant 112 : index
    %get3A_133 = tpu.vector_load %arg6[%get3A_131, %get3A_132] {strides = array<i32>} : memref<82x128xi32, #tpu.memory_space<vmem>>, vector<1x16xi32>,
    %get3A_134 = vector.shape_cast %get3A_133 : vector<1x16xi32> to vector<16xi32>
    %and3A_135 = arith.constant 16383 : i32
    %and3A_136 = vector.broadcast %and3A_135 : i32 to vector<16xi32>
    %and3A_137 = arith.andi %get3A_134, %and3A_136 : vector<16xi32>
    %swap3A_138 = arith.constant 48 : index
    %swap3A_139 = tpu.vector_load %arg8[%swap3A_138] {strides = array<i32>} : memref<64xi32, #tpu.memory_space<vmem>>, vector<16xi32>,
    %swap3A_140 = vector.shape_cast %swap3A_139 : vector<16xi32> to vector<16xi32>
    %swap3A_141 = vector.shape_cast %and3A_137 : vector<16xi32> to vector<16xi32>
    tpu.vector_store %arg8[%swap3A_138], %swap3A_141 {strides = array<i32>} : memref<64xi32, #tpu.memory_space<vmem>>, vector<16xi32>,
    %shift_right_logical3A_142 = arith.constant 14 : i32
    %shift_right_logical3A_143 = vector.broadcast %shift_right_logical3A_142 : i32 to vector<16xi32>
    %shift_right_logical3A_144 = arith.shrui %get3A_134, %shift_right_logical3A_143 : vector<16xi32>
    %swap3A_145 = arith.constant 48 : index
    %swap3A_146 = tpu.vector_load %arg12[%swap3A_145] {strides = array<i32>} : memref<64xi32, #tpu.memory_space<vmem>>, vector<16xi32>,
    %swap3A_147 = vector.shape_cast %swap3A_146 : vector<16xi32> to vector<16xi32>
    %swap3A_148 = vector.shape_cast %shift_right_logical3A_144 : vector<16xi32> to vector<16xi32>
    tpu.vector_store %arg12[%swap3A_145], %swap3A_148 {strides = array<i32>} : memref<64xi32, #tpu.memory_space<vmem>>, vector<16xi32>,
    %dma_start3A = arith.constant 0 : i32
    %dma_start3A_149 = arith.constant 0 : i32
    %dma_start3A_150 = tpu.memref_slice %arg2[%dma_start3A, %dma_start3A_149] : memref<10240x128xf32, #tpu.memory_space<hbm>> -> memref<10240x128xf32, #tpu.memory_space<hbm>>
    tpu.enqueue_indirect_dma source(%dma_start3A_150 : memref<10240x128xf32, #tpu.memory_space<hbm>>) target(%arg15 : memref<64x128xf32, #tpu.memory_space<vmem>>) offsets(%arg7 : memref<64xi32, #tpu.memory_space<vmem>>) semaphore(%arg20 : memref<!tpu.dma_semaphore, #tpu.memory_space<semaphore_mem>>)
    %dma_start3A_151 = arith.constant 0 : i32
    %dma_start3A_152 = arith.constant 0 : i32
    %dma_start3A_153 = tpu.memref_slice %arg2[%dma_start3A_151, %dma_start3A_152] : memref<10240x128xf32, #tpu.memory_space<hbm>> -> memref<10240x128xf32, #tpu.memory_space<hbm>>
    tpu.enqueue_indirect_dma source(%dma_start3A_153 : memref<10240x128xf32, #tpu.memory_space<hbm>>) target(%arg16 : memref<64x128xf32, #tpu.memory_space<vmem>>) offsets(%arg8 : memref<64xi32, #tpu.memory_space<vmem>>) semaphore(%arg21 : memref<!tpu.dma_semaphore, #tpu.memory_space<semaphore_mem>>)
    "tpu.region"() ({
      %run_scoped3A = tpu.sem_alloc : memref<!tpu.dma_semaphore, #tpu.memory_space<semaphore_mem>>
      tpu.enqueue_dma source(%arg4 : memref<64x128xf32, #tpu.memory_space<hbm>>) target(%arg18 : memref<64x128xf32, #tpu.memory_space<vmem>>) target_semaphore(%run_scoped3A : memref<!tpu.dma_semaphore, #tpu.memory_space<semaphore_mem>>)
      tpu.wait_dma2 semaphore(%run_scoped3A : memref<!tpu.dma_semaphore, #tpu.memory_space<semaphore_mem>>) src(%arg4 : memref<64x128xf32, #tpu.memory_space<hbm>>) dst(%arg18 : memref<64x128xf32, #tpu.memory_space<vmem>>)
      tpu.yield
    }) : () -> ()
    %mul3A_154 = arith.constant 640 : i32
    %mul3A_155 = arith.muli %arg1, %mul3A_154 : i32
    %add3A_156 = arith.constant 0 : i32
    %add3A_157 = arith.addi %mul3A_155, %add3A_156 : i32
    %multiple_of3A = tpu.assume_multiple %add3A_157, 64 : i32
    "tpu.region"() ({
      %run_scoped3A = tpu.sem_alloc : memref<!tpu.dma_semaphore, #tpu.memory_space<semaphore_mem>>
      %dma_start3A_217 = arith.constant 0 : i32
      %dma_start3A_218 = tpu.memref_slice %arg19[%multiple_of3A, %dma_start3A_217] : memref<10240x128xf32, #tpu.memory_space<vmem_shared>> -> memref<64x128xf32, #tpu.memory_space<vmem_shared>>
      %dma_start3A_219 = arith.constant 0 : i32
      %dma_start3A_220 = tpu.memref_slice %arg19[%multiple_of3A, %dma_start3A_219] : memref<10240x128xf32, #tpu.memory_space<vmem_shared>> -> memref<64x128xf32, #tpu.memory_space<vmem_shared>>
      tpu.enqueue_dma source(%arg18 : memref<64x128xf32, #tpu.memory_space<vmem>>) target(%dma_start3A_220 : memref<64x128xf32, #tpu.memory_space<vmem_shared>>) target_semaphore(%run_scoped3A : memref<!tpu.dma_semaphore, #tpu.memory_space<semaphore_mem>>)
      %dma_wait3A_221 = arith.constant 0 : i32
      %dma_wait3A_222 = tpu.memref_slice %arg19[%multiple_of3A, %dma_wait3A_221] : memref<10240x128xf32, #tpu.memory_space<vmem_shared>> -> memref<64x128xf32, #tpu.memory_space<vmem_shared>>
      %dma_wait3A_223 = arith.constant 0 : i32
      %dma_wait3A_224 = tpu.memref_slice %arg19[%multiple_of3A, %dma_wait3A_223] : memref<10240x128xf32, #tpu.memory_space<vmem_shared>> -> memref<64x128xf32, #tpu.memory_space<vmem_shared>>
      tpu.wait_dma2 semaphore(%run_scoped3A : memref<!tpu.dma_semaphore, #tpu.memory_space<semaphore_mem>>) src(%arg18 : memref<64x128xf32, #tpu.memory_space<vmem>>) dst(%dma_wait3A_224 : memref<64x128xf32, #tpu.memory_space<vmem_shared>>)
      tpu.yield
    }) : () -> ()
    %mul3A_158 = arith.constant 640 : i32
    %mul3A_159 = arith.muli %arg1, %mul3A_158 : i32
    %add3A_160 = arith.constant 64 : i32
    %add3A_161 = arith.addi %mul3A_159, %add3A_160 : i32
    %multiple_of3A_162 = tpu.assume_multiple %add3A_161, 64 : i32
    "tpu.region"() ({
      %run_scoped3A = tpu.sem_alloc : memref<!tpu.dma_semaphore, #tpu.memory_space<semaphore_mem>>
      %dma_start3A_217 = arith.constant 0 : i32
      %dma_start3A_218 = tpu.memref_slice %arg19[%multiple_of3A_162, %dma_start3A_217] : memref<10240x128xf32, #tpu.memory_space<vmem_shared>> -> memref<64x128xf32, #tpu.memory_space<vmem_shared>>
      %dma_start3A_219 = arith.constant 0 : i32
      %dma_start3A_220 = tpu.memref_slice %arg19[%multiple_of3A_162, %dma_start3A_219] : memref<10240x128xf32, #tpu.memory_space<vmem_shared>> -> memref<64x128xf32, #tpu.memory_space<vmem_shared>>
      tpu.enqueue_dma source(%arg18 : memref<64x128xf32, #tpu.memory_space<vmem>>) target(%dma_start3A_220 : memref<64x128xf32, #tpu.memory_space<vmem_shared>>) target_semaphore(%run_scoped3A : memref<!tpu.dma_semaphore, #tpu.memory_space<semaphore_mem>>)
      %dma_wait3A_221 = arith.constant 0 : i32
      %dma_wait3A_222 = tpu.memref_slice %arg19[%multiple_of3A_162, %dma_wait3A_221] : memref<10240x128xf32, #tpu.memory_space<vmem_shared>> -> memref<64x128xf32, #tpu.memory_space<vmem_shared>>
      %dma_wait3A_223 = arith.constant 0 : i32
      %dma_wait3A_224 = tpu.memref_slice %arg19[%multiple_of3A_162, %dma_wait3A_223] : memref<10240x128xf32, #tpu.memory_space<vmem_shared>> -> memref<64x128xf32, #tpu.memory_space<vmem_shared>>
      tpu.wait_dma2 semaphore(%run_scoped3A : memref<!tpu.dma_semaphore, #tpu.memory_space<semaphore_mem>>) src(%arg18 : memref<64x128xf32, #tpu.memory_space<vmem>>) dst(%dma_wait3A_224 : memref<64x128xf32, #tpu.memory_space<vmem_shared>>)
      tpu.yield
    }) : () -> ()
    %mul3A_163 = arith.constant 640 : i32
    %mul3A_164 = arith.muli %arg1, %mul3A_163 : i32
    %add3A_165 = arith.constant 128 : i32
    %add3A_166 = arith.addi %mul3A_164, %add3A_165 : i32
    %multiple_of3A_167 = tpu.assume_multiple %add3A_166, 64 : i32
    "tpu.region"() ({
      %run_scoped3A = tpu.sem_alloc : memref<!tpu.dma_semaphore, #tpu.memory_space<semaphore_mem>>
      %dma_start3A_217 = arith.constant 0 : i32
      %dma_start3A_218 = tpu.memref_slice %arg19[%multiple_of3A_167, %dma_start3A_217] : memref<10240x128xf32, #tpu.memory_space<vmem_shared>> -> memref<64x128xf32, #tpu.memory_space<vmem_shared>>
      %dma_start3A_219 = arith.constant 0 : i32
      %dma_start3A_220 = tpu.memref_slice %arg19[%multiple_of3A_167, %dma_start3A_219] : memref<10240x128xf32, #tpu.memory_space<vmem_shared>> -> memref<64x128xf32, #tpu.memory_space<vmem_shared>>
      tpu.enqueue_dma source(%arg18 : memref<64x128xf32, #tpu.memory_space<vmem>>) target(%dma_start3A_220 : memref<64x128xf32, #tpu.memory_space<vmem_shared>>) target_semaphore(%run_scoped3A : memref<!tpu.dma_semaphore, #tpu.memory_space<semaphore_mem>>)
      %dma_wait3A_221 = arith.constant 0 : i32
      %dma_wait3A_222 = tpu.memref_slice %arg19[%multiple_of3A_167, %dma_wait3A_221] : memref<10240x128xf32, #tpu.memory_space<vmem_shared>> -> memref<64x128xf32, #tpu.memory_space<vmem_shared>>
      %dma_wait3A_223 = arith.constant 0 : i32
      %dma_wait3A_224 = tpu.memref_slice %arg19[%multiple_of3A_167, %dma_wait3A_223] : memref<10240x128xf32, #tpu.memory_space<vmem_shared>> -> memref<64x128xf32, #tpu.memory_space<vmem_shared>>
      tpu.wait_dma2 semaphore(%run_scoped3A : memref<!tpu.dma_semaphore, #tpu.memory_space<semaphore_mem>>) src(%arg18 : memref<64x128xf32, #tpu.memory_space<vmem>>) dst(%dma_wait3A_224 : memref<64x128xf32, #tpu.memory_space<vmem_shared>>)
      tpu.yield
    }) : () -> ()
    %mul3A_168 = arith.constant 640 : i32
    %mul3A_169 = arith.muli %arg1, %mul3A_168 : i32
    %add3A_170 = arith.constant 192 : i32
    %add3A_171 = arith.addi %mul3A_169, %add3A_170 : i32
    %multiple_of3A_172 = tpu.assume_multiple %add3A_171, 64 : i32
    "tpu.region"() ({
      %run_scoped3A = tpu.sem_alloc : memref<!tpu.dma_semaphore, #tpu.memory_space<semaphore_mem>>
      %dma_start3A_217 = arith.constant 0 : i32
      %dma_start3A_218 = tpu.memref_slice %arg19[%multiple_of3A_172, %dma_start3A_217] : memref<10240x128xf32, #tpu.memory_space<vmem_shared>> -> memref<64x128xf32, #tpu.memory_space<vmem_shared>>
      %dma_start3A_219 = arith.constant 0 : i32
      %dma_start3A_220 = tpu.memref_slice %arg19[%multiple_of3A_172, %dma_start3A_219] : memref<10240x128xf32, #tpu.memory_space<vmem_shared>> -> memref<64x128xf32, #tpu.memory_space<vmem_shared>>
      tpu.enqueue_dma source(%arg18 : memref<64x128xf32, #tpu.memory_space<vmem>>) target(%dma_start3A_220 : memref<64x128xf32, #tpu.memory_space<vmem_shared>>) target_semaphore(%run_scoped3A : memref<!tpu.dma_semaphore, #tpu.memory_space<semaphore_mem>>)
      %dma_wait3A_221 = arith.constant 0 : i32
      %dma_wait3A_222 = tpu.memref_slice %arg19[%multiple_of3A_172, %dma_wait3A_221] : memref<10240x128xf32, #tpu.memory_space<vmem_shared>> -> memref<64x128xf32, #tpu.memory_space<vmem_shared>>
      %dma_wait3A_223 = arith.constant 0 : i32
      %dma_wait3A_224 = tpu.memref_slice %arg19[%multiple_of3A_172, %dma_wait3A_223] : memref<10240x128xf32, #tpu.memory_space<vmem_shared>> -> memref<64x128xf32, #tpu.memory_space<vmem_shared>>
      tpu.wait_dma2 semaphore(%run_scoped3A : memref<!tpu.dma_semaphore, #tpu.memory_space<semaphore_mem>>) src(%arg18 : memref<64x128xf32, #tpu.memory_space<vmem>>) dst(%dma_wait3A_224 : memref<64x128xf32, #tpu.memory_space<vmem_shared>>)
      tpu.yield
    }) : () -> ()
    %mul3A_173 = arith.constant 640 : i32
    %mul3A_174 = arith.muli %arg1, %mul3A_173 : i32
    %add3A_175 = arith.constant 256 : i32
    %add3A_176 = arith.addi %mul3A_174, %add3A_175 : i32
    %multiple_of3A_177 = tpu.assume_multiple %add3A_176, 64 : i32
    "tpu.region"() ({
      %run_scoped3A = tpu.sem_alloc : memref<!tpu.dma_semaphore, #tpu.memory_space<semaphore_mem>>
      %dma_start3A_217 = arith.constant 0 : i32
      %dma_start3A_218 = tpu.memref_slice %arg19[%multiple_of3A_177, %dma_start3A_217] : memref<10240x128xf32, #tpu.memory_space<vmem_shared>> -> memref<64x128xf32, #tpu.memory_space<vmem_shared>>
      %dma_start3A_219 = arith.constant 0 : i32
      %dma_start3A_220 = tpu.memref_slice %arg19[%multiple_of3A_177, %dma_start3A_219] : memref<10240x128xf32, #tpu.memory_space<vmem_shared>> -> memref<64x128xf32, #tpu.memory_space<vmem_shared>>
      tpu.enqueue_dma source(%arg18 : memref<64x128xf32, #tpu.memory_space<vmem>>) target(%dma_start3A_220 : memref<64x128xf32, #tpu.memory_space<vmem_shared>>) target_semaphore(%run_scoped3A : memref<!tpu.dma_semaphore, #tpu.memory_space<semaphore_mem>>)
      %dma_wait3A_221 = arith.constant 0 : i32
      %dma_wait3A_222 = tpu.memref_slice %arg19[%multiple_of3A_177, %dma_wait3A_221] : memref<10240x128xf32, #tpu.memory_space<vmem_shared>> -> memref<64x128xf32, #tpu.memory_space<vmem_shared>>
      %dma_wait3A_223 = arith.constant 0 : i32
      %dma_wait3A_224 = tpu.memref_slice %arg19[%multiple_of3A_177, %dma_wait3A_223] : memref<10240x128xf32, #tpu.memory_space<vmem_shared>> -> memref<64x128xf32, #tpu.memory_space<vmem_shared>>
      tpu.wait_dma2 semaphore(%run_scoped3A : memref<!tpu.dma_semaphore, #tpu.memory_space<semaphore_mem>>) src(%arg18 : memref<64x128xf32, #tpu.memory_space<vmem>>) dst(%dma_wait3A_224 : memref<64x128xf32, #tpu.memory_space<vmem_shared>>)
      tpu.yield
    }) : () -> ()
    %mul3A_178 = arith.constant 640 : i32
    %mul3A_179 = arith.muli %arg1, %mul3A_178 : i32
    %add3A_180 = arith.constant 320 : i32
    %add3A_181 = arith.addi %mul3A_179, %add3A_180 : i32
    %multiple_of3A_182 = tpu.assume_multiple %add3A_181, 64 : i32
    "tpu.region"() ({
      %run_scoped3A = tpu.sem_alloc : memref<!tpu.dma_semaphore, #tpu.memory_space<semaphore_mem>>
      %dma_start3A_217 = arith.constant 0 : i32
      %dma_start3A_218 = tpu.memref_slice %arg19[%multiple_of3A_182, %dma_start3A_217] : memref<10240x128xf32, #tpu.memory_space<vmem_shared>> -> memref<64x128xf32, #tpu.memory_space<vmem_shared>>
      %dma_start3A_219 = arith.constant 0 : i32
      %dma_start3A_220 = tpu.memref_slice %arg19[%multiple_of3A_182, %dma_start3A_219] : memref<10240x128xf32, #tpu.memory_space<vmem_shared>> -> memref<64x128xf32, #tpu.memory_space<vmem_shared>>
      tpu.enqueue_dma source(%arg18 : memref<64x128xf32, #tpu.memory_space<vmem>>) target(%dma_start3A_220 : memref<64x128xf32, #tpu.memory_space<vmem_shared>>) target_semaphore(%run_scoped3A : memref<!tpu.dma_semaphore, #tpu.memory_space<semaphore_mem>>)
      %dma_wait3A_221 = arith.constant 0 : i32
      %dma_wait3A_222 = tpu.memref_slice %arg19[%multiple_of3A_182, %dma_wait3A_221] : memref<10240x128xf32, #tpu.memory_space<vmem_shared>> -> memref<64x128xf32, #tpu.memory_space<vmem_shared>>
      %dma_wait3A_223 = arith.constant 0 : i32
      %dma_wait3A_224 = tpu.memref_slice %arg19[%multiple_of3A_182, %dma_wait3A_223] : memref<10240x128xf32, #tpu.memory_space<vmem_shared>> -> memref<64x128xf32, #tpu.memory_space<vmem_shared>>
      tpu.wait_dma2 semaphore(%run_scoped3A : memref<!tpu.dma_semaphore, #tpu.memory_space<semaphore_mem>>) src(%arg18 : memref<64x128xf32, #tpu.memory_space<vmem>>) dst(%dma_wait3A_224 : memref<64x128xf32, #tpu.memory_space<vmem_shared>>)
      tpu.yield
    }) : () -> ()
    %mul3A_183 = arith.constant 640 : i32
    %mul3A_184 = arith.muli %arg1, %mul3A_183 : i32
    %add3A_185 = arith.constant 384 : i32
    %add3A_186 = arith.addi %mul3A_184, %add3A_185 : i32
    %multiple_of3A_187 = tpu.assume_multiple %add3A_186, 64 : i32
    "tpu.region"() ({
      %run_scoped3A = tpu.sem_alloc : memref<!tpu.dma_semaphore, #tpu.memory_space<semaphore_mem>>
      %dma_start3A_217 = arith.constant 0 : i32
      %dma_start3A_218 = tpu.memref_slice %arg19[%multiple_of3A_187, %dma_start3A_217] : memref<10240x128xf32, #tpu.memory_space<vmem_shared>> -> memref<64x128xf32, #tpu.memory_space<vmem_shared>>
      %dma_start3A_219 = arith.constant 0 : i32
      %dma_start3A_220 = tpu.memref_slice %arg19[%multiple_of3A_187, %dma_start3A_219] : memref<10240x128xf32, #tpu.memory_space<vmem_shared>> -> memref<64x128xf32, #tpu.memory_space<vmem_shared>>
      tpu.enqueue_dma source(%arg18 : memref<64x128xf32, #tpu.memory_space<vmem>>) target(%dma_start3A_220 : memref<64x128xf32, #tpu.memory_space<vmem_shared>>) target_semaphore(%run_scoped3A : memref<!tpu.dma_semaphore, #tpu.memory_space<semaphore_mem>>)
      %dma_wait3A_221 = arith.constant 0 : i32
      %dma_wait3A_222 = tpu.memref_slice %arg19[%multiple_of3A_187, %dma_wait3A_221] : memref<10240x128xf32, #tpu.memory_space<vmem_shared>> -> memref<64x128xf32, #tpu.memory_space<vmem_shared>>
      %dma_wait3A_223 = arith.constant 0 : i32
      %dma_wait3A_224 = tpu.memref_slice %arg19[%multiple_of3A_187, %dma_wait3A_223] : memref<10240x128xf32, #tpu.memory_space<vmem_shared>> -> memref<64x128xf32, #tpu.memory_space<vmem_shared>>
      tpu.wait_dma2 semaphore(%run_scoped3A : memref<!tpu.dma_semaphore, #tpu.memory_space<semaphore_mem>>) src(%arg18 : memref<64x128xf32, #tpu.memory_space<vmem>>) dst(%dma_wait3A_224 : memref<64x128xf32, #tpu.memory_space<vmem_shared>>)
      tpu.yield
    }) : () -> ()
    %mul3A_188 = arith.constant 640 : i32
    %mul3A_189 = arith.muli %arg1, %mul3A_188 : i32
    %add3A_190 = arith.constant 448 : i32
    %add3A_191 = arith.addi %mul3A_189, %add3A_190 : i32
    %multiple_of3A_192 = tpu.assume_multiple %add3A_191, 64 : i32
    "tpu.region"() ({
      %run_scoped3A = tpu.sem_alloc : memref<!tpu.dma_semaphore, #tpu.memory_space<semaphore_mem>>
      %dma_start3A_217 = arith.constant 0 : i32
      %dma_start3A_218 = tpu.memref_slice %arg19[%multiple_of3A_192, %dma_start3A_217] : memref<10240x128xf32, #tpu.memory_space<vmem_shared>> -> memref<64x128xf32, #tpu.memory_space<vmem_shared>>
      %dma_start3A_219 = arith.constant 0 : i32
      %dma_start3A_220 = tpu.memref_slice %arg19[%multiple_of3A_192, %dma_start3A_219] : memref<10240x128xf32, #tpu.memory_space<vmem_shared>> -> memref<64x128xf32, #tpu.memory_space<vmem_shared>>
      tpu.enqueue_dma source(%arg18 : memref<64x128xf32, #tpu.memory_space<vmem>>) target(%dma_start3A_220 : memref<64x128xf32, #tpu.memory_space<vmem_shared>>) target_semaphore(%run_scoped3A : memref<!tpu.dma_semaphore, #tpu.memory_space<semaphore_mem>>)
      %dma_wait3A_221 = arith.constant 0 : i32
      %dma_wait3A_222 = tpu.memref_slice %arg19[%multiple_of3A_192, %dma_wait3A_221] : memref<10240x128xf32, #tpu.memory_space<vmem_shared>> -> memref<64x128xf32, #tpu.memory_space<vmem_shared>>
      %dma_wait3A_223 = arith.constant 0 : i32
      %dma_wait3A_224 = tpu.memref_slice %arg19[%multiple_of3A_192, %dma_wait3A_223] : memref<10240x128xf32, #tpu.memory_space<vmem_shared>> -> memref<64x128xf32, #tpu.memory_space<vmem_shared>>
      tpu.wait_dma2 semaphore(%run_scoped3A : memref<!tpu.dma_semaphore, #tpu.memory_space<semaphore_mem>>) src(%arg18 : memref<64x128xf32, #tpu.memory_space<vmem>>) dst(%dma_wait3A_224 : memref<64x128xf32, #tpu.memory_space<vmem_shared>>)
      tpu.yield
    }) : () -> ()
    %mul3A_193 = arith.constant 640 : i32
    %mul3A_194 = arith.muli %arg1, %mul3A_193 : i32
    %add3A_195 = arith.constant 512 : i32
    %add3A_196 = arith.addi %mul3A_194, %add3A_195 : i32
    %multiple_of3A_197 = tpu.assume_multiple %add3A_196, 64 : i32
    "tpu.region"() ({
      %run_scoped3A = tpu.sem_alloc : memref<!tpu.dma_semaphore, #tpu.memory_space<semaphore_mem>>
      %dma_start3A_217 = arith.constant 0 : i32
      %dma_start3A_218 = tpu.memref_slice %arg19[%multiple_of3A_197, %dma_start3A_217] : memref<10240x128xf32, #tpu.memory_space<vmem_shared>> -> memref<64x128xf32, #tpu.memory_space<vmem_shared>>
      %dma_start3A_219 = arith.constant 0 : i32
      %dma_start3A_220 = tpu.memref_slice %arg19[%multiple_of3A_197, %dma_start3A_219] : memref<10240x128xf32, #tpu.memory_space<vmem_shared>> -> memref<64x128xf32, #tpu.memory_space<vmem_shared>>
      tpu.enqueue_dma source(%arg18 : memref<64x128xf32, #tpu.memory_space<vmem>>) target(%dma_start3A_220 : memref<64x128xf32, #tpu.memory_space<vmem_shared>>) target_semaphore(%run_scoped3A : memref<!tpu.dma_semaphore, #tpu.memory_space<semaphore_mem>>)
      %dma_wait3A_221 = arith.constant 0 : i32
      %dma_wait3A_222 = tpu.memref_slice %arg19[%multiple_of3A_197, %dma_wait3A_221] : memref<10240x128xf32, #tpu.memory_space<vmem_shared>> -> memref<64x128xf32, #tpu.memory_space<vmem_shared>>
      %dma_wait3A_223 = arith.constant 0 : i32
      %dma_wait3A_224 = tpu.memref_slice %arg19[%multiple_of3A_197, %dma_wait3A_223] : memref<10240x128xf32, #tpu.memory_space<vmem_shared>> -> memref<64x128xf32, #tpu.memory_space<vmem_shared>>
      tpu.wait_dma2 semaphore(%run_scoped3A : memref<!tpu.dma_semaphore, #tpu.memory_space<semaphore_mem>>) src(%arg18 : memref<64x128xf32, #tpu.memory_space<vmem>>) dst(%dma_wait3A_224 : memref<64x128xf32, #tpu.memory_space<vmem_shared>>)
      tpu.yield
    }) : () -> ()
    %mul3A_198 = arith.constant 640 : i32
    %mul3A_199 = arith.muli %arg1, %mul3A_198 : i32
    %add3A_200 = arith.constant 576 : i32
    %add3A_201 = arith.addi %mul3A_199, %add3A_200 : i32
    %multiple_of3A_202 = tpu.assume_multiple %add3A_201, 64 : i32
    "tpu.region"() ({
      %run_scoped3A = tpu.sem_alloc : memref<!tpu.dma_semaphore, #tpu.memory_space<semaphore_mem>>
      %dma_start3A_217 = arith.constant 0 : i32
      %dma_start3A_218 = tpu.memref_slice %arg19[%multiple_of3A_202, %dma_start3A_217] : memref<10240x128xf32, #tpu.memory_space<vmem_shared>> -> memref<64x128xf32, #tpu.memory_space<vmem_shared>>
      %dma_start3A_219 = arith.constant 0 : i32
      %dma_start3A_220 = tpu.memref_slice %arg19[%multiple_of3A_202, %dma_start3A_219] : memref<10240x128xf32, #tpu.memory_space<vmem_shared>> -> memref<64x128xf32, #tpu.memory_space<vmem_shared>>
      tpu.enqueue_dma source(%arg18 : memref<64x128xf32, #tpu.memory_space<vmem>>) target(%dma_start3A_220 : memref<64x128xf32, #tpu.memory_space<vmem_shared>>) target_semaphore(%run_scoped3A : memref<!tpu.dma_semaphore, #tpu.memory_space<semaphore_mem>>)
      %dma_wait3A_221 = arith.constant 0 : i32
      %dma_wait3A_222 = tpu.memref_slice %arg19[%multiple_of3A_202, %dma_wait3A_221] : memref<10240x128xf32, #tpu.memory_space<vmem_shared>> -> memref<64x128xf32, #tpu.memory_space<vmem_shared>>
      %dma_wait3A_223 = arith.constant 0 : i32
      %dma_wait3A_224 = tpu.memref_slice %arg19[%multiple_of3A_202, %dma_wait3A_223] : memref<10240x128xf32, #tpu.memory_space<vmem_shared>> -> memref<64x128xf32, #tpu.memory_space<vmem_shared>>
      tpu.wait_dma2 semaphore(%run_scoped3A : memref<!tpu.dma_semaphore, #tpu.memory_space<semaphore_mem>>) src(%arg18 : memref<64x128xf32, #tpu.memory_space<vmem>>) dst(%dma_wait3A_224 : memref<64x128xf32, #tpu.memory_space<vmem_shared>>)
      tpu.yield
    }) : () -> ()
    %barrier3A = arith.constant 0 : index
    tpu.barrier barrier_id(%barrier3A)
    %scan3A = arith.constant 0 : i32
    %scan3A_203 = arith.constant 0 : i32
    %scan3A_204 = arith.constant 41 : i32
    %scan3A_205 = arith.addi %scan3A_203, %scan3A_204 : i32
    %scan3A_206 = arith.constant 1 : i32
    scf.for %scan3A_217 = %scan3A_203 to %scan3A_205 step %scan3A_206  : i32 {
      %mul3A_218 = arith.constant 4 : i32
      %mul3A_219 = arith.muli %scan3A_217, %mul3A_218 : i32
      %add3A_220 = arith.constant 0 : i32
      %add3A_221 = arith.addi %mul3A_219, %add3A_220 : i32
      %dma_wait3A_222 = arith.constant 0 : i32
      %dma_wait3A_223 = arith.constant 0 : i32
      %dma_wait3A_224 = tpu.memref_slice %arg2[%dma_wait3A_222, %dma_wait3A_223] : memref<10240x128xf32, #tpu.memory_space<hbm>> -> memref<10240x128xf32, #tpu.memory_space<hbm>>
      tpu.wait_indirect_dma semaphore(%arg20 : memref<!tpu.dma_semaphore, #tpu.memory_space<semaphore_mem>>) src(%dma_wait3A_224 : memref<10240x128xf32, #tpu.memory_space<hbm>>) dst(%arg15 : memref<64x128xf32, #tpu.memory_space<vmem>>)
      %dma_start3A_225 = arith.constant 0 : i32
      %dma_start3A_226 = arith.constant 0 : i32
      %dma_start3A_227 = tpu.memref_slice %arg19[%dma_start3A_225, %dma_start3A_226] : memref<10240x128xf32, #tpu.memory_space<vmem_shared>> -> memref<10240x128xf32, #tpu.memory_space<vmem_shared>>
      tpu.enqueue_indirect_dma source(%arg15 : memref<64x128xf32, #tpu.memory_space<vmem>>) target(%dma_start3A_227 : memref<10240x128xf32, #tpu.memory_space<vmem_shared>>) offsets(%arg11 : memref<64xi32, #tpu.memory_space<vmem>>) semaphore(%arg24 : memref<!tpu.dma_semaphore, #tpu.memory_space<semaphore_mem>>) {add = true}
      %ge3A = arith.constant 2 : i32
      %ge3A_228 = arith.cmpi sge, %add3A_221, %ge3A : i32
      %convert_element_type3A = arith.extui %ge3A_228 : i1 to i32
      %cond3A = arith.constant 0 : i32
      %cond3A_229 = arith.cmpi ne, %convert_element_type3A, %cond3A : i32
      scf.if %cond3A_229 {
        %dma_wait3A_302 = arith.constant 0 : i32
        %dma_wait3A_303 = arith.constant 0 : i32
        %dma_wait3A_304 = tpu.memref_slice %arg19[%dma_wait3A_302, %dma_wait3A_303] : memref<10240x128xf32, #tpu.memory_space<vmem_shared>> -> memref<10240x128xf32, #tpu.memory_space<vmem_shared>>
        tpu.wait_indirect_dma semaphore(%arg26 : memref<!tpu.dma_semaphore, #tpu.memory_space<semaphore_mem>>) src(%arg17 : memref<64x128xf32, #tpu.memory_space<vmem>>) dst(%dma_wait3A_304 : memref<10240x128xf32, #tpu.memory_space<vmem_shared>>)
      } else {
      }
      %add3A_230 = arith.constant 2 : i32
      %add3A_231 = arith.addi %add3A_221, %add3A_230 : i32
      %lt3A = arith.constant 164 : i32
      %lt3A_232 = arith.cmpi slt, %add3A_231, %lt3A : i32
      %convert_element_type3A_233 = arith.extui %lt3A_232 : i1 to i32
      %cond3A_234 = arith.constant 0 : i32
      %cond3A_235 = arith.cmpi ne, %convert_element_type3A_233, %cond3A_234 : i32
      scf.if %cond3A_235 {
        %mul3A_302 = arith.constant 2 : i32
        %mul3A_303 = arith.muli %scan3A_217, %mul3A_302 : i32
        %add3A_304 = arith.constant 1 : i32
        %add3A_305 = arith.addi %mul3A_303, %add3A_304 : i32
        %get3A_306 = arith.index_cast %add3A_305 : i32 to index
        %get3A_307 = arith.constant 0 : index
        %get3A_308 = tpu.vector_load %arg6[%get3A_306, %get3A_307] {strides = array<i32>} : memref<82x128xi32, #tpu.memory_space<vmem>>, vector<1x16xi32>,
        %get3A_309 = vector.shape_cast %get3A_308 : vector<1x16xi32> to vector<16xi32>
        %and3A_310 = arith.constant 16383 : i32
        %and3A_311 = vector.broadcast %and3A_310 : i32 to vector<16xi32>
        %and3A_312 = arith.andi %get3A_309, %and3A_311 : vector<16xi32>
        %swap3A_313 = arith.constant 0 : index
        %swap3A_314 = tpu.vector_load %arg9[%swap3A_313] {strides = array<i32>} : memref<64xi32, #tpu.memory_space<vmem>>, vector<16xi32>,
        %swap3A_315 = vector.shape_cast %swap3A_314 : vector<16xi32> to vector<16xi32>
        %swap3A_316 = vector.shape_cast %and3A_312 : vector<16xi32> to vector<16xi32>
        tpu.vector_store %arg9[%swap3A_313], %swap3A_316 {strides = array<i32>} : memref<64xi32, #tpu.memory_space<vmem>>, vector<16xi32>,
        %shift_right_logical3A_317 = arith.constant 14 : i32
        %shift_right_logical3A_318 = vector.broadcast %shift_right_logical3A_317 : i32 to vector<16xi32>
        %shift_right_logical3A_319 = arith.shrui %get3A_309, %shift_right_logical3A_318 : vector<16xi32>
        %swap3A_320 = arith.constant 0 : index
        %swap3A_321 = tpu.vector_load %arg13[%swap3A_320] {strides = array<i32>} : memref<64xi32, #tpu.memory_space<vmem>>, vector<16xi32>,
        %swap3A_322 = vector.shape_cast %swap3A_321 : vector<16xi32> to vector<16xi32>
        %swap3A_323 = vector.shape_cast %shift_right_logical3A_319 : vector<16xi32> to vector<16xi32>
        tpu.vector_store %arg13[%swap3A_320], %swap3A_323 {strides = array<i32>} : memref<64xi32, #tpu.memory_space<vmem>>, vector<16xi32>,
        %get3A_324 = arith.index_cast %add3A_305 : i32 to index
        %get3A_325 = arith.constant 16 : index
        %get3A_326 = tpu.vector_load %arg6[%get3A_324, %get3A_325] {strides = array<i32>} : memref<82x128xi32, #tpu.memory_space<vmem>>, vector<1x16xi32>,
        %get3A_327 = vector.shape_cast %get3A_326 : vector<1x16xi32> to vector<16xi32>
        %and3A_328 = arith.constant 16383 : i32
        %and3A_329 = vector.broadcast %and3A_328 : i32 to vector<16xi32>
        %and3A_330 = arith.andi %get3A_327, %and3A_329 : vector<16xi32>
        %swap3A_331 = arith.constant 16 : index
        %swap3A_332 = tpu.vector_load %arg9[%swap3A_331] {strides = array<i32>} : memref<64xi32, #tpu.memory_space<vmem>>, vector<16xi32>,
        %swap3A_333 = vector.shape_cast %swap3A_332 : vector<16xi32> to vector<16xi32>
        %swap3A_334 = vector.shape_cast %and3A_330 : vector<16xi32> to vector<16xi32>
        tpu.vector_store %arg9[%swap3A_331], %swap3A_334 {strides = array<i32>} : memref<64xi32, #tpu.memory_space<vmem>>, vector<16xi32>,
        %shift_right_logical3A_335 = arith.constant 14 : i32
        %shift_right_logical3A_336 = vector.broadcast %shift_right_logical3A_335 : i32 to vector<16xi32>
        %shift_right_logical3A_337 = arith.shrui %get3A_327, %shift_right_logical3A_336 : vector<16xi32>
        %swap3A_338 = arith.constant 16 : index
        %swap3A_339 = tpu.vector_load %arg13[%swap3A_338] {strides = array<i32>} : memref<64xi32, #tpu.memory_space<vmem>>, vector<16xi32>,
        %swap3A_340 = vector.shape_cast %swap3A_339 : vector<16xi32> to vector<16xi32>
        %swap3A_341 = vector.shape_cast %shift_right_logical3A_337 : vector<16xi32> to vector<16xi32>
        tpu.vector_store %arg13[%swap3A_338], %swap3A_341 {strides = array<i32>} : memref<64xi32, #tpu.memory_space<vmem>>, vector<16xi32>,
        %get3A_342 = arith.index_cast %add3A_305 : i32 to index
        %get3A_343 = arith.constant 32 : index
        %get3A_344 = tpu.vector_load %arg6[%get3A_342, %get3A_343] {strides = array<i32>} : memref<82x128xi32, #tpu.memory_space<vmem>>, vector<1x16xi32>,
        %get3A_345 = vector.shape_cast %get3A_344 : vector<1x16xi32> to vector<16xi32>
        %and3A_346 = arith.constant 16383 : i32
        %and3A_347 = vector.broadcast %and3A_346 : i32 to vector<16xi32>
        %and3A_348 = arith.andi %get3A_345, %and3A_347 : vector<16xi32>
        %swap3A_349 = arith.constant 32 : index
        %swap3A_350 = tpu.vector_load %arg9[%swap3A_349] {strides = array<i32>} : memref<64xi32, #tpu.memory_space<vmem>>, vector<16xi32>,
        %swap3A_351 = vector.shape_cast %swap3A_350 : vector<16xi32> to vector<16xi32>
        %swap3A_352 = vector.shape_cast %and3A_348 : vector<16xi32> to vector<16xi32>
        tpu.vector_store %arg9[%swap3A_349], %swap3A_352 {strides = array<i32>} : memref<64xi32, #tpu.memory_space<vmem>>, vector<16xi32>,
        %shift_right_logical3A_353 = arith.constant 14 : i32
        %shift_right_logical3A_354 = vector.broadcast %shift_right_logical3A_353 : i32 to vector<16xi32>
        %shift_right_logical3A_355 = arith.shrui %get3A_345, %shift_right_logical3A_354 : vector<16xi32>
        %swap3A_356 = arith.constant 32 : index
        %swap3A_357 = tpu.vector_load %arg13[%swap3A_356] {strides = array<i32>} : memref<64xi32, #tpu.memory_space<vmem>>, vector<16xi32>,
        %swap3A_358 = vector.shape_cast %swap3A_357 : vector<16xi32> to vector<16xi32>
        %swap3A_359 = vector.shape_cast %shift_right_logical3A_355 : vector<16xi32> to vector<16xi32>
        tpu.vector_store %arg13[%swap3A_356], %swap3A_359 {strides = array<i32>} : memref<64xi32, #tpu.memory_space<vmem>>, vector<16xi32>,
        %get3A_360 = arith.index_cast %add3A_305 : i32 to index
        %get3A_361 = arith.constant 48 : index
        %get3A_362 = tpu.vector_load %arg6[%get3A_360, %get3A_361] {strides = array<i32>} : memref<82x128xi32, #tpu.memory_space<vmem>>, vector<1x16xi32>,
        %get3A_363 = vector.shape_cast %get3A_362 : vector<1x16xi32> to vector<16xi32>
        %and3A_364 = arith.constant 16383 : i32
        %and3A_365 = vector.broadcast %and3A_364 : i32 to vector<16xi32>
        %and3A_366 = arith.andi %get3A_363, %and3A_365 : vector<16xi32>
        %swap3A_367 = arith.constant 48 : index
        %swap3A_368 = tpu.vector_load %arg9[%swap3A_367] {strides = array<i32>} : memref<64xi32, #tpu.memory_space<vmem>>, vector<16xi32>,
        %swap3A_369 = vector.shape_cast %swap3A_368 : vector<16xi32> to vector<16xi32>
        %swap3A_370 = vector.shape_cast %and3A_366 : vector<16xi32> to vector<16xi32>
        tpu.vector_store %arg9[%swap3A_367], %swap3A_370 {strides = array<i32>} : memref<64xi32, #tpu.memory_space<vmem>>, vector<16xi32>,
        %shift_right_logical3A_371 = arith.constant 14 : i32
        %shift_right_logical3A_372 = vector.broadcast %shift_right_logical3A_371 : i32 to vector<16xi32>
        %shift_right_logical3A_373 = arith.shrui %get3A_363, %shift_right_logical3A_372 : vector<16xi32>
        %swap3A_374 = arith.constant 48 : index
        %swap3A_375 = tpu.vector_load %arg13[%swap3A_374] {strides = array<i32>} : memref<64xi32, #tpu.memory_space<vmem>>, vector<16xi32>,
        %swap3A_376 = vector.shape_cast %swap3A_375 : vector<16xi32> to vector<16xi32>
        %swap3A_377 = vector.shape_cast %shift_right_logical3A_373 : vector<16xi32> to vector<16xi32>
        tpu.vector_store %arg13[%swap3A_374], %swap3A_377 {strides = array<i32>} : memref<64xi32, #tpu.memory_space<vmem>>, vector<16xi32>,
        %dma_start3A_378 = arith.constant 0 : i32
        %dma_start3A_379 = arith.constant 0 : i32
        %dma_start3A_380 = tpu.memref_slice %arg2[%dma_start3A_378, %dma_start3A_379] : memref<10240x128xf32, #tpu.memory_space<hbm>> -> memref<10240x128xf32, #tpu.memory_space<hbm>>
        tpu.enqueue_indirect_dma source(%dma_start3A_380 : memref<10240x128xf32, #tpu.memory_space<hbm>>) target(%arg17 : memref<64x128xf32, #tpu.memory_space<vmem>>) offsets(%arg9 : memref<64xi32, #tpu.memory_space<vmem>>) semaphore(%arg22 : memref<!tpu.dma_semaphore, #tpu.memory_space<semaphore_mem>>)
      } else {
      }
      %mul3A_236 = arith.constant 4 : i32
      %mul3A_237 = arith.muli %scan3A_217, %mul3A_236 : i32
      %add3A_238 = arith.constant 1 : i32
      %add3A_239 = arith.addi %mul3A_237, %add3A_238 : i32
      %dma_wait3A_240 = arith.constant 0 : i32
      %dma_wait3A_241 = arith.constant 0 : i32
      %dma_wait3A_242 = tpu.memref_slice %arg2[%dma_wait3A_240, %dma_wait3A_241] : memref<10240x128xf32, #tpu.memory_space<hbm>> -> memref<10240x128xf32, #tpu.memory_space<hbm>>
      tpu.wait_indirect_dma semaphore(%arg21 : memref<!tpu.dma_semaphore, #tpu.memory_space<semaphore_mem>>) src(%dma_wait3A_242 : memref<10240x128xf32, #tpu.memory_space<hbm>>) dst(%arg16 : memref<64x128xf32, #tpu.memory_space<vmem>>)
      %dma_start3A_243 = arith.constant 0 : i32
      %dma_start3A_244 = arith.constant 0 : i32
      %dma_start3A_245 = tpu.memref_slice %arg19[%dma_start3A_243, %dma_start3A_244] : memref<10240x128xf32, #tpu.memory_space<vmem_shared>> -> memref<10240x128xf32, #tpu.memory_space<vmem_shared>>
      tpu.enqueue_indirect_dma source(%arg16 : memref<64x128xf32, #tpu.memory_space<vmem>>) target(%dma_start3A_245 : memref<10240x128xf32, #tpu.memory_space<vmem_shared>>) offsets(%arg12 : memref<64xi32, #tpu.memory_space<vmem>>) semaphore(%arg25 : memref<!tpu.dma_semaphore, #tpu.memory_space<semaphore_mem>>) {add = true}
      %ge3A_246 = arith.constant 2 : i32
      %ge3A_247 = arith.cmpi sge, %add3A_239, %ge3A_246 : i32
      %convert_element_type3A_248 = arith.extui %ge3A_247 : i1 to i32
      %cond3A_249 = arith.constant 0 : i32
      %cond3A_250 = arith.cmpi ne, %convert_element_type3A_248, %cond3A_249 : i32
      scf.if %cond3A_250 {
        %dma_wait3A_302 = arith.constant 0 : i32
        %dma_wait3A_303 = arith.constant 0 : i32
        %dma_wait3A_304 = tpu.memref_slice %arg19[%dma_wait3A_302, %dma_wait3A_303] : memref<10240x128xf32, #tpu.memory_space<vmem_shared>> -> memref<10240x128xf32, #tpu.memory_space<vmem_shared>>
        tpu.wait_indirect_dma semaphore(%arg27 : memref<!tpu.dma_semaphore, #tpu.memory_space<semaphore_mem>>) src(%arg18 : memref<64x128xf32, #tpu.memory_space<vmem>>) dst(%dma_wait3A_304 : memref<10240x128xf32, #tpu.memory_space<vmem_shared>>)
      } else {
      }
      %add3A_251 = arith.constant 2 : i32
      %add3A_252 = arith.addi %add3A_239, %add3A_251 : i32
      %lt3A_253 = arith.constant 164 : i32
      %lt3A_254 = arith.cmpi slt, %add3A_252, %lt3A_253 : i32
      %convert_element_type3A_255 = arith.extui %lt3A_254 : i1 to i32
      %cond3A_256 = arith.constant 0 : i32
      %cond3A_257 = arith.cmpi ne, %convert_element_type3A_255, %cond3A_256 : i32
      scf.if %cond3A_257 {
        %mul3A_302 = arith.constant 2 : i32
        %mul3A_303 = arith.muli %scan3A_217, %mul3A_302 : i32
        %add3A_304 = arith.constant 1 : i32
        %add3A_305 = arith.addi %mul3A_303, %add3A_304 : i32
        %get3A_306 = arith.index_cast %add3A_305 : i32 to index
        %get3A_307 = arith.constant 64 : index
        %get3A_308 = tpu.vector_load %arg6[%get3A_306, %get3A_307] {strides = array<i32>} : memref<82x128xi32, #tpu.memory_space<vmem>>, vector<1x16xi32>,
        %get3A_309 = vector.shape_cast %get3A_308 : vector<1x16xi32> to vector<16xi32>
        %and3A_310 = arith.constant 16383 : i32
        %and3A_311 = vector.broadcast %and3A_310 : i32 to vector<16xi32>
        %and3A_312 = arith.andi %get3A_309, %and3A_311 : vector<16xi32>
        %swap3A_313 = arith.constant 0 : index
        %swap3A_314 = tpu.vector_load %arg10[%swap3A_313] {strides = array<i32>} : memref<64xi32, #tpu.memory_space<vmem>>, vector<16xi32>,
        %swap3A_315 = vector.shape_cast %swap3A_314 : vector<16xi32> to vector<16xi32>
        %swap3A_316 = vector.shape_cast %and3A_312 : vector<16xi32> to vector<16xi32>
        tpu.vector_store %arg10[%swap3A_313], %swap3A_316 {strides = array<i32>} : memref<64xi32, #tpu.memory_space<vmem>>, vector<16xi32>,
        %shift_right_logical3A_317 = arith.constant 14 : i32
        %shift_right_logical3A_318 = vector.broadcast %shift_right_logical3A_317 : i32 to vector<16xi32>
        %shift_right_logical3A_319 = arith.shrui %get3A_309, %shift_right_logical3A_318 : vector<16xi32>
        %swap3A_320 = arith.constant 0 : index
        %swap3A_321 = tpu.vector_load %arg14[%swap3A_320] {strides = array<i32>} : memref<64xi32, #tpu.memory_space<vmem>>, vector<16xi32>,
        %swap3A_322 = vector.shape_cast %swap3A_321 : vector<16xi32> to vector<16xi32>
        %swap3A_323 = vector.shape_cast %shift_right_logical3A_319 : vector<16xi32> to vector<16xi32>
        tpu.vector_store %arg14[%swap3A_320], %swap3A_323 {strides = array<i32>} : memref<64xi32, #tpu.memory_space<vmem>>, vector<16xi32>,
        %get3A_324 = arith.index_cast %add3A_305 : i32 to index
        %get3A_325 = arith.constant 80 : index
        %get3A_326 = tpu.vector_load %arg6[%get3A_324, %get3A_325] {strides = array<i32>} : memref<82x128xi32, #tpu.memory_space<vmem>>, vector<1x16xi32>,
        %get3A_327 = vector.shape_cast %get3A_326 : vector<1x16xi32> to vector<16xi32>
        %and3A_328 = arith.constant 16383 : i32
        %and3A_329 = vector.broadcast %and3A_328 : i32 to vector<16xi32>
        %and3A_330 = arith.andi %get3A_327, %and3A_329 : vector<16xi32>
        %swap3A_331 = arith.constant 16 : index
        %swap3A_332 = tpu.vector_load %arg10[%swap3A_331] {strides = array<i32>} : memref<64xi32, #tpu.memory_space<vmem>>, vector<16xi32>,
        %swap3A_333 = vector.shape_cast %swap3A_332 : vector<16xi32> to vector<16xi32>
        %swap3A_334 = vector.shape_cast %and3A_330 : vector<16xi32> to vector<16xi32>
        tpu.vector_store %arg10[%swap3A_331], %swap3A_334 {strides = array<i32>} : memref<64xi32, #tpu.memory_space<vmem>>, vector<16xi32>,
        %shift_right_logical3A_335 = arith.constant 14 : i32
        %shift_right_logical3A_336 = vector.broadcast %shift_right_logical3A_335 : i32 to vector<16xi32>
        %shift_right_logical3A_337 = arith.shrui %get3A_327, %shift_right_logical3A_336 : vector<16xi32>
        %swap3A_338 = arith.constant 16 : index
        %swap3A_339 = tpu.vector_load %arg14[%swap3A_338] {strides = array<i32>} : memref<64xi32, #tpu.memory_space<vmem>>, vector<16xi32>,
        %swap3A_340 = vector.shape_cast %swap3A_339 : vector<16xi32> to vector<16xi32>
        %swap3A_341 = vector.shape_cast %shift_right_logical3A_337 : vector<16xi32> to vector<16xi32>
        tpu.vector_store %arg14[%swap3A_338], %swap3A_341 {strides = array<i32>} : memref<64xi32, #tpu.memory_space<vmem>>, vector<16xi32>,
        %get3A_342 = arith.index_cast %add3A_305 : i32 to index
        %get3A_343 = arith.constant 96 : index
        %get3A_344 = tpu.vector_load %arg6[%get3A_342, %get3A_343] {strides = array<i32>} : memref<82x128xi32, #tpu.memory_space<vmem>>, vector<1x16xi32>,
        %get3A_345 = vector.shape_cast %get3A_344 : vector<1x16xi32> to vector<16xi32>
        %and3A_346 = arith.constant 16383 : i32
        %and3A_347 = vector.broadcast %and3A_346 : i32 to vector<16xi32>
        %and3A_348 = arith.andi %get3A_345, %and3A_347 : vector<16xi32>
        %swap3A_349 = arith.constant 32 : index
        %swap3A_350 = tpu.vector_load %arg10[%swap3A_349] {strides = array<i32>} : memref<64xi32, #tpu.memory_space<vmem>>, vector<16xi32>,
        %swap3A_351 = vector.shape_cast %swap3A_350 : vector<16xi32> to vector<16xi32>
        %swap3A_352 = vector.shape_cast %and3A_348 : vector<16xi32> to vector<16xi32>
        tpu.vector_store %arg10[%swap3A_349], %swap3A_352 {strides = array<i32>} : memref<64xi32, #tpu.memory_space<vmem>>, vector<16xi32>,
        %shift_right_logical3A_353 = arith.constant 14 : i32
        %shift_right_logical3A_354 = vector.broadcast %shift_right_logical3A_353 : i32 to vector<16xi32>
        %shift_right_logical3A_355 = arith.shrui %get3A_345, %shift_right_logical3A_354 : vector<16xi32>
        %swap3A_356 = arith.constant 32 : index
        %swap3A_357 = tpu.vector_load %arg14[%swap3A_356] {strides = array<i32>} : memref<64xi32, #tpu.memory_space<vmem>>, vector<16xi32>,
        %swap3A_358 = vector.shape_cast %swap3A_357 : vector<16xi32> to vector<16xi32>
        %swap3A_359 = vector.shape_cast %shift_right_logical3A_355 : vector<16xi32> to vector<16xi32>
        tpu.vector_store %arg14[%swap3A_356], %swap3A_359 {strides = array<i32>} : memref<64xi32, #tpu.memory_space<vmem>>, vector<16xi32>,
        %get3A_360 = arith.index_cast %add3A_305 : i32 to index
        %get3A_361 = arith.constant 112 : index
        %get3A_362 = tpu.vector_load %arg6[%get3A_360, %get3A_361] {strides = array<i32>} : memref<82x128xi32, #tpu.memory_space<vmem>>, vector<1x16xi32>,
        %get3A_363 = vector.shape_cast %get3A_362 : vector<1x16xi32> to vector<16xi32>
        %and3A_364 = arith.constant 16383 : i32
        %and3A_365 = vector.broadcast %and3A_364 : i32 to vector<16xi32>
        %and3A_366 = arith.andi %get3A_363, %and3A_365 : vector<16xi32>
        %swap3A_367 = arith.constant 48 : index
        %swap3A_368 = tpu.vector_load %arg10[%swap3A_367] {strides = array<i32>} : memref<64xi32, #tpu.memory_space<vmem>>, vector<16xi32>,
        %swap3A_369 = vector.shape_cast %swap3A_368 : vector<16xi32> to vector<16xi32>
        %swap3A_370 = vector.shape_cast %and3A_366 : vector<16xi32> to vector<16xi32>
        tpu.vector_store %arg10[%swap3A_367], %swap3A_370 {strides = array<i32>} : memref<64xi32, #tpu.memory_space<vmem>>, vector<16xi32>,
        %shift_right_logical3A_371 = arith.constant 14 : i32
        %shift_right_logical3A_372 = vector.broadcast %shift_right_logical3A_371 : i32 to vector<16xi32>
        %shift_right_logical3A_373 = arith.shrui %get3A_363, %shift_right_logical3A_372 : vector<16xi32>
        %swap3A_374 = arith.constant 48 : index
        %swap3A_375 = tpu.vector_load %arg14[%swap3A_374] {strides = array<i32>} : memref<64xi32, #tpu.memory_space<vmem>>, vector<16xi32>,
        %swap3A_376 = vector.shape_cast %swap3A_375 : vector<16xi32> to vector<16xi32>
        %swap3A_377 = vector.shape_cast %shift_right_logical3A_373 : vector<16xi32> to vector<16xi32>
        tpu.vector_store %arg14[%swap3A_374], %swap3A_377 {strides = array<i32>} : memref<64xi32, #tpu.memory_space<vmem>>, vector<16xi32>,
        %dma_start3A_378 = arith.constant 0 : i32
        %dma_start3A_379 = arith.constant 0 : i32
        %dma_start3A_380 = tpu.memref_slice %arg2[%dma_start3A_378, %dma_start3A_379] : memref<10240x128xf32, #tpu.memory_space<hbm>> -> memref<10240x128xf32, #tpu.memory_space<hbm>>
        tpu.enqueue_indirect_dma source(%dma_start3A_380 : memref<10240x128xf32, #tpu.memory_space<hbm>>) target(%arg18 : memref<64x128xf32, #tpu.memory_space<vmem>>) offsets(%arg10 : memref<64xi32, #tpu.memory_space<vmem>>) semaphore(%arg23 : memref<!tpu.dma_semaphore, #tpu.memory_space<semaphore_mem>>)
      } else {
      }
      %mul3A_258 = arith.constant 4 : i32
      %mul3A_259 = arith.muli %scan3A_217, %mul3A_258 : i32
      %add3A_260 = arith.constant 2 : i32
      %add3A_261 = arith.addi %mul3A_259, %add3A_260 : i32
      %dma_wait3A_262 = arith.constant 0 : i32
      %dma_wait3A_263 = arith.constant 0 : i32
      %dma_wait3A_264 = tpu.memref_slice %arg2[%dma_wait3A_262, %dma_wait3A_263] : memref<10240x128xf32, #tpu.memory_space<hbm>> -> memref<10240x128xf32, #tpu.memory_space<hbm>>
      tpu.wait_indirect_dma semaphore(%arg22 : memref<!tpu.dma_semaphore, #tpu.memory_space<semaphore_mem>>) src(%dma_wait3A_264 : memref<10240x128xf32, #tpu.memory_space<hbm>>) dst(%arg17 : memref<64x128xf32, #tpu.memory_space<vmem>>)
      %dma_start3A_265 = arith.constant 0 : i32
      %dma_start3A_266 = arith.constant 0 : i32
      %dma_start3A_267 = tpu.memref_slice %arg19[%dma_start3A_265, %dma_start3A_266] : memref<10240x128xf32, #tpu.memory_space<vmem_shared>> -> memref<10240x128xf32, #tpu.memory_space<vmem_shared>>
      tpu.enqueue_indirect_dma source(%arg17 : memref<64x128xf32, #tpu.memory_space<vmem>>) target(%dma_start3A_267 : memref<10240x128xf32, #tpu.memory_space<vmem_shared>>) offsets(%arg13 : memref<64xi32, #tpu.memory_space<vmem>>) semaphore(%arg26 : memref<!tpu.dma_semaphore, #tpu.memory_space<semaphore_mem>>) {add = true}
      %ge3A_268 = arith.constant 2 : i32
      %ge3A_269 = arith.cmpi sge, %add3A_261, %ge3A_268 : i32
      %convert_element_type3A_270 = arith.extui %ge3A_269 : i1 to i32
      %cond3A_271 = arith.constant 0 : i32
      %cond3A_272 = arith.cmpi ne, %convert_element_type3A_270, %cond3A_271 : i32
      scf.if %cond3A_272 {
        %dma_wait3A_302 = arith.constant 0 : i32
        %dma_wait3A_303 = arith.constant 0 : i32
        %dma_wait3A_304 = tpu.memref_slice %arg19[%dma_wait3A_302, %dma_wait3A_303] : memref<10240x128xf32, #tpu.memory_space<vmem_shared>> -> memref<10240x128xf32, #tpu.memory_space<vmem_shared>>
        tpu.wait_indirect_dma semaphore(%arg24 : memref<!tpu.dma_semaphore, #tpu.memory_space<semaphore_mem>>) src(%arg15 : memref<64x128xf32, #tpu.memory_space<vmem>>) dst(%dma_wait3A_304 : memref<10240x128xf32, #tpu.memory_space<vmem_shared>>)
      } else {
      }
      %add3A_273 = arith.constant 2 : i32
      %add3A_274 = arith.addi %add3A_261, %add3A_273 : i32
      %lt3A_275 = arith.constant 164 : i32
      %lt3A_276 = arith.cmpi slt, %add3A_274, %lt3A_275 : i32
      %convert_element_type3A_277 = arith.extui %lt3A_276 : i1 to i32
      %cond3A_278 = arith.constant 0 : i32
      %cond3A_279 = arith.cmpi ne, %convert_element_type3A_277, %cond3A_278 : i32
      scf.if %cond3A_279 {
        %mul3A_302 = arith.constant 2 : i32
        %mul3A_303 = arith.muli %scan3A_217, %mul3A_302 : i32
        %add3A_304 = arith.constant 2 : i32
        %add3A_305 = arith.addi %mul3A_303, %add3A_304 : i32
        %get3A_306 = arith.index_cast %add3A_305 : i32 to index
        %get3A_307 = arith.constant 0 : index
        %get3A_308 = tpu.vector_load %arg6[%get3A_306, %get3A_307] {strides = array<i32>} : memref<82x128xi32, #tpu.memory_space<vmem>>, vector<1x16xi32>,
        %get3A_309 = vector.shape_cast %get3A_308 : vector<1x16xi32> to vector<16xi32>
        %and3A_310 = arith.constant 16383 : i32
        %and3A_311 = vector.broadcast %and3A_310 : i32 to vector<16xi32>
        %and3A_312 = arith.andi %get3A_309, %and3A_311 : vector<16xi32>
        %swap3A_313 = arith.constant 0 : index
        %swap3A_314 = tpu.vector_load %arg7[%swap3A_313] {strides = array<i32>} : memref<64xi32, #tpu.memory_space<vmem>>, vector<16xi32>,
        %swap3A_315 = vector.shape_cast %swap3A_314 : vector<16xi32> to vector<16xi32>
        %swap3A_316 = vector.shape_cast %and3A_312 : vector<16xi32> to vector<16xi32>
        tpu.vector_store %arg7[%swap3A_313], %swap3A_316 {strides = array<i32>} : memref<64xi32, #tpu.memory_space<vmem>>, vector<16xi32>,
        %shift_right_logical3A_317 = arith.constant 14 : i32
        %shift_right_logical3A_318 = vector.broadcast %shift_right_logical3A_317 : i32 to vector<16xi32>
        %shift_right_logical3A_319 = arith.shrui %get3A_309, %shift_right_logical3A_318 : vector<16xi32>
        %swap3A_320 = arith.constant 0 : index
        %swap3A_321 = tpu.vector_load %arg11[%swap3A_320] {strides = array<i32>} : memref<64xi32, #tpu.memory_space<vmem>>, vector<16xi32>,
        %swap3A_322 = vector.shape_cast %swap3A_321 : vector<16xi32> to vector<16xi32>
        %swap3A_323 = vector.shape_cast %shift_right_logical3A_319 : vector<16xi32> to vector<16xi32>
        tpu.vector_store %arg11[%swap3A_320], %swap3A_323 {strides = array<i32>} : memref<64xi32, #tpu.memory_space<vmem>>, vector<16xi32>,
        %get3A_324 = arith.index_cast %add3A_305 : i32 to index
        %get3A_325 = arith.constant 16 : index
        %get3A_326 = tpu.vector_load %arg6[%get3A_324, %get3A_325] {strides = array<i32>} : memref<82x128xi32, #tpu.memory_space<vmem>>, vector<1x16xi32>,
        %get3A_327 = vector.shape_cast %get3A_326 : vector<1x16xi32> to vector<16xi32>
        %and3A_328 = arith.constant 16383 : i32
        %and3A_329 = vector.broadcast %and3A_328 : i32 to vector<16xi32>
        %and3A_330 = arith.andi %get3A_327, %and3A_329 : vector<16xi32>
        %swap3A_331 = arith.constant 16 : index
        %swap3A_332 = tpu.vector_load %arg7[%swap3A_331] {strides = array<i32>} : memref<64xi32, #tpu.memory_space<vmem>>, vector<16xi32>,
        %swap3A_333 = vector.shape_cast %swap3A_332 : vector<16xi32> to vector<16xi32>
        %swap3A_334 = vector.shape_cast %and3A_330 : vector<16xi32> to vector<16xi32>
        tpu.vector_store %arg7[%swap3A_331], %swap3A_334 {strides = array<i32>} : memref<64xi32, #tpu.memory_space<vmem>>, vector<16xi32>,
        %shift_right_logical3A_335 = arith.constant 14 : i32
        %shift_right_logical3A_336 = vector.broadcast %shift_right_logical3A_335 : i32 to vector<16xi32>
        %shift_right_logical3A_337 = arith.shrui %get3A_327, %shift_right_logical3A_336 : vector<16xi32>
        %swap3A_338 = arith.constant 16 : index
        %swap3A_339 = tpu.vector_load %arg11[%swap3A_338] {strides = array<i32>} : memref<64xi32, #tpu.memory_space<vmem>>, vector<16xi32>,
        %swap3A_340 = vector.shape_cast %swap3A_339 : vector<16xi32> to vector<16xi32>
        %swap3A_341 = vector.shape_cast %shift_right_logical3A_337 : vector<16xi32> to vector<16xi32>
        tpu.vector_store %arg11[%swap3A_338], %swap3A_341 {strides = array<i32>} : memref<64xi32, #tpu.memory_space<vmem>>, vector<16xi32>,
        %get3A_342 = arith.index_cast %add3A_305 : i32 to index
        %get3A_343 = arith.constant 32 : index
        %get3A_344 = tpu.vector_load %arg6[%get3A_342, %get3A_343] {strides = array<i32>} : memref<82x128xi32, #tpu.memory_space<vmem>>, vector<1x16xi32>,
        %get3A_345 = vector.shape_cast %get3A_344 : vector<1x16xi32> to vector<16xi32>
        %and3A_346 = arith.constant 16383 : i32
        %and3A_347 = vector.broadcast %and3A_346 : i32 to vector<16xi32>
        %and3A_348 = arith.andi %get3A_345, %and3A_347 : vector<16xi32>
        %swap3A_349 = arith.constant 32 : index
        %swap3A_350 = tpu.vector_load %arg7[%swap3A_349] {strides = array<i32>} : memref<64xi32, #tpu.memory_space<vmem>>, vector<16xi32>,
        %swap3A_351 = vector.shape_cast %swap3A_350 : vector<16xi32> to vector<16xi32>
        %swap3A_352 = vector.shape_cast %and3A_348 : vector<16xi32> to vector<16xi32>
        tpu.vector_store %arg7[%swap3A_349], %swap3A_352 {strides = array<i32>} : memref<64xi32, #tpu.memory_space<vmem>>, vector<16xi32>,
        %shift_right_logical3A_353 = arith.constant 14 : i32
        %shift_right_logical3A_354 = vector.broadcast %shift_right_logical3A_353 : i32 to vector<16xi32>
        %shift_right_logical3A_355 = arith.shrui %get3A_345, %shift_right_logical3A_354 : vector<16xi32>
        %swap3A_356 = arith.constant 32 : index
        %swap3A_357 = tpu.vector_load %arg11[%swap3A_356] {strides = array<i32>} : memref<64xi32, #tpu.memory_space<vmem>>, vector<16xi32>,
        %swap3A_358 = vector.shape_cast %swap3A_357 : vector<16xi32> to vector<16xi32>
        %swap3A_359 = vector.shape_cast %shift_right_logical3A_355 : vector<16xi32> to vector<16xi32>
        tpu.vector_store %arg11[%swap3A_356], %swap3A_359 {strides = array<i32>} : memref<64xi32, #tpu.memory_space<vmem>>, vector<16xi32>,
        %get3A_360 = arith.index_cast %add3A_305 : i32 to index
        %get3A_361 = arith.constant 48 : index
        %get3A_362 = tpu.vector_load %arg6[%get3A_360, %get3A_361] {strides = array<i32>} : memref<82x128xi32, #tpu.memory_space<vmem>>, vector<1x16xi32>,
        %get3A_363 = vector.shape_cast %get3A_362 : vector<1x16xi32> to vector<16xi32>
        %and3A_364 = arith.constant 16383 : i32
        %and3A_365 = vector.broadcast %and3A_364 : i32 to vector<16xi32>
        %and3A_366 = arith.andi %get3A_363, %and3A_365 : vector<16xi32>
        %swap3A_367 = arith.constant 48 : index
        %swap3A_368 = tpu.vector_load %arg7[%swap3A_367] {strides = array<i32>} : memref<64xi32, #tpu.memory_space<vmem>>, vector<16xi32>,
        %swap3A_369 = vector.shape_cast %swap3A_368 : vector<16xi32> to vector<16xi32>
        %swap3A_370 = vector.shape_cast %and3A_366 : vector<16xi32> to vector<16xi32>
        tpu.vector_store %arg7[%swap3A_367], %swap3A_370 {strides = array<i32>} : memref<64xi32, #tpu.memory_space<vmem>>, vector<16xi32>,
        %shift_right_logical3A_371 = arith.constant 14 : i32
        %shift_right_logical3A_372 = vector.broadcast %shift_right_logical3A_371 : i32 to vector<16xi32>
        %shift_right_logical3A_373 = arith.shrui %get3A_363, %shift_right_logical3A_372 : vector<16xi32>
        %swap3A_374 = arith.constant 48 : index
        %swap3A_375 = tpu.vector_load %arg11[%swap3A_374] {strides = array<i32>} : memref<64xi32, #tpu.memory_space<vmem>>, vector<16xi32>,
        %swap3A_376 = vector.shape_cast %swap3A_375 : vector<16xi32> to vector<16xi32>
        %swap3A_377 = vector.shape_cast %shift_right_logical3A_373 : vector<16xi32> to vector<16xi32>
        tpu.vector_store %arg11[%swap3A_374], %swap3A_377 {strides = array<i32>} : memref<64xi32, #tpu.memory_space<vmem>>, vector<16xi32>,
        %dma_start3A_378 = arith.constant 0 : i32
        %dma_start3A_379 = arith.constant 0 : i32
        %dma_start3A_380 = tpu.memref_slice %arg2[%dma_start3A_378, %dma_start3A_379] : memref<10240x128xf32, #tpu.memory_space<hbm>> -> memref<10240x128xf32, #tpu.memory_space<hbm>>
        tpu.enqueue_indirect_dma source(%dma_start3A_380 : memref<10240x128xf32, #tpu.memory_space<hbm>>) target(%arg15 : memref<64x128xf32, #tpu.memory_space<vmem>>) offsets(%arg7 : memref<64xi32, #tpu.memory_space<vmem>>) semaphore(%arg20 : memref<!tpu.dma_semaphore, #tpu.memory_space<semaphore_mem>>)
      } else {
      }
      %mul3A_280 = arith.constant 4 : i32
      %mul3A_281 = arith.muli %scan3A_217, %mul3A_280 : i32
      %add3A_282 = arith.constant 3 : i32
      %add3A_283 = arith.addi %mul3A_281, %add3A_282 : i32
      %dma_wait3A_284 = arith.constant 0 : i32
      %dma_wait3A_285 = arith.constant 0 : i32
      %dma_wait3A_286 = tpu.memref_slice %arg2[%dma_wait3A_284, %dma_wait3A_285] : memref<10240x128xf32, #tpu.memory_space<hbm>> -> memref<10240x128xf32, #tpu.memory_space<hbm>>
      tpu.wait_indirect_dma semaphore(%arg23 : memref<!tpu.dma_semaphore, #tpu.memory_space<semaphore_mem>>) src(%dma_wait3A_286 : memref<10240x128xf32, #tpu.memory_space<hbm>>) dst(%arg18 : memref<64x128xf32, #tpu.memory_space<vmem>>)
      %dma_start3A_287 = arith.constant 0 : i32
      %dma_start3A_288 = arith.constant 0 : i32
      %dma_start3A_289 = tpu.memref_slice %arg19[%dma_start3A_287, %dma_start3A_288] : memref<10240x128xf32, #tpu.memory_space<vmem_shared>> -> memref<10240x128xf32, #tpu.memory_space<vmem_shared>>
      tpu.enqueue_indirect_dma source(%arg18 : memref<64x128xf32, #tpu.memory_space<vmem>>) target(%dma_start3A_289 : memref<10240x128xf32, #tpu.memory_space<vmem_shared>>) offsets(%arg14 : memref<64xi32, #tpu.memory_space<vmem>>) semaphore(%arg27 : memref<!tpu.dma_semaphore, #tpu.memory_space<semaphore_mem>>) {add = true}
      %ge3A_290 = arith.constant 2 : i32
      %ge3A_291 = arith.cmpi sge, %add3A_283, %ge3A_290 : i32
      %convert_element_type3A_292 = arith.extui %ge3A_291 : i1 to i32
      %cond3A_293 = arith.constant 0 : i32
      %cond3A_294 = arith.cmpi ne, %convert_element_type3A_292, %cond3A_293 : i32
      scf.if %cond3A_294 {
        %dma_wait3A_302 = arith.constant 0 : i32
        %dma_wait3A_303 = arith.constant 0 : i32
        %dma_wait3A_304 = tpu.memref_slice %arg19[%dma_wait3A_302, %dma_wait3A_303] : memref<10240x128xf32, #tpu.memory_space<vmem_shared>> -> memref<10240x128xf32, #tpu.memory_space<vmem_shared>>
        tpu.wait_indirect_dma semaphore(%arg25 : memref<!tpu.dma_semaphore, #tpu.memory_space<semaphore_mem>>) src(%arg16 : memref<64x128xf32, #tpu.memory_space<vmem>>) dst(%dma_wait3A_304 : memref<10240x128xf32, #tpu.memory_space<vmem_shared>>)
      } else {
      }
      %add3A_295 = arith.constant 2 : i32
      %add3A_296 = arith.addi %add3A_283, %add3A_295 : i32
      %lt3A_297 = arith.constant 164 : i32
      %lt3A_298 = arith.cmpi slt, %add3A_296, %lt3A_297 : i32
      %convert_element_type3A_299 = arith.extui %lt3A_298 : i1 to i32
      %cond3A_300 = arith.constant 0 : i32
      %cond3A_301 = arith.cmpi ne, %convert_element_type3A_299, %cond3A_300 : i32
      scf.if %cond3A_301 {
        %mul3A_302 = arith.constant 2 : i32
        %mul3A_303 = arith.muli %scan3A_217, %mul3A_302 : i32
        %add3A_304 = arith.constant 2 : i32
        %add3A_305 = arith.addi %mul3A_303, %add3A_304 : i32
        %get3A_306 = arith.index_cast %add3A_305 : i32 to index
        %get3A_307 = arith.constant 64 : index
        %get3A_308 = tpu.vector_load %arg6[%get3A_306, %get3A_307] {strides = array<i32>} : memref<82x128xi32, #tpu.memory_space<vmem>>, vector<1x16xi32>,
        %get3A_309 = vector.shape_cast %get3A_308 : vector<1x16xi32> to vector<16xi32>
        %and3A_310 = arith.constant 16383 : i32
        %and3A_311 = vector.broadcast %and3A_310 : i32 to vector<16xi32>
        %and3A_312 = arith.andi %get3A_309, %and3A_311 : vector<16xi32>
        %swap3A_313 = arith.constant 0 : index
        %swap3A_314 = tpu.vector_load %arg8[%swap3A_313] {strides = array<i32>} : memref<64xi32, #tpu.memory_space<vmem>>, vector<16xi32>,
        %swap3A_315 = vector.shape_cast %swap3A_314 : vector<16xi32> to vector<16xi32>
        %swap3A_316 = vector.shape_cast %and3A_312 : vector<16xi32> to vector<16xi32>
        tpu.vector_store %arg8[%swap3A_313], %swap3A_316 {strides = array<i32>} : memref<64xi32, #tpu.memory_space<vmem>>, vector<16xi32>,
        %shift_right_logical3A_317 = arith.constant 14 : i32
        %shift_right_logical3A_318 = vector.broadcast %shift_right_logical3A_317 : i32 to vector<16xi32>
        %shift_right_logical3A_319 = arith.shrui %get3A_309, %shift_right_logical3A_318 : vector<16xi32>
        %swap3A_320 = arith.constant 0 : index
        %swap3A_321 = tpu.vector_load %arg12[%swap3A_320] {strides = array<i32>} : memref<64xi32, #tpu.memory_space<vmem>>, vector<16xi32>,
        %swap3A_322 = vector.shape_cast %swap3A_321 : vector<16xi32> to vector<16xi32>
        %swap3A_323 = vector.shape_cast %shift_right_logical3A_319 : vector<16xi32> to vector<16xi32>
        tpu.vector_store %arg12[%swap3A_320], %swap3A_323 {strides = array<i32>} : memref<64xi32, #tpu.memory_space<vmem>>, vector<16xi32>,
        %get3A_324 = arith.index_cast %add3A_305 : i32 to index
        %get3A_325 = arith.constant 80 : index
        %get3A_326 = tpu.vector_load %arg6[%get3A_324, %get3A_325] {strides = array<i32>} : memref<82x128xi32, #tpu.memory_space<vmem>>, vector<1x16xi32>,
        %get3A_327 = vector.shape_cast %get3A_326 : vector<1x16xi32> to vector<16xi32>
        %and3A_328 = arith.constant 16383 : i32
        %and3A_329 = vector.broadcast %and3A_328 : i32 to vector<16xi32>
        %and3A_330 = arith.andi %get3A_327, %and3A_329 : vector<16xi32>
        %swap3A_331 = arith.constant 16 : index
        %swap3A_332 = tpu.vector_load %arg8[%swap3A_331] {strides = array<i32>} : memref<64xi32, #tpu.memory_space<vmem>>, vector<16xi32>,
        %swap3A_333 = vector.shape_cast %swap3A_332 : vector<16xi32> to vector<16xi32>
        %swap3A_334 = vector.shape_cast %and3A_330 : vector<16xi32> to vector<16xi32>
        tpu.vector_store %arg8[%swap3A_331], %swap3A_334 {strides = array<i32>} : memref<64xi32, #tpu.memory_space<vmem>>, vector<16xi32>,
        %shift_right_logical3A_335 = arith.constant 14 : i32
        %shift_right_logical3A_336 = vector.broadcast %shift_right_logical3A_335 : i32 to vector<16xi32>
        %shift_right_logical3A_337 = arith.shrui %get3A_327, %shift_right_logical3A_336 : vector<16xi32>
        %swap3A_338 = arith.constant 16 : index
        %swap3A_339 = tpu.vector_load %arg12[%swap3A_338] {strides = array<i32>} : memref<64xi32, #tpu.memory_space<vmem>>, vector<16xi32>,
        %swap3A_340 = vector.shape_cast %swap3A_339 : vector<16xi32> to vector<16xi32>
        %swap3A_341 = vector.shape_cast %shift_right_logical3A_337 : vector<16xi32> to vector<16xi32>
        tpu.vector_store %arg12[%swap3A_338], %swap3A_341 {strides = array<i32>} : memref<64xi32, #tpu.memory_space<vmem>>, vector<16xi32>,
        %get3A_342 = arith.index_cast %add3A_305 : i32 to index
        %get3A_343 = arith.constant 96 : index
        %get3A_344 = tpu.vector_load %arg6[%get3A_342, %get3A_343] {strides = array<i32>} : memref<82x128xi32, #tpu.memory_space<vmem>>, vector<1x16xi32>,
        %get3A_345 = vector.shape_cast %get3A_344 : vector<1x16xi32> to vector<16xi32>
        %and3A_346 = arith.constant 16383 : i32
        %and3A_347 = vector.broadcast %and3A_346 : i32 to vector<16xi32>
        %and3A_348 = arith.andi %get3A_345, %and3A_347 : vector<16xi32>
        %swap3A_349 = arith.constant 32 : index
        %swap3A_350 = tpu.vector_load %arg8[%swap3A_349] {strides = array<i32>} : memref<64xi32, #tpu.memory_space<vmem>>, vector<16xi32>,
        %swap3A_351 = vector.shape_cast %swap3A_350 : vector<16xi32> to vector<16xi32>
        %swap3A_352 = vector.shape_cast %and3A_348 : vector<16xi32> to vector<16xi32>
        tpu.vector_store %arg8[%swap3A_349], %swap3A_352 {strides = array<i32>} : memref<64xi32, #tpu.memory_space<vmem>>, vector<16xi32>,
        %shift_right_logical3A_353 = arith.constant 14 : i32
        %shift_right_logical3A_354 = vector.broadcast %shift_right_logical3A_353 : i32 to vector<16xi32>
        %shift_right_logical3A_355 = arith.shrui %get3A_345, %shift_right_logical3A_354 : vector<16xi32>
        %swap3A_356 = arith.constant 32 : index
        %swap3A_357 = tpu.vector_load %arg12[%swap3A_356] {strides = array<i32>} : memref<64xi32, #tpu.memory_space<vmem>>, vector<16xi32>,
        %swap3A_358 = vector.shape_cast %swap3A_357 : vector<16xi32> to vector<16xi32>
        %swap3A_359 = vector.shape_cast %shift_right_logical3A_355 : vector<16xi32> to vector<16xi32>
        tpu.vector_store %arg12[%swap3A_356], %swap3A_359 {strides = array<i32>} : memref<64xi32, #tpu.memory_space<vmem>>, vector<16xi32>,
        %get3A_360 = arith.index_cast %add3A_305 : i32 to index
        %get3A_361 = arith.constant 112 : index
        %get3A_362 = tpu.vector_load %arg6[%get3A_360, %get3A_361] {strides = array<i32>} : memref<82x128xi32, #tpu.memory_space<vmem>>, vector<1x16xi32>,
        %get3A_363 = vector.shape_cast %get3A_362 : vector<1x16xi32> to vector<16xi32>
        %and3A_364 = arith.constant 16383 : i32
        %and3A_365 = vector.broadcast %and3A_364 : i32 to vector<16xi32>
        %and3A_366 = arith.andi %get3A_363, %and3A_365 : vector<16xi32>
        %swap3A_367 = arith.constant 48 : index
        %swap3A_368 = tpu.vector_load %arg8[%swap3A_367] {strides = array<i32>} : memref<64xi32, #tpu.memory_space<vmem>>, vector<16xi32>,
        %swap3A_369 = vector.shape_cast %swap3A_368 : vector<16xi32> to vector<16xi32>
        %swap3A_370 = vector.shape_cast %and3A_366 : vector<16xi32> to vector<16xi32>
        tpu.vector_store %arg8[%swap3A_367], %swap3A_370 {strides = array<i32>} : memref<64xi32, #tpu.memory_space<vmem>>, vector<16xi32>,
        %shift_right_logical3A_371 = arith.constant 14 : i32
        %shift_right_logical3A_372 = vector.broadcast %shift_right_logical3A_371 : i32 to vector<16xi32>
        %shift_right_logical3A_373 = arith.shrui %get3A_363, %shift_right_logical3A_372 : vector<16xi32>
        %swap3A_374 = arith.constant 48 : index
        %swap3A_375 = tpu.vector_load %arg12[%swap3A_374] {strides = array<i32>} : memref<64xi32, #tpu.memory_space<vmem>>, vector<16xi32>,
        %swap3A_376 = vector.shape_cast %swap3A_375 : vector<16xi32> to vector<16xi32>
        %swap3A_377 = vector.shape_cast %shift_right_logical3A_373 : vector<16xi32> to vector<16xi32>
        tpu.vector_store %arg12[%swap3A_374], %swap3A_377 {strides = array<i32>} : memref<64xi32, #tpu.memory_space<vmem>>, vector<16xi32>,
        %dma_start3A_378 = arith.constant 0 : i32
        %dma_start3A_379 = arith.constant 0 : i32
        %dma_start3A_380 = tpu.memref_slice %arg2[%dma_start3A_378, %dma_start3A_379] : memref<10240x128xf32, #tpu.memory_space<hbm>> -> memref<10240x128xf32, #tpu.memory_space<hbm>>
        tpu.enqueue_indirect_dma source(%dma_start3A_380 : memref<10240x128xf32, #tpu.memory_space<hbm>>) target(%arg16 : memref<64x128xf32, #tpu.memory_space<vmem>>) offsets(%arg8 : memref<64xi32, #tpu.memory_space<vmem>>) semaphore(%arg21 : memref<!tpu.dma_semaphore, #tpu.memory_space<semaphore_mem>>)
      } else {
      }
    }
    %scan3A_207 = arith.constant 41 : i32
    %dma_wait3A = arith.constant 0 : i32
    %dma_wait3A_208 = arith.constant 0 : i32
    %dma_wait3A_209 = tpu.memref_slice %arg19[%dma_wait3A, %dma_wait3A_208] : memref<10240x128xf32, #tpu.memory_space<vmem_shared>> -> memref<10240x128xf32, #tpu.memory_space<vmem_shared>>
    tpu.wait_indirect_dma semaphore(%arg26 : memref<!tpu.dma_semaphore, #tpu.memory_space<semaphore_mem>>) src(%arg17 : memref<64x128xf32, #tpu.memory_space<vmem>>) dst(%dma_wait3A_209 : memref<10240x128xf32, #tpu.memory_space<vmem_shared>>)
    %dma_wait3A_210 = arith.constant 0 : i32
    %dma_wait3A_211 = arith.constant 0 : i32
    %dma_wait3A_212 = tpu.memref_slice %arg19[%dma_wait3A_210, %dma_wait3A_211] : memref<10240x128xf32, #tpu.memory_space<vmem_shared>> -> memref<10240x128xf32, #tpu.memory_space<vmem_shared>>
    tpu.wait_indirect_dma semaphore(%arg27 : memref<!tpu.dma_semaphore, #tpu.memory_space<semaphore_mem>>) src(%arg18 : memref<64x128xf32, #tpu.memory_space<vmem>>) dst(%dma_wait3A_212 : memref<10240x128xf32, #tpu.memory_space<vmem_shared>>)
    %barrier3A_213 = arith.constant 0 : index
    tpu.barrier barrier_id(%barrier3A_213)
    %mul3A_214 = arith.constant 640 : i32
    %mul3A_215 = arith.muli %arg1, %mul3A_214 : i32
    %multiple_of3A_216 = tpu.assume_multiple %mul3A_215, 8 : i32
    "tpu.region"() ({
      %run_scoped3A = tpu.sem_alloc : memref<!tpu.dma_semaphore, #tpu.memory_space<semaphore_mem>>
      %dma_start3A_217 = arith.constant 0 : i32
      %dma_start3A_218 = tpu.memref_slice %arg5[%arg0, %multiple_of3A_216, %dma_start3A_217] : memref<2x10240x128xf32, #tpu.memory_space<hbm>> -> memref<1x640x128xf32, #tpu.memory_space<hbm>>
      %dma_start3A_219 = tpu.memref_squeeze %dma_start3A_218 : memref<1x640x128xf32, #tpu.memory_space<hbm>> -> memref<640x128xf32, #tpu.memory_space<hbm>>
      %dma_start3A_220 = arith.constant 0 : i32
      %dma_start3A_221 = tpu.memref_slice %arg19[%multiple_of3A_216, %dma_start3A_220] : memref<10240x128xf32, #tpu.memory_space<vmem_shared>> -> memref<640x128xf32, #tpu.memory_space<vmem_shared>>
      tpu.enqueue_dma source(%dma_start3A_221 : memref<640x128xf32, #tpu.memory_space<vmem_shared>>) target(%dma_start3A_219 : memref<640x128xf32, #tpu.memory_space<hbm>>) target_semaphore(%run_scoped3A : memref<!tpu.dma_semaphore, #tpu.memory_space<semaphore_mem>>)
      %dma_wait3A_222 = arith.constant 0 : i32
      %dma_wait3A_223 = tpu.memref_slice %arg5[%arg0, %multiple_of3A_216, %dma_wait3A_222] : memref<2x10240x128xf32, #tpu.memory_space<hbm>> -> memref<1x640x128xf32, #tpu.memory_space<hbm>>
      %dma_wait3A_224 = tpu.memref_squeeze %dma_wait3A_223 : memref<1x640x128xf32, #tpu.memory_space<hbm>> -> memref<640x128xf32, #tpu.memory_space<hbm>>
      %dma_wait3A_225 = arith.constant 0 : i32
      %dma_wait3A_226 = tpu.memref_slice %arg19[%multiple_of3A_216, %dma_wait3A_225] : memref<10240x128xf32, #tpu.memory_space<vmem_shared>> -> memref<640x128xf32, #tpu.memory_space<vmem_shared>>
      tpu.wait_dma2 semaphore(%run_scoped3A : memref<!tpu.dma_semaphore, #tpu.memory_space<semaphore_mem>>) src(%dma_wait3A_226 : memref<640x128xf32, #tpu.memory_space<vmem_shared>>) dst(%dma_wait3A_224 : memref<640x128xf32, #tpu.memory_space<hbm>>)
      tpu.yield
    }) : () -> ()
    return
  }
}

#map = affine_map<(d0, d1) -> (0, 0)>
#map1 = affine_map<(d0, d1) -> (0, 0, 0)>
module attributes {stable_mosaic.version = 14 : i64} {
  func.func @agg(%arg0: i32, %arg1: i32, %arg2: memref<10240x128xf32, #tpu.memory_space<hbm>>, %arg3: memref<32x82x128xi32, #tpu.memory_space<hbm>>, %arg4: memref<64x128xf32, #tpu.memory_space<hbm>>, %arg5: memref<2x10240x128xf32, #tpu.memory_space<hbm>>, %arg6: memref<82x128xi32, #tpu.memory_space<vmem>>, %arg7: memref<64xi32, #tpu.memory_space<vmem>>, %arg8: memref<64xi32, #tpu.memory_space<vmem>>, %arg9: memref<64xi32, #tpu.memory_space<vmem>>, %arg10: memref<64xi32, #tpu.memory_space<vmem>>, %arg11: memref<64xi32, #tpu.memory_space<vmem>>, %arg12: memref<64xi32, #tpu.memory_space<vmem>>, %arg13: memref<64xi32, #tpu.memory_space<vmem>>, %arg14: memref<64xi32, #tpu.memory_space<vmem>>, %arg15: memref<64x128xf32, #tpu.memory_space<vmem>>, %arg16: memref<64x128xf32, #tpu.memory_space<vmem>>, %arg17: memref<64x128xf32, #tpu.memory_space<vmem>>, %arg18: memref<64x128xf32, #tpu.memory_space<vmem>>, %arg19: memref<10240x128xf32, #tpu.memory_space<vmem_shared>>, %arg20: memref<!tpu.dma_semaphore, #tpu.memory_space<semaphore_mem>>, %arg21: memref<!tpu.dma_semaphore, #tpu.memory_space<semaphore_mem>>, %arg22: memref<!tpu.dma_semaphore, #tpu.memory_space<semaphore_mem>>, %arg23: memref<!tpu.dma_semaphore, #tpu.memory_space<semaphore_mem>>, %arg24: memref<!tpu.dma_semaphore, #tpu.memory_space<semaphore_mem>>, %arg25: memref<!tpu.dma_semaphore, #tpu.memory_space<semaphore_mem>>, %arg26: memref<!tpu.dma_semaphore, #tpu.memory_space<semaphore_mem>>, %arg27: memref<!tpu.dma_semaphore, #tpu.memory_space<semaphore_mem>>) attributes {dimension_semantics = [#tpu.dimension_semantics<core_parallel>, #tpu.dimension_semantics<subcore_parallel>], iteration_bounds = array<i64: 2, 16>, scalar_prefetch = 0 : i64, scratch_operands = 22 : i64, tpu.core_type = #tpu.core_type<sc_vector_subcore>, window_params = [{transform_indices = #map}, {transform_indices = #map1}, {transform_indices = #map}, {transform_indices = #map1}]} {
    %mul3A = arith.constant 2 : i32
    %mul3A_0 = arith.muli %arg1, %mul3A : i32
    %add3A = arith.addi %mul3A_0, %arg0 : i32
    "tpu.region"() ({
      %run_scoped3A = tpu.sem_alloc : memref<!tpu.dma_semaphore, #tpu.memory_space<semaphore_mem>>
      %dma_start3A_217 = arith.constant 0 : i32
      %dma_start3A_218 = arith.constant 0 : i32
      %dma_start3A_219 = tpu.memref_slice %arg3[%add3A, %dma_start3A_217, %dma_start3A_218] : memref<32x82x128xi32, #tpu.memory_space<hbm>> -> memref<1x82x128xi32, #tpu.memory_space<hbm>>
      %dma_start3A_220 = tpu.memref_squeeze %dma_start3A_219 : memref<1x82x128xi32, #tpu.memory_space<hbm>> -> memref<82x128xi32, #tpu.memory_space<hbm>>
      %dma_start3A_221 = arith.constant 0 : i32
      %dma_start3A_222 = arith.constant 0 : i32
      %dma_start3A_223 = tpu.memref_slice %arg3[%add3A, %dma_start3A_221, %dma_start3A_222] : memref<32x82x128xi32, #tpu.memory_space<hbm>> -> memref<1x82x128xi32, #tpu.memory_space<hbm>>
      %dma_start3A_224 = tpu.memref_squeeze %dma_start3A_223 : memref<1x82x128xi32, #tpu.memory_space<hbm>> -> memref<82x128xi32, #tpu.memory_space<hbm>>
      tpu.enqueue_dma source(%dma_start3A_224 : memref<82x128xi32, #tpu.memory_space<hbm>>) target(%arg6 : memref<82x128xi32, #tpu.memory_space<vmem>>) target_semaphore(%run_scoped3A : memref<!tpu.dma_semaphore, #tpu.memory_space<semaphore_mem>>)
      %dma_wait3A_225 = arith.constant 0 : i32
      %dma_wait3A_226 = arith.constant 0 : i32
      %dma_wait3A_227 = tpu.memref_slice %arg3[%add3A, %dma_wait3A_225, %dma_wait3A_226] : memref<32x82x128xi32, #tpu.memory_space<hbm>> -> memref<1x82x128xi32, #tpu.memory_space<hbm>>
      %dma_wait3A_228 = tpu.memref_squeeze %dma_wait3A_227 : memref<1x82x128xi32, #tpu.memory_space<hbm>> -> memref<82x128xi32, #tpu.memory_space<hbm>>
      %dma_wait3A_229 = arith.constant 0 : i32
      %dma_wait3A_230 = arith.constant 0 : i32
      %dma_wait3A_231 = tpu.memref_slice %arg3[%add3A, %dma_wait3A_229, %dma_wait3A_230] : memref<32x82x128xi32, #tpu.memory_space<hbm>> -> memref<1x82x128xi32, #tpu.memory_space<hbm>>
      %dma_wait3A_232 = tpu.memref_squeeze %dma_wait3A_231 : memref<1x82x128xi32, #tpu.memory_space<hbm>> -> memref<82x128xi32, #tpu.memory_space<hbm>>
      tpu.wait_dma2 semaphore(%run_scoped3A : memref<!tpu.dma_semaphore, #tpu.memory_space<semaphore_mem>>) src(%dma_wait3A_232 : memref<82x128xi32, #tpu.memory_space<hbm>>) dst(%arg6 : memref<82x128xi32, #tpu.memory_space<vmem>>)
      tpu.yield
    }) : () -> ()
    %get3A = arith.constant 0 : i32
    %get3A_1 = arith.index_cast %get3A : i32 to index
    %get3A_2 = arith.constant 0 : index
    %get3A_3 = tpu.vector_load %arg6[%get3A_1, %get3A_2] {strides = array<i32>} : memref<82x128xi32, #tpu.memory_space<vmem>>, vector<1x16xi32>,
    %get3A_4 = vector.shape_cast %get3A_3 : vector<1x16xi32> to vector<16xi32>
    %and3A = arith.constant 16383 : i32
    %and3A_5 = vector.broadcast %and3A : i32 to vector<16xi32>
    %and3A_6 = arith.andi %get3A_4, %and3A_5 : vector<16xi32>
    %swap3A = arith.constant 0 : index
    %swap3A_7 = tpu.vector_load %arg7[%swap3A] {strides = array<i32>} : memref<64xi32, #tpu.memory_space<vmem>>, vector<16xi32>,
    %swap3A_8 = vector.shape_cast %swap3A_7 : vector<16xi32> to vector<16xi32>
    %swap3A_9 = vector.shape_cast %and3A_6 : vector<16xi32> to vector<16xi32>
    tpu.vector_store %arg7[%swap3A], %swap3A_9 {strides = array<i32>} : memref<64xi32, #tpu.memory_space<vmem>>, vector<16xi32>,
    %shift_right_logical3A = arith.constant 14 : i32
    %shift_right_logical3A_10 = vector.broadcast %shift_right_logical3A : i32 to vector<16xi32>
    %shift_right_logical3A_11 = arith.shrui %get3A_4, %shift_right_logical3A_10 : vector<16xi32>
    %swap3A_12 = arith.constant 0 : index
    %swap3A_13 = tpu.vector_load %arg11[%swap3A_12] {strides = array<i32>} : memref<64xi32, #tpu.memory_space<vmem>>, vector<16xi32>,
    %swap3A_14 = vector.shape_cast %swap3A_13 : vector<16xi32> to vector<16xi32>
    %swap3A_15 = vector.shape_cast %shift_right_logical3A_11 : vector<16xi32> to vector<16xi32>
    tpu.vector_store %arg11[%swap3A_12], %swap3A_15 {strides = array<i32>} : memref<64xi32, #tpu.memory_space<vmem>>, vector<16xi32>,
    %get3A_16 = arith.constant 0 : i32
    %get3A_17 = arith.index_cast %get3A_16 : i32 to index
    %get3A_18 = arith.constant 16 : index
    %get3A_19 = tpu.vector_load %arg6[%get3A_17, %get3A_18] {strides = array<i32>} : memref<82x128xi32, #tpu.memory_space<vmem>>, vector<1x16xi32>,
    %get3A_20 = vector.shape_cast %get3A_19 : vector<1x16xi32> to vector<16xi32>
    %and3A_21 = arith.constant 16383 : i32
    %and3A_22 = vector.broadcast %and3A_21 : i32 to vector<16xi32>
    %and3A_23 = arith.andi %get3A_20, %and3A_22 : vector<16xi32>
    %swap3A_24 = arith.constant 16 : index
    %swap3A_25 = tpu.vector_load %arg7[%swap3A_24] {strides = array<i32>} : memref<64xi32, #tpu.memory_space<vmem>>, vector<16xi32>,
    %swap3A_26 = vector.shape_cast %swap3A_25 : vector<16xi32> to vector<16xi32>
    %swap3A_27 = vector.shape_cast %and3A_23 : vector<16xi32> to vector<16xi32>
    tpu.vector_store %arg7[%swap3A_24], %swap3A_27 {strides = array<i32>} : memref<64xi32, #tpu.memory_space<vmem>>, vector<16xi32>,
    %shift_right_logical3A_28 = arith.constant 14 : i32
    %shift_right_logical3A_29 = vector.broadcast %shift_right_logical3A_28 : i32 to vector<16xi32>
    %shift_right_logical3A_30 = arith.shrui %get3A_20, %shift_right_logical3A_29 : vector<16xi32>
    %swap3A_31 = arith.constant 16 : index
    %swap3A_32 = tpu.vector_load %arg11[%swap3A_31] {strides = array<i32>} : memref<64xi32, #tpu.memory_space<vmem>>, vector<16xi32>,
    %swap3A_33 = vector.shape_cast %swap3A_32 : vector<16xi32> to vector<16xi32>
    %swap3A_34 = vector.shape_cast %shift_right_logical3A_30 : vector<16xi32> to vector<16xi32>
    tpu.vector_store %arg11[%swap3A_31], %swap3A_34 {strides = array<i32>} : memref<64xi32, #tpu.memory_space<vmem>>, vector<16xi32>,
    %get3A_35 = arith.constant 0 : i32
    %get3A_36 = arith.index_cast %get3A_35 : i32 to index
    %get3A_37 = arith.constant 32 : index
    %get3A_38 = tpu.vector_load %arg6[%get3A_36, %get3A_37] {strides = array<i32>} : memref<82x128xi32, #tpu.memory_space<vmem>>, vector<1x16xi32>,
    %get3A_39 = vector.shape_cast %get3A_38 : vector<1x16xi32> to vector<16xi32>
    %and3A_40 = arith.constant 16383 : i32
    %and3A_41 = vector.broadcast %and3A_40 : i32 to vector<16xi32>
    %and3A_42 = arith.andi %get3A_39, %and3A_41 : vector<16xi32>
    %swap3A_43 = arith.constant 32 : index
    %swap3A_44 = tpu.vector_load %arg7[%swap3A_43] {strides = array<i32>} : memref<64xi32, #tpu.memory_space<vmem>>, vector<16xi32>,
    %swap3A_45 = vector.shape_cast %swap3A_44 : vector<16xi32> to vector<16xi32>
    %swap3A_46 = vector.shape_cast %and3A_42 : vector<16xi32> to vector<16xi32>
    tpu.vector_store %arg7[%swap3A_43], %swap3A_46 {strides = array<i32>} : memref<64xi32, #tpu.memory_space<vmem>>, vector<16xi32>,
    %shift_right_logical3A_47 = arith.constant 14 : i32
    %shift_right_logical3A_48 = vector.broadcast %shift_right_logical3A_47 : i32 to vector<16xi32>
    %shift_right_logical3A_49 = arith.shrui %get3A_39, %shift_right_logical3A_48 : vector<16xi32>
    %swap3A_50 = arith.constant 32 : index
    %swap3A_51 = tpu.vector_load %arg11[%swap3A_50] {strides = array<i32>} : memref<64xi32, #tpu.memory_space<vmem>>, vector<16xi32>,
    %swap3A_52 = vector.shape_cast %swap3A_51 : vector<16xi32> to vector<16xi32>
    %swap3A_53 = vector.shape_cast %shift_right_logical3A_49 : vector<16xi32> to vector<16xi32>
    tpu.vector_store %arg11[%swap3A_50], %swap3A_53 {strides = array<i32>} : memref<64xi32, #tpu.memory_space<vmem>>, vector<16xi32>,
    %get3A_54 = arith.constant 0 : i32
    %get3A_55 = arith.index_cast %get3A_54 : i32 to index
    %get3A_56 = arith.constant 48 : index
    %get3A_57 = tpu.vector_load %arg6[%get3A_55, %get3A_56] {strides = array<i32>} : memref<82x128xi32, #tpu.memory_space<vmem>>, vector<1x16xi32>,
    %get3A_58 = vector.shape_cast %get3A_57 : vector<1x16xi32> to vector<16xi32>
    %and3A_59 = arith.constant 16383 : i32
    %and3A_60 = vector.broadcast %and3A_59 : i32 to vector<16xi32>
    %and3A_61 = arith.andi %get3A_58, %and3A_60 : vector<16xi32>
    %swap3A_62 = arith.constant 48 : index
    %swap3A_63 = tpu.vector_load %arg7[%swap3A_62] {strides = array<i32>} : memref<64xi32, #tpu.memory_space<vmem>>, vector<16xi32>,
    %swap3A_64 = vector.shape_cast %swap3A_63 : vector<16xi32> to vector<16xi32>
    %swap3A_65 = vector.shape_cast %and3A_61 : vector<16xi32> to vector<16xi32>
    tpu.vector_store %arg7[%swap3A_62], %swap3A_65 {strides = array<i32>} : memref<64xi32, #tpu.memory_space<vmem>>, vector<16xi32>,
    %shift_right_logical3A_66 = arith.constant 14 : i32
    %shift_right_logical3A_67 = vector.broadcast %shift_right_logical3A_66 : i32 to vector<16xi32>
    %shift_right_logical3A_68 = arith.shrui %get3A_58, %shift_right_logical3A_67 : vector<16xi32>
    %swap3A_69 = arith.constant 48 : index
    %swap3A_70 = tpu.vector_load %arg11[%swap3A_69] {strides = array<i32>} : memref<64xi32, #tpu.memory_space<vmem>>, vector<16xi32>,
    %swap3A_71 = vector.shape_cast %swap3A_70 : vector<16xi32> to vector<16xi32>
    %swap3A_72 = vector.shape_cast %shift_right_logical3A_68 : vector<16xi32> to vector<16xi32>
    tpu.vector_store %arg11[%swap3A_69], %swap3A_72 {strides = array<i32>} : memref<64xi32, #tpu.memory_space<vmem>>, vector<16xi32>,
    %get3A_73 = arith.constant 0 : i32
    %get3A_74 = arith.index_cast %get3A_73 : i32 to index
    %get3A_75 = arith.constant 64 : index
    %get3A_76 = tpu.vector_load %arg6[%get3A_74, %get3A_75] {strides = array<i32>} : memref<82x128xi32, #tpu.memory_space<vmem>>, vector<1x16xi32>,
    %get3A_77 = vector.shape_cast %get3A_76 : vector<1x16xi32> to vector<16xi32>
    %and3A_78 = arith.constant 16383 : i32
    %and3A_79 = vector.broadcast %and3A_78 : i32 to vector<16xi32>
    %and3A_80 = arith.andi %get3A_77, %and3A_79 : vector<16xi32>
    %swap3A_81 = arith.constant 0 : index
    %swap3A_82 = tpu.vector_load %arg8[%swap3A_81] {strides = array<i32>} : memref<64xi32, #tpu.memory_space<vmem>>, vector<16xi32>,
    %swap3A_83 = vector.shape_cast %swap3A_82 : vector<16xi32> to vector<16xi32>
    %swap3A_84 = vector.shape_cast %and3A_80 : vector<16xi32> to vector<16xi32>
    tpu.vector_store %arg8[%swap3A_81], %swap3A_84 {strides = array<i32>} : memref<64xi32, #tpu.memory_space<vmem>>, vector<16xi32>,
    %shift_right_logical3A_85 = arith.constant 14 : i32
    %shift_right_logical3A_86 = vector.broadcast %shift_right_logical3A_85 : i32 to vector<16xi32>
    %shift_right_logical3A_87 = arith.shrui %get3A_77, %shift_right_logical3A_86 : vector<16xi32>
    %swap3A_88 = arith.constant 0 : index
    %swap3A_89 = tpu.vector_load %arg12[%swap3A_88] {strides = array<i32>} : memref<64xi32, #tpu.memory_space<vmem>>, vector<16xi32>,
    %swap3A_90 = vector.shape_cast %swap3A_89 : vector<16xi32> to vector<16xi32>
    %swap3A_91 = vector.shape_cast %shift_right_logical3A_87 : vector<16xi32> to vector<16xi32>
    tpu.vector_store %arg12[%swap3A_88], %swap3A_91 {strides = array<i32>} : memref<64xi32, #tpu.memory_space<vmem>>, vector<16xi32>,
    %get3A_92 = arith.constant 0 : i32
    %get3A_93 = arith.index_cast %get3A_92 : i32 to index
    %get3A_94 = arith.constant 80 : index
    %get3A_95 = tpu.vector_load %arg6[%get3A_93, %get3A_94] {strides = array<i32>} : memref<82x128xi32, #tpu.memory_space<vmem>>, vector<1x16xi32>,
    %get3A_96 = vector.shape_cast %get3A_95 : vector<1x16xi32> to vector<16xi32>
    %and3A_97 = arith.constant 16383 : i32
    %and3A_98 = vector.broadcast %and3A_97 : i32 to vector<16xi32>
    %and3A_99 = arith.andi %get3A_96, %and3A_98 : vector<16xi32>
    %swap3A_100 = arith.constant 16 : index
    %swap3A_101 = tpu.vector_load %arg8[%swap3A_100] {strides = array<i32>} : memref<64xi32, #tpu.memory_space<vmem>>, vector<16xi32>,
    %swap3A_102 = vector.shape_cast %swap3A_101 : vector<16xi32> to vector<16xi32>
    %swap3A_103 = vector.shape_cast %and3A_99 : vector<16xi32> to vector<16xi32>
    tpu.vector_store %arg8[%swap3A_100], %swap3A_103 {strides = array<i32>} : memref<64xi32, #tpu.memory_space<vmem>>, vector<16xi32>,
    %shift_right_logical3A_104 = arith.constant 14 : i32
    %shift_right_logical3A_105 = vector.broadcast %shift_right_logical3A_104 : i32 to vector<16xi32>
    %shift_right_logical3A_106 = arith.shrui %get3A_96, %shift_right_logical3A_105 : vector<16xi32>
    %swap3A_107 = arith.constant 16 : index
    %swap3A_108 = tpu.vector_load %arg12[%swap3A_107] {strides = array<i32>} : memref<64xi32, #tpu.memory_space<vmem>>, vector<16xi32>,
    %swap3A_109 = vector.shape_cast %swap3A_108 : vector<16xi32> to vector<16xi32>
    %swap3A_110 = vector.shape_cast %shift_right_logical3A_106 : vector<16xi32> to vector<16xi32>
    tpu.vector_store %arg12[%swap3A_107], %swap3A_110 {strides = array<i32>} : memref<64xi32, #tpu.memory_space<vmem>>, vector<16xi32>,
    %get3A_111 = arith.constant 0 : i32
    %get3A_112 = arith.index_cast %get3A_111 : i32 to index
    %get3A_113 = arith.constant 96 : index
    %get3A_114 = tpu.vector_load %arg6[%get3A_112, %get3A_113] {strides = array<i32>} : memref<82x128xi32, #tpu.memory_space<vmem>>, vector<1x16xi32>,
    %get3A_115 = vector.shape_cast %get3A_114 : vector<1x16xi32> to vector<16xi32>
    %and3A_116 = arith.constant 16383 : i32
    %and3A_117 = vector.broadcast %and3A_116 : i32 to vector<16xi32>
    %and3A_118 = arith.andi %get3A_115, %and3A_117 : vector<16xi32>
    %swap3A_119 = arith.constant 32 : index
    %swap3A_120 = tpu.vector_load %arg8[%swap3A_119] {strides = array<i32>} : memref<64xi32, #tpu.memory_space<vmem>>, vector<16xi32>,
    %swap3A_121 = vector.shape_cast %swap3A_120 : vector<16xi32> to vector<16xi32>
    %swap3A_122 = vector.shape_cast %and3A_118 : vector<16xi32> to vector<16xi32>
    tpu.vector_store %arg8[%swap3A_119], %swap3A_122 {strides = array<i32>} : memref<64xi32, #tpu.memory_space<vmem>>, vector<16xi32>,
    %shift_right_logical3A_123 = arith.constant 14 : i32
    %shift_right_logical3A_124 = vector.broadcast %shift_right_logical3A_123 : i32 to vector<16xi32>
    %shift_right_logical3A_125 = arith.shrui %get3A_115, %shift_right_logical3A_124 : vector<16xi32>
    %swap3A_126 = arith.constant 32 : index
    %swap3A_127 = tpu.vector_load %arg12[%swap3A_126] {strides = array<i32>} : memref<64xi32, #tpu.memory_space<vmem>>, vector<16xi32>,
    %swap3A_128 = vector.shape_cast %swap3A_127 : vector<16xi32> to vector<16xi32>
    %swap3A_129 = vector.shape_cast %shift_right_logical3A_125 : vector<16xi32> to vector<16xi32>
    tpu.vector_store %arg12[%swap3A_126], %swap3A_129 {strides = array<i32>} : memref<64xi32, #tpu.memory_space<vmem>>, vector<16xi32>,
    %get3A_130 = arith.constant 0 : i32
    %get3A_131 = arith.index_cast %get3A_130 : i32 to index
    %get3A_132 = arith.constant 112 : index
    %get3A_133 = tpu.vector_load %arg6[%get3A_131, %get3A_132] {strides = array<i32>} : memref<82x128xi32, #tpu.memory_space<vmem>>, vector<1x16xi32>,
    %get3A_134 = vector.shape_cast %get3A_133 : vector<1x16xi32> to vector<16xi32>
    %and3A_135 = arith.constant 16383 : i32
    %and3A_136 = vector.broadcast %and3A_135 : i32 to vector<16xi32>
    %and3A_137 = arith.andi %get3A_134, %and3A_136 : vector<16xi32>
    %swap3A_138 = arith.constant 48 : index
    %swap3A_139 = tpu.vector_load %arg8[%swap3A_138] {strides = array<i32>} : memref<64xi32, #tpu.memory_space<vmem>>, vector<16xi32>,
    %swap3A_140 = vector.shape_cast %swap3A_139 : vector<16xi32> to vector<16xi32>
    %swap3A_141 = vector.shape_cast %and3A_137 : vector<16xi32> to vector<16xi32>
    tpu.vector_store %arg8[%swap3A_138], %swap3A_141 {strides = array<i32>} : memref<64xi32, #tpu.memory_space<vmem>>, vector<16xi32>,
    %shift_right_logical3A_142 = arith.constant 14 : i32
    %shift_right_logical3A_143 = vector.broadcast %shift_right_logical3A_142 : i32 to vector<16xi32>
    %shift_right_logical3A_144 = arith.shrui %get3A_134, %shift_right_logical3A_143 : vector<16xi32>
    %swap3A_145 = arith.constant 48 : index
    %swap3A_146 = tpu.vector_load %arg12[%swap3A_145] {strides = array<i32>} : memref<64xi32, #tpu.memory_space<vmem>>, vector<16xi32>,
    %swap3A_147 = vector.shape_cast %swap3A_146 : vector<16xi32> to vector<16xi32>
    %swap3A_148 = vector.shape_cast %shift_right_logical3A_144 : vector<16xi32> to vector<16xi32>
    tpu.vector_store %arg12[%swap3A_145], %swap3A_148 {strides = array<i32>} : memref<64xi32, #tpu.memory_space<vmem>>, vector<16xi32>,
    %dma_start3A = arith.constant 0 : i32
    %dma_start3A_149 = arith.constant 0 : i32
    %dma_start3A_150 = tpu.memref_slice %arg2[%dma_start3A, %dma_start3A_149] : memref<10240x128xf32, #tpu.memory_space<hbm>> -> memref<10240x128xf32, #tpu.memory_space<hbm>>
    tpu.enqueue_indirect_dma source(%dma_start3A_150 : memref<10240x128xf32, #tpu.memory_space<hbm>>) target(%arg15 : memref<64x128xf32, #tpu.memory_space<vmem>>) offsets(%arg7 : memref<64xi32, #tpu.memory_space<vmem>>) semaphore(%arg20 : memref<!tpu.dma_semaphore, #tpu.memory_space<semaphore_mem>>)
    %dma_start3A_151 = arith.constant 0 : i32
    %dma_start3A_152 = arith.constant 0 : i32
    %dma_start3A_153 = tpu.memref_slice %arg2[%dma_start3A_151, %dma_start3A_152] : memref<10240x128xf32, #tpu.memory_space<hbm>> -> memref<10240x128xf32, #tpu.memory_space<hbm>>
    tpu.enqueue_indirect_dma source(%dma_start3A_153 : memref<10240x128xf32, #tpu.memory_space<hbm>>) target(%arg16 : memref<64x128xf32, #tpu.memory_space<vmem>>) offsets(%arg8 : memref<64xi32, #tpu.memory_space<vmem>>) semaphore(%arg21 : memref<!tpu.dma_semaphore, #tpu.memory_space<semaphore_mem>>)
    "tpu.region"() ({
      %run_scoped3A = tpu.sem_alloc : memref<!tpu.dma_semaphore, #tpu.memory_space<semaphore_mem>>
      tpu.enqueue_dma source(%arg4 : memref<64x128xf32, #tpu.memory_space<hbm>>) target(%arg18 : memref<64x128xf32, #tpu.memory_space<vmem>>) target_semaphore(%run_scoped3A : memref<!tpu.dma_semaphore, #tpu.memory_space<semaphore_mem>>)
      tpu.wait_dma2 semaphore(%run_scoped3A : memref<!tpu.dma_semaphore, #tpu.memory_space<semaphore_mem>>) src(%arg4 : memref<64x128xf32, #tpu.memory_space<hbm>>) dst(%arg18 : memref<64x128xf32, #tpu.memory_space<vmem>>)
      tpu.yield
    }) : () -> ()
    %mul3A_154 = arith.constant 640 : i32
    %mul3A_155 = arith.muli %arg1, %mul3A_154 : i32
    %add3A_156 = arith.constant 0 : i32
    %add3A_157 = arith.addi %mul3A_155, %add3A_156 : i32
    %multiple_of3A = tpu.assume_multiple %add3A_157, 64 : i32
    "tpu.region"() ({
      %run_scoped3A = tpu.sem_alloc : memref<!tpu.dma_semaphore, #tpu.memory_space<semaphore_mem>>
      %dma_start3A_217 = arith.constant 0 : i32
      %dma_start3A_218 = tpu.memref_slice %arg19[%multiple_of3A, %dma_start3A_217] : memref<10240x128xf32, #tpu.memory_space<vmem_shared>> -> memref<64x128xf32, #tpu.memory_space<vmem_shared>>
      %dma_start3A_219 = arith.constant 0 : i32
      %dma_start3A_220 = tpu.memref_slice %arg19[%multiple_of3A, %dma_start3A_219] : memref<10240x128xf32, #tpu.memory_space<vmem_shared>> -> memref<64x128xf32, #tpu.memory_space<vmem_shared>>
      tpu.enqueue_dma source(%arg18 : memref<64x128xf32, #tpu.memory_space<vmem>>) target(%dma_start3A_220 : memref<64x128xf32, #tpu.memory_space<vmem_shared>>) target_semaphore(%run_scoped3A : memref<!tpu.dma_semaphore, #tpu.memory_space<semaphore_mem>>)
      %dma_wait3A_221 = arith.constant 0 : i32
      %dma_wait3A_222 = tpu.memref_slice %arg19[%multiple_of3A, %dma_wait3A_221] : memref<10240x128xf32, #tpu.memory_space<vmem_shared>> -> memref<64x128xf32, #tpu.memory_space<vmem_shared>>
      %dma_wait3A_223 = arith.constant 0 : i32
      %dma_wait3A_224 = tpu.memref_slice %arg19[%multiple_of3A, %dma_wait3A_223] : memref<10240x128xf32, #tpu.memory_space<vmem_shared>> -> memref<64x128xf32, #tpu.memory_space<vmem_shared>>
      tpu.wait_dma2 semaphore(%run_scoped3A : memref<!tpu.dma_semaphore, #tpu.memory_space<semaphore_mem>>) src(%arg18 : memref<64x128xf32, #tpu.memory_space<vmem>>) dst(%dma_wait3A_224 : memref<64x128xf32, #tpu.memory_space<vmem_shared>>)
      tpu.yield
    }) : () -> ()
    %mul3A_158 = arith.constant 640 : i32
    %mul3A_159 = arith.muli %arg1, %mul3A_158 : i32
    %add3A_160 = arith.constant 64 : i32
    %add3A_161 = arith.addi %mul3A_159, %add3A_160 : i32
    %multiple_of3A_162 = tpu.assume_multiple %add3A_161, 64 : i32
    "tpu.region"() ({
      %run_scoped3A = tpu.sem_alloc : memref<!tpu.dma_semaphore, #tpu.memory_space<semaphore_mem>>
      %dma_start3A_217 = arith.constant 0 : i32
      %dma_start3A_218 = tpu.memref_slice %arg19[%multiple_of3A_162, %dma_start3A_217] : memref<10240x128xf32, #tpu.memory_space<vmem_shared>> -> memref<64x128xf32, #tpu.memory_space<vmem_shared>>
      %dma_start3A_219 = arith.constant 0 : i32
      %dma_start3A_220 = tpu.memref_slice %arg19[%multiple_of3A_162, %dma_start3A_219] : memref<10240x128xf32, #tpu.memory_space<vmem_shared>> -> memref<64x128xf32, #tpu.memory_space<vmem_shared>>
      tpu.enqueue_dma source(%arg18 : memref<64x128xf32, #tpu.memory_space<vmem>>) target(%dma_start3A_220 : memref<64x128xf32, #tpu.memory_space<vmem_shared>>) target_semaphore(%run_scoped3A : memref<!tpu.dma_semaphore, #tpu.memory_space<semaphore_mem>>)
      %dma_wait3A_221 = arith.constant 0 : i32
      %dma_wait3A_222 = tpu.memref_slice %arg19[%multiple_of3A_162, %dma_wait3A_221] : memref<10240x128xf32, #tpu.memory_space<vmem_shared>> -> memref<64x128xf32, #tpu.memory_space<vmem_shared>>
      %dma_wait3A_223 = arith.constant 0 : i32
      %dma_wait3A_224 = tpu.memref_slice %arg19[%multiple_of3A_162, %dma_wait3A_223] : memref<10240x128xf32, #tpu.memory_space<vmem_shared>> -> memref<64x128xf32, #tpu.memory_space<vmem_shared>>
      tpu.wait_dma2 semaphore(%run_scoped3A : memref<!tpu.dma_semaphore, #tpu.memory_space<semaphore_mem>>) src(%arg18 : memref<64x128xf32, #tpu.memory_space<vmem>>) dst(%dma_wait3A_224 : memref<64x128xf32, #tpu.memory_space<vmem_shared>>)
      tpu.yield
    }) : () -> ()
    %mul3A_163 = arith.constant 640 : i32
    %mul3A_164 = arith.muli %arg1, %mul3A_163 : i32
    %add3A_165 = arith.constant 128 : i32
    %add3A_166 = arith.addi %mul3A_164, %add3A_165 : i32
    %multiple_of3A_167 = tpu.assume_multiple %add3A_166, 64 : i32
    "tpu.region"() ({
      %run_scoped3A = tpu.sem_alloc : memref<!tpu.dma_semaphore, #tpu.memory_space<semaphore_mem>>
      %dma_start3A_217 = arith.constant 0 : i32
      %dma_start3A_218 = tpu.memref_slice %arg19[%multiple_of3A_167, %dma_start3A_217] : memref<10240x128xf32, #tpu.memory_space<vmem_shared>> -> memref<64x128xf32, #tpu.memory_space<vmem_shared>>
      %dma_start3A_219 = arith.constant 0 : i32
      %dma_start3A_220 = tpu.memref_slice %arg19[%multiple_of3A_167, %dma_start3A_219] : memref<10240x128xf32, #tpu.memory_space<vmem_shared>> -> memref<64x128xf32, #tpu.memory_space<vmem_shared>>
      tpu.enqueue_dma source(%arg18 : memref<64x128xf32, #tpu.memory_space<vmem>>) target(%dma_start3A_220 : memref<64x128xf32, #tpu.memory_space<vmem_shared>>) target_semaphore(%run_scoped3A : memref<!tpu.dma_semaphore, #tpu.memory_space<semaphore_mem>>)
      %dma_wait3A_221 = arith.constant 0 : i32
      %dma_wait3A_222 = tpu.memref_slice %arg19[%multiple_of3A_167, %dma_wait3A_221] : memref<10240x128xf32, #tpu.memory_space<vmem_shared>> -> memref<64x128xf32, #tpu.memory_space<vmem_shared>>
      %dma_wait3A_223 = arith.constant 0 : i32
      %dma_wait3A_224 = tpu.memref_slice %arg19[%multiple_of3A_167, %dma_wait3A_223] : memref<10240x128xf32, #tpu.memory_space<vmem_shared>> -> memref<64x128xf32, #tpu.memory_space<vmem_shared>>
      tpu.wait_dma2 semaphore(%run_scoped3A : memref<!tpu.dma_semaphore, #tpu.memory_space<semaphore_mem>>) src(%arg18 : memref<64x128xf32, #tpu.memory_space<vmem>>) dst(%dma_wait3A_224 : memref<64x128xf32, #tpu.memory_space<vmem_shared>>)
      tpu.yield
    }) : () -> ()
    %mul3A_168 = arith.constant 640 : i32
    %mul3A_169 = arith.muli %arg1, %mul3A_168 : i32
    %add3A_170 = arith.constant 192 : i32
    %add3A_171 = arith.addi %mul3A_169, %add3A_170 : i32
    %multiple_of3A_172 = tpu.assume_multiple %add3A_171, 64 : i32
    "tpu.region"() ({
      %run_scoped3A = tpu.sem_alloc : memref<!tpu.dma_semaphore, #tpu.memory_space<semaphore_mem>>
      %dma_start3A_217 = arith.constant 0 : i32
      %dma_start3A_218 = tpu.memref_slice %arg19[%multiple_of3A_172, %dma_start3A_217] : memref<10240x128xf32, #tpu.memory_space<vmem_shared>> -> memref<64x128xf32, #tpu.memory_space<vmem_shared>>
      %dma_start3A_219 = arith.constant 0 : i32
      %dma_start3A_220 = tpu.memref_slice %arg19[%multiple_of3A_172, %dma_start3A_219] : memref<10240x128xf32, #tpu.memory_space<vmem_shared>> -> memref<64x128xf32, #tpu.memory_space<vmem_shared>>
      tpu.enqueue_dma source(%arg18 : memref<64x128xf32, #tpu.memory_space<vmem>>) target(%dma_start3A_220 : memref<64x128xf32, #tpu.memory_space<vmem_shared>>) target_semaphore(%run_scoped3A : memref<!tpu.dma_semaphore, #tpu.memory_space<semaphore_mem>>)
      %dma_wait3A_221 = arith.constant 0 : i32
      %dma_wait3A_222 = tpu.memref_slice %arg19[%multiple_of3A_172, %dma_wait3A_221] : memref<10240x128xf32, #tpu.memory_space<vmem_shared>> -> memref<64x128xf32, #tpu.memory_space<vmem_shared>>
      %dma_wait3A_223 = arith.constant 0 : i32
      %dma_wait3A_224 = tpu.memref_slice %arg19[%multiple_of3A_172, %dma_wait3A_223] : memref<10240x128xf32, #tpu.memory_space<vmem_shared>> -> memref<64x128xf32, #tpu.memory_space<vmem_shared>>
      tpu.wait_dma2 semaphore(%run_scoped3A : memref<!tpu.dma_semaphore, #tpu.memory_space<semaphore_mem>>) src(%arg18 : memref<64x128xf32, #tpu.memory_space<vmem>>) dst(%dma_wait3A_224 : memref<64x128xf32, #tpu.memory_space<vmem_shared>>)
      tpu.yield
    }) : () -> ()
    %mul3A_173 = arith.constant 640 : i32
    %mul3A_174 = arith.muli %arg1, %mul3A_173 : i32
    %add3A_175 = arith.constant 256 : i32
    %add3A_176 = arith.addi %mul3A_174, %add3A_175 : i32
    %multiple_of3A_177 = tpu.assume_multiple %add3A_176, 64 : i32
    "tpu.region"() ({
      %run_scoped3A = tpu.sem_alloc : memref<!tpu.dma_semaphore, #tpu.memory_space<semaphore_mem>>
      %dma_start3A_217 = arith.constant 0 : i32
      %dma_start3A_218 = tpu.memref_slice %arg19[%multiple_of3A_177, %dma_start3A_217] : memref<10240x128xf32, #tpu.memory_space<vmem_shared>> -> memref<64x128xf32, #tpu.memory_space<vmem_shared>>
      %dma_start3A_219 = arith.constant 0 : i32
      %dma_start3A_220 = tpu.memref_slice %arg19[%multiple_of3A_177, %dma_start3A_219] : memref<10240x128xf32, #tpu.memory_space<vmem_shared>> -> memref<64x128xf32, #tpu.memory_space<vmem_shared>>
      tpu.enqueue_dma source(%arg18 : memref<64x128xf32, #tpu.memory_space<vmem>>) target(%dma_start3A_220 : memref<64x128xf32, #tpu.memory_space<vmem_shared>>) target_semaphore(%run_scoped3A : memref<!tpu.dma_semaphore, #tpu.memory_space<semaphore_mem>>)
      %dma_wait3A_221 = arith.constant 0 : i32
      %dma_wait3A_222 = tpu.memref_slice %arg19[%multiple_of3A_177, %dma_wait3A_221] : memref<10240x128xf32, #tpu.memory_space<vmem_shared>> -> memref<64x128xf32, #tpu.memory_space<vmem_shared>>
      %dma_wait3A_223 = arith.constant 0 : i32
      %dma_wait3A_224 = tpu.memref_slice %arg19[%multiple_of3A_177, %dma_wait3A_223] : memref<10240x128xf32, #tpu.memory_space<vmem_shared>> -> memref<64x128xf32, #tpu.memory_space<vmem_shared>>
      tpu.wait_dma2 semaphore(%run_scoped3A : memref<!tpu.dma_semaphore, #tpu.memory_space<semaphore_mem>>) src(%arg18 : memref<64x128xf32, #tpu.memory_space<vmem>>) dst(%dma_wait3A_224 : memref<64x128xf32, #tpu.memory_space<vmem_shared>>)
      tpu.yield
    }) : () -> ()
    %mul3A_178 = arith.constant 640 : i32
    %mul3A_179 = arith.muli %arg1, %mul3A_178 : i32
    %add3A_180 = arith.constant 320 : i32
    %add3A_181 = arith.addi %mul3A_179, %add3A_180 : i32
    %multiple_of3A_182 = tpu.assume_multiple %add3A_181, 64 : i32
    "tpu.region"() ({
      %run_scoped3A = tpu.sem_alloc : memref<!tpu.dma_semaphore, #tpu.memory_space<semaphore_mem>>
      %dma_start3A_217 = arith.constant 0 : i32
      %dma_start3A_218 = tpu.memref_slice %arg19[%multiple_of3A_182, %dma_start3A_217] : memref<10240x128xf32, #tpu.memory_space<vmem_shared>> -> memref<64x128xf32, #tpu.memory_space<vmem_shared>>
      %dma_start3A_219 = arith.constant 0 : i32
      %dma_start3A_220 = tpu.memref_slice %arg19[%multiple_of3A_182, %dma_start3A_219] : memref<10240x128xf32, #tpu.memory_space<vmem_shared>> -> memref<64x128xf32, #tpu.memory_space<vmem_shared>>
      tpu.enqueue_dma source(%arg18 : memref<64x128xf32, #tpu.memory_space<vmem>>) target(%dma_start3A_220 : memref<64x128xf32, #tpu.memory_space<vmem_shared>>) target_semaphore(%run_scoped3A : memref<!tpu.dma_semaphore, #tpu.memory_space<semaphore_mem>>)
      %dma_wait3A_221 = arith.constant 0 : i32
      %dma_wait3A_222 = tpu.memref_slice %arg19[%multiple_of3A_182, %dma_wait3A_221] : memref<10240x128xf32, #tpu.memory_space<vmem_shared>> -> memref<64x128xf32, #tpu.memory_space<vmem_shared>>
      %dma_wait3A_223 = arith.constant 0 : i32
      %dma_wait3A_224 = tpu.memref_slice %arg19[%multiple_of3A_182, %dma_wait3A_223] : memref<10240x128xf32, #tpu.memory_space<vmem_shared>> -> memref<64x128xf32, #tpu.memory_space<vmem_shared>>
      tpu.wait_dma2 semaphore(%run_scoped3A : memref<!tpu.dma_semaphore, #tpu.memory_space<semaphore_mem>>) src(%arg18 : memref<64x128xf32, #tpu.memory_space<vmem>>) dst(%dma_wait3A_224 : memref<64x128xf32, #tpu.memory_space<vmem_shared>>)
      tpu.yield
    }) : () -> ()
    %mul3A_183 = arith.constant 640 : i32
    %mul3A_184 = arith.muli %arg1, %mul3A_183 : i32
    %add3A_185 = arith.constant 384 : i32
    %add3A_186 = arith.addi %mul3A_184, %add3A_185 : i32
    %multiple_of3A_187 = tpu.assume_multiple %add3A_186, 64 : i32
    "tpu.region"() ({
      %run_scoped3A = tpu.sem_alloc : memref<!tpu.dma_semaphore, #tpu.memory_space<semaphore_mem>>
      %dma_start3A_217 = arith.constant 0 : i32
      %dma_start3A_218 = tpu.memref_slice %arg19[%multiple_of3A_187, %dma_start3A_217] : memref<10240x128xf32, #tpu.memory_space<vmem_shared>> -> memref<64x128xf32, #tpu.memory_space<vmem_shared>>
      %dma_start3A_219 = arith.constant 0 : i32
      %dma_start3A_220 = tpu.memref_slice %arg19[%multiple_of3A_187, %dma_start3A_219] : memref<10240x128xf32, #tpu.memory_space<vmem_shared>> -> memref<64x128xf32, #tpu.memory_space<vmem_shared>>
      tpu.enqueue_dma source(%arg18 : memref<64x128xf32, #tpu.memory_space<vmem>>) target(%dma_start3A_220 : memref<64x128xf32, #tpu.memory_space<vmem_shared>>) target_semaphore(%run_scoped3A : memref<!tpu.dma_semaphore, #tpu.memory_space<semaphore_mem>>)
      %dma_wait3A_221 = arith.constant 0 : i32
      %dma_wait3A_222 = tpu.memref_slice %arg19[%multiple_of3A_187, %dma_wait3A_221] : memref<10240x128xf32, #tpu.memory_space<vmem_shared>> -> memref<64x128xf32, #tpu.memory_space<vmem_shared>>
      %dma_wait3A_223 = arith.constant 0 : i32
      %dma_wait3A_224 = tpu.memref_slice %arg19[%multiple_of3A_187, %dma_wait3A_223] : memref<10240x128xf32, #tpu.memory_space<vmem_shared>> -> memref<64x128xf32, #tpu.memory_space<vmem_shared>>
      tpu.wait_dma2 semaphore(%run_scoped3A : memref<!tpu.dma_semaphore, #tpu.memory_space<semaphore_mem>>) src(%arg18 : memref<64x128xf32, #tpu.memory_space<vmem>>) dst(%dma_wait3A_224 : memref<64x128xf32, #tpu.memory_space<vmem_shared>>)
      tpu.yield
    }) : () -> ()
    %mul3A_188 = arith.constant 640 : i32
    %mul3A_189 = arith.muli %arg1, %mul3A_188 : i32
    %add3A_190 = arith.constant 448 : i32
    %add3A_191 = arith.addi %mul3A_189, %add3A_190 : i32
    %multiple_of3A_192 = tpu.assume_multiple %add3A_191, 64 : i32
    "tpu.region"() ({
      %run_scoped3A = tpu.sem_alloc : memref<!tpu.dma_semaphore, #tpu.memory_space<semaphore_mem>>
      %dma_start3A_217 = arith.constant 0 : i32
      %dma_start3A_218 = tpu.memref_slice %arg19[%multiple_of3A_192, %dma_start3A_217] : memref<10240x128xf32, #tpu.memory_space<vmem_shared>> -> memref<64x128xf32, #tpu.memory_space<vmem_shared>>
      %dma_start3A_219 = arith.constant 0 : i32
      %dma_start3A_220 = tpu.memref_slice %arg19[%multiple_of3A_192, %dma_start3A_219] : memref<10240x128xf32, #tpu.memory_space<vmem_shared>> -> memref<64x128xf32, #tpu.memory_space<vmem_shared>>
      tpu.enqueue_dma source(%arg18 : memref<64x128xf32, #tpu.memory_space<vmem>>) target(%dma_start3A_220 : memref<64x128xf32, #tpu.memory_space<vmem_shared>>) target_semaphore(%run_scoped3A : memref<!tpu.dma_semaphore, #tpu.memory_space<semaphore_mem>>)
      %dma_wait3A_221 = arith.constant 0 : i32
      %dma_wait3A_222 = tpu.memref_slice %arg19[%multiple_of3A_192, %dma_wait3A_221] : memref<10240x128xf32, #tpu.memory_space<vmem_shared>> -> memref<64x128xf32, #tpu.memory_space<vmem_shared>>
      %dma_wait3A_223 = arith.constant 0 : i32
      %dma_wait3A_224 = tpu.memref_slice %arg19[%multiple_of3A_192, %dma_wait3A_223] : memref<10240x128xf32, #tpu.memory_space<vmem_shared>> -> memref<64x128xf32, #tpu.memory_space<vmem_shared>>
      tpu.wait_dma2 semaphore(%run_scoped3A : memref<!tpu.dma_semaphore, #tpu.memory_space<semaphore_mem>>) src(%arg18 : memref<64x128xf32, #tpu.memory_space<vmem>>) dst(%dma_wait3A_224 : memref<64x128xf32, #tpu.memory_space<vmem_shared>>)
      tpu.yield
    }) : () -> ()
    %mul3A_193 = arith.constant 640 : i32
    %mul3A_194 = arith.muli %arg1, %mul3A_193 : i32
    %add3A_195 = arith.constant 512 : i32
    %add3A_196 = arith.addi %mul3A_194, %add3A_195 : i32
    %multiple_of3A_197 = tpu.assume_multiple %add3A_196, 64 : i32
    "tpu.region"() ({
      %run_scoped3A = tpu.sem_alloc : memref<!tpu.dma_semaphore, #tpu.memory_space<semaphore_mem>>
      %dma_start3A_217 = arith.constant 0 : i32
      %dma_start3A_218 = tpu.memref_slice %arg19[%multiple_of3A_197, %dma_start3A_217] : memref<10240x128xf32, #tpu.memory_space<vmem_shared>> -> memref<64x128xf32, #tpu.memory_space<vmem_shared>>
      %dma_start3A_219 = arith.constant 0 : i32
      %dma_start3A_220 = tpu.memref_slice %arg19[%multiple_of3A_197, %dma_start3A_219] : memref<10240x128xf32, #tpu.memory_space<vmem_shared>> -> memref<64x128xf32, #tpu.memory_space<vmem_shared>>
      tpu.enqueue_dma source(%arg18 : memref<64x128xf32, #tpu.memory_space<vmem>>) target(%dma_start3A_220 : memref<64x128xf32, #tpu.memory_space<vmem_shared>>) target_semaphore(%run_scoped3A : memref<!tpu.dma_semaphore, #tpu.memory_space<semaphore_mem>>)
      %dma_wait3A_221 = arith.constant 0 : i32
      %dma_wait3A_222 = tpu.memref_slice %arg19[%multiple_of3A_197, %dma_wait3A_221] : memref<10240x128xf32, #tpu.memory_space<vmem_shared>> -> memref<64x128xf32, #tpu.memory_space<vmem_shared>>
      %dma_wait3A_223 = arith.constant 0 : i32
      %dma_wait3A_224 = tpu.memref_slice %arg19[%multiple_of3A_197, %dma_wait3A_223] : memref<10240x128xf32, #tpu.memory_space<vmem_shared>> -> memref<64x128xf32, #tpu.memory_space<vmem_shared>>
      tpu.wait_dma2 semaphore(%run_scoped3A : memref<!tpu.dma_semaphore, #tpu.memory_space<semaphore_mem>>) src(%arg18 : memref<64x128xf32, #tpu.memory_space<vmem>>) dst(%dma_wait3A_224 : memref<64x128xf32, #tpu.memory_space<vmem_shared>>)
      tpu.yield
    }) : () -> ()
    %mul3A_198 = arith.constant 640 : i32
    %mul3A_199 = arith.muli %arg1, %mul3A_198 : i32
    %add3A_200 = arith.constant 576 : i32
    %add3A_201 = arith.addi %mul3A_199, %add3A_200 : i32
    %multiple_of3A_202 = tpu.assume_multiple %add3A_201, 64 : i32
    "tpu.region"() ({
      %run_scoped3A = tpu.sem_alloc : memref<!tpu.dma_semaphore, #tpu.memory_space<semaphore_mem>>
      %dma_start3A_217 = arith.constant 0 : i32
      %dma_start3A_218 = tpu.memref_slice %arg19[%multiple_of3A_202, %dma_start3A_217] : memref<10240x128xf32, #tpu.memory_space<vmem_shared>> -> memref<64x128xf32, #tpu.memory_space<vmem_shared>>
      %dma_start3A_219 = arith.constant 0 : i32
      %dma_start3A_220 = tpu.memref_slice %arg19[%multiple_of3A_202, %dma_start3A_219] : memref<10240x128xf32, #tpu.memory_space<vmem_shared>> -> memref<64x128xf32, #tpu.memory_space<vmem_shared>>
      tpu.enqueue_dma source(%arg18 : memref<64x128xf32, #tpu.memory_space<vmem>>) target(%dma_start3A_220 : memref<64x128xf32, #tpu.memory_space<vmem_shared>>) target_semaphore(%run_scoped3A : memref<!tpu.dma_semaphore, #tpu.memory_space<semaphore_mem>>)
      %dma_wait3A_221 = arith.constant 0 : i32
      %dma_wait3A_222 = tpu.memref_slice %arg19[%multiple_of3A_202, %dma_wait3A_221] : memref<10240x128xf32, #tpu.memory_space<vmem_shared>> -> memref<64x128xf32, #tpu.memory_space<vmem_shared>>
      %dma_wait3A_223 = arith.constant 0 : i32
      %dma_wait3A_224 = tpu.memref_slice %arg19[%multiple_of3A_202, %dma_wait3A_223] : memref<10240x128xf32, #tpu.memory_space<vmem_shared>> -> memref<64x128xf32, #tpu.memory_space<vmem_shared>>
      tpu.wait_dma2 semaphore(%run_scoped3A : memref<!tpu.dma_semaphore, #tpu.memory_space<semaphore_mem>>) src(%arg18 : memref<64x128xf32, #tpu.memory_space<vmem>>) dst(%dma_wait3A_224 : memref<64x128xf32, #tpu.memory_space<vmem_shared>>)
      tpu.yield
    }) : () -> ()
    %barrier3A = arith.constant 0 : index
    tpu.barrier barrier_id(%barrier3A)
    %scan3A = arith.constant 0 : i32
    %scan3A_203 = arith.constant 0 : i32
    %scan3A_204 = arith.constant 41 : i32
    %scan3A_205 = arith.addi %scan3A_203, %scan3A_204 : i32
    %scan3A_206 = arith.constant 1 : i32
    scf.for %scan3A_217 = %scan3A_203 to %scan3A_205 step %scan3A_206  : i32 {
      %mul3A_218 = arith.constant 4 : i32
      %mul3A_219 = arith.muli %scan3A_217, %mul3A_218 : i32
      %add3A_220 = arith.constant 0 : i32
      %add3A_221 = arith.addi %mul3A_219, %add3A_220 : i32
      %dma_wait3A_222 = arith.constant 0 : i32
      %dma_wait3A_223 = arith.constant 0 : i32
      %dma_wait3A_224 = tpu.memref_slice %arg2[%dma_wait3A_222, %dma_wait3A_223] : memref<10240x128xf32, #tpu.memory_space<hbm>> -> memref<10240x128xf32, #tpu.memory_space<hbm>>
      tpu.wait_indirect_dma semaphore(%arg20 : memref<!tpu.dma_semaphore, #tpu.memory_space<semaphore_mem>>) src(%dma_wait3A_224 : memref<10240x128xf32, #tpu.memory_space<hbm>>) dst(%arg15 : memref<64x128xf32, #tpu.memory_space<vmem>>)
      %dma_start3A_225 = arith.constant 0 : i32
      %dma_start3A_226 = arith.constant 0 : i32
      %dma_start3A_227 = tpu.memref_slice %arg19[%dma_start3A_225, %dma_start3A_226] : memref<10240x128xf32, #tpu.memory_space<vmem_shared>> -> memref<10240x128xf32, #tpu.memory_space<vmem_shared>>
      tpu.enqueue_indirect_dma source(%arg15 : memref<64x128xf32, #tpu.memory_space<vmem>>) target(%dma_start3A_227 : memref<10240x128xf32, #tpu.memory_space<vmem_shared>>) offsets(%arg11 : memref<64xi32, #tpu.memory_space<vmem>>) semaphore(%arg24 : memref<!tpu.dma_semaphore, #tpu.memory_space<semaphore_mem>>) {add = true}
      %ge3A = arith.constant 2 : i32
      %ge3A_228 = arith.cmpi sge, %add3A_221, %ge3A : i32
      %convert_element_type3A = arith.extui %ge3A_228 : i1 to i32
      %cond3A = arith.constant 0 : i32
      %cond3A_229 = arith.cmpi ne, %convert_element_type3A, %cond3A : i32
      scf.if %cond3A_229 {
        %dma_wait3A_302 = arith.constant 0 : i32
        %dma_wait3A_303 = arith.constant 0 : i32
        %dma_wait3A_304 = tpu.memref_slice %arg19[%dma_wait3A_302, %dma_wait3A_303] : memref<10240x128xf32, #tpu.memory_space<vmem_shared>> -> memref<10240x128xf32, #tpu.memory_space<vmem_shared>>
        tpu.wait_indirect_dma semaphore(%arg26 : memref<!tpu.dma_semaphore, #tpu.memory_space<semaphore_mem>>) src(%arg17 : memref<64x128xf32, #tpu.memory_space<vmem>>) dst(%dma_wait3A_304 : memref<10240x128xf32, #tpu.memory_space<vmem_shared>>)
      } else {
      }
      %add3A_230 = arith.constant 2 : i32
      %add3A_231 = arith.addi %add3A_221, %add3A_230 : i32
      %lt3A = arith.constant 164 : i32
      %lt3A_232 = arith.cmpi slt, %add3A_231, %lt3A : i32
      %convert_element_type3A_233 = arith.extui %lt3A_232 : i1 to i32
      %cond3A_234 = arith.constant 0 : i32
      %cond3A_235 = arith.cmpi ne, %convert_element_type3A_233, %cond3A_234 : i32
      scf.if %cond3A_235 {
        %mul3A_302 = arith.constant 2 : i32
        %mul3A_303 = arith.muli %scan3A_217, %mul3A_302 : i32
        %add3A_304 = arith.constant 1 : i32
        %add3A_305 = arith.addi %mul3A_303, %add3A_304 : i32
        %get3A_306 = arith.index_cast %add3A_305 : i32 to index
        %get3A_307 = arith.constant 0 : index
        %get3A_308 = tpu.vector_load %arg6[%get3A_306, %get3A_307] {strides = array<i32>} : memref<82x128xi32, #tpu.memory_space<vmem>>, vector<1x16xi32>,
        %get3A_309 = vector.shape_cast %get3A_308 : vector<1x16xi32> to vector<16xi32>
        %and3A_310 = arith.constant 16383 : i32
        %and3A_311 = vector.broadcast %and3A_310 : i32 to vector<16xi32>
        %and3A_312 = arith.andi %get3A_309, %and3A_311 : vector<16xi32>
        %swap3A_313 = arith.constant 0 : index
        %swap3A_314 = tpu.vector_load %arg9[%swap3A_313] {strides = array<i32>} : memref<64xi32, #tpu.memory_space<vmem>>, vector<16xi32>,
        %swap3A_315 = vector.shape_cast %swap3A_314 : vector<16xi32> to vector<16xi32>
        %swap3A_316 = vector.shape_cast %and3A_312 : vector<16xi32> to vector<16xi32>
        tpu.vector_store %arg9[%swap3A_313], %swap3A_316 {strides = array<i32>} : memref<64xi32, #tpu.memory_space<vmem>>, vector<16xi32>,
        %shift_right_logical3A_317 = arith.constant 14 : i32
        %shift_right_logical3A_318 = vector.broadcast %shift_right_logical3A_317 : i32 to vector<16xi32>
        %shift_right_logical3A_319 = arith.shrui %get3A_309, %shift_right_logical3A_318 : vector<16xi32>
        %swap3A_320 = arith.constant 0 : index
        %swap3A_321 = tpu.vector_load %arg13[%swap3A_320] {strides = array<i32>} : memref<64xi32, #tpu.memory_space<vmem>>, vector<16xi32>,
        %swap3A_322 = vector.shape_cast %swap3A_321 : vector<16xi32> to vector<16xi32>
        %swap3A_323 = vector.shape_cast %shift_right_logical3A_319 : vector<16xi32> to vector<16xi32>
        tpu.vector_store %arg13[%swap3A_320], %swap3A_323 {strides = array<i32>} : memref<64xi32, #tpu.memory_space<vmem>>, vector<16xi32>,
        %get3A_324 = arith.index_cast %add3A_305 : i32 to index
        %get3A_325 = arith.constant 16 : index
        %get3A_326 = tpu.vector_load %arg6[%get3A_324, %get3A_325] {strides = array<i32>} : memref<82x128xi32, #tpu.memory_space<vmem>>, vector<1x16xi32>,
        %get3A_327 = vector.shape_cast %get3A_326 : vector<1x16xi32> to vector<16xi32>
        %and3A_328 = arith.constant 16383 : i32
        %and3A_329 = vector.broadcast %and3A_328 : i32 to vector<16xi32>
        %and3A_330 = arith.andi %get3A_327, %and3A_329 : vector<16xi32>
        %swap3A_331 = arith.constant 16 : index
        %swap3A_332 = tpu.vector_load %arg9[%swap3A_331] {strides = array<i32>} : memref<64xi32, #tpu.memory_space<vmem>>, vector<16xi32>,
        %swap3A_333 = vector.shape_cast %swap3A_332 : vector<16xi32> to vector<16xi32>
        %swap3A_334 = vector.shape_cast %and3A_330 : vector<16xi32> to vector<16xi32>
        tpu.vector_store %arg9[%swap3A_331], %swap3A_334 {strides = array<i32>} : memref<64xi32, #tpu.memory_space<vmem>>, vector<16xi32>,
        %shift_right_logical3A_335 = arith.constant 14 : i32
        %shift_right_logical3A_336 = vector.broadcast %shift_right_logical3A_335 : i32 to vector<16xi32>
        %shift_right_logical3A_337 = arith.shrui %get3A_327, %shift_right_logical3A_336 : vector<16xi32>
        %swap3A_338 = arith.constant 16 : index
        %swap3A_339 = tpu.vector_load %arg13[%swap3A_338] {strides = array<i32>} : memref<64xi32, #tpu.memory_space<vmem>>, vector<16xi32>,
        %swap3A_340 = vector.shape_cast %swap3A_339 : vector<16xi32> to vector<16xi32>
        %swap3A_341 = vector.shape_cast %shift_right_logical3A_337 : vector<16xi32> to vector<16xi32>
        tpu.vector_store %arg13[%swap3A_338], %swap3A_341 {strides = array<i32>} : memref<64xi32, #tpu.memory_space<vmem>>, vector<16xi32>,
        %get3A_342 = arith.index_cast %add3A_305 : i32 to index
        %get3A_343 = arith.constant 32 : index
        %get3A_344 = tpu.vector_load %arg6[%get3A_342, %get3A_343] {strides = array<i32>} : memref<82x128xi32, #tpu.memory_space<vmem>>, vector<1x16xi32>,
        %get3A_345 = vector.shape_cast %get3A_344 : vector<1x16xi32> to vector<16xi32>
        %and3A_346 = arith.constant 16383 : i32
        %and3A_347 = vector.broadcast %and3A_346 : i32 to vector<16xi32>
        %and3A_348 = arith.andi %get3A_345, %and3A_347 : vector<16xi32>
        %swap3A_349 = arith.constant 32 : index
        %swap3A_350 = tpu.vector_load %arg9[%swap3A_349] {strides = array<i32>} : memref<64xi32, #tpu.memory_space<vmem>>, vector<16xi32>,
        %swap3A_351 = vector.shape_cast %swap3A_350 : vector<16xi32> to vector<16xi32>
        %swap3A_352 = vector.shape_cast %and3A_348 : vector<16xi32> to vector<16xi32>
        tpu.vector_store %arg9[%swap3A_349], %swap3A_352 {strides = array<i32>} : memref<64xi32, #tpu.memory_space<vmem>>, vector<16xi32>,
        %shift_right_logical3A_353 = arith.constant 14 : i32
        %shift_right_logical3A_354 = vector.broadcast %shift_right_logical3A_353 : i32 to vector<16xi32>
        %shift_right_logical3A_355 = arith.shrui %get3A_345, %shift_right_logical3A_354 : vector<16xi32>
        %swap3A_356 = arith.constant 32 : index
        %swap3A_357 = tpu.vector_load %arg13[%swap3A_356] {strides = array<i32>} : memref<64xi32, #tpu.memory_space<vmem>>, vector<16xi32>,
        %swap3A_358 = vector.shape_cast %swap3A_357 : vector<16xi32> to vector<16xi32>
        %swap3A_359 = vector.shape_cast %shift_right_logical3A_355 : vector<16xi32> to vector<16xi32>
        tpu.vector_store %arg13[%swap3A_356], %swap3A_359 {strides = array<i32>} : memref<64xi32, #tpu.memory_space<vmem>>, vector<16xi32>,
        %get3A_360 = arith.index_cast %add3A_305 : i32 to index
        %get3A_361 = arith.constant 48 : index
        %get3A_362 = tpu.vector_load %arg6[%get3A_360, %get3A_361] {strides = array<i32>} : memref<82x128xi32, #tpu.memory_space<vmem>>, vector<1x16xi32>,
        %get3A_363 = vector.shape_cast %get3A_362 : vector<1x16xi32> to vector<16xi32>
        %and3A_364 = arith.constant 16383 : i32
        %and3A_365 = vector.broadcast %and3A_364 : i32 to vector<16xi32>
        %and3A_366 = arith.andi %get3A_363, %and3A_365 : vector<16xi32>
        %swap3A_367 = arith.constant 48 : index
        %swap3A_368 = tpu.vector_load %arg9[%swap3A_367] {strides = array<i32>} : memref<64xi32, #tpu.memory_space<vmem>>, vector<16xi32>,
        %swap3A_369 = vector.shape_cast %swap3A_368 : vector<16xi32> to vector<16xi32>
        %swap3A_370 = vector.shape_cast %and3A_366 : vector<16xi32> to vector<16xi32>
        tpu.vector_store %arg9[%swap3A_367], %swap3A_370 {strides = array<i32>} : memref<64xi32, #tpu.memory_space<vmem>>, vector<16xi32>,
        %shift_right_logical3A_371 = arith.constant 14 : i32
        %shift_right_logical3A_372 = vector.broadcast %shift_right_logical3A_371 : i32 to vector<16xi32>
        %shift_right_logical3A_373 = arith.shrui %get3A_363, %shift_right_logical3A_372 : vector<16xi32>
        %swap3A_374 = arith.constant 48 : index
        %swap3A_375 = tpu.vector_load %arg13[%swap3A_374] {strides = array<i32>} : memref<64xi32, #tpu.memory_space<vmem>>, vector<16xi32>,
        %swap3A_376 = vector.shape_cast %swap3A_375 : vector<16xi32> to vector<16xi32>
        %swap3A_377 = vector.shape_cast %shift_right_logical3A_373 : vector<16xi32> to vector<16xi32>
        tpu.vector_store %arg13[%swap3A_374], %swap3A_377 {strides = array<i32>} : memref<64xi32, #tpu.memory_space<vmem>>, vector<16xi32>,
        %dma_start3A_378 = arith.constant 0 : i32
        %dma_start3A_379 = arith.constant 0 : i32
        %dma_start3A_380 = tpu.memref_slice %arg2[%dma_start3A_378, %dma_start3A_379] : memref<10240x128xf32, #tpu.memory_space<hbm>> -> memref<10240x128xf32, #tpu.memory_space<hbm>>
        tpu.enqueue_indirect_dma source(%dma_start3A_380 : memref<10240x128xf32, #tpu.memory_space<hbm>>) target(%arg17 : memref<64x128xf32, #tpu.memory_space<vmem>>) offsets(%arg9 : memref<64xi32, #tpu.memory_space<vmem>>) semaphore(%arg22 : memref<!tpu.dma_semaphore, #tpu.memory_space<semaphore_mem>>)
      } else {
      }
      %mul3A_236 = arith.constant 4 : i32
      %mul3A_237 = arith.muli %scan3A_217, %mul3A_236 : i32
      %add3A_238 = arith.constant 1 : i32
      %add3A_239 = arith.addi %mul3A_237, %add3A_238 : i32
      %dma_wait3A_240 = arith.constant 0 : i32
      %dma_wait3A_241 = arith.constant 0 : i32
      %dma_wait3A_242 = tpu.memref_slice %arg2[%dma_wait3A_240, %dma_wait3A_241] : memref<10240x128xf32, #tpu.memory_space<hbm>> -> memref<10240x128xf32, #tpu.memory_space<hbm>>
      tpu.wait_indirect_dma semaphore(%arg21 : memref<!tpu.dma_semaphore, #tpu.memory_space<semaphore_mem>>) src(%dma_wait3A_242 : memref<10240x128xf32, #tpu.memory_space<hbm>>) dst(%arg16 : memref<64x128xf32, #tpu.memory_space<vmem>>)
      %dma_start3A_243 = arith.constant 0 : i32
      %dma_start3A_244 = arith.constant 0 : i32
      %dma_start3A_245 = tpu.memref_slice %arg19[%dma_start3A_243, %dma_start3A_244] : memref<10240x128xf32, #tpu.memory_space<vmem_shared>> -> memref<10240x128xf32, #tpu.memory_space<vmem_shared>>
      tpu.enqueue_indirect_dma source(%arg16 : memref<64x128xf32, #tpu.memory_space<vmem>>) target(%dma_start3A_245 : memref<10240x128xf32, #tpu.memory_space<vmem_shared>>) offsets(%arg12 : memref<64xi32, #tpu.memory_space<vmem>>) semaphore(%arg25 : memref<!tpu.dma_semaphore, #tpu.memory_space<semaphore_mem>>) {add = true}
      %ge3A_246 = arith.constant 2 : i32
      %ge3A_247 = arith.cmpi sge, %add3A_239, %ge3A_246 : i32
      %convert_element_type3A_248 = arith.extui %ge3A_247 : i1 to i32
      %cond3A_249 = arith.constant 0 : i32
      %cond3A_250 = arith.cmpi ne, %convert_element_type3A_248, %cond3A_249 : i32
      scf.if %cond3A_250 {
        %dma_wait3A_302 = arith.constant 0 : i32
        %dma_wait3A_303 = arith.constant 0 : i32
        %dma_wait3A_304 = tpu.memref_slice %arg19[%dma_wait3A_302, %dma_wait3A_303] : memref<10240x128xf32, #tpu.memory_space<vmem_shared>> -> memref<10240x128xf32, #tpu.memory_space<vmem_shared>>
        tpu.wait_indirect_dma semaphore(%arg27 : memref<!tpu.dma_semaphore, #tpu.memory_space<semaphore_mem>>) src(%arg18 : memref<64x128xf32, #tpu.memory_space<vmem>>) dst(%dma_wait3A_304 : memref<10240x128xf32, #tpu.memory_space<vmem_shared>>)
      } else {
      }
      %add3A_251 = arith.constant 2 : i32
      %add3A_252 = arith.addi %add3A_239, %add3A_251 : i32
      %lt3A_253 = arith.constant 164 : i32
      %lt3A_254 = arith.cmpi slt, %add3A_252, %lt3A_253 : i32
      %convert_element_type3A_255 = arith.extui %lt3A_254 : i1 to i32
      %cond3A_256 = arith.constant 0 : i32
      %cond3A_257 = arith.cmpi ne, %convert_element_type3A_255, %cond3A_256 : i32
      scf.if %cond3A_257 {
        %mul3A_302 = arith.constant 2 : i32
        %mul3A_303 = arith.muli %scan3A_217, %mul3A_302 : i32
        %add3A_304 = arith.constant 1 : i32
        %add3A_305 = arith.addi %mul3A_303, %add3A_304 : i32
        %get3A_306 = arith.index_cast %add3A_305 : i32 to index
        %get3A_307 = arith.constant 64 : index
        %get3A_308 = tpu.vector_load %arg6[%get3A_306, %get3A_307] {strides = array<i32>} : memref<82x128xi32, #tpu.memory_space<vmem>>, vector<1x16xi32>,
        %get3A_309 = vector.shape_cast %get3A_308 : vector<1x16xi32> to vector<16xi32>
        %and3A_310 = arith.constant 16383 : i32
        %and3A_311 = vector.broadcast %and3A_310 : i32 to vector<16xi32>
        %and3A_312 = arith.andi %get3A_309, %and3A_311 : vector<16xi32>
        %swap3A_313 = arith.constant 0 : index
        %swap3A_314 = tpu.vector_load %arg10[%swap3A_313] {strides = array<i32>} : memref<64xi32, #tpu.memory_space<vmem>>, vector<16xi32>,
        %swap3A_315 = vector.shape_cast %swap3A_314 : vector<16xi32> to vector<16xi32>
        %swap3A_316 = vector.shape_cast %and3A_312 : vector<16xi32> to vector<16xi32>
        tpu.vector_store %arg10[%swap3A_313], %swap3A_316 {strides = array<i32>} : memref<64xi32, #tpu.memory_space<vmem>>, vector<16xi32>,
        %shift_right_logical3A_317 = arith.constant 14 : i32
        %shift_right_logical3A_318 = vector.broadcast %shift_right_logical3A_317 : i32 to vector<16xi32>
        %shift_right_logical3A_319 = arith.shrui %get3A_309, %shift_right_logical3A_318 : vector<16xi32>
        %swap3A_320 = arith.constant 0 : index
        %swap3A_321 = tpu.vector_load %arg14[%swap3A_320] {strides = array<i32>} : memref<64xi32, #tpu.memory_space<vmem>>, vector<16xi32>,
        %swap3A_322 = vector.shape_cast %swap3A_321 : vector<16xi32> to vector<16xi32>
        %swap3A_323 = vector.shape_cast %shift_right_logical3A_319 : vector<16xi32> to vector<16xi32>
        tpu.vector_store %arg14[%swap3A_320], %swap3A_323 {strides = array<i32>} : memref<64xi32, #tpu.memory_space<vmem>>, vector<16xi32>,
        %get3A_324 = arith.index_cast %add3A_305 : i32 to index
        %get3A_325 = arith.constant 80 : index
        %get3A_326 = tpu.vector_load %arg6[%get3A_324, %get3A_325] {strides = array<i32>} : memref<82x128xi32, #tpu.memory_space<vmem>>, vector<1x16xi32>,
        %get3A_327 = vector.shape_cast %get3A_326 : vector<1x16xi32> to vector<16xi32>
        %and3A_328 = arith.constant 16383 : i32
        %and3A_329 = vector.broadcast %and3A_328 : i32 to vector<16xi32>
        %and3A_330 = arith.andi %get3A_327, %and3A_329 : vector<16xi32>
        %swap3A_331 = arith.constant 16 : index
        %swap3A_332 = tpu.vector_load %arg10[%swap3A_331] {strides = array<i32>} : memref<64xi32, #tpu.memory_space<vmem>>, vector<16xi32>,
        %swap3A_333 = vector.shape_cast %swap3A_332 : vector<16xi32> to vector<16xi32>
        %swap3A_334 = vector.shape_cast %and3A_330 : vector<16xi32> to vector<16xi32>
        tpu.vector_store %arg10[%swap3A_331], %swap3A_334 {strides = array<i32>} : memref<64xi32, #tpu.memory_space<vmem>>, vector<16xi32>,
        %shift_right_logical3A_335 = arith.constant 14 : i32
        %shift_right_logical3A_336 = vector.broadcast %shift_right_logical3A_335 : i32 to vector<16xi32>
        %shift_right_logical3A_337 = arith.shrui %get3A_327, %shift_right_logical3A_336 : vector<16xi32>
        %swap3A_338 = arith.constant 16 : index
        %swap3A_339 = tpu.vector_load %arg14[%swap3A_338] {strides = array<i32>} : memref<64xi32, #tpu.memory_space<vmem>>, vector<16xi32>,
        %swap3A_340 = vector.shape_cast %swap3A_339 : vector<16xi32> to vector<16xi32>
        %swap3A_341 = vector.shape_cast %shift_right_logical3A_337 : vector<16xi32> to vector<16xi32>
        tpu.vector_store %arg14[%swap3A_338], %swap3A_341 {strides = array<i32>} : memref<64xi32, #tpu.memory_space<vmem>>, vector<16xi32>,
        %get3A_342 = arith.index_cast %add3A_305 : i32 to index
        %get3A_343 = arith.constant 96 : index
        %get3A_344 = tpu.vector_load %arg6[%get3A_342, %get3A_343] {strides = array<i32>} : memref<82x128xi32, #tpu.memory_space<vmem>>, vector<1x16xi32>,
        %get3A_345 = vector.shape_cast %get3A_344 : vector<1x16xi32> to vector<16xi32>
        %and3A_346 = arith.constant 16383 : i32
        %and3A_347 = vector.broadcast %and3A_346 : i32 to vector<16xi32>
        %and3A_348 = arith.andi %get3A_345, %and3A_347 : vector<16xi32>
        %swap3A_349 = arith.constant 32 : index
        %swap3A_350 = tpu.vector_load %arg10[%swap3A_349] {strides = array<i32>} : memref<64xi32, #tpu.memory_space<vmem>>, vector<16xi32>,
        %swap3A_351 = vector.shape_cast %swap3A_350 : vector<16xi32> to vector<16xi32>
        %swap3A_352 = vector.shape_cast %and3A_348 : vector<16xi32> to vector<16xi32>
        tpu.vector_store %arg10[%swap3A_349], %swap3A_352 {strides = array<i32>} : memref<64xi32, #tpu.memory_space<vmem>>, vector<16xi32>,
        %shift_right_logical3A_353 = arith.constant 14 : i32
        %shift_right_logical3A_354 = vector.broadcast %shift_right_logical3A_353 : i32 to vector<16xi32>
        %shift_right_logical3A_355 = arith.shrui %get3A_345, %shift_right_logical3A_354 : vector<16xi32>
        %swap3A_356 = arith.constant 32 : index
        %swap3A_357 = tpu.vector_load %arg14[%swap3A_356] {strides = array<i32>} : memref<64xi32, #tpu.memory_space<vmem>>, vector<16xi32>,
        %swap3A_358 = vector.shape_cast %swap3A_357 : vector<16xi32> to vector<16xi32>
        %swap3A_359 = vector.shape_cast %shift_right_logical3A_355 : vector<16xi32> to vector<16xi32>
        tpu.vector_store %arg14[%swap3A_356], %swap3A_359 {strides = array<i32>} : memref<64xi32, #tpu.memory_space<vmem>>, vector<16xi32>,
        %get3A_360 = arith.index_cast %add3A_305 : i32 to index
        %get3A_361 = arith.constant 112 : index
        %get3A_362 = tpu.vector_load %arg6[%get3A_360, %get3A_361] {strides = array<i32>} : memref<82x128xi32, #tpu.memory_space<vmem>>, vector<1x16xi32>,
        %get3A_363 = vector.shape_cast %get3A_362 : vector<1x16xi32> to vector<16xi32>
        %and3A_364 = arith.constant 16383 : i32
        %and3A_365 = vector.broadcast %and3A_364 : i32 to vector<16xi32>
        %and3A_366 = arith.andi %get3A_363, %and3A_365 : vector<16xi32>
        %swap3A_367 = arith.constant 48 : index
        %swap3A_368 = tpu.vector_load %arg10[%swap3A_367] {strides = array<i32>} : memref<64xi32, #tpu.memory_space<vmem>>, vector<16xi32>,
        %swap3A_369 = vector.shape_cast %swap3A_368 : vector<16xi32> to vector<16xi32>
        %swap3A_370 = vector.shape_cast %and3A_366 : vector<16xi32> to vector<16xi32>
        tpu.vector_store %arg10[%swap3A_367], %swap3A_370 {strides = array<i32>} : memref<64xi32, #tpu.memory_space<vmem>>, vector<16xi32>,
        %shift_right_logical3A_371 = arith.constant 14 : i32
        %shift_right_logical3A_372 = vector.broadcast %shift_right_logical3A_371 : i32 to vector<16xi32>
        %shift_right_logical3A_373 = arith.shrui %get3A_363, %shift_right_logical3A_372 : vector<16xi32>
        %swap3A_374 = arith.constant 48 : index
        %swap3A_375 = tpu.vector_load %arg14[%swap3A_374] {strides = array<i32>} : memref<64xi32, #tpu.memory_space<vmem>>, vector<16xi32>,
        %swap3A_376 = vector.shape_cast %swap3A_375 : vector<16xi32> to vector<16xi32>
        %swap3A_377 = vector.shape_cast %shift_right_logical3A_373 : vector<16xi32> to vector<16xi32>
        tpu.vector_store %arg14[%swap3A_374], %swap3A_377 {strides = array<i32>} : memref<64xi32, #tpu.memory_space<vmem>>, vector<16xi32>,
        %dma_start3A_378 = arith.constant 0 : i32
        %dma_start3A_379 = arith.constant 0 : i32
        %dma_start3A_380 = tpu.memref_slice %arg2[%dma_start3A_378, %dma_start3A_379] : memref<10240x128xf32, #tpu.memory_space<hbm>> -> memref<10240x128xf32, #tpu.memory_space<hbm>>
        tpu.enqueue_indirect_dma source(%dma_start3A_380 : memref<10240x128xf32, #tpu.memory_space<hbm>>) target(%arg18 : memref<64x128xf32, #tpu.memory_space<vmem>>) offsets(%arg10 : memref<64xi32, #tpu.memory_space<vmem>>) semaphore(%arg23 : memref<!tpu.dma_semaphore, #tpu.memory_space<semaphore_mem>>)
      } else {
      }
      %mul3A_258 = arith.constant 4 : i32
      %mul3A_259 = arith.muli %scan3A_217, %mul3A_258 : i32
      %add3A_260 = arith.constant 2 : i32
      %add3A_261 = arith.addi %mul3A_259, %add3A_260 : i32
      %dma_wait3A_262 = arith.constant 0 : i32
      %dma_wait3A_263 = arith.constant 0 : i32
      %dma_wait3A_264 = tpu.memref_slice %arg2[%dma_wait3A_262, %dma_wait3A_263] : memref<10240x128xf32, #tpu.memory_space<hbm>> -> memref<10240x128xf32, #tpu.memory_space<hbm>>
      tpu.wait_indirect_dma semaphore(%arg22 : memref<!tpu.dma_semaphore, #tpu.memory_space<semaphore_mem>>) src(%dma_wait3A_264 : memref<10240x128xf32, #tpu.memory_space<hbm>>) dst(%arg17 : memref<64x128xf32, #tpu.memory_space<vmem>>)
      %dma_start3A_265 = arith.constant 0 : i32
      %dma_start3A_266 = arith.constant 0 : i32
      %dma_start3A_267 = tpu.memref_slice %arg19[%dma_start3A_265, %dma_start3A_266] : memref<10240x128xf32, #tpu.memory_space<vmem_shared>> -> memref<10240x128xf32, #tpu.memory_space<vmem_shared>>
      tpu.enqueue_indirect_dma source(%arg17 : memref<64x128xf32, #tpu.memory_space<vmem>>) target(%dma_start3A_267 : memref<10240x128xf32, #tpu.memory_space<vmem_shared>>) offsets(%arg13 : memref<64xi32, #tpu.memory_space<vmem>>) semaphore(%arg26 : memref<!tpu.dma_semaphore, #tpu.memory_space<semaphore_mem>>) {add = true}
      %ge3A_268 = arith.constant 2 : i32
      %ge3A_269 = arith.cmpi sge, %add3A_261, %ge3A_268 : i32
      %convert_element_type3A_270 = arith.extui %ge3A_269 : i1 to i32
      %cond3A_271 = arith.constant 0 : i32
      %cond3A_272 = arith.cmpi ne, %convert_element_type3A_270, %cond3A_271 : i32
      scf.if %cond3A_272 {
        %dma_wait3A_302 = arith.constant 0 : i32
        %dma_wait3A_303 = arith.constant 0 : i32
        %dma_wait3A_304 = tpu.memref_slice %arg19[%dma_wait3A_302, %dma_wait3A_303] : memref<10240x128xf32, #tpu.memory_space<vmem_shared>> -> memref<10240x128xf32, #tpu.memory_space<vmem_shared>>
        tpu.wait_indirect_dma semaphore(%arg24 : memref<!tpu.dma_semaphore, #tpu.memory_space<semaphore_mem>>) src(%arg15 : memref<64x128xf32, #tpu.memory_space<vmem>>) dst(%dma_wait3A_304 : memref<10240x128xf32, #tpu.memory_space<vmem_shared>>)
      } else {
      }
      %add3A_273 = arith.constant 2 : i32
      %add3A_274 = arith.addi %add3A_261, %add3A_273 : i32
      %lt3A_275 = arith.constant 164 : i32
      %lt3A_276 = arith.cmpi slt, %add3A_274, %lt3A_275 : i32
      %convert_element_type3A_277 = arith.extui %lt3A_276 : i1 to i32
      %cond3A_278 = arith.constant 0 : i32
      %cond3A_279 = arith.cmpi ne, %convert_element_type3A_277, %cond3A_278 : i32
      scf.if %cond3A_279 {
        %mul3A_302 = arith.constant 2 : i32
        %mul3A_303 = arith.muli %scan3A_217, %mul3A_302 : i32
        %add3A_304 = arith.constant 2 : i32
        %add3A_305 = arith.addi %mul3A_303, %add3A_304 : i32
        %get3A_306 = arith.index_cast %add3A_305 : i32 to index
        %get3A_307 = arith.constant 0 : index
        %get3A_308 = tpu.vector_load %arg6[%get3A_306, %get3A_307] {strides = array<i32>} : memref<82x128xi32, #tpu.memory_space<vmem>>, vector<1x16xi32>,
        %get3A_309 = vector.shape_cast %get3A_308 : vector<1x16xi32> to vector<16xi32>
        %and3A_310 = arith.constant 16383 : i32
        %and3A_311 = vector.broadcast %and3A_310 : i32 to vector<16xi32>
        %and3A_312 = arith.andi %get3A_309, %and3A_311 : vector<16xi32>
        %swap3A_313 = arith.constant 0 : index
        %swap3A_314 = tpu.vector_load %arg7[%swap3A_313] {strides = array<i32>} : memref<64xi32, #tpu.memory_space<vmem>>, vector<16xi32>,
        %swap3A_315 = vector.shape_cast %swap3A_314 : vector<16xi32> to vector<16xi32>
        %swap3A_316 = vector.shape_cast %and3A_312 : vector<16xi32> to vector<16xi32>
        tpu.vector_store %arg7[%swap3A_313], %swap3A_316 {strides = array<i32>} : memref<64xi32, #tpu.memory_space<vmem>>, vector<16xi32>,
        %shift_right_logical3A_317 = arith.constant 14 : i32
        %shift_right_logical3A_318 = vector.broadcast %shift_right_logical3A_317 : i32 to vector<16xi32>
        %shift_right_logical3A_319 = arith.shrui %get3A_309, %shift_right_logical3A_318 : vector<16xi32>
        %swap3A_320 = arith.constant 0 : index
        %swap3A_321 = tpu.vector_load %arg11[%swap3A_320] {strides = array<i32>} : memref<64xi32, #tpu.memory_space<vmem>>, vector<16xi32>,
        %swap3A_322 = vector.shape_cast %swap3A_321 : vector<16xi32> to vector<16xi32>
        %swap3A_323 = vector.shape_cast %shift_right_logical3A_319 : vector<16xi32> to vector<16xi32>
        tpu.vector_store %arg11[%swap3A_320], %swap3A_323 {strides = array<i32>} : memref<64xi32, #tpu.memory_space<vmem>>, vector<16xi32>,
        %get3A_324 = arith.index_cast %add3A_305 : i32 to index
        %get3A_325 = arith.constant 16 : index
        %get3A_326 = tpu.vector_load %arg6[%get3A_324, %get3A_325] {strides = array<i32>} : memref<82x128xi32, #tpu.memory_space<vmem>>, vector<1x16xi32>,
        %get3A_327 = vector.shape_cast %get3A_326 : vector<1x16xi32> to vector<16xi32>
        %and3A_328 = arith.constant 16383 : i32
        %and3A_329 = vector.broadcast %and3A_328 : i32 to vector<16xi32>
        %and3A_330 = arith.andi %get3A_327, %and3A_329 : vector<16xi32>
        %swap3A_331 = arith.constant 16 : index
        %swap3A_332 = tpu.vector_load %arg7[%swap3A_331] {strides = array<i32>} : memref<64xi32, #tpu.memory_space<vmem>>, vector<16xi32>,
        %swap3A_333 = vector.shape_cast %swap3A_332 : vector<16xi32> to vector<16xi32>
        %swap3A_334 = vector.shape_cast %and3A_330 : vector<16xi32> to vector<16xi32>
        tpu.vector_store %arg7[%swap3A_331], %swap3A_334 {strides = array<i32>} : memref<64xi32, #tpu.memory_space<vmem>>, vector<16xi32>,
        %shift_right_logical3A_335 = arith.constant 14 : i32
        %shift_right_logical3A_336 = vector.broadcast %shift_right_logical3A_335 : i32 to vector<16xi32>
        %shift_right_logical3A_337 = arith.shrui %get3A_327, %shift_right_logical3A_336 : vector<16xi32>
        %swap3A_338 = arith.constant 16 : index
        %swap3A_339 = tpu.vector_load %arg11[%swap3A_338] {strides = array<i32>} : memref<64xi32, #tpu.memory_space<vmem>>, vector<16xi32>,
        %swap3A_340 = vector.shape_cast %swap3A_339 : vector<16xi32> to vector<16xi32>
        %swap3A_341 = vector.shape_cast %shift_right_logical3A_337 : vector<16xi32> to vector<16xi32>
        tpu.vector_store %arg11[%swap3A_338], %swap3A_341 {strides = array<i32>} : memref<64xi32, #tpu.memory_space<vmem>>, vector<16xi32>,
        %get3A_342 = arith.index_cast %add3A_305 : i32 to index
        %get3A_343 = arith.constant 32 : index
        %get3A_344 = tpu.vector_load %arg6[%get3A_342, %get3A_343] {strides = array<i32>} : memref<82x128xi32, #tpu.memory_space<vmem>>, vector<1x16xi32>,
        %get3A_345 = vector.shape_cast %get3A_344 : vector<1x16xi32> to vector<16xi32>
        %and3A_346 = arith.constant 16383 : i32
        %and3A_347 = vector.broadcast %and3A_346 : i32 to vector<16xi32>
        %and3A_348 = arith.andi %get3A_345, %and3A_347 : vector<16xi32>
        %swap3A_349 = arith.constant 32 : index
        %swap3A_350 = tpu.vector_load %arg7[%swap3A_349] {strides = array<i32>} : memref<64xi32, #tpu.memory_space<vmem>>, vector<16xi32>,
        %swap3A_351 = vector.shape_cast %swap3A_350 : vector<16xi32> to vector<16xi32>
        %swap3A_352 = vector.shape_cast %and3A_348 : vector<16xi32> to vector<16xi32>
        tpu.vector_store %arg7[%swap3A_349], %swap3A_352 {strides = array<i32>} : memref<64xi32, #tpu.memory_space<vmem>>, vector<16xi32>,
        %shift_right_logical3A_353 = arith.constant 14 : i32
        %shift_right_logical3A_354 = vector.broadcast %shift_right_logical3A_353 : i32 to vector<16xi32>
        %shift_right_logical3A_355 = arith.shrui %get3A_345, %shift_right_logical3A_354 : vector<16xi32>
        %swap3A_356 = arith.constant 32 : index
        %swap3A_357 = tpu.vector_load %arg11[%swap3A_356] {strides = array<i32>} : memref<64xi32, #tpu.memory_space<vmem>>, vector<16xi32>,
        %swap3A_358 = vector.shape_cast %swap3A_357 : vector<16xi32> to vector<16xi32>
        %swap3A_359 = vector.shape_cast %shift_right_logical3A_355 : vector<16xi32> to vector<16xi32>
        tpu.vector_store %arg11[%swap3A_356], %swap3A_359 {strides = array<i32>} : memref<64xi32, #tpu.memory_space<vmem>>, vector<16xi32>,
        %get3A_360 = arith.index_cast %add3A_305 : i32 to index
        %get3A_361 = arith.constant 48 : index
        %get3A_362 = tpu.vector_load %arg6[%get3A_360, %get3A_361] {strides = array<i32>} : memref<82x128xi32, #tpu.memory_space<vmem>>, vector<1x16xi32>,
        %get3A_363 = vector.shape_cast %get3A_362 : vector<1x16xi32> to vector<16xi32>
        %and3A_364 = arith.constant 16383 : i32
        %and3A_365 = vector.broadcast %and3A_364 : i32 to vector<16xi32>
        %and3A_366 = arith.andi %get3A_363, %and3A_365 : vector<16xi32>
        %swap3A_367 = arith.constant 48 : index
        %swap3A_368 = tpu.vector_load %arg7[%swap3A_367] {strides = array<i32>} : memref<64xi32, #tpu.memory_space<vmem>>, vector<16xi32>,
        %swap3A_369 = vector.shape_cast %swap3A_368 : vector<16xi32> to vector<16xi32>
        %swap3A_370 = vector.shape_cast %and3A_366 : vector<16xi32> to vector<16xi32>
        tpu.vector_store %arg7[%swap3A_367], %swap3A_370 {strides = array<i32>} : memref<64xi32, #tpu.memory_space<vmem>>, vector<16xi32>,
        %shift_right_logical3A_371 = arith.constant 14 : i32
        %shift_right_logical3A_372 = vector.broadcast %shift_right_logical3A_371 : i32 to vector<16xi32>
        %shift_right_logical3A_373 = arith.shrui %get3A_363, %shift_right_logical3A_372 : vector<16xi32>
        %swap3A_374 = arith.constant 48 : index
        %swap3A_375 = tpu.vector_load %arg11[%swap3A_374] {strides = array<i32>} : memref<64xi32, #tpu.memory_space<vmem>>, vector<16xi32>,
        %swap3A_376 = vector.shape_cast %swap3A_375 : vector<16xi32> to vector<16xi32>
        %swap3A_377 = vector.shape_cast %shift_right_logical3A_373 : vector<16xi32> to vector<16xi32>
        tpu.vector_store %arg11[%swap3A_374], %swap3A_377 {strides = array<i32>} : memref<64xi32, #tpu.memory_space<vmem>>, vector<16xi32>,
        %dma_start3A_378 = arith.constant 0 : i32
        %dma_start3A_379 = arith.constant 0 : i32
        %dma_start3A_380 = tpu.memref_slice %arg2[%dma_start3A_378, %dma_start3A_379] : memref<10240x128xf32, #tpu.memory_space<hbm>> -> memref<10240x128xf32, #tpu.memory_space<hbm>>
        tpu.enqueue_indirect_dma source(%dma_start3A_380 : memref<10240x128xf32, #tpu.memory_space<hbm>>) target(%arg15 : memref<64x128xf32, #tpu.memory_space<vmem>>) offsets(%arg7 : memref<64xi32, #tpu.memory_space<vmem>>) semaphore(%arg20 : memref<!tpu.dma_semaphore, #tpu.memory_space<semaphore_mem>>)
      } else {
      }
      %mul3A_280 = arith.constant 4 : i32
      %mul3A_281 = arith.muli %scan3A_217, %mul3A_280 : i32
      %add3A_282 = arith.constant 3 : i32
      %add3A_283 = arith.addi %mul3A_281, %add3A_282 : i32
      %dma_wait3A_284 = arith.constant 0 : i32
      %dma_wait3A_285 = arith.constant 0 : i32
      %dma_wait3A_286 = tpu.memref_slice %arg2[%dma_wait3A_284, %dma_wait3A_285] : memref<10240x128xf32, #tpu.memory_space<hbm>> -> memref<10240x128xf32, #tpu.memory_space<hbm>>
      tpu.wait_indirect_dma semaphore(%arg23 : memref<!tpu.dma_semaphore, #tpu.memory_space<semaphore_mem>>) src(%dma_wait3A_286 : memref<10240x128xf32, #tpu.memory_space<hbm>>) dst(%arg18 : memref<64x128xf32, #tpu.memory_space<vmem>>)
      %dma_start3A_287 = arith.constant 0 : i32
      %dma_start3A_288 = arith.constant 0 : i32
      %dma_start3A_289 = tpu.memref_slice %arg19[%dma_start3A_287, %dma_start3A_288] : memref<10240x128xf32, #tpu.memory_space<vmem_shared>> -> memref<10240x128xf32, #tpu.memory_space<vmem_shared>>
      tpu.enqueue_indirect_dma source(%arg18 : memref<64x128xf32, #tpu.memory_space<vmem>>) target(%dma_start3A_289 : memref<10240x128xf32, #tpu.memory_space<vmem_shared>>) offsets(%arg14 : memref<64xi32, #tpu.memory_space<vmem>>) semaphore(%arg27 : memref<!tpu.dma_semaphore, #tpu.memory_space<semaphore_mem>>) {add = true}
      %ge3A_290 = arith.constant 2 : i32
      %ge3A_291 = arith.cmpi sge, %add3A_283, %ge3A_290 : i32
      %convert_element_type3A_292 = arith.extui %ge3A_291 : i1 to i32
      %cond3A_293 = arith.constant 0 : i32
      %cond3A_294 = arith.cmpi ne, %convert_element_type3A_292, %cond3A_293 : i32
      scf.if %cond3A_294 {
        %dma_wait3A_302 = arith.constant 0 : i32
        %dma_wait3A_303 = arith.constant 0 : i32
        %dma_wait3A_304 = tpu.memref_slice %arg19[%dma_wait3A_302, %dma_wait3A_303] : memref<10240x128xf32, #tpu.memory_space<vmem_shared>> -> memref<10240x128xf32, #tpu.memory_space<vmem_shared>>
        tpu.wait_indirect_dma semaphore(%arg25 : memref<!tpu.dma_semaphore, #tpu.memory_space<semaphore_mem>>) src(%arg16 : memref<64x128xf32, #tpu.memory_space<vmem>>) dst(%dma_wait3A_304 : memref<10240x128xf32, #tpu.memory_space<vmem_shared>>)
      } else {
      }
      %add3A_295 = arith.constant 2 : i32
      %add3A_296 = arith.addi %add3A_283, %add3A_295 : i32
      %lt3A_297 = arith.constant 164 : i32
      %lt3A_298 = arith.cmpi slt, %add3A_296, %lt3A_297 : i32
      %convert_element_type3A_299 = arith.extui %lt3A_298 : i1 to i32
      %cond3A_300 = arith.constant 0 : i32
      %cond3A_301 = arith.cmpi ne, %convert_element_type3A_299, %cond3A_300 : i32
      scf.if %cond3A_301 {
        %mul3A_302 = arith.constant 2 : i32
        %mul3A_303 = arith.muli %scan3A_217, %mul3A_302 : i32
        %add3A_304 = arith.constant 2 : i32
        %add3A_305 = arith.addi %mul3A_303, %add3A_304 : i32
        %get3A_306 = arith.index_cast %add3A_305 : i32 to index
        %get3A_307 = arith.constant 64 : index
        %get3A_308 = tpu.vector_load %arg6[%get3A_306, %get3A_307] {strides = array<i32>} : memref<82x128xi32, #tpu.memory_space<vmem>>, vector<1x16xi32>,
        %get3A_309 = vector.shape_cast %get3A_308 : vector<1x16xi32> to vector<16xi32>
        %and3A_310 = arith.constant 16383 : i32
        %and3A_311 = vector.broadcast %and3A_310 : i32 to vector<16xi32>
        %and3A_312 = arith.andi %get3A_309, %and3A_311 : vector<16xi32>
        %swap3A_313 = arith.constant 0 : index
        %swap3A_314 = tpu.vector_load %arg8[%swap3A_313] {strides = array<i32>} : memref<64xi32, #tpu.memory_space<vmem>>, vector<16xi32>,
        %swap3A_315 = vector.shape_cast %swap3A_314 : vector<16xi32> to vector<16xi32>
        %swap3A_316 = vector.shape_cast %and3A_312 : vector<16xi32> to vector<16xi32>
        tpu.vector_store %arg8[%swap3A_313], %swap3A_316 {strides = array<i32>} : memref<64xi32, #tpu.memory_space<vmem>>, vector<16xi32>,
        %shift_right_logical3A_317 = arith.constant 14 : i32
        %shift_right_logical3A_318 = vector.broadcast %shift_right_logical3A_317 : i32 to vector<16xi32>
        %shift_right_logical3A_319 = arith.shrui %get3A_309, %shift_right_logical3A_318 : vector<16xi32>
        %swap3A_320 = arith.constant 0 : index
        %swap3A_321 = tpu.vector_load %arg12[%swap3A_320] {strides = array<i32>} : memref<64xi32, #tpu.memory_space<vmem>>, vector<16xi32>,
        %swap3A_322 = vector.shape_cast %swap3A_321 : vector<16xi32> to vector<16xi32>
        %swap3A_323 = vector.shape_cast %shift_right_logical3A_319 : vector<16xi32> to vector<16xi32>
        tpu.vector_store %arg12[%swap3A_320], %swap3A_323 {strides = array<i32>} : memref<64xi32, #tpu.memory_space<vmem>>, vector<16xi32>,
        %get3A_324 = arith.index_cast %add3A_305 : i32 to index
        %get3A_325 = arith.constant 80 : index
        %get3A_326 = tpu.vector_load %arg6[%get3A_324, %get3A_325] {strides = array<i32>} : memref<82x128xi32, #tpu.memory_space<vmem>>, vector<1x16xi32>,
        %get3A_327 = vector.shape_cast %get3A_326 : vector<1x16xi32> to vector<16xi32>
        %and3A_328 = arith.constant 16383 : i32
        %and3A_329 = vector.broadcast %and3A_328 : i32 to vector<16xi32>
        %and3A_330 = arith.andi %get3A_327, %and3A_329 : vector<16xi32>
        %swap3A_331 = arith.constant 16 : index
        %swap3A_332 = tpu.vector_load %arg8[%swap3A_331] {strides = array<i32>} : memref<64xi32, #tpu.memory_space<vmem>>, vector<16xi32>,
        %swap3A_333 = vector.shape_cast %swap3A_332 : vector<16xi32> to vector<16xi32>
        %swap3A_334 = vector.shape_cast %and3A_330 : vector<16xi32> to vector<16xi32>
        tpu.vector_store %arg8[%swap3A_331], %swap3A_334 {strides = array<i32>} : memref<64xi32, #tpu.memory_space<vmem>>, vector<16xi32>,
        %shift_right_logical3A_335 = arith.constant 14 : i32
        %shift_right_logical3A_336 = vector.broadcast %shift_right_logical3A_335 : i32 to vector<16xi32>
        %shift_right_logical3A_337 = arith.shrui %get3A_327, %shift_right_logical3A_336 : vector<16xi32>
        %swap3A_338 = arith.constant 16 : index
        %swap3A_339 = tpu.vector_load %arg12[%swap3A_338] {strides = array<i32>} : memref<64xi32, #tpu.memory_space<vmem>>, vector<16xi32>,
        %swap3A_340 = vector.shape_cast %swap3A_339 : vector<16xi32> to vector<16xi32>
        %swap3A_341 = vector.shape_cast %shift_right_logical3A_337 : vector<16xi32> to vector<16xi32>
        tpu.vector_store %arg12[%swap3A_338], %swap3A_341 {strides = array<i32>} : memref<64xi32, #tpu.memory_space<vmem>>, vector<16xi32>,
        %get3A_342 = arith.index_cast %add3A_305 : i32 to index
        %get3A_343 = arith.constant 96 : index
        %get3A_344 = tpu.vector_load %arg6[%get3A_342, %get3A_343] {strides = array<i32>} : memref<82x128xi32, #tpu.memory_space<vmem>>, vector<1x16xi32>,
        %get3A_345 = vector.shape_cast %get3A_344 : vector<1x16xi32> to vector<16xi32>
        %and3A_346 = arith.constant 16383 : i32
        %and3A_347 = vector.broadcast %and3A_346 : i32 to vector<16xi32>
        %and3A_348 = arith.andi %get3A_345, %and3A_347 : vector<16xi32>
        %swap3A_349 = arith.constant 32 : index
        %swap3A_350 = tpu.vector_load %arg8[%swap3A_349] {strides = array<i32>} : memref<64xi32, #tpu.memory_space<vmem>>, vector<16xi32>,
        %swap3A_351 = vector.shape_cast %swap3A_350 : vector<16xi32> to vector<16xi32>
        %swap3A_352 = vector.shape_cast %and3A_348 : vector<16xi32> to vector<16xi32>
        tpu.vector_store %arg8[%swap3A_349], %swap3A_352 {strides = array<i32>} : memref<64xi32, #tpu.memory_space<vmem>>, vector<16xi32>,
        %shift_right_logical3A_353 = arith.constant 14 : i32
        %shift_right_logical3A_354 = vector.broadcast %shift_right_logical3A_353 : i32 to vector<16xi32>
        %shift_right_logical3A_355 = arith.shrui %get3A_345, %shift_right_logical3A_354 : vector<16xi32>
        %swap3A_356 = arith.constant 32 : index
        %swap3A_357 = tpu.vector_load %arg12[%swap3A_356] {strides = array<i32>} : memref<64xi32, #tpu.memory_space<vmem>>, vector<16xi32>,
        %swap3A_358 = vector.shape_cast %swap3A_357 : vector<16xi32> to vector<16xi32>
        %swap3A_359 = vector.shape_cast %shift_right_logical3A_355 : vector<16xi32> to vector<16xi32>
        tpu.vector_store %arg12[%swap3A_356], %swap3A_359 {strides = array<i32>} : memref<64xi32, #tpu.memory_space<vmem>>, vector<16xi32>,
        %get3A_360 = arith.index_cast %add3A_305 : i32 to index
        %get3A_361 = arith.constant 112 : index
        %get3A_362 = tpu.vector_load %arg6[%get3A_360, %get3A_361] {strides = array<i32>} : memref<82x128xi32, #tpu.memory_space<vmem>>, vector<1x16xi32>,
        %get3A_363 = vector.shape_cast %get3A_362 : vector<1x16xi32> to vector<16xi32>
        %and3A_364 = arith.constant 16383 : i32
        %and3A_365 = vector.broadcast %and3A_364 : i32 to vector<16xi32>
        %and3A_366 = arith.andi %get3A_363, %and3A_365 : vector<16xi32>
        %swap3A_367 = arith.constant 48 : index
        %swap3A_368 = tpu.vector_load %arg8[%swap3A_367] {strides = array<i32>} : memref<64xi32, #tpu.memory_space<vmem>>, vector<16xi32>,
        %swap3A_369 = vector.shape_cast %swap3A_368 : vector<16xi32> to vector<16xi32>
        %swap3A_370 = vector.shape_cast %and3A_366 : vector<16xi32> to vector<16xi32>
        tpu.vector_store %arg8[%swap3A_367], %swap3A_370 {strides = array<i32>} : memref<64xi32, #tpu.memory_space<vmem>>, vector<16xi32>,
        %shift_right_logical3A_371 = arith.constant 14 : i32
        %shift_right_logical3A_372 = vector.broadcast %shift_right_logical3A_371 : i32 to vector<16xi32>
        %shift_right_logical3A_373 = arith.shrui %get3A_363, %shift_right_logical3A_372 : vector<16xi32>
        %swap3A_374 = arith.constant 48 : index
        %swap3A_375 = tpu.vector_load %arg12[%swap3A_374] {strides = array<i32>} : memref<64xi32, #tpu.memory_space<vmem>>, vector<16xi32>,
        %swap3A_376 = vector.shape_cast %swap3A_375 : vector<16xi32> to vector<16xi32>
        %swap3A_377 = vector.shape_cast %shift_right_logical3A_373 : vector<16xi32> to vector<16xi32>
        tpu.vector_store %arg12[%swap3A_374], %swap3A_377 {strides = array<i32>} : memref<64xi32, #tpu.memory_space<vmem>>, vector<16xi32>,
        %dma_start3A_378 = arith.constant 0 : i32
        %dma_start3A_379 = arith.constant 0 : i32
        %dma_start3A_380 = tpu.memref_slice %arg2[%dma_start3A_378, %dma_start3A_379] : memref<10240x128xf32, #tpu.memory_space<hbm>> -> memref<10240x128xf32, #tpu.memory_space<hbm>>
        tpu.enqueue_indirect_dma source(%dma_start3A_380 : memref<10240x128xf32, #tpu.memory_space<hbm>>) target(%arg16 : memref<64x128xf32, #tpu.memory_space<vmem>>) offsets(%arg8 : memref<64xi32, #tpu.memory_space<vmem>>) semaphore(%arg21 : memref<!tpu.dma_semaphore, #tpu.memory_space<semaphore_mem>>)
      } else {
      }
    }
    %scan3A_207 = arith.constant 41 : i32
    %dma_wait3A = arith.constant 0 : i32
    %dma_wait3A_208 = arith.constant 0 : i32
    %dma_wait3A_209 = tpu.memref_slice %arg19[%dma_wait3A, %dma_wait3A_208] : memref<10240x128xf32, #tpu.memory_space<vmem_shared>> -> memref<10240x128xf32, #tpu.memory_space<vmem_shared>>
    tpu.wait_indirect_dma semaphore(%arg26 : memref<!tpu.dma_semaphore, #tpu.memory_space<semaphore_mem>>) src(%arg17 : memref<64x128xf32, #tpu.memory_space<vmem>>) dst(%dma_wait3A_209 : memref<10240x128xf32, #tpu.memory_space<vmem_shared>>)
    %dma_wait3A_210 = arith.constant 0 : i32
    %dma_wait3A_211 = arith.constant 0 : i32
    %dma_wait3A_212 = tpu.memref_slice %arg19[%dma_wait3A_210, %dma_wait3A_211] : memref<10240x128xf32, #tpu.memory_space<vmem_shared>> -> memref<10240x128xf32, #tpu.memory_space<vmem_shared>>
    tpu.wait_indirect_dma semaphore(%arg27 : memref<!tpu.dma_semaphore, #tpu.memory_space<semaphore_mem>>) src(%arg18 : memref<64x128xf32, #tpu.memory_space<vmem>>) dst(%dma_wait3A_212 : memref<10240x128xf32, #tpu.memory_space<vmem_shared>>)
    %barrier3A_213 = arith.constant 0 : index
    tpu.barrier barrier_id(%barrier3A_213)
    %mul3A_214 = arith.constant 640 : i32
    %mul3A_215 = arith.muli %arg1, %mul3A_214 : i32
    %multiple_of3A_216 = tpu.assume_multiple %mul3A_215, 8 : i32
    "tpu.region"() ({
      %run_scoped3A = tpu.sem_alloc : memref<!tpu.dma_semaphore, #tpu.memory_space<semaphore_mem>>
      %dma_start3A_217 = arith.constant 0 : i32
      %dma_start3A_218 = tpu.memref_slice %arg5[%arg0, %multiple_of3A_216, %dma_start3A_217] : memref<2x10240x128xf32, #tpu.memory_space<hbm>> -> memref<1x640x128xf32, #tpu.memory_space<hbm>>
      %dma_start3A_219 = tpu.memref_squeeze %dma_start3A_218 : memref<1x640x128xf32, #tpu.memory_space<hbm>> -> memref<640x128xf32, #tpu.memory_space<hbm>>
      %dma_start3A_220 = arith.constant 0 : i32
      %dma_start3A_221 = tpu.memref_slice %arg19[%multiple_of3A_216, %dma_start3A_220] : memref<10240x128xf32, #tpu.memory_space<vmem_shared>> -> memref<640x128xf32, #tpu.memory_space<vmem_shared>>
      tpu.enqueue_dma source(%dma_start3A_221 : memref<640x128xf32, #tpu.memory_space<vmem_shared>>) target(%dma_start3A_219 : memref<640x128xf32, #tpu.memory_space<hbm>>) target_semaphore(%run_scoped3A : memref<!tpu.dma_semaphore, #tpu.memory_space<semaphore_mem>>)
      %dma_wait3A_222 = arith.constant 0 : i32
      %dma_wait3A_223 = tpu.memref_slice %arg5[%arg0, %multiple_of3A_216, %dma_wait3A_222] : memref<2x10240x128xf32, #tpu.memory_space<hbm>> -> memref<1x640x128xf32, #tpu.memory_space<hbm>>
      %dma_wait3A_224 = tpu.memref_squeeze %dma_wait3A_223 : memref<1x640x128xf32, #tpu.memory_space<hbm>> -> memref<640x128xf32, #tpu.memory_space<hbm>>
      %dma_wait3A_225 = arith.constant 0 : i32
      %dma_wait3A_226 = tpu.memref_slice %arg19[%multiple_of3A_216, %dma_wait3A_225] : memref<10240x128xf32, #tpu.memory_space<vmem_shared>> -> memref<640x128xf32, #tpu.memory_space<vmem_shared>>
      tpu.wait_dma2 semaphore(%run_scoped3A : memref<!tpu.dma_semaphore, #tpu.memory_space<semaphore_mem>>) src(%dma_wait3A_226 : memref<640x128xf32, #tpu.memory_space<vmem_shared>>) dst(%dma_wait3A_224 : memref<640x128xf32, #tpu.memory_space<hbm>>)
      tpu.yield
    }) : () -> ()
    return
  }
}

#map = affine_map<(d0, d1) -> (0, 0, 0)>
#map1 = affine_map<(d0, d1) -> (0, 0)>
module attributes {stable_mosaic.version = 14 : i64} {
  func.func @_deg_kernel(%arg0: i32, %arg1: i32, %arg2: memref<32x164x64xi32, #tpu.memory_space<hbm>>, %arg3: memref<64x16xf32, #tpu.memory_space<hbm>>, %arg4: memref<64x16xf32, #tpu.memory_space<hbm>>, %arg5: memref<2x10240x16xf32, #tpu.memory_space<hbm>>, %arg6: memref<164x64xi32, #tpu.memory_space<vmem>>, %arg7: memref<64x16xf32, #tpu.memory_space<vmem>>, %arg8: memref<64x16xf32, #tpu.memory_space<vmem>>, %arg9: memref<10240x16xf32, #tpu.memory_space<vmem_shared>>, %arg10: memref<!tpu.dma_semaphore, #tpu.memory_space<semaphore_mem>>) attributes {dimension_semantics = [#tpu.dimension_semantics<core_parallel>, #tpu.dimension_semantics<subcore_parallel>], iteration_bounds = array<i64: 2, 16>, scalar_prefetch = 0 : i64, scratch_operands = 5 : i64, tpu.core_type = #tpu.core_type<sc_vector_subcore>, window_params = [{transform_indices = #map}, {transform_indices = #map1}, {transform_indices = #map1}, {transform_indices = #map}]} {
    %mul3A = arith.constant 2 : i32
    %mul3A_0 = arith.muli %arg1, %mul3A : i32
    %add3A = arith.addi %mul3A_0, %arg0 : i32
    "tpu.region"() ({
      %run_scoped3A = tpu.sem_alloc : memref<!tpu.dma_semaphore, #tpu.memory_space<semaphore_mem>>
      %dma_start3A = arith.constant 0 : i32
      %dma_start3A_65 = arith.constant 0 : i32
      %dma_start3A_66 = tpu.memref_slice %arg2[%add3A, %dma_start3A, %dma_start3A_65] : memref<32x164x64xi32, #tpu.memory_space<hbm>> -> memref<1x164x64xi32, #tpu.memory_space<hbm>>
      %dma_start3A_67 = tpu.memref_squeeze %dma_start3A_66 : memref<1x164x64xi32, #tpu.memory_space<hbm>> -> memref<164x64xi32, #tpu.memory_space<hbm>>
      %dma_start3A_68 = arith.constant 0 : i32
      %dma_start3A_69 = arith.constant 0 : i32
      %dma_start3A_70 = tpu.memref_slice %arg2[%add3A, %dma_start3A_68, %dma_start3A_69] : memref<32x164x64xi32, #tpu.memory_space<hbm>> -> memref<1x164x64xi32, #tpu.memory_space<hbm>>
      %dma_start3A_71 = tpu.memref_squeeze %dma_start3A_70 : memref<1x164x64xi32, #tpu.memory_space<hbm>> -> memref<164x64xi32, #tpu.memory_space<hbm>>
      tpu.enqueue_dma source(%dma_start3A_71 : memref<164x64xi32, #tpu.memory_space<hbm>>) target(%arg6 : memref<164x64xi32, #tpu.memory_space<vmem>>) target_semaphore(%run_scoped3A : memref<!tpu.dma_semaphore, #tpu.memory_space<semaphore_mem>>)
      %dma_wait3A = arith.constant 0 : i32
      %dma_wait3A_72 = arith.constant 0 : i32
      %dma_wait3A_73 = tpu.memref_slice %arg2[%add3A, %dma_wait3A, %dma_wait3A_72] : memref<32x164x64xi32, #tpu.memory_space<hbm>> -> memref<1x164x64xi32, #tpu.memory_space<hbm>>
      %dma_wait3A_74 = tpu.memref_squeeze %dma_wait3A_73 : memref<1x164x64xi32, #tpu.memory_space<hbm>> -> memref<164x64xi32, #tpu.memory_space<hbm>>
      %dma_wait3A_75 = arith.constant 0 : i32
      %dma_wait3A_76 = arith.constant 0 : i32
      %dma_wait3A_77 = tpu.memref_slice %arg2[%add3A, %dma_wait3A_75, %dma_wait3A_76] : memref<32x164x64xi32, #tpu.memory_space<hbm>> -> memref<1x164x64xi32, #tpu.memory_space<hbm>>
      %dma_wait3A_78 = tpu.memref_squeeze %dma_wait3A_77 : memref<1x164x64xi32, #tpu.memory_space<hbm>> -> memref<164x64xi32, #tpu.memory_space<hbm>>
      tpu.wait_dma2 semaphore(%run_scoped3A : memref<!tpu.dma_semaphore, #tpu.memory_space<semaphore_mem>>) src(%dma_wait3A_78 : memref<164x64xi32, #tpu.memory_space<hbm>>) dst(%arg6 : memref<164x64xi32, #tpu.memory_space<vmem>>)
      tpu.yield
    }) : () -> ()
    "tpu.region"() ({
      %run_scoped3A = tpu.sem_alloc : memref<!tpu.dma_semaphore, #tpu.memory_space<semaphore_mem>>
      tpu.enqueue_dma source(%arg4 : memref<64x16xf32, #tpu.memory_space<hbm>>) target(%arg8 : memref<64x16xf32, #tpu.memory_space<vmem>>) target_semaphore(%run_scoped3A : memref<!tpu.dma_semaphore, #tpu.memory_space<semaphore_mem>>)
      tpu.wait_dma2 semaphore(%run_scoped3A : memref<!tpu.dma_semaphore, #tpu.memory_space<semaphore_mem>>) src(%arg4 : memref<64x16xf32, #tpu.memory_space<hbm>>) dst(%arg8 : memref<64x16xf32, #tpu.memory_space<vmem>>)
      tpu.yield
    }) : () -> ()
    "tpu.region"() ({
      %run_scoped3A = tpu.sem_alloc : memref<!tpu.dma_semaphore, #tpu.memory_space<semaphore_mem>>
      tpu.enqueue_dma source(%arg3 : memref<64x16xf32, #tpu.memory_space<hbm>>) target(%arg7 : memref<64x16xf32, #tpu.memory_space<vmem>>) target_semaphore(%run_scoped3A : memref<!tpu.dma_semaphore, #tpu.memory_space<semaphore_mem>>)
      tpu.wait_dma2 semaphore(%run_scoped3A : memref<!tpu.dma_semaphore, #tpu.memory_space<semaphore_mem>>) src(%arg3 : memref<64x16xf32, #tpu.memory_space<hbm>>) dst(%arg7 : memref<64x16xf32, #tpu.memory_space<vmem>>)
      tpu.yield
    }) : () -> ()
    %mul3A_1 = arith.constant 640 : i32
    %mul3A_2 = arith.muli %arg1, %mul3A_1 : i32
    %add3A_3 = arith.constant 0 : i32
    %add3A_4 = arith.addi %mul3A_2, %add3A_3 : i32
    %multiple_of3A = tpu.assume_multiple %add3A_4, 64 : i32
    "tpu.region"() ({
      %run_scoped3A = tpu.sem_alloc : memref<!tpu.dma_semaphore, #tpu.memory_space<semaphore_mem>>
      %dma_start3A = arith.constant 0 : i32
      %dma_start3A_65 = tpu.memref_slice %arg9[%multiple_of3A, %dma_start3A] : memref<10240x16xf32, #tpu.memory_space<vmem_shared>> -> memref<64x16xf32, #tpu.memory_space<vmem_shared>>
      %dma_start3A_66 = arith.constant 0 : i32
      %dma_start3A_67 = tpu.memref_slice %arg9[%multiple_of3A, %dma_start3A_66] : memref<10240x16xf32, #tpu.memory_space<vmem_shared>> -> memref<64x16xf32, #tpu.memory_space<vmem_shared>>
      tpu.enqueue_dma source(%arg8 : memref<64x16xf32, #tpu.memory_space<vmem>>) target(%dma_start3A_67 : memref<64x16xf32, #tpu.memory_space<vmem_shared>>) target_semaphore(%run_scoped3A : memref<!tpu.dma_semaphore, #tpu.memory_space<semaphore_mem>>)
      %dma_wait3A = arith.constant 0 : i32
      %dma_wait3A_68 = tpu.memref_slice %arg9[%multiple_of3A, %dma_wait3A] : memref<10240x16xf32, #tpu.memory_space<vmem_shared>> -> memref<64x16xf32, #tpu.memory_space<vmem_shared>>
      %dma_wait3A_69 = arith.constant 0 : i32
      %dma_wait3A_70 = tpu.memref_slice %arg9[%multiple_of3A, %dma_wait3A_69] : memref<10240x16xf32, #tpu.memory_space<vmem_shared>> -> memref<64x16xf32, #tpu.memory_space<vmem_shared>>
      tpu.wait_dma2 semaphore(%run_scoped3A : memref<!tpu.dma_semaphore, #tpu.memory_space<semaphore_mem>>) src(%arg8 : memref<64x16xf32, #tpu.memory_space<vmem>>) dst(%dma_wait3A_70 : memref<64x16xf32, #tpu.memory_space<vmem_shared>>)
      tpu.yield
    }) : () -> ()
    %mul3A_5 = arith.constant 640 : i32
    %mul3A_6 = arith.muli %arg1, %mul3A_5 : i32
    %add3A_7 = arith.constant 64 : i32
    %add3A_8 = arith.addi %mul3A_6, %add3A_7 : i32
    %multiple_of3A_9 = tpu.assume_multiple %add3A_8, 64 : i32
    "tpu.region"() ({
      %run_scoped3A = tpu.sem_alloc : memref<!tpu.dma_semaphore, #tpu.memory_space<semaphore_mem>>
      %dma_start3A = arith.constant 0 : i32
      %dma_start3A_65 = tpu.memref_slice %arg9[%multiple_of3A_9, %dma_start3A] : memref<10240x16xf32, #tpu.memory_space<vmem_shared>> -> memref<64x16xf32, #tpu.memory_space<vmem_shared>>
      %dma_start3A_66 = arith.constant 0 : i32
      %dma_start3A_67 = tpu.memref_slice %arg9[%multiple_of3A_9, %dma_start3A_66] : memref<10240x16xf32, #tpu.memory_space<vmem_shared>> -> memref<64x16xf32, #tpu.memory_space<vmem_shared>>
      tpu.enqueue_dma source(%arg8 : memref<64x16xf32, #tpu.memory_space<vmem>>) target(%dma_start3A_67 : memref<64x16xf32, #tpu.memory_space<vmem_shared>>) target_semaphore(%run_scoped3A : memref<!tpu.dma_semaphore, #tpu.memory_space<semaphore_mem>>)
      %dma_wait3A = arith.constant 0 : i32
      %dma_wait3A_68 = tpu.memref_slice %arg9[%multiple_of3A_9, %dma_wait3A] : memref<10240x16xf32, #tpu.memory_space<vmem_shared>> -> memref<64x16xf32, #tpu.memory_space<vmem_shared>>
      %dma_wait3A_69 = arith.constant 0 : i32
      %dma_wait3A_70 = tpu.memref_slice %arg9[%multiple_of3A_9, %dma_wait3A_69] : memref<10240x16xf32, #tpu.memory_space<vmem_shared>> -> memref<64x16xf32, #tpu.memory_space<vmem_shared>>
      tpu.wait_dma2 semaphore(%run_scoped3A : memref<!tpu.dma_semaphore, #tpu.memory_space<semaphore_mem>>) src(%arg8 : memref<64x16xf32, #tpu.memory_space<vmem>>) dst(%dma_wait3A_70 : memref<64x16xf32, #tpu.memory_space<vmem_shared>>)
      tpu.yield
    }) : () -> ()
    %mul3A_10 = arith.constant 640 : i32
    %mul3A_11 = arith.muli %arg1, %mul3A_10 : i32
    %add3A_12 = arith.constant 128 : i32
    %add3A_13 = arith.addi %mul3A_11, %add3A_12 : i32
    %multiple_of3A_14 = tpu.assume_multiple %add3A_13, 64 : i32
    "tpu.region"() ({
      %run_scoped3A = tpu.sem_alloc : memref<!tpu.dma_semaphore, #tpu.memory_space<semaphore_mem>>
      %dma_start3A = arith.constant 0 : i32
      %dma_start3A_65 = tpu.memref_slice %arg9[%multiple_of3A_14, %dma_start3A] : memref<10240x16xf32, #tpu.memory_space<vmem_shared>> -> memref<64x16xf32, #tpu.memory_space<vmem_shared>>
      %dma_start3A_66 = arith.constant 0 : i32
      %dma_start3A_67 = tpu.memref_slice %arg9[%multiple_of3A_14, %dma_start3A_66] : memref<10240x16xf32, #tpu.memory_space<vmem_shared>> -> memref<64x16xf32, #tpu.memory_space<vmem_shared>>
      tpu.enqueue_dma source(%arg8 : memref<64x16xf32, #tpu.memory_space<vmem>>) target(%dma_start3A_67 : memref<64x16xf32, #tpu.memory_space<vmem_shared>>) target_semaphore(%run_scoped3A : memref<!tpu.dma_semaphore, #tpu.memory_space<semaphore_mem>>)
      %dma_wait3A = arith.constant 0 : i32
      %dma_wait3A_68 = tpu.memref_slice %arg9[%multiple_of3A_14, %dma_wait3A] : memref<10240x16xf32, #tpu.memory_space<vmem_shared>> -> memref<64x16xf32, #tpu.memory_space<vmem_shared>>
      %dma_wait3A_69 = arith.constant 0 : i32
      %dma_wait3A_70 = tpu.memref_slice %arg9[%multiple_of3A_14, %dma_wait3A_69] : memref<10240x16xf32, #tpu.memory_space<vmem_shared>> -> memref<64x16xf32, #tpu.memory_space<vmem_shared>>
      tpu.wait_dma2 semaphore(%run_scoped3A : memref<!tpu.dma_semaphore, #tpu.memory_space<semaphore_mem>>) src(%arg8 : memref<64x16xf32, #tpu.memory_space<vmem>>) dst(%dma_wait3A_70 : memref<64x16xf32, #tpu.memory_space<vmem_shared>>)
      tpu.yield
    }) : () -> ()
    %mul3A_15 = arith.constant 640 : i32
    %mul3A_16 = arith.muli %arg1, %mul3A_15 : i32
    %add3A_17 = arith.constant 192 : i32
    %add3A_18 = arith.addi %mul3A_16, %add3A_17 : i32
    %multiple_of3A_19 = tpu.assume_multiple %add3A_18, 64 : i32
    "tpu.region"() ({
      %run_scoped3A = tpu.sem_alloc : memref<!tpu.dma_semaphore, #tpu.memory_space<semaphore_mem>>
      %dma_start3A = arith.constant 0 : i32
      %dma_start3A_65 = tpu.memref_slice %arg9[%multiple_of3A_19, %dma_start3A] : memref<10240x16xf32, #tpu.memory_space<vmem_shared>> -> memref<64x16xf32, #tpu.memory_space<vmem_shared>>
      %dma_start3A_66 = arith.constant 0 : i32
      %dma_start3A_67 = tpu.memref_slice %arg9[%multiple_of3A_19, %dma_start3A_66] : memref<10240x16xf32, #tpu.memory_space<vmem_shared>> -> memref<64x16xf32, #tpu.memory_space<vmem_shared>>
      tpu.enqueue_dma source(%arg8 : memref<64x16xf32, #tpu.memory_space<vmem>>) target(%dma_start3A_67 : memref<64x16xf32, #tpu.memory_space<vmem_shared>>) target_semaphore(%run_scoped3A : memref<!tpu.dma_semaphore, #tpu.memory_space<semaphore_mem>>)
      %dma_wait3A = arith.constant 0 : i32
      %dma_wait3A_68 = tpu.memref_slice %arg9[%multiple_of3A_19, %dma_wait3A] : memref<10240x16xf32, #tpu.memory_space<vmem_shared>> -> memref<64x16xf32, #tpu.memory_space<vmem_shared>>
      %dma_wait3A_69 = arith.constant 0 : i32
      %dma_wait3A_70 = tpu.memref_slice %arg9[%multiple_of3A_19, %dma_wait3A_69] : memref<10240x16xf32, #tpu.memory_space<vmem_shared>> -> memref<64x16xf32, #tpu.memory_space<vmem_shared>>
      tpu.wait_dma2 semaphore(%run_scoped3A : memref<!tpu.dma_semaphore, #tpu.memory_space<semaphore_mem>>) src(%arg8 : memref<64x16xf32, #tpu.memory_space<vmem>>) dst(%dma_wait3A_70 : memref<64x16xf32, #tpu.memory_space<vmem_shared>>)
      tpu.yield
    }) : () -> ()
    %mul3A_20 = arith.constant 640 : i32
    %mul3A_21 = arith.muli %arg1, %mul3A_20 : i32
    %add3A_22 = arith.constant 256 : i32
    %add3A_23 = arith.addi %mul3A_21, %add3A_22 : i32
    %multiple_of3A_24 = tpu.assume_multiple %add3A_23, 64 : i32
    "tpu.region"() ({
      %run_scoped3A = tpu.sem_alloc : memref<!tpu.dma_semaphore, #tpu.memory_space<semaphore_mem>>
      %dma_start3A = arith.constant 0 : i32
      %dma_start3A_65 = tpu.memref_slice %arg9[%multiple_of3A_24, %dma_start3A] : memref<10240x16xf32, #tpu.memory_space<vmem_shared>> -> memref<64x16xf32, #tpu.memory_space<vmem_shared>>
      %dma_start3A_66 = arith.constant 0 : i32
      %dma_start3A_67 = tpu.memref_slice %arg9[%multiple_of3A_24, %dma_start3A_66] : memref<10240x16xf32, #tpu.memory_space<vmem_shared>> -> memref<64x16xf32, #tpu.memory_space<vmem_shared>>
      tpu.enqueue_dma source(%arg8 : memref<64x16xf32, #tpu.memory_space<vmem>>) target(%dma_start3A_67 : memref<64x16xf32, #tpu.memory_space<vmem_shared>>) target_semaphore(%run_scoped3A : memref<!tpu.dma_semaphore, #tpu.memory_space<semaphore_mem>>)
      %dma_wait3A = arith.constant 0 : i32
      %dma_wait3A_68 = tpu.memref_slice %arg9[%multiple_of3A_24, %dma_wait3A] : memref<10240x16xf32, #tpu.memory_space<vmem_shared>> -> memref<64x16xf32, #tpu.memory_space<vmem_shared>>
      %dma_wait3A_69 = arith.constant 0 : i32
      %dma_wait3A_70 = tpu.memref_slice %arg9[%multiple_of3A_24, %dma_wait3A_69] : memref<10240x16xf32, #tpu.memory_space<vmem_shared>> -> memref<64x16xf32, #tpu.memory_space<vmem_shared>>
      tpu.wait_dma2 semaphore(%run_scoped3A : memref<!tpu.dma_semaphore, #tpu.memory_space<semaphore_mem>>) src(%arg8 : memref<64x16xf32, #tpu.memory_space<vmem>>) dst(%dma_wait3A_70 : memref<64x16xf32, #tpu.memory_space<vmem_shared>>)
      tpu.yield
    }) : () -> ()
    %mul3A_25 = arith.constant 640 : i32
    %mul3A_26 = arith.muli %arg1, %mul3A_25 : i32
    %add3A_27 = arith.constant 320 : i32
    %add3A_28 = arith.addi %mul3A_26, %add3A_27 : i32
    %multiple_of3A_29 = tpu.assume_multiple %add3A_28, 64 : i32
    "tpu.region"() ({
      %run_scoped3A = tpu.sem_alloc : memref<!tpu.dma_semaphore, #tpu.memory_space<semaphore_mem>>
      %dma_start3A = arith.constant 0 : i32
      %dma_start3A_65 = tpu.memref_slice %arg9[%multiple_of3A_29, %dma_start3A] : memref<10240x16xf32, #tpu.memory_space<vmem_shared>> -> memref<64x16xf32, #tpu.memory_space<vmem_shared>>
      %dma_start3A_66 = arith.constant 0 : i32
      %dma_start3A_67 = tpu.memref_slice %arg9[%multiple_of3A_29, %dma_start3A_66] : memref<10240x16xf32, #tpu.memory_space<vmem_shared>> -> memref<64x16xf32, #tpu.memory_space<vmem_shared>>
      tpu.enqueue_dma source(%arg8 : memref<64x16xf32, #tpu.memory_space<vmem>>) target(%dma_start3A_67 : memref<64x16xf32, #tpu.memory_space<vmem_shared>>) target_semaphore(%run_scoped3A : memref<!tpu.dma_semaphore, #tpu.memory_space<semaphore_mem>>)
      %dma_wait3A = arith.constant 0 : i32
      %dma_wait3A_68 = tpu.memref_slice %arg9[%multiple_of3A_29, %dma_wait3A] : memref<10240x16xf32, #tpu.memory_space<vmem_shared>> -> memref<64x16xf32, #tpu.memory_space<vmem_shared>>
      %dma_wait3A_69 = arith.constant 0 : i32
      %dma_wait3A_70 = tpu.memref_slice %arg9[%multiple_of3A_29, %dma_wait3A_69] : memref<10240x16xf32, #tpu.memory_space<vmem_shared>> -> memref<64x16xf32, #tpu.memory_space<vmem_shared>>
      tpu.wait_dma2 semaphore(%run_scoped3A : memref<!tpu.dma_semaphore, #tpu.memory_space<semaphore_mem>>) src(%arg8 : memref<64x16xf32, #tpu.memory_space<vmem>>) dst(%dma_wait3A_70 : memref<64x16xf32, #tpu.memory_space<vmem_shared>>)
      tpu.yield
    }) : () -> ()
    %mul3A_30 = arith.constant 640 : i32
    %mul3A_31 = arith.muli %arg1, %mul3A_30 : i32
    %add3A_32 = arith.constant 384 : i32
    %add3A_33 = arith.addi %mul3A_31, %add3A_32 : i32
    %multiple_of3A_34 = tpu.assume_multiple %add3A_33, 64 : i32
    "tpu.region"() ({
      %run_scoped3A = tpu.sem_alloc : memref<!tpu.dma_semaphore, #tpu.memory_space<semaphore_mem>>
      %dma_start3A = arith.constant 0 : i32
      %dma_start3A_65 = tpu.memref_slice %arg9[%multiple_of3A_34, %dma_start3A] : memref<10240x16xf32, #tpu.memory_space<vmem_shared>> -> memref<64x16xf32, #tpu.memory_space<vmem_shared>>
      %dma_start3A_66 = arith.constant 0 : i32
      %dma_start3A_67 = tpu.memref_slice %arg9[%multiple_of3A_34, %dma_start3A_66] : memref<10240x16xf32, #tpu.memory_space<vmem_shared>> -> memref<64x16xf32, #tpu.memory_space<vmem_shared>>
      tpu.enqueue_dma source(%arg8 : memref<64x16xf32, #tpu.memory_space<vmem>>) target(%dma_start3A_67 : memref<64x16xf32, #tpu.memory_space<vmem_shared>>) target_semaphore(%run_scoped3A : memref<!tpu.dma_semaphore, #tpu.memory_space<semaphore_mem>>)
      %dma_wait3A = arith.constant 0 : i32
      %dma_wait3A_68 = tpu.memref_slice %arg9[%multiple_of3A_34, %dma_wait3A] : memref<10240x16xf32, #tpu.memory_space<vmem_shared>> -> memref<64x16xf32, #tpu.memory_space<vmem_shared>>
      %dma_wait3A_69 = arith.constant 0 : i32
      %dma_wait3A_70 = tpu.memref_slice %arg9[%multiple_of3A_34, %dma_wait3A_69] : memref<10240x16xf32, #tpu.memory_space<vmem_shared>> -> memref<64x16xf32, #tpu.memory_space<vmem_shared>>
      tpu.wait_dma2 semaphore(%run_scoped3A : memref<!tpu.dma_semaphore, #tpu.memory_space<semaphore_mem>>) src(%arg8 : memref<64x16xf32, #tpu.memory_space<vmem>>) dst(%dma_wait3A_70 : memref<64x16xf32, #tpu.memory_space<vmem_shared>>)
      tpu.yield
    }) : () -> ()
    %mul3A_35 = arith.constant 640 : i32
    %mul3A_36 = arith.muli %arg1, %mul3A_35 : i32
    %add3A_37 = arith.constant 448 : i32
    %add3A_38 = arith.addi %mul3A_36, %add3A_37 : i32
    %multiple_of3A_39 = tpu.assume_multiple %add3A_38, 64 : i32
    "tpu.region"() ({
      %run_scoped3A = tpu.sem_alloc : memref<!tpu.dma_semaphore, #tpu.memory_space<semaphore_mem>>
      %dma_start3A = arith.constant 0 : i32
      %dma_start3A_65 = tpu.memref_slice %arg9[%multiple_of3A_39, %dma_start3A] : memref<10240x16xf32, #tpu.memory_space<vmem_shared>> -> memref<64x16xf32, #tpu.memory_space<vmem_shared>>
      %dma_start3A_66 = arith.constant 0 : i32
      %dma_start3A_67 = tpu.memref_slice %arg9[%multiple_of3A_39, %dma_start3A_66] : memref<10240x16xf32, #tpu.memory_space<vmem_shared>> -> memref<64x16xf32, #tpu.memory_space<vmem_shared>>
      tpu.enqueue_dma source(%arg8 : memref<64x16xf32, #tpu.memory_space<vmem>>) target(%dma_start3A_67 : memref<64x16xf32, #tpu.memory_space<vmem_shared>>) target_semaphore(%run_scoped3A : memref<!tpu.dma_semaphore, #tpu.memory_space<semaphore_mem>>)
      %dma_wait3A = arith.constant 0 : i32
      %dma_wait3A_68 = tpu.memref_slice %arg9[%multiple_of3A_39, %dma_wait3A] : memref<10240x16xf32, #tpu.memory_space<vmem_shared>> -> memref<64x16xf32, #tpu.memory_space<vmem_shared>>
      %dma_wait3A_69 = arith.constant 0 : i32
      %dma_wait3A_70 = tpu.memref_slice %arg9[%multiple_of3A_39, %dma_wait3A_69] : memref<10240x16xf32, #tpu.memory_space<vmem_shared>> -> memref<64x16xf32, #tpu.memory_space<vmem_shared>>
      tpu.wait_dma2 semaphore(%run_scoped3A : memref<!tpu.dma_semaphore, #tpu.memory_space<semaphore_mem>>) src(%arg8 : memref<64x16xf32, #tpu.memory_space<vmem>>) dst(%dma_wait3A_70 : memref<64x16xf32, #tpu.memory_space<vmem_shared>>)
      tpu.yield
    }) : () -> ()
    %mul3A_40 = arith.constant 640 : i32
    %mul3A_41 = arith.muli %arg1, %mul3A_40 : i32
    %add3A_42 = arith.constant 512 : i32
    %add3A_43 = arith.addi %mul3A_41, %add3A_42 : i32
    %multiple_of3A_44 = tpu.assume_multiple %add3A_43, 64 : i32
    "tpu.region"() ({
      %run_scoped3A = tpu.sem_alloc : memref<!tpu.dma_semaphore, #tpu.memory_space<semaphore_mem>>
      %dma_start3A = arith.constant 0 : i32
      %dma_start3A_65 = tpu.memref_slice %arg9[%multiple_of3A_44, %dma_start3A] : memref<10240x16xf32, #tpu.memory_space<vmem_shared>> -> memref<64x16xf32, #tpu.memory_space<vmem_shared>>
      %dma_start3A_66 = arith.constant 0 : i32
      %dma_start3A_67 = tpu.memref_slice %arg9[%multiple_of3A_44, %dma_start3A_66] : memref<10240x16xf32, #tpu.memory_space<vmem_shared>> -> memref<64x16xf32, #tpu.memory_space<vmem_shared>>
      tpu.enqueue_dma source(%arg8 : memref<64x16xf32, #tpu.memory_space<vmem>>) target(%dma_start3A_67 : memref<64x16xf32, #tpu.memory_space<vmem_shared>>) target_semaphore(%run_scoped3A : memref<!tpu.dma_semaphore, #tpu.memory_space<semaphore_mem>>)
      %dma_wait3A = arith.constant 0 : i32
      %dma_wait3A_68 = tpu.memref_slice %arg9[%multiple_of3A_44, %dma_wait3A] : memref<10240x16xf32, #tpu.memory_space<vmem_shared>> -> memref<64x16xf32, #tpu.memory_space<vmem_shared>>
      %dma_wait3A_69 = arith.constant 0 : i32
      %dma_wait3A_70 = tpu.memref_slice %arg9[%multiple_of3A_44, %dma_wait3A_69] : memref<10240x16xf32, #tpu.memory_space<vmem_shared>> -> memref<64x16xf32, #tpu.memory_space<vmem_shared>>
      tpu.wait_dma2 semaphore(%run_scoped3A : memref<!tpu.dma_semaphore, #tpu.memory_space<semaphore_mem>>) src(%arg8 : memref<64x16xf32, #tpu.memory_space<vmem>>) dst(%dma_wait3A_70 : memref<64x16xf32, #tpu.memory_space<vmem_shared>>)
      tpu.yield
    }) : () -> ()
    %mul3A_45 = arith.constant 640 : i32
    %mul3A_46 = arith.muli %arg1, %mul3A_45 : i32
    %add3A_47 = arith.constant 576 : i32
    %add3A_48 = arith.addi %mul3A_46, %add3A_47 : i32
    %multiple_of3A_49 = tpu.assume_multiple %add3A_48, 64 : i32
    "tpu.region"() ({
      %run_scoped3A = tpu.sem_alloc : memref<!tpu.dma_semaphore, #tpu.memory_space<semaphore_mem>>
      %dma_start3A = arith.constant 0 : i32
      %dma_start3A_65 = tpu.memref_slice %arg9[%multiple_of3A_49, %dma_start3A] : memref<10240x16xf32, #tpu.memory_space<vmem_shared>> -> memref<64x16xf32, #tpu.memory_space<vmem_shared>>
      %dma_start3A_66 = arith.constant 0 : i32
      %dma_start3A_67 = tpu.memref_slice %arg9[%multiple_of3A_49, %dma_start3A_66] : memref<10240x16xf32, #tpu.memory_space<vmem_shared>> -> memref<64x16xf32, #tpu.memory_space<vmem_shared>>
      tpu.enqueue_dma source(%arg8 : memref<64x16xf32, #tpu.memory_space<vmem>>) target(%dma_start3A_67 : memref<64x16xf32, #tpu.memory_space<vmem_shared>>) target_semaphore(%run_scoped3A : memref<!tpu.dma_semaphore, #tpu.memory_space<semaphore_mem>>)
      %dma_wait3A = arith.constant 0 : i32
      %dma_wait3A_68 = tpu.memref_slice %arg9[%multiple_of3A_49, %dma_wait3A] : memref<10240x16xf32, #tpu.memory_space<vmem_shared>> -> memref<64x16xf32, #tpu.memory_space<vmem_shared>>
      %dma_wait3A_69 = arith.constant 0 : i32
      %dma_wait3A_70 = tpu.memref_slice %arg9[%multiple_of3A_49, %dma_wait3A_69] : memref<10240x16xf32, #tpu.memory_space<vmem_shared>> -> memref<64x16xf32, #tpu.memory_space<vmem_shared>>
      tpu.wait_dma2 semaphore(%run_scoped3A : memref<!tpu.dma_semaphore, #tpu.memory_space<semaphore_mem>>) src(%arg8 : memref<64x16xf32, #tpu.memory_space<vmem>>) dst(%dma_wait3A_70 : memref<64x16xf32, #tpu.memory_space<vmem_shared>>)
      tpu.yield
    }) : () -> ()
    %barrier3A = arith.constant 0 : index
    tpu.barrier barrier_id(%barrier3A)
    %scan3A = arith.constant 0 : i32
    %scan3A_50 = arith.constant 0 : i32
    %scan3A_51 = arith.constant 164 : i32
    %scan3A_52 = arith.addi %scan3A_50, %scan3A_51 : i32
    %scan3A_53 = arith.constant 1 : i32
    scf.for %scan3A_65 = %scan3A_50 to %scan3A_52 step %scan3A_53  : i32 {
      %dma_start3A = arith.constant 0 : i32
      %dma_start3A_66 = tpu.memref_slice %arg6[%scan3A_65, %dma_start3A] : memref<164x64xi32, #tpu.memory_space<vmem>> -> memref<1x64xi32, #tpu.memory_space<vmem>>
      %dma_start3A_67 = tpu.memref_squeeze %dma_start3A_66 : memref<1x64xi32, #tpu.memory_space<vmem>> -> memref<64xi32, #tpu.memory_space<vmem>>
      %dma_start3A_68 = arith.constant 0 : i32
      %dma_start3A_69 = arith.constant 0 : i32
      %dma_start3A_70 = tpu.memref_slice %arg9[%dma_start3A_68, %dma_start3A_69] : memref<10240x16xf32, #tpu.memory_space<vmem_shared>> -> memref<10240x16xf32, #tpu.memory_space<vmem_shared>>
      tpu.enqueue_indirect_dma source(%arg7 : memref<64x16xf32, #tpu.memory_space<vmem>>) target(%dma_start3A_70 : memref<10240x16xf32, #tpu.memory_space<vmem_shared>>) offsets(%dma_start3A_67 : memref<64xi32, #tpu.memory_space<vmem>>) semaphore(%arg10 : memref<!tpu.dma_semaphore, #tpu.memory_space<semaphore_mem>>) {add = true}
    }
    %scan3A_54 = arith.constant 164 : i32
    %scan3A_55 = arith.constant 0 : i32
    %scan3A_56 = arith.constant 0 : i32
    %scan3A_57 = arith.constant 164 : i32
    %scan3A_58 = arith.addi %scan3A_56, %scan3A_57 : i32
    %scan3A_59 = arith.constant 1 : i32
    scf.for %scan3A_65 = %scan3A_56 to %scan3A_58 step %scan3A_59  : i32 {
      %dma_wait3A = arith.constant 0 : i32
      %dma_wait3A_66 = tpu.memref_slice %arg6[%scan3A_65, %dma_wait3A] : memref<164x64xi32, #tpu.memory_space<vmem>> -> memref<1x64xi32, #tpu.memory_space<vmem>>
      %dma_wait3A_67 = tpu.memref_squeeze %dma_wait3A_66 : memref<1x64xi32, #tpu.memory_space<vmem>> -> memref<64xi32, #tpu.memory_space<vmem>>
      %dma_wait3A_68 = arith.constant 0 : i32
      %dma_wait3A_69 = arith.constant 0 : i32
      %dma_wait3A_70 = tpu.memref_slice %arg9[%dma_wait3A_68, %dma_wait3A_69] : memref<10240x16xf32, #tpu.memory_space<vmem_shared>> -> memref<10240x16xf32, #tpu.memory_space<vmem_shared>>
      tpu.wait_indirect_dma semaphore(%arg10 : memref<!tpu.dma_semaphore, #tpu.memory_space<semaphore_mem>>) src(%arg7 : memref<64x16xf32, #tpu.memory_space<vmem>>) dst(%dma_wait3A_70 : memref<10240x16xf32, #tpu.memory_space<vmem_shared>>)
    }
    %scan3A_60 = arith.constant 164 : i32
    %barrier3A_61 = arith.constant 0 : index
    tpu.barrier barrier_id(%barrier3A_61)
    %mul3A_62 = arith.constant 640 : i32
    %mul3A_63 = arith.muli %arg1, %mul3A_62 : i32
    %multiple_of3A_64 = tpu.assume_multiple %mul3A_63, 8 : i32
    "tpu.region"() ({
      %run_scoped3A = tpu.sem_alloc : memref<!tpu.dma_semaphore, #tpu.memory_space<semaphore_mem>>
      %dma_start3A = arith.constant 0 : i32
      %dma_start3A_65 = tpu.memref_slice %arg5[%arg0, %multiple_of3A_64, %dma_start3A] : memref<2x10240x16xf32, #tpu.memory_space<hbm>> -> memref<1x640x16xf32, #tpu.memory_space<hbm>>
      %dma_start3A_66 = tpu.memref_squeeze %dma_start3A_65 : memref<1x640x16xf32, #tpu.memory_space<hbm>> -> memref<640x16xf32, #tpu.memory_space<hbm>>
      %dma_start3A_67 = arith.constant 0 : i32
      %dma_start3A_68 = tpu.memref_slice %arg9[%multiple_of3A_64, %dma_start3A_67] : memref<10240x16xf32, #tpu.memory_space<vmem_shared>> -> memref<640x16xf32, #tpu.memory_space<vmem_shared>>
      tpu.enqueue_dma source(%dma_start3A_68 : memref<640x16xf32, #tpu.memory_space<vmem_shared>>) target(%dma_start3A_66 : memref<640x16xf32, #tpu.memory_space<hbm>>) target_semaphore(%run_scoped3A : memref<!tpu.dma_semaphore, #tpu.memory_space<semaphore_mem>>)
      %dma_wait3A = arith.constant 0 : i32
      %dma_wait3A_69 = tpu.memref_slice %arg5[%arg0, %multiple_of3A_64, %dma_wait3A] : memref<2x10240x16xf32, #tpu.memory_space<hbm>> -> memref<1x640x16xf32, #tpu.memory_space<hbm>>
      %dma_wait3A_70 = tpu.memref_squeeze %dma_wait3A_69 : memref<1x640x16xf32, #tpu.memory_space<hbm>> -> memref<640x16xf32, #tpu.memory_space<hbm>>
      %dma_wait3A_71 = arith.constant 0 : i32
      %dma_wait3A_72 = tpu.memref_slice %arg9[%multiple_of3A_64, %dma_wait3A_71] : memref<10240x16xf32, #tpu.memory_space<vmem_shared>> -> memref<640x16xf32, #tpu.memory_space<vmem_shared>>
      tpu.wait_dma2 semaphore(%run_scoped3A : memref<!tpu.dma_semaphore, #tpu.memory_space<semaphore_mem>>) src(%dma_wait3A_72 : memref<640x16xf32, #tpu.memory_space<vmem_shared>>) dst(%dma_wait3A_70 : memref<640x16xf32, #tpu.memory_space<hbm>>)
      tpu.yield
    }) : () -> ()
    return
  }
}

#map = affine_map<(d0, d1) -> (0, 0)>
#map1 = affine_map<(d0, d1) -> (0, 0, 0)>
module attributes {stable_mosaic.version = 14 : i64} {
  func.func @agg(%arg0: i32, %arg1: i32, %arg2: memref<10240x128xf32, #tpu.memory_space<hbm>>, %arg3: memref<32x82x128xi32, #tpu.memory_space<hbm>>, %arg4: memref<64x128xf32, #tpu.memory_space<hbm>>, %arg5: memref<2x10240x128xf32, #tpu.memory_space<hbm>>, %arg6: memref<82x128xi32, #tpu.memory_space<vmem>>, %arg7: memref<64xi32, #tpu.memory_space<vmem>>, %arg8: memref<64xi32, #tpu.memory_space<vmem>>, %arg9: memref<64xi32, #tpu.memory_space<vmem>>, %arg10: memref<64xi32, #tpu.memory_space<vmem>>, %arg11: memref<64xi32, #tpu.memory_space<vmem>>, %arg12: memref<64xi32, #tpu.memory_space<vmem>>, %arg13: memref<64xi32, #tpu.memory_space<vmem>>, %arg14: memref<64xi32, #tpu.memory_space<vmem>>, %arg15: memref<64x128xf32, #tpu.memory_space<vmem>>, %arg16: memref<64x128xf32, #tpu.memory_space<vmem>>, %arg17: memref<64x128xf32, #tpu.memory_space<vmem>>, %arg18: memref<64x128xf32, #tpu.memory_space<vmem>>, %arg19: memref<10240x128xf32, #tpu.memory_space<vmem_shared>>, %arg20: memref<!tpu.dma_semaphore, #tpu.memory_space<semaphore_mem>>, %arg21: memref<!tpu.dma_semaphore, #tpu.memory_space<semaphore_mem>>, %arg22: memref<!tpu.dma_semaphore, #tpu.memory_space<semaphore_mem>>, %arg23: memref<!tpu.dma_semaphore, #tpu.memory_space<semaphore_mem>>, %arg24: memref<!tpu.dma_semaphore, #tpu.memory_space<semaphore_mem>>, %arg25: memref<!tpu.dma_semaphore, #tpu.memory_space<semaphore_mem>>, %arg26: memref<!tpu.dma_semaphore, #tpu.memory_space<semaphore_mem>>, %arg27: memref<!tpu.dma_semaphore, #tpu.memory_space<semaphore_mem>>) attributes {dimension_semantics = [#tpu.dimension_semantics<core_parallel>, #tpu.dimension_semantics<subcore_parallel>], iteration_bounds = array<i64: 2, 16>, scalar_prefetch = 0 : i64, scratch_operands = 22 : i64, tpu.core_type = #tpu.core_type<sc_vector_subcore>, window_params = [{transform_indices = #map}, {transform_indices = #map1}, {transform_indices = #map}, {transform_indices = #map1}]} {
    %mul3A = arith.constant 2 : i32
    %mul3A_0 = arith.muli %arg1, %mul3A : i32
    %add3A = arith.addi %mul3A_0, %arg0 : i32
    "tpu.region"() ({
      %run_scoped3A = tpu.sem_alloc : memref<!tpu.dma_semaphore, #tpu.memory_space<semaphore_mem>>
      %dma_start3A_217 = arith.constant 0 : i32
      %dma_start3A_218 = arith.constant 0 : i32
      %dma_start3A_219 = tpu.memref_slice %arg3[%add3A, %dma_start3A_217, %dma_start3A_218] : memref<32x82x128xi32, #tpu.memory_space<hbm>> -> memref<1x82x128xi32, #tpu.memory_space<hbm>>
      %dma_start3A_220 = tpu.memref_squeeze %dma_start3A_219 : memref<1x82x128xi32, #tpu.memory_space<hbm>> -> memref<82x128xi32, #tpu.memory_space<hbm>>
      %dma_start3A_221 = arith.constant 0 : i32
      %dma_start3A_222 = arith.constant 0 : i32
      %dma_start3A_223 = tpu.memref_slice %arg3[%add3A, %dma_start3A_221, %dma_start3A_222] : memref<32x82x128xi32, #tpu.memory_space<hbm>> -> memref<1x82x128xi32, #tpu.memory_space<hbm>>
      %dma_start3A_224 = tpu.memref_squeeze %dma_start3A_223 : memref<1x82x128xi32, #tpu.memory_space<hbm>> -> memref<82x128xi32, #tpu.memory_space<hbm>>
      tpu.enqueue_dma source(%dma_start3A_224 : memref<82x128xi32, #tpu.memory_space<hbm>>) target(%arg6 : memref<82x128xi32, #tpu.memory_space<vmem>>) target_semaphore(%run_scoped3A : memref<!tpu.dma_semaphore, #tpu.memory_space<semaphore_mem>>)
      %dma_wait3A_225 = arith.constant 0 : i32
      %dma_wait3A_226 = arith.constant 0 : i32
      %dma_wait3A_227 = tpu.memref_slice %arg3[%add3A, %dma_wait3A_225, %dma_wait3A_226] : memref<32x82x128xi32, #tpu.memory_space<hbm>> -> memref<1x82x128xi32, #tpu.memory_space<hbm>>
      %dma_wait3A_228 = tpu.memref_squeeze %dma_wait3A_227 : memref<1x82x128xi32, #tpu.memory_space<hbm>> -> memref<82x128xi32, #tpu.memory_space<hbm>>
      %dma_wait3A_229 = arith.constant 0 : i32
      %dma_wait3A_230 = arith.constant 0 : i32
      %dma_wait3A_231 = tpu.memref_slice %arg3[%add3A, %dma_wait3A_229, %dma_wait3A_230] : memref<32x82x128xi32, #tpu.memory_space<hbm>> -> memref<1x82x128xi32, #tpu.memory_space<hbm>>
      %dma_wait3A_232 = tpu.memref_squeeze %dma_wait3A_231 : memref<1x82x128xi32, #tpu.memory_space<hbm>> -> memref<82x128xi32, #tpu.memory_space<hbm>>
      tpu.wait_dma2 semaphore(%run_scoped3A : memref<!tpu.dma_semaphore, #tpu.memory_space<semaphore_mem>>) src(%dma_wait3A_232 : memref<82x128xi32, #tpu.memory_space<hbm>>) dst(%arg6 : memref<82x128xi32, #tpu.memory_space<vmem>>)
      tpu.yield
    }) : () -> ()
    %get3A = arith.constant 0 : i32
    %get3A_1 = arith.index_cast %get3A : i32 to index
    %get3A_2 = arith.constant 0 : index
    %get3A_3 = tpu.vector_load %arg6[%get3A_1, %get3A_2] {strides = array<i32>} : memref<82x128xi32, #tpu.memory_space<vmem>>, vector<1x16xi32>,
    %get3A_4 = vector.shape_cast %get3A_3 : vector<1x16xi32> to vector<16xi32>
    %and3A = arith.constant 16383 : i32
    %and3A_5 = vector.broadcast %and3A : i32 to vector<16xi32>
    %and3A_6 = arith.andi %get3A_4, %and3A_5 : vector<16xi32>
    %swap3A = arith.constant 0 : index
    %swap3A_7 = tpu.vector_load %arg7[%swap3A] {strides = array<i32>} : memref<64xi32, #tpu.memory_space<vmem>>, vector<16xi32>,
    %swap3A_8 = vector.shape_cast %swap3A_7 : vector<16xi32> to vector<16xi32>
    %swap3A_9 = vector.shape_cast %and3A_6 : vector<16xi32> to vector<16xi32>
    tpu.vector_store %arg7[%swap3A], %swap3A_9 {strides = array<i32>} : memref<64xi32, #tpu.memory_space<vmem>>, vector<16xi32>,
    %shift_right_logical3A = arith.constant 14 : i32
    %shift_right_logical3A_10 = vector.broadcast %shift_right_logical3A : i32 to vector<16xi32>
    %shift_right_logical3A_11 = arith.shrui %get3A_4, %shift_right_logical3A_10 : vector<16xi32>
    %swap3A_12 = arith.constant 0 : index
    %swap3A_13 = tpu.vector_load %arg11[%swap3A_12] {strides = array<i32>} : memref<64xi32, #tpu.memory_space<vmem>>, vector<16xi32>,
    %swap3A_14 = vector.shape_cast %swap3A_13 : vector<16xi32> to vector<16xi32>
    %swap3A_15 = vector.shape_cast %shift_right_logical3A_11 : vector<16xi32> to vector<16xi32>
    tpu.vector_store %arg11[%swap3A_12], %swap3A_15 {strides = array<i32>} : memref<64xi32, #tpu.memory_space<vmem>>, vector<16xi32>,
    %get3A_16 = arith.constant 0 : i32
    %get3A_17 = arith.index_cast %get3A_16 : i32 to index
    %get3A_18 = arith.constant 16 : index
    %get3A_19 = tpu.vector_load %arg6[%get3A_17, %get3A_18] {strides = array<i32>} : memref<82x128xi32, #tpu.memory_space<vmem>>, vector<1x16xi32>,
    %get3A_20 = vector.shape_cast %get3A_19 : vector<1x16xi32> to vector<16xi32>
    %and3A_21 = arith.constant 16383 : i32
    %and3A_22 = vector.broadcast %and3A_21 : i32 to vector<16xi32>
    %and3A_23 = arith.andi %get3A_20, %and3A_22 : vector<16xi32>
    %swap3A_24 = arith.constant 16 : index
    %swap3A_25 = tpu.vector_load %arg7[%swap3A_24] {strides = array<i32>} : memref<64xi32, #tpu.memory_space<vmem>>, vector<16xi32>,
    %swap3A_26 = vector.shape_cast %swap3A_25 : vector<16xi32> to vector<16xi32>
    %swap3A_27 = vector.shape_cast %and3A_23 : vector<16xi32> to vector<16xi32>
    tpu.vector_store %arg7[%swap3A_24], %swap3A_27 {strides = array<i32>} : memref<64xi32, #tpu.memory_space<vmem>>, vector<16xi32>,
    %shift_right_logical3A_28 = arith.constant 14 : i32
    %shift_right_logical3A_29 = vector.broadcast %shift_right_logical3A_28 : i32 to vector<16xi32>
    %shift_right_logical3A_30 = arith.shrui %get3A_20, %shift_right_logical3A_29 : vector<16xi32>
    %swap3A_31 = arith.constant 16 : index
    %swap3A_32 = tpu.vector_load %arg11[%swap3A_31] {strides = array<i32>} : memref<64xi32, #tpu.memory_space<vmem>>, vector<16xi32>,
    %swap3A_33 = vector.shape_cast %swap3A_32 : vector<16xi32> to vector<16xi32>
    %swap3A_34 = vector.shape_cast %shift_right_logical3A_30 : vector<16xi32> to vector<16xi32>
    tpu.vector_store %arg11[%swap3A_31], %swap3A_34 {strides = array<i32>} : memref<64xi32, #tpu.memory_space<vmem>>, vector<16xi32>,
    %get3A_35 = arith.constant 0 : i32
    %get3A_36 = arith.index_cast %get3A_35 : i32 to index
    %get3A_37 = arith.constant 32 : index
    %get3A_38 = tpu.vector_load %arg6[%get3A_36, %get3A_37] {strides = array<i32>} : memref<82x128xi32, #tpu.memory_space<vmem>>, vector<1x16xi32>,
    %get3A_39 = vector.shape_cast %get3A_38 : vector<1x16xi32> to vector<16xi32>
    %and3A_40 = arith.constant 16383 : i32
    %and3A_41 = vector.broadcast %and3A_40 : i32 to vector<16xi32>
    %and3A_42 = arith.andi %get3A_39, %and3A_41 : vector<16xi32>
    %swap3A_43 = arith.constant 32 : index
    %swap3A_44 = tpu.vector_load %arg7[%swap3A_43] {strides = array<i32>} : memref<64xi32, #tpu.memory_space<vmem>>, vector<16xi32>,
    %swap3A_45 = vector.shape_cast %swap3A_44 : vector<16xi32> to vector<16xi32>
    %swap3A_46 = vector.shape_cast %and3A_42 : vector<16xi32> to vector<16xi32>
    tpu.vector_store %arg7[%swap3A_43], %swap3A_46 {strides = array<i32>} : memref<64xi32, #tpu.memory_space<vmem>>, vector<16xi32>,
    %shift_right_logical3A_47 = arith.constant 14 : i32
    %shift_right_logical3A_48 = vector.broadcast %shift_right_logical3A_47 : i32 to vector<16xi32>
    %shift_right_logical3A_49 = arith.shrui %get3A_39, %shift_right_logical3A_48 : vector<16xi32>
    %swap3A_50 = arith.constant 32 : index
    %swap3A_51 = tpu.vector_load %arg11[%swap3A_50] {strides = array<i32>} : memref<64xi32, #tpu.memory_space<vmem>>, vector<16xi32>,
    %swap3A_52 = vector.shape_cast %swap3A_51 : vector<16xi32> to vector<16xi32>
    %swap3A_53 = vector.shape_cast %shift_right_logical3A_49 : vector<16xi32> to vector<16xi32>
    tpu.vector_store %arg11[%swap3A_50], %swap3A_53 {strides = array<i32>} : memref<64xi32, #tpu.memory_space<vmem>>, vector<16xi32>,
    %get3A_54 = arith.constant 0 : i32
    %get3A_55 = arith.index_cast %get3A_54 : i32 to index
    %get3A_56 = arith.constant 48 : index
    %get3A_57 = tpu.vector_load %arg6[%get3A_55, %get3A_56] {strides = array<i32>} : memref<82x128xi32, #tpu.memory_space<vmem>>, vector<1x16xi32>,
    %get3A_58 = vector.shape_cast %get3A_57 : vector<1x16xi32> to vector<16xi32>
    %and3A_59 = arith.constant 16383 : i32
    %and3A_60 = vector.broadcast %and3A_59 : i32 to vector<16xi32>
    %and3A_61 = arith.andi %get3A_58, %and3A_60 : vector<16xi32>
    %swap3A_62 = arith.constant 48 : index
    %swap3A_63 = tpu.vector_load %arg7[%swap3A_62] {strides = array<i32>} : memref<64xi32, #tpu.memory_space<vmem>>, vector<16xi32>,
    %swap3A_64 = vector.shape_cast %swap3A_63 : vector<16xi32> to vector<16xi32>
    %swap3A_65 = vector.shape_cast %and3A_61 : vector<16xi32> to vector<16xi32>
    tpu.vector_store %arg7[%swap3A_62], %swap3A_65 {strides = array<i32>} : memref<64xi32, #tpu.memory_space<vmem>>, vector<16xi32>,
    %shift_right_logical3A_66 = arith.constant 14 : i32
    %shift_right_logical3A_67 = vector.broadcast %shift_right_logical3A_66 : i32 to vector<16xi32>
    %shift_right_logical3A_68 = arith.shrui %get3A_58, %shift_right_logical3A_67 : vector<16xi32>
    %swap3A_69 = arith.constant 48 : index
    %swap3A_70 = tpu.vector_load %arg11[%swap3A_69] {strides = array<i32>} : memref<64xi32, #tpu.memory_space<vmem>>, vector<16xi32>,
    %swap3A_71 = vector.shape_cast %swap3A_70 : vector<16xi32> to vector<16xi32>
    %swap3A_72 = vector.shape_cast %shift_right_logical3A_68 : vector<16xi32> to vector<16xi32>
    tpu.vector_store %arg11[%swap3A_69], %swap3A_72 {strides = array<i32>} : memref<64xi32, #tpu.memory_space<vmem>>, vector<16xi32>,
    %get3A_73 = arith.constant 0 : i32
    %get3A_74 = arith.index_cast %get3A_73 : i32 to index
    %get3A_75 = arith.constant 64 : index
    %get3A_76 = tpu.vector_load %arg6[%get3A_74, %get3A_75] {strides = array<i32>} : memref<82x128xi32, #tpu.memory_space<vmem>>, vector<1x16xi32>,
    %get3A_77 = vector.shape_cast %get3A_76 : vector<1x16xi32> to vector<16xi32>
    %and3A_78 = arith.constant 16383 : i32
    %and3A_79 = vector.broadcast %and3A_78 : i32 to vector<16xi32>
    %and3A_80 = arith.andi %get3A_77, %and3A_79 : vector<16xi32>
    %swap3A_81 = arith.constant 0 : index
    %swap3A_82 = tpu.vector_load %arg8[%swap3A_81] {strides = array<i32>} : memref<64xi32, #tpu.memory_space<vmem>>, vector<16xi32>,
    %swap3A_83 = vector.shape_cast %swap3A_82 : vector<16xi32> to vector<16xi32>
    %swap3A_84 = vector.shape_cast %and3A_80 : vector<16xi32> to vector<16xi32>
    tpu.vector_store %arg8[%swap3A_81], %swap3A_84 {strides = array<i32>} : memref<64xi32, #tpu.memory_space<vmem>>, vector<16xi32>,
    %shift_right_logical3A_85 = arith.constant 14 : i32
    %shift_right_logical3A_86 = vector.broadcast %shift_right_logical3A_85 : i32 to vector<16xi32>
    %shift_right_logical3A_87 = arith.shrui %get3A_77, %shift_right_logical3A_86 : vector<16xi32>
    %swap3A_88 = arith.constant 0 : index
    %swap3A_89 = tpu.vector_load %arg12[%swap3A_88] {strides = array<i32>} : memref<64xi32, #tpu.memory_space<vmem>>, vector<16xi32>,
    %swap3A_90 = vector.shape_cast %swap3A_89 : vector<16xi32> to vector<16xi32>
    %swap3A_91 = vector.shape_cast %shift_right_logical3A_87 : vector<16xi32> to vector<16xi32>
    tpu.vector_store %arg12[%swap3A_88], %swap3A_91 {strides = array<i32>} : memref<64xi32, #tpu.memory_space<vmem>>, vector<16xi32>,
    %get3A_92 = arith.constant 0 : i32
    %get3A_93 = arith.index_cast %get3A_92 : i32 to index
    %get3A_94 = arith.constant 80 : index
    %get3A_95 = tpu.vector_load %arg6[%get3A_93, %get3A_94] {strides = array<i32>} : memref<82x128xi32, #tpu.memory_space<vmem>>, vector<1x16xi32>,
    %get3A_96 = vector.shape_cast %get3A_95 : vector<1x16xi32> to vector<16xi32>
    %and3A_97 = arith.constant 16383 : i32
    %and3A_98 = vector.broadcast %and3A_97 : i32 to vector<16xi32>
    %and3A_99 = arith.andi %get3A_96, %and3A_98 : vector<16xi32>
    %swap3A_100 = arith.constant 16 : index
    %swap3A_101 = tpu.vector_load %arg8[%swap3A_100] {strides = array<i32>} : memref<64xi32, #tpu.memory_space<vmem>>, vector<16xi32>,
    %swap3A_102 = vector.shape_cast %swap3A_101 : vector<16xi32> to vector<16xi32>
    %swap3A_103 = vector.shape_cast %and3A_99 : vector<16xi32> to vector<16xi32>
    tpu.vector_store %arg8[%swap3A_100], %swap3A_103 {strides = array<i32>} : memref<64xi32, #tpu.memory_space<vmem>>, vector<16xi32>,
    %shift_right_logical3A_104 = arith.constant 14 : i32
    %shift_right_logical3A_105 = vector.broadcast %shift_right_logical3A_104 : i32 to vector<16xi32>
    %shift_right_logical3A_106 = arith.shrui %get3A_96, %shift_right_logical3A_105 : vector<16xi32>
    %swap3A_107 = arith.constant 16 : index
    %swap3A_108 = tpu.vector_load %arg12[%swap3A_107] {strides = array<i32>} : memref<64xi32, #tpu.memory_space<vmem>>, vector<16xi32>,
    %swap3A_109 = vector.shape_cast %swap3A_108 : vector<16xi32> to vector<16xi32>
    %swap3A_110 = vector.shape_cast %shift_right_logical3A_106 : vector<16xi32> to vector<16xi32>
    tpu.vector_store %arg12[%swap3A_107], %swap3A_110 {strides = array<i32>} : memref<64xi32, #tpu.memory_space<vmem>>, vector<16xi32>,
    %get3A_111 = arith.constant 0 : i32
    %get3A_112 = arith.index_cast %get3A_111 : i32 to index
    %get3A_113 = arith.constant 96 : index
    %get3A_114 = tpu.vector_load %arg6[%get3A_112, %get3A_113] {strides = array<i32>} : memref<82x128xi32, #tpu.memory_space<vmem>>, vector<1x16xi32>,
    %get3A_115 = vector.shape_cast %get3A_114 : vector<1x16xi32> to vector<16xi32>
    %and3A_116 = arith.constant 16383 : i32
    %and3A_117 = vector.broadcast %and3A_116 : i32 to vector<16xi32>
    %and3A_118 = arith.andi %get3A_115, %and3A_117 : vector<16xi32>
    %swap3A_119 = arith.constant 32 : index
    %swap3A_120 = tpu.vector_load %arg8[%swap3A_119] {strides = array<i32>} : memref<64xi32, #tpu.memory_space<vmem>>, vector<16xi32>,
    %swap3A_121 = vector.shape_cast %swap3A_120 : vector<16xi32> to vector<16xi32>
    %swap3A_122 = vector.shape_cast %and3A_118 : vector<16xi32> to vector<16xi32>
    tpu.vector_store %arg8[%swap3A_119], %swap3A_122 {strides = array<i32>} : memref<64xi32, #tpu.memory_space<vmem>>, vector<16xi32>,
    %shift_right_logical3A_123 = arith.constant 14 : i32
    %shift_right_logical3A_124 = vector.broadcast %shift_right_logical3A_123 : i32 to vector<16xi32>
    %shift_right_logical3A_125 = arith.shrui %get3A_115, %shift_right_logical3A_124 : vector<16xi32>
    %swap3A_126 = arith.constant 32 : index
    %swap3A_127 = tpu.vector_load %arg12[%swap3A_126] {strides = array<i32>} : memref<64xi32, #tpu.memory_space<vmem>>, vector<16xi32>,
    %swap3A_128 = vector.shape_cast %swap3A_127 : vector<16xi32> to vector<16xi32>
    %swap3A_129 = vector.shape_cast %shift_right_logical3A_125 : vector<16xi32> to vector<16xi32>
    tpu.vector_store %arg12[%swap3A_126], %swap3A_129 {strides = array<i32>} : memref<64xi32, #tpu.memory_space<vmem>>, vector<16xi32>,
    %get3A_130 = arith.constant 0 : i32
    %get3A_131 = arith.index_cast %get3A_130 : i32 to index
    %get3A_132 = arith.constant 112 : index
    %get3A_133 = tpu.vector_load %arg6[%get3A_131, %get3A_132] {strides = array<i32>} : memref<82x128xi32, #tpu.memory_space<vmem>>, vector<1x16xi32>,
    %get3A_134 = vector.shape_cast %get3A_133 : vector<1x16xi32> to vector<16xi32>
    %and3A_135 = arith.constant 16383 : i32
    %and3A_136 = vector.broadcast %and3A_135 : i32 to vector<16xi32>
    %and3A_137 = arith.andi %get3A_134, %and3A_136 : vector<16xi32>
    %swap3A_138 = arith.constant 48 : index
    %swap3A_139 = tpu.vector_load %arg8[%swap3A_138] {strides = array<i32>} : memref<64xi32, #tpu.memory_space<vmem>>, vector<16xi32>,
    %swap3A_140 = vector.shape_cast %swap3A_139 : vector<16xi32> to vector<16xi32>
    %swap3A_141 = vector.shape_cast %and3A_137 : vector<16xi32> to vector<16xi32>
    tpu.vector_store %arg8[%swap3A_138], %swap3A_141 {strides = array<i32>} : memref<64xi32, #tpu.memory_space<vmem>>, vector<16xi32>,
    %shift_right_logical3A_142 = arith.constant 14 : i32
    %shift_right_logical3A_143 = vector.broadcast %shift_right_logical3A_142 : i32 to vector<16xi32>
    %shift_right_logical3A_144 = arith.shrui %get3A_134, %shift_right_logical3A_143 : vector<16xi32>
    %swap3A_145 = arith.constant 48 : index
    %swap3A_146 = tpu.vector_load %arg12[%swap3A_145] {strides = array<i32>} : memref<64xi32, #tpu.memory_space<vmem>>, vector<16xi32>,
    %swap3A_147 = vector.shape_cast %swap3A_146 : vector<16xi32> to vector<16xi32>
    %swap3A_148 = vector.shape_cast %shift_right_logical3A_144 : vector<16xi32> to vector<16xi32>
    tpu.vector_store %arg12[%swap3A_145], %swap3A_148 {strides = array<i32>} : memref<64xi32, #tpu.memory_space<vmem>>, vector<16xi32>,
    %dma_start3A = arith.constant 0 : i32
    %dma_start3A_149 = arith.constant 0 : i32
    %dma_start3A_150 = tpu.memref_slice %arg2[%dma_start3A, %dma_start3A_149] : memref<10240x128xf32, #tpu.memory_space<hbm>> -> memref<10240x128xf32, #tpu.memory_space<hbm>>
    tpu.enqueue_indirect_dma source(%dma_start3A_150 : memref<10240x128xf32, #tpu.memory_space<hbm>>) target(%arg15 : memref<64x128xf32, #tpu.memory_space<vmem>>) offsets(%arg7 : memref<64xi32, #tpu.memory_space<vmem>>) semaphore(%arg20 : memref<!tpu.dma_semaphore, #tpu.memory_space<semaphore_mem>>)
    %dma_start3A_151 = arith.constant 0 : i32
    %dma_start3A_152 = arith.constant 0 : i32
    %dma_start3A_153 = tpu.memref_slice %arg2[%dma_start3A_151, %dma_start3A_152] : memref<10240x128xf32, #tpu.memory_space<hbm>> -> memref<10240x128xf32, #tpu.memory_space<hbm>>
    tpu.enqueue_indirect_dma source(%dma_start3A_153 : memref<10240x128xf32, #tpu.memory_space<hbm>>) target(%arg16 : memref<64x128xf32, #tpu.memory_space<vmem>>) offsets(%arg8 : memref<64xi32, #tpu.memory_space<vmem>>) semaphore(%arg21 : memref<!tpu.dma_semaphore, #tpu.memory_space<semaphore_mem>>)
    "tpu.region"() ({
      %run_scoped3A = tpu.sem_alloc : memref<!tpu.dma_semaphore, #tpu.memory_space<semaphore_mem>>
      tpu.enqueue_dma source(%arg4 : memref<64x128xf32, #tpu.memory_space<hbm>>) target(%arg18 : memref<64x128xf32, #tpu.memory_space<vmem>>) target_semaphore(%run_scoped3A : memref<!tpu.dma_semaphore, #tpu.memory_space<semaphore_mem>>)
      tpu.wait_dma2 semaphore(%run_scoped3A : memref<!tpu.dma_semaphore, #tpu.memory_space<semaphore_mem>>) src(%arg4 : memref<64x128xf32, #tpu.memory_space<hbm>>) dst(%arg18 : memref<64x128xf32, #tpu.memory_space<vmem>>)
      tpu.yield
    }) : () -> ()
    %mul3A_154 = arith.constant 640 : i32
    %mul3A_155 = arith.muli %arg1, %mul3A_154 : i32
    %add3A_156 = arith.constant 0 : i32
    %add3A_157 = arith.addi %mul3A_155, %add3A_156 : i32
    %multiple_of3A = tpu.assume_multiple %add3A_157, 64 : i32
    "tpu.region"() ({
      %run_scoped3A = tpu.sem_alloc : memref<!tpu.dma_semaphore, #tpu.memory_space<semaphore_mem>>
      %dma_start3A_217 = arith.constant 0 : i32
      %dma_start3A_218 = tpu.memref_slice %arg19[%multiple_of3A, %dma_start3A_217] : memref<10240x128xf32, #tpu.memory_space<vmem_shared>> -> memref<64x128xf32, #tpu.memory_space<vmem_shared>>
      %dma_start3A_219 = arith.constant 0 : i32
      %dma_start3A_220 = tpu.memref_slice %arg19[%multiple_of3A, %dma_start3A_219] : memref<10240x128xf32, #tpu.memory_space<vmem_shared>> -> memref<64x128xf32, #tpu.memory_space<vmem_shared>>
      tpu.enqueue_dma source(%arg18 : memref<64x128xf32, #tpu.memory_space<vmem>>) target(%dma_start3A_220 : memref<64x128xf32, #tpu.memory_space<vmem_shared>>) target_semaphore(%run_scoped3A : memref<!tpu.dma_semaphore, #tpu.memory_space<semaphore_mem>>)
      %dma_wait3A_221 = arith.constant 0 : i32
      %dma_wait3A_222 = tpu.memref_slice %arg19[%multiple_of3A, %dma_wait3A_221] : memref<10240x128xf32, #tpu.memory_space<vmem_shared>> -> memref<64x128xf32, #tpu.memory_space<vmem_shared>>
      %dma_wait3A_223 = arith.constant 0 : i32
      %dma_wait3A_224 = tpu.memref_slice %arg19[%multiple_of3A, %dma_wait3A_223] : memref<10240x128xf32, #tpu.memory_space<vmem_shared>> -> memref<64x128xf32, #tpu.memory_space<vmem_shared>>
      tpu.wait_dma2 semaphore(%run_scoped3A : memref<!tpu.dma_semaphore, #tpu.memory_space<semaphore_mem>>) src(%arg18 : memref<64x128xf32, #tpu.memory_space<vmem>>) dst(%dma_wait3A_224 : memref<64x128xf32, #tpu.memory_space<vmem_shared>>)
      tpu.yield
    }) : () -> ()
    %mul3A_158 = arith.constant 640 : i32
    %mul3A_159 = arith.muli %arg1, %mul3A_158 : i32
    %add3A_160 = arith.constant 64 : i32
    %add3A_161 = arith.addi %mul3A_159, %add3A_160 : i32
    %multiple_of3A_162 = tpu.assume_multiple %add3A_161, 64 : i32
    "tpu.region"() ({
      %run_scoped3A = tpu.sem_alloc : memref<!tpu.dma_semaphore, #tpu.memory_space<semaphore_mem>>
      %dma_start3A_217 = arith.constant 0 : i32
      %dma_start3A_218 = tpu.memref_slice %arg19[%multiple_of3A_162, %dma_start3A_217] : memref<10240x128xf32, #tpu.memory_space<vmem_shared>> -> memref<64x128xf32, #tpu.memory_space<vmem_shared>>
      %dma_start3A_219 = arith.constant 0 : i32
      %dma_start3A_220 = tpu.memref_slice %arg19[%multiple_of3A_162, %dma_start3A_219] : memref<10240x128xf32, #tpu.memory_space<vmem_shared>> -> memref<64x128xf32, #tpu.memory_space<vmem_shared>>
      tpu.enqueue_dma source(%arg18 : memref<64x128xf32, #tpu.memory_space<vmem>>) target(%dma_start3A_220 : memref<64x128xf32, #tpu.memory_space<vmem_shared>>) target_semaphore(%run_scoped3A : memref<!tpu.dma_semaphore, #tpu.memory_space<semaphore_mem>>)
      %dma_wait3A_221 = arith.constant 0 : i32
      %dma_wait3A_222 = tpu.memref_slice %arg19[%multiple_of3A_162, %dma_wait3A_221] : memref<10240x128xf32, #tpu.memory_space<vmem_shared>> -> memref<64x128xf32, #tpu.memory_space<vmem_shared>>
      %dma_wait3A_223 = arith.constant 0 : i32
      %dma_wait3A_224 = tpu.memref_slice %arg19[%multiple_of3A_162, %dma_wait3A_223] : memref<10240x128xf32, #tpu.memory_space<vmem_shared>> -> memref<64x128xf32, #tpu.memory_space<vmem_shared>>
      tpu.wait_dma2 semaphore(%run_scoped3A : memref<!tpu.dma_semaphore, #tpu.memory_space<semaphore_mem>>) src(%arg18 : memref<64x128xf32, #tpu.memory_space<vmem>>) dst(%dma_wait3A_224 : memref<64x128xf32, #tpu.memory_space<vmem_shared>>)
      tpu.yield
    }) : () -> ()
    %mul3A_163 = arith.constant 640 : i32
    %mul3A_164 = arith.muli %arg1, %mul3A_163 : i32
    %add3A_165 = arith.constant 128 : i32
    %add3A_166 = arith.addi %mul3A_164, %add3A_165 : i32
    %multiple_of3A_167 = tpu.assume_multiple %add3A_166, 64 : i32
    "tpu.region"() ({
      %run_scoped3A = tpu.sem_alloc : memref<!tpu.dma_semaphore, #tpu.memory_space<semaphore_mem>>
      %dma_start3A_217 = arith.constant 0 : i32
      %dma_start3A_218 = tpu.memref_slice %arg19[%multiple_of3A_167, %dma_start3A_217] : memref<10240x128xf32, #tpu.memory_space<vmem_shared>> -> memref<64x128xf32, #tpu.memory_space<vmem_shared>>
      %dma_start3A_219 = arith.constant 0 : i32
      %dma_start3A_220 = tpu.memref_slice %arg19[%multiple_of3A_167, %dma_start3A_219] : memref<10240x128xf32, #tpu.memory_space<vmem_shared>> -> memref<64x128xf32, #tpu.memory_space<vmem_shared>>
      tpu.enqueue_dma source(%arg18 : memref<64x128xf32, #tpu.memory_space<vmem>>) target(%dma_start3A_220 : memref<64x128xf32, #tpu.memory_space<vmem_shared>>) target_semaphore(%run_scoped3A : memref<!tpu.dma_semaphore, #tpu.memory_space<semaphore_mem>>)
      %dma_wait3A_221 = arith.constant 0 : i32
      %dma_wait3A_222 = tpu.memref_slice %arg19[%multiple_of3A_167, %dma_wait3A_221] : memref<10240x128xf32, #tpu.memory_space<vmem_shared>> -> memref<64x128xf32, #tpu.memory_space<vmem_shared>>
      %dma_wait3A_223 = arith.constant 0 : i32
      %dma_wait3A_224 = tpu.memref_slice %arg19[%multiple_of3A_167, %dma_wait3A_223] : memref<10240x128xf32, #tpu.memory_space<vmem_shared>> -> memref<64x128xf32, #tpu.memory_space<vmem_shared>>
      tpu.wait_dma2 semaphore(%run_scoped3A : memref<!tpu.dma_semaphore, #tpu.memory_space<semaphore_mem>>) src(%arg18 : memref<64x128xf32, #tpu.memory_space<vmem>>) dst(%dma_wait3A_224 : memref<64x128xf32, #tpu.memory_space<vmem_shared>>)
      tpu.yield
    }) : () -> ()
    %mul3A_168 = arith.constant 640 : i32
    %mul3A_169 = arith.muli %arg1, %mul3A_168 : i32
    %add3A_170 = arith.constant 192 : i32
    %add3A_171 = arith.addi %mul3A_169, %add3A_170 : i32
    %multiple_of3A_172 = tpu.assume_multiple %add3A_171, 64 : i32
    "tpu.region"() ({
      %run_scoped3A = tpu.sem_alloc : memref<!tpu.dma_semaphore, #tpu.memory_space<semaphore_mem>>
      %dma_start3A_217 = arith.constant 0 : i32
      %dma_start3A_218 = tpu.memref_slice %arg19[%multiple_of3A_172, %dma_start3A_217] : memref<10240x128xf32, #tpu.memory_space<vmem_shared>> -> memref<64x128xf32, #tpu.memory_space<vmem_shared>>
      %dma_start3A_219 = arith.constant 0 : i32
      %dma_start3A_220 = tpu.memref_slice %arg19[%multiple_of3A_172, %dma_start3A_219] : memref<10240x128xf32, #tpu.memory_space<vmem_shared>> -> memref<64x128xf32, #tpu.memory_space<vmem_shared>>
      tpu.enqueue_dma source(%arg18 : memref<64x128xf32, #tpu.memory_space<vmem>>) target(%dma_start3A_220 : memref<64x128xf32, #tpu.memory_space<vmem_shared>>) target_semaphore(%run_scoped3A : memref<!tpu.dma_semaphore, #tpu.memory_space<semaphore_mem>>)
      %dma_wait3A_221 = arith.constant 0 : i32
      %dma_wait3A_222 = tpu.memref_slice %arg19[%multiple_of3A_172, %dma_wait3A_221] : memref<10240x128xf32, #tpu.memory_space<vmem_shared>> -> memref<64x128xf32, #tpu.memory_space<vmem_shared>>
      %dma_wait3A_223 = arith.constant 0 : i32
      %dma_wait3A_224 = tpu.memref_slice %arg19[%multiple_of3A_172, %dma_wait3A_223] : memref<10240x128xf32, #tpu.memory_space<vmem_shared>> -> memref<64x128xf32, #tpu.memory_space<vmem_shared>>
      tpu.wait_dma2 semaphore(%run_scoped3A : memref<!tpu.dma_semaphore, #tpu.memory_space<semaphore_mem>>) src(%arg18 : memref<64x128xf32, #tpu.memory_space<vmem>>) dst(%dma_wait3A_224 : memref<64x128xf32, #tpu.memory_space<vmem_shared>>)
      tpu.yield
    }) : () -> ()
    %mul3A_173 = arith.constant 640 : i32
    %mul3A_174 = arith.muli %arg1, %mul3A_173 : i32
    %add3A_175 = arith.constant 256 : i32
    %add3A_176 = arith.addi %mul3A_174, %add3A_175 : i32
    %multiple_of3A_177 = tpu.assume_multiple %add3A_176, 64 : i32
    "tpu.region"() ({
      %run_scoped3A = tpu.sem_alloc : memref<!tpu.dma_semaphore, #tpu.memory_space<semaphore_mem>>
      %dma_start3A_217 = arith.constant 0 : i32
      %dma_start3A_218 = tpu.memref_slice %arg19[%multiple_of3A_177, %dma_start3A_217] : memref<10240x128xf32, #tpu.memory_space<vmem_shared>> -> memref<64x128xf32, #tpu.memory_space<vmem_shared>>
      %dma_start3A_219 = arith.constant 0 : i32
      %dma_start3A_220 = tpu.memref_slice %arg19[%multiple_of3A_177, %dma_start3A_219] : memref<10240x128xf32, #tpu.memory_space<vmem_shared>> -> memref<64x128xf32, #tpu.memory_space<vmem_shared>>
      tpu.enqueue_dma source(%arg18 : memref<64x128xf32, #tpu.memory_space<vmem>>) target(%dma_start3A_220 : memref<64x128xf32, #tpu.memory_space<vmem_shared>>) target_semaphore(%run_scoped3A : memref<!tpu.dma_semaphore, #tpu.memory_space<semaphore_mem>>)
      %dma_wait3A_221 = arith.constant 0 : i32
      %dma_wait3A_222 = tpu.memref_slice %arg19[%multiple_of3A_177, %dma_wait3A_221] : memref<10240x128xf32, #tpu.memory_space<vmem_shared>> -> memref<64x128xf32, #tpu.memory_space<vmem_shared>>
      %dma_wait3A_223 = arith.constant 0 : i32
      %dma_wait3A_224 = tpu.memref_slice %arg19[%multiple_of3A_177, %dma_wait3A_223] : memref<10240x128xf32, #tpu.memory_space<vmem_shared>> -> memref<64x128xf32, #tpu.memory_space<vmem_shared>>
      tpu.wait_dma2 semaphore(%run_scoped3A : memref<!tpu.dma_semaphore, #tpu.memory_space<semaphore_mem>>) src(%arg18 : memref<64x128xf32, #tpu.memory_space<vmem>>) dst(%dma_wait3A_224 : memref<64x128xf32, #tpu.memory_space<vmem_shared>>)
      tpu.yield
    }) : () -> ()
    %mul3A_178 = arith.constant 640 : i32
    %mul3A_179 = arith.muli %arg1, %mul3A_178 : i32
    %add3A_180 = arith.constant 320 : i32
    %add3A_181 = arith.addi %mul3A_179, %add3A_180 : i32
    %multiple_of3A_182 = tpu.assume_multiple %add3A_181, 64 : i32
    "tpu.region"() ({
      %run_scoped3A = tpu.sem_alloc : memref<!tpu.dma_semaphore, #tpu.memory_space<semaphore_mem>>
      %dma_start3A_217 = arith.constant 0 : i32
      %dma_start3A_218 = tpu.memref_slice %arg19[%multiple_of3A_182, %dma_start3A_217] : memref<10240x128xf32, #tpu.memory_space<vmem_shared>> -> memref<64x128xf32, #tpu.memory_space<vmem_shared>>
      %dma_start3A_219 = arith.constant 0 : i32
      %dma_start3A_220 = tpu.memref_slice %arg19[%multiple_of3A_182, %dma_start3A_219] : memref<10240x128xf32, #tpu.memory_space<vmem_shared>> -> memref<64x128xf32, #tpu.memory_space<vmem_shared>>
      tpu.enqueue_dma source(%arg18 : memref<64x128xf32, #tpu.memory_space<vmem>>) target(%dma_start3A_220 : memref<64x128xf32, #tpu.memory_space<vmem_shared>>) target_semaphore(%run_scoped3A : memref<!tpu.dma_semaphore, #tpu.memory_space<semaphore_mem>>)
      %dma_wait3A_221 = arith.constant 0 : i32
      %dma_wait3A_222 = tpu.memref_slice %arg19[%multiple_of3A_182, %dma_wait3A_221] : memref<10240x128xf32, #tpu.memory_space<vmem_shared>> -> memref<64x128xf32, #tpu.memory_space<vmem_shared>>
      %dma_wait3A_223 = arith.constant 0 : i32
      %dma_wait3A_224 = tpu.memref_slice %arg19[%multiple_of3A_182, %dma_wait3A_223] : memref<10240x128xf32, #tpu.memory_space<vmem_shared>> -> memref<64x128xf32, #tpu.memory_space<vmem_shared>>
      tpu.wait_dma2 semaphore(%run_scoped3A : memref<!tpu.dma_semaphore, #tpu.memory_space<semaphore_mem>>) src(%arg18 : memref<64x128xf32, #tpu.memory_space<vmem>>) dst(%dma_wait3A_224 : memref<64x128xf32, #tpu.memory_space<vmem_shared>>)
      tpu.yield
    }) : () -> ()
    %mul3A_183 = arith.constant 640 : i32
    %mul3A_184 = arith.muli %arg1, %mul3A_183 : i32
    %add3A_185 = arith.constant 384 : i32
    %add3A_186 = arith.addi %mul3A_184, %add3A_185 : i32
    %multiple_of3A_187 = tpu.assume_multiple %add3A_186, 64 : i32
    "tpu.region"() ({
      %run_scoped3A = tpu.sem_alloc : memref<!tpu.dma_semaphore, #tpu.memory_space<semaphore_mem>>
      %dma_start3A_217 = arith.constant 0 : i32
      %dma_start3A_218 = tpu.memref_slice %arg19[%multiple_of3A_187, %dma_start3A_217] : memref<10240x128xf32, #tpu.memory_space<vmem_shared>> -> memref<64x128xf32, #tpu.memory_space<vmem_shared>>
      %dma_start3A_219 = arith.constant 0 : i32
      %dma_start3A_220 = tpu.memref_slice %arg19[%multiple_of3A_187, %dma_start3A_219] : memref<10240x128xf32, #tpu.memory_space<vmem_shared>> -> memref<64x128xf32, #tpu.memory_space<vmem_shared>>
      tpu.enqueue_dma source(%arg18 : memref<64x128xf32, #tpu.memory_space<vmem>>) target(%dma_start3A_220 : memref<64x128xf32, #tpu.memory_space<vmem_shared>>) target_semaphore(%run_scoped3A : memref<!tpu.dma_semaphore, #tpu.memory_space<semaphore_mem>>)
      %dma_wait3A_221 = arith.constant 0 : i32
      %dma_wait3A_222 = tpu.memref_slice %arg19[%multiple_of3A_187, %dma_wait3A_221] : memref<10240x128xf32, #tpu.memory_space<vmem_shared>> -> memref<64x128xf32, #tpu.memory_space<vmem_shared>>
      %dma_wait3A_223 = arith.constant 0 : i32
      %dma_wait3A_224 = tpu.memref_slice %arg19[%multiple_of3A_187, %dma_wait3A_223] : memref<10240x128xf32, #tpu.memory_space<vmem_shared>> -> memref<64x128xf32, #tpu.memory_space<vmem_shared>>
      tpu.wait_dma2 semaphore(%run_scoped3A : memref<!tpu.dma_semaphore, #tpu.memory_space<semaphore_mem>>) src(%arg18 : memref<64x128xf32, #tpu.memory_space<vmem>>) dst(%dma_wait3A_224 : memref<64x128xf32, #tpu.memory_space<vmem_shared>>)
      tpu.yield
    }) : () -> ()
    %mul3A_188 = arith.constant 640 : i32
    %mul3A_189 = arith.muli %arg1, %mul3A_188 : i32
    %add3A_190 = arith.constant 448 : i32
    %add3A_191 = arith.addi %mul3A_189, %add3A_190 : i32
    %multiple_of3A_192 = tpu.assume_multiple %add3A_191, 64 : i32
    "tpu.region"() ({
      %run_scoped3A = tpu.sem_alloc : memref<!tpu.dma_semaphore, #tpu.memory_space<semaphore_mem>>
      %dma_start3A_217 = arith.constant 0 : i32
      %dma_start3A_218 = tpu.memref_slice %arg19[%multiple_of3A_192, %dma_start3A_217] : memref<10240x128xf32, #tpu.memory_space<vmem_shared>> -> memref<64x128xf32, #tpu.memory_space<vmem_shared>>
      %dma_start3A_219 = arith.constant 0 : i32
      %dma_start3A_220 = tpu.memref_slice %arg19[%multiple_of3A_192, %dma_start3A_219] : memref<10240x128xf32, #tpu.memory_space<vmem_shared>> -> memref<64x128xf32, #tpu.memory_space<vmem_shared>>
      tpu.enqueue_dma source(%arg18 : memref<64x128xf32, #tpu.memory_space<vmem>>) target(%dma_start3A_220 : memref<64x128xf32, #tpu.memory_space<vmem_shared>>) target_semaphore(%run_scoped3A : memref<!tpu.dma_semaphore, #tpu.memory_space<semaphore_mem>>)
      %dma_wait3A_221 = arith.constant 0 : i32
      %dma_wait3A_222 = tpu.memref_slice %arg19[%multiple_of3A_192, %dma_wait3A_221] : memref<10240x128xf32, #tpu.memory_space<vmem_shared>> -> memref<64x128xf32, #tpu.memory_space<vmem_shared>>
      %dma_wait3A_223 = arith.constant 0 : i32
      %dma_wait3A_224 = tpu.memref_slice %arg19[%multiple_of3A_192, %dma_wait3A_223] : memref<10240x128xf32, #tpu.memory_space<vmem_shared>> -> memref<64x128xf32, #tpu.memory_space<vmem_shared>>
      tpu.wait_dma2 semaphore(%run_scoped3A : memref<!tpu.dma_semaphore, #tpu.memory_space<semaphore_mem>>) src(%arg18 : memref<64x128xf32, #tpu.memory_space<vmem>>) dst(%dma_wait3A_224 : memref<64x128xf32, #tpu.memory_space<vmem_shared>>)
      tpu.yield
    }) : () -> ()
    %mul3A_193 = arith.constant 640 : i32
    %mul3A_194 = arith.muli %arg1, %mul3A_193 : i32
    %add3A_195 = arith.constant 512 : i32
    %add3A_196 = arith.addi %mul3A_194, %add3A_195 : i32
    %multiple_of3A_197 = tpu.assume_multiple %add3A_196, 64 : i32
    "tpu.region"() ({
      %run_scoped3A = tpu.sem_alloc : memref<!tpu.dma_semaphore, #tpu.memory_space<semaphore_mem>>
      %dma_start3A_217 = arith.constant 0 : i32
      %dma_start3A_218 = tpu.memref_slice %arg19[%multiple_of3A_197, %dma_start3A_217] : memref<10240x128xf32, #tpu.memory_space<vmem_shared>> -> memref<64x128xf32, #tpu.memory_space<vmem_shared>>
      %dma_start3A_219 = arith.constant 0 : i32
      %dma_start3A_220 = tpu.memref_slice %arg19[%multiple_of3A_197, %dma_start3A_219] : memref<10240x128xf32, #tpu.memory_space<vmem_shared>> -> memref<64x128xf32, #tpu.memory_space<vmem_shared>>
      tpu.enqueue_dma source(%arg18 : memref<64x128xf32, #tpu.memory_space<vmem>>) target(%dma_start3A_220 : memref<64x128xf32, #tpu.memory_space<vmem_shared>>) target_semaphore(%run_scoped3A : memref<!tpu.dma_semaphore, #tpu.memory_space<semaphore_mem>>)
      %dma_wait3A_221 = arith.constant 0 : i32
      %dma_wait3A_222 = tpu.memref_slice %arg19[%multiple_of3A_197, %dma_wait3A_221] : memref<10240x128xf32, #tpu.memory_space<vmem_shared>> -> memref<64x128xf32, #tpu.memory_space<vmem_shared>>
      %dma_wait3A_223 = arith.constant 0 : i32
      %dma_wait3A_224 = tpu.memref_slice %arg19[%multiple_of3A_197, %dma_wait3A_223] : memref<10240x128xf32, #tpu.memory_space<vmem_shared>> -> memref<64x128xf32, #tpu.memory_space<vmem_shared>>
      tpu.wait_dma2 semaphore(%run_scoped3A : memref<!tpu.dma_semaphore, #tpu.memory_space<semaphore_mem>>) src(%arg18 : memref<64x128xf32, #tpu.memory_space<vmem>>) dst(%dma_wait3A_224 : memref<64x128xf32, #tpu.memory_space<vmem_shared>>)
      tpu.yield
    }) : () -> ()
    %mul3A_198 = arith.constant 640 : i32
    %mul3A_199 = arith.muli %arg1, %mul3A_198 : i32
    %add3A_200 = arith.constant 576 : i32
    %add3A_201 = arith.addi %mul3A_199, %add3A_200 : i32
    %multiple_of3A_202 = tpu.assume_multiple %add3A_201, 64 : i32
    "tpu.region"() ({
      %run_scoped3A = tpu.sem_alloc : memref<!tpu.dma_semaphore, #tpu.memory_space<semaphore_mem>>
      %dma_start3A_217 = arith.constant 0 : i32
      %dma_start3A_218 = tpu.memref_slice %arg19[%multiple_of3A_202, %dma_start3A_217] : memref<10240x128xf32, #tpu.memory_space<vmem_shared>> -> memref<64x128xf32, #tpu.memory_space<vmem_shared>>
      %dma_start3A_219 = arith.constant 0 : i32
      %dma_start3A_220 = tpu.memref_slice %arg19[%multiple_of3A_202, %dma_start3A_219] : memref<10240x128xf32, #tpu.memory_space<vmem_shared>> -> memref<64x128xf32, #tpu.memory_space<vmem_shared>>
      tpu.enqueue_dma source(%arg18 : memref<64x128xf32, #tpu.memory_space<vmem>>) target(%dma_start3A_220 : memref<64x128xf32, #tpu.memory_space<vmem_shared>>) target_semaphore(%run_scoped3A : memref<!tpu.dma_semaphore, #tpu.memory_space<semaphore_mem>>)
      %dma_wait3A_221 = arith.constant 0 : i32
      %dma_wait3A_222 = tpu.memref_slice %arg19[%multiple_of3A_202, %dma_wait3A_221] : memref<10240x128xf32, #tpu.memory_space<vmem_shared>> -> memref<64x128xf32, #tpu.memory_space<vmem_shared>>
      %dma_wait3A_223 = arith.constant 0 : i32
      %dma_wait3A_224 = tpu.memref_slice %arg19[%multiple_of3A_202, %dma_wait3A_223] : memref<10240x128xf32, #tpu.memory_space<vmem_shared>> -> memref<64x128xf32, #tpu.memory_space<vmem_shared>>
      tpu.wait_dma2 semaphore(%run_scoped3A : memref<!tpu.dma_semaphore, #tpu.memory_space<semaphore_mem>>) src(%arg18 : memref<64x128xf32, #tpu.memory_space<vmem>>) dst(%dma_wait3A_224 : memref<64x128xf32, #tpu.memory_space<vmem_shared>>)
      tpu.yield
    }) : () -> ()
    %barrier3A = arith.constant 0 : index
    tpu.barrier barrier_id(%barrier3A)
    %scan3A = arith.constant 0 : i32
    %scan3A_203 = arith.constant 0 : i32
    %scan3A_204 = arith.constant 41 : i32
    %scan3A_205 = arith.addi %scan3A_203, %scan3A_204 : i32
    %scan3A_206 = arith.constant 1 : i32
    scf.for %scan3A_217 = %scan3A_203 to %scan3A_205 step %scan3A_206  : i32 {
      %mul3A_218 = arith.constant 4 : i32
      %mul3A_219 = arith.muli %scan3A_217, %mul3A_218 : i32
      %add3A_220 = arith.constant 0 : i32
      %add3A_221 = arith.addi %mul3A_219, %add3A_220 : i32
      %dma_wait3A_222 = arith.constant 0 : i32
      %dma_wait3A_223 = arith.constant 0 : i32
      %dma_wait3A_224 = tpu.memref_slice %arg2[%dma_wait3A_222, %dma_wait3A_223] : memref<10240x128xf32, #tpu.memory_space<hbm>> -> memref<10240x128xf32, #tpu.memory_space<hbm>>
      tpu.wait_indirect_dma semaphore(%arg20 : memref<!tpu.dma_semaphore, #tpu.memory_space<semaphore_mem>>) src(%dma_wait3A_224 : memref<10240x128xf32, #tpu.memory_space<hbm>>) dst(%arg15 : memref<64x128xf32, #tpu.memory_space<vmem>>)
      %dma_start3A_225 = arith.constant 0 : i32
      %dma_start3A_226 = arith.constant 0 : i32
      %dma_start3A_227 = tpu.memref_slice %arg19[%dma_start3A_225, %dma_start3A_226] : memref<10240x128xf32, #tpu.memory_space<vmem_shared>> -> memref<10240x128xf32, #tpu.memory_space<vmem_shared>>
      tpu.enqueue_indirect_dma source(%arg15 : memref<64x128xf32, #tpu.memory_space<vmem>>) target(%dma_start3A_227 : memref<10240x128xf32, #tpu.memory_space<vmem_shared>>) offsets(%arg11 : memref<64xi32, #tpu.memory_space<vmem>>) semaphore(%arg24 : memref<!tpu.dma_semaphore, #tpu.memory_space<semaphore_mem>>) {add = true}
      %ge3A = arith.constant 2 : i32
      %ge3A_228 = arith.cmpi sge, %add3A_221, %ge3A : i32
      %convert_element_type3A = arith.extui %ge3A_228 : i1 to i32
      %cond3A = arith.constant 0 : i32
      %cond3A_229 = arith.cmpi ne, %convert_element_type3A, %cond3A : i32
      scf.if %cond3A_229 {
        %dma_wait3A_302 = arith.constant 0 : i32
        %dma_wait3A_303 = arith.constant 0 : i32
        %dma_wait3A_304 = tpu.memref_slice %arg19[%dma_wait3A_302, %dma_wait3A_303] : memref<10240x128xf32, #tpu.memory_space<vmem_shared>> -> memref<10240x128xf32, #tpu.memory_space<vmem_shared>>
        tpu.wait_indirect_dma semaphore(%arg26 : memref<!tpu.dma_semaphore, #tpu.memory_space<semaphore_mem>>) src(%arg17 : memref<64x128xf32, #tpu.memory_space<vmem>>) dst(%dma_wait3A_304 : memref<10240x128xf32, #tpu.memory_space<vmem_shared>>)
      } else {
      }
      %add3A_230 = arith.constant 2 : i32
      %add3A_231 = arith.addi %add3A_221, %add3A_230 : i32
      %lt3A = arith.constant 164 : i32
      %lt3A_232 = arith.cmpi slt, %add3A_231, %lt3A : i32
      %convert_element_type3A_233 = arith.extui %lt3A_232 : i1 to i32
      %cond3A_234 = arith.constant 0 : i32
      %cond3A_235 = arith.cmpi ne, %convert_element_type3A_233, %cond3A_234 : i32
      scf.if %cond3A_235 {
        %mul3A_302 = arith.constant 2 : i32
        %mul3A_303 = arith.muli %scan3A_217, %mul3A_302 : i32
        %add3A_304 = arith.constant 1 : i32
        %add3A_305 = arith.addi %mul3A_303, %add3A_304 : i32
        %get3A_306 = arith.index_cast %add3A_305 : i32 to index
        %get3A_307 = arith.constant 0 : index
        %get3A_308 = tpu.vector_load %arg6[%get3A_306, %get3A_307] {strides = array<i32>} : memref<82x128xi32, #tpu.memory_space<vmem>>, vector<1x16xi32>,
        %get3A_309 = vector.shape_cast %get3A_308 : vector<1x16xi32> to vector<16xi32>
        %and3A_310 = arith.constant 16383 : i32
        %and3A_311 = vector.broadcast %and3A_310 : i32 to vector<16xi32>
        %and3A_312 = arith.andi %get3A_309, %and3A_311 : vector<16xi32>
        %swap3A_313 = arith.constant 0 : index
        %swap3A_314 = tpu.vector_load %arg9[%swap3A_313] {strides = array<i32>} : memref<64xi32, #tpu.memory_space<vmem>>, vector<16xi32>,
        %swap3A_315 = vector.shape_cast %swap3A_314 : vector<16xi32> to vector<16xi32>
        %swap3A_316 = vector.shape_cast %and3A_312 : vector<16xi32> to vector<16xi32>
        tpu.vector_store %arg9[%swap3A_313], %swap3A_316 {strides = array<i32>} : memref<64xi32, #tpu.memory_space<vmem>>, vector<16xi32>,
        %shift_right_logical3A_317 = arith.constant 14 : i32
        %shift_right_logical3A_318 = vector.broadcast %shift_right_logical3A_317 : i32 to vector<16xi32>
        %shift_right_logical3A_319 = arith.shrui %get3A_309, %shift_right_logical3A_318 : vector<16xi32>
        %swap3A_320 = arith.constant 0 : index
        %swap3A_321 = tpu.vector_load %arg13[%swap3A_320] {strides = array<i32>} : memref<64xi32, #tpu.memory_space<vmem>>, vector<16xi32>,
        %swap3A_322 = vector.shape_cast %swap3A_321 : vector<16xi32> to vector<16xi32>
        %swap3A_323 = vector.shape_cast %shift_right_logical3A_319 : vector<16xi32> to vector<16xi32>
        tpu.vector_store %arg13[%swap3A_320], %swap3A_323 {strides = array<i32>} : memref<64xi32, #tpu.memory_space<vmem>>, vector<16xi32>,
        %get3A_324 = arith.index_cast %add3A_305 : i32 to index
        %get3A_325 = arith.constant 16 : index
        %get3A_326 = tpu.vector_load %arg6[%get3A_324, %get3A_325] {strides = array<i32>} : memref<82x128xi32, #tpu.memory_space<vmem>>, vector<1x16xi32>,
        %get3A_327 = vector.shape_cast %get3A_326 : vector<1x16xi32> to vector<16xi32>
        %and3A_328 = arith.constant 16383 : i32
        %and3A_329 = vector.broadcast %and3A_328 : i32 to vector<16xi32>
        %and3A_330 = arith.andi %get3A_327, %and3A_329 : vector<16xi32>
        %swap3A_331 = arith.constant 16 : index
        %swap3A_332 = tpu.vector_load %arg9[%swap3A_331] {strides = array<i32>} : memref<64xi32, #tpu.memory_space<vmem>>, vector<16xi32>,
        %swap3A_333 = vector.shape_cast %swap3A_332 : vector<16xi32> to vector<16xi32>
        %swap3A_334 = vector.shape_cast %and3A_330 : vector<16xi32> to vector<16xi32>
        tpu.vector_store %arg9[%swap3A_331], %swap3A_334 {strides = array<i32>} : memref<64xi32, #tpu.memory_space<vmem>>, vector<16xi32>,
        %shift_right_logical3A_335 = arith.constant 14 : i32
        %shift_right_logical3A_336 = vector.broadcast %shift_right_logical3A_335 : i32 to vector<16xi32>
        %shift_right_logical3A_337 = arith.shrui %get3A_327, %shift_right_logical3A_336 : vector<16xi32>
        %swap3A_338 = arith.constant 16 : index
        %swap3A_339 = tpu.vector_load %arg13[%swap3A_338] {strides = array<i32>} : memref<64xi32, #tpu.memory_space<vmem>>, vector<16xi32>,
        %swap3A_340 = vector.shape_cast %swap3A_339 : vector<16xi32> to vector<16xi32>
        %swap3A_341 = vector.shape_cast %shift_right_logical3A_337 : vector<16xi32> to vector<16xi32>
        tpu.vector_store %arg13[%swap3A_338], %swap3A_341 {strides = array<i32>} : memref<64xi32, #tpu.memory_space<vmem>>, vector<16xi32>,
        %get3A_342 = arith.index_cast %add3A_305 : i32 to index
        %get3A_343 = arith.constant 32 : index
        %get3A_344 = tpu.vector_load %arg6[%get3A_342, %get3A_343] {strides = array<i32>} : memref<82x128xi32, #tpu.memory_space<vmem>>, vector<1x16xi32>,
        %get3A_345 = vector.shape_cast %get3A_344 : vector<1x16xi32> to vector<16xi32>
        %and3A_346 = arith.constant 16383 : i32
        %and3A_347 = vector.broadcast %and3A_346 : i32 to vector<16xi32>
        %and3A_348 = arith.andi %get3A_345, %and3A_347 : vector<16xi32>
        %swap3A_349 = arith.constant 32 : index
        %swap3A_350 = tpu.vector_load %arg9[%swap3A_349] {strides = array<i32>} : memref<64xi32, #tpu.memory_space<vmem>>, vector<16xi32>,
        %swap3A_351 = vector.shape_cast %swap3A_350 : vector<16xi32> to vector<16xi32>
        %swap3A_352 = vector.shape_cast %and3A_348 : vector<16xi32> to vector<16xi32>
        tpu.vector_store %arg9[%swap3A_349], %swap3A_352 {strides = array<i32>} : memref<64xi32, #tpu.memory_space<vmem>>, vector<16xi32>,
        %shift_right_logical3A_353 = arith.constant 14 : i32
        %shift_right_logical3A_354 = vector.broadcast %shift_right_logical3A_353 : i32 to vector<16xi32>
        %shift_right_logical3A_355 = arith.shrui %get3A_345, %shift_right_logical3A_354 : vector<16xi32>
        %swap3A_356 = arith.constant 32 : index
        %swap3A_357 = tpu.vector_load %arg13[%swap3A_356] {strides = array<i32>} : memref<64xi32, #tpu.memory_space<vmem>>, vector<16xi32>,
        %swap3A_358 = vector.shape_cast %swap3A_357 : vector<16xi32> to vector<16xi32>
        %swap3A_359 = vector.shape_cast %shift_right_logical3A_355 : vector<16xi32> to vector<16xi32>
        tpu.vector_store %arg13[%swap3A_356], %swap3A_359 {strides = array<i32>} : memref<64xi32, #tpu.memory_space<vmem>>, vector<16xi32>,
        %get3A_360 = arith.index_cast %add3A_305 : i32 to index
        %get3A_361 = arith.constant 48 : index
        %get3A_362 = tpu.vector_load %arg6[%get3A_360, %get3A_361] {strides = array<i32>} : memref<82x128xi32, #tpu.memory_space<vmem>>, vector<1x16xi32>,
        %get3A_363 = vector.shape_cast %get3A_362 : vector<1x16xi32> to vector<16xi32>
        %and3A_364 = arith.constant 16383 : i32
        %and3A_365 = vector.broadcast %and3A_364 : i32 to vector<16xi32>
        %and3A_366 = arith.andi %get3A_363, %and3A_365 : vector<16xi32>
        %swap3A_367 = arith.constant 48 : index
        %swap3A_368 = tpu.vector_load %arg9[%swap3A_367] {strides = array<i32>} : memref<64xi32, #tpu.memory_space<vmem>>, vector<16xi32>,
        %swap3A_369 = vector.shape_cast %swap3A_368 : vector<16xi32> to vector<16xi32>
        %swap3A_370 = vector.shape_cast %and3A_366 : vector<16xi32> to vector<16xi32>
        tpu.vector_store %arg9[%swap3A_367], %swap3A_370 {strides = array<i32>} : memref<64xi32, #tpu.memory_space<vmem>>, vector<16xi32>,
        %shift_right_logical3A_371 = arith.constant 14 : i32
        %shift_right_logical3A_372 = vector.broadcast %shift_right_logical3A_371 : i32 to vector<16xi32>
        %shift_right_logical3A_373 = arith.shrui %get3A_363, %shift_right_logical3A_372 : vector<16xi32>
        %swap3A_374 = arith.constant 48 : index
        %swap3A_375 = tpu.vector_load %arg13[%swap3A_374] {strides = array<i32>} : memref<64xi32, #tpu.memory_space<vmem>>, vector<16xi32>,
        %swap3A_376 = vector.shape_cast %swap3A_375 : vector<16xi32> to vector<16xi32>
        %swap3A_377 = vector.shape_cast %shift_right_logical3A_373 : vector<16xi32> to vector<16xi32>
        tpu.vector_store %arg13[%swap3A_374], %swap3A_377 {strides = array<i32>} : memref<64xi32, #tpu.memory_space<vmem>>, vector<16xi32>,
        %dma_start3A_378 = arith.constant 0 : i32
        %dma_start3A_379 = arith.constant 0 : i32
        %dma_start3A_380 = tpu.memref_slice %arg2[%dma_start3A_378, %dma_start3A_379] : memref<10240x128xf32, #tpu.memory_space<hbm>> -> memref<10240x128xf32, #tpu.memory_space<hbm>>
        tpu.enqueue_indirect_dma source(%dma_start3A_380 : memref<10240x128xf32, #tpu.memory_space<hbm>>) target(%arg17 : memref<64x128xf32, #tpu.memory_space<vmem>>) offsets(%arg9 : memref<64xi32, #tpu.memory_space<vmem>>) semaphore(%arg22 : memref<!tpu.dma_semaphore, #tpu.memory_space<semaphore_mem>>)
      } else {
      }
      %mul3A_236 = arith.constant 4 : i32
      %mul3A_237 = arith.muli %scan3A_217, %mul3A_236 : i32
      %add3A_238 = arith.constant 1 : i32
      %add3A_239 = arith.addi %mul3A_237, %add3A_238 : i32
      %dma_wait3A_240 = arith.constant 0 : i32
      %dma_wait3A_241 = arith.constant 0 : i32
      %dma_wait3A_242 = tpu.memref_slice %arg2[%dma_wait3A_240, %dma_wait3A_241] : memref<10240x128xf32, #tpu.memory_space<hbm>> -> memref<10240x128xf32, #tpu.memory_space<hbm>>
      tpu.wait_indirect_dma semaphore(%arg21 : memref<!tpu.dma_semaphore, #tpu.memory_space<semaphore_mem>>) src(%dma_wait3A_242 : memref<10240x128xf32, #tpu.memory_space<hbm>>) dst(%arg16 : memref<64x128xf32, #tpu.memory_space<vmem>>)
      %dma_start3A_243 = arith.constant 0 : i32
      %dma_start3A_244 = arith.constant 0 : i32
      %dma_start3A_245 = tpu.memref_slice %arg19[%dma_start3A_243, %dma_start3A_244] : memref<10240x128xf32, #tpu.memory_space<vmem_shared>> -> memref<10240x128xf32, #tpu.memory_space<vmem_shared>>
      tpu.enqueue_indirect_dma source(%arg16 : memref<64x128xf32, #tpu.memory_space<vmem>>) target(%dma_start3A_245 : memref<10240x128xf32, #tpu.memory_space<vmem_shared>>) offsets(%arg12 : memref<64xi32, #tpu.memory_space<vmem>>) semaphore(%arg25 : memref<!tpu.dma_semaphore, #tpu.memory_space<semaphore_mem>>) {add = true}
      %ge3A_246 = arith.constant 2 : i32
      %ge3A_247 = arith.cmpi sge, %add3A_239, %ge3A_246 : i32
      %convert_element_type3A_248 = arith.extui %ge3A_247 : i1 to i32
      %cond3A_249 = arith.constant 0 : i32
      %cond3A_250 = arith.cmpi ne, %convert_element_type3A_248, %cond3A_249 : i32
      scf.if %cond3A_250 {
        %dma_wait3A_302 = arith.constant 0 : i32
        %dma_wait3A_303 = arith.constant 0 : i32
        %dma_wait3A_304 = tpu.memref_slice %arg19[%dma_wait3A_302, %dma_wait3A_303] : memref<10240x128xf32, #tpu.memory_space<vmem_shared>> -> memref<10240x128xf32, #tpu.memory_space<vmem_shared>>
        tpu.wait_indirect_dma semaphore(%arg27 : memref<!tpu.dma_semaphore, #tpu.memory_space<semaphore_mem>>) src(%arg18 : memref<64x128xf32, #tpu.memory_space<vmem>>) dst(%dma_wait3A_304 : memref<10240x128xf32, #tpu.memory_space<vmem_shared>>)
      } else {
      }
      %add3A_251 = arith.constant 2 : i32
      %add3A_252 = arith.addi %add3A_239, %add3A_251 : i32
      %lt3A_253 = arith.constant 164 : i32
      %lt3A_254 = arith.cmpi slt, %add3A_252, %lt3A_253 : i32
      %convert_element_type3A_255 = arith.extui %lt3A_254 : i1 to i32
      %cond3A_256 = arith.constant 0 : i32
      %cond3A_257 = arith.cmpi ne, %convert_element_type3A_255, %cond3A_256 : i32
      scf.if %cond3A_257 {
        %mul3A_302 = arith.constant 2 : i32
        %mul3A_303 = arith.muli %scan3A_217, %mul3A_302 : i32
        %add3A_304 = arith.constant 1 : i32
        %add3A_305 = arith.addi %mul3A_303, %add3A_304 : i32
        %get3A_306 = arith.index_cast %add3A_305 : i32 to index
        %get3A_307 = arith.constant 64 : index
        %get3A_308 = tpu.vector_load %arg6[%get3A_306, %get3A_307] {strides = array<i32>} : memref<82x128xi32, #tpu.memory_space<vmem>>, vector<1x16xi32>,
        %get3A_309 = vector.shape_cast %get3A_308 : vector<1x16xi32> to vector<16xi32>
        %and3A_310 = arith.constant 16383 : i32
        %and3A_311 = vector.broadcast %and3A_310 : i32 to vector<16xi32>
        %and3A_312 = arith.andi %get3A_309, %and3A_311 : vector<16xi32>
        %swap3A_313 = arith.constant 0 : index
        %swap3A_314 = tpu.vector_load %arg10[%swap3A_313] {strides = array<i32>} : memref<64xi32, #tpu.memory_space<vmem>>, vector<16xi32>,
        %swap3A_315 = vector.shape_cast %swap3A_314 : vector<16xi32> to vector<16xi32>
        %swap3A_316 = vector.shape_cast %and3A_312 : vector<16xi32> to vector<16xi32>
        tpu.vector_store %arg10[%swap3A_313], %swap3A_316 {strides = array<i32>} : memref<64xi32, #tpu.memory_space<vmem>>, vector<16xi32>,
        %shift_right_logical3A_317 = arith.constant 14 : i32
        %shift_right_logical3A_318 = vector.broadcast %shift_right_logical3A_317 : i32 to vector<16xi32>
        %shift_right_logical3A_319 = arith.shrui %get3A_309, %shift_right_logical3A_318 : vector<16xi32>
        %swap3A_320 = arith.constant 0 : index
        %swap3A_321 = tpu.vector_load %arg14[%swap3A_320] {strides = array<i32>} : memref<64xi32, #tpu.memory_space<vmem>>, vector<16xi32>,
        %swap3A_322 = vector.shape_cast %swap3A_321 : vector<16xi32> to vector<16xi32>
        %swap3A_323 = vector.shape_cast %shift_right_logical3A_319 : vector<16xi32> to vector<16xi32>
        tpu.vector_store %arg14[%swap3A_320], %swap3A_323 {strides = array<i32>} : memref<64xi32, #tpu.memory_space<vmem>>, vector<16xi32>,
        %get3A_324 = arith.index_cast %add3A_305 : i32 to index
        %get3A_325 = arith.constant 80 : index
        %get3A_326 = tpu.vector_load %arg6[%get3A_324, %get3A_325] {strides = array<i32>} : memref<82x128xi32, #tpu.memory_space<vmem>>, vector<1x16xi32>,
        %get3A_327 = vector.shape_cast %get3A_326 : vector<1x16xi32> to vector<16xi32>
        %and3A_328 = arith.constant 16383 : i32
        %and3A_329 = vector.broadcast %and3A_328 : i32 to vector<16xi32>
        %and3A_330 = arith.andi %get3A_327, %and3A_329 : vector<16xi32>
        %swap3A_331 = arith.constant 16 : index
        %swap3A_332 = tpu.vector_load %arg10[%swap3A_331] {strides = array<i32>} : memref<64xi32, #tpu.memory_space<vmem>>, vector<16xi32>,
        %swap3A_333 = vector.shape_cast %swap3A_332 : vector<16xi32> to vector<16xi32>
        %swap3A_334 = vector.shape_cast %and3A_330 : vector<16xi32> to vector<16xi32>
        tpu.vector_store %arg10[%swap3A_331], %swap3A_334 {strides = array<i32>} : memref<64xi32, #tpu.memory_space<vmem>>, vector<16xi32>,
        %shift_right_logical3A_335 = arith.constant 14 : i32
        %shift_right_logical3A_336 = vector.broadcast %shift_right_logical3A_335 : i32 to vector<16xi32>
        %shift_right_logical3A_337 = arith.shrui %get3A_327, %shift_right_logical3A_336 : vector<16xi32>
        %swap3A_338 = arith.constant 16 : index
        %swap3A_339 = tpu.vector_load %arg14[%swap3A_338] {strides = array<i32>} : memref<64xi32, #tpu.memory_space<vmem>>, vector<16xi32>,
        %swap3A_340 = vector.shape_cast %swap3A_339 : vector<16xi32> to vector<16xi32>
        %swap3A_341 = vector.shape_cast %shift_right_logical3A_337 : vector<16xi32> to vector<16xi32>
        tpu.vector_store %arg14[%swap3A_338], %swap3A_341 {strides = array<i32>} : memref<64xi32, #tpu.memory_space<vmem>>, vector<16xi32>,
        %get3A_342 = arith.index_cast %add3A_305 : i32 to index
        %get3A_343 = arith.constant 96 : index
        %get3A_344 = tpu.vector_load %arg6[%get3A_342, %get3A_343] {strides = array<i32>} : memref<82x128xi32, #tpu.memory_space<vmem>>, vector<1x16xi32>,
        %get3A_345 = vector.shape_cast %get3A_344 : vector<1x16xi32> to vector<16xi32>
        %and3A_346 = arith.constant 16383 : i32
        %and3A_347 = vector.broadcast %and3A_346 : i32 to vector<16xi32>
        %and3A_348 = arith.andi %get3A_345, %and3A_347 : vector<16xi32>
        %swap3A_349 = arith.constant 32 : index
        %swap3A_350 = tpu.vector_load %arg10[%swap3A_349] {strides = array<i32>} : memref<64xi32, #tpu.memory_space<vmem>>, vector<16xi32>,
        %swap3A_351 = vector.shape_cast %swap3A_350 : vector<16xi32> to vector<16xi32>
        %swap3A_352 = vector.shape_cast %and3A_348 : vector<16xi32> to vector<16xi32>
        tpu.vector_store %arg10[%swap3A_349], %swap3A_352 {strides = array<i32>} : memref<64xi32, #tpu.memory_space<vmem>>, vector<16xi32>,
        %shift_right_logical3A_353 = arith.constant 14 : i32
        %shift_right_logical3A_354 = vector.broadcast %shift_right_logical3A_353 : i32 to vector<16xi32>
        %shift_right_logical3A_355 = arith.shrui %get3A_345, %shift_right_logical3A_354 : vector<16xi32>
        %swap3A_356 = arith.constant 32 : index
        %swap3A_357 = tpu.vector_load %arg14[%swap3A_356] {strides = array<i32>} : memref<64xi32, #tpu.memory_space<vmem>>, vector<16xi32>,
        %swap3A_358 = vector.shape_cast %swap3A_357 : vector<16xi32> to vector<16xi32>
        %swap3A_359 = vector.shape_cast %shift_right_logical3A_355 : vector<16xi32> to vector<16xi32>
        tpu.vector_store %arg14[%swap3A_356], %swap3A_359 {strides = array<i32>} : memref<64xi32, #tpu.memory_space<vmem>>, vector<16xi32>,
        %get3A_360 = arith.index_cast %add3A_305 : i32 to index
        %get3A_361 = arith.constant 112 : index
        %get3A_362 = tpu.vector_load %arg6[%get3A_360, %get3A_361] {strides = array<i32>} : memref<82x128xi32, #tpu.memory_space<vmem>>, vector<1x16xi32>,
        %get3A_363 = vector.shape_cast %get3A_362 : vector<1x16xi32> to vector<16xi32>
        %and3A_364 = arith.constant 16383 : i32
        %and3A_365 = vector.broadcast %and3A_364 : i32 to vector<16xi32>
        %and3A_366 = arith.andi %get3A_363, %and3A_365 : vector<16xi32>
        %swap3A_367 = arith.constant 48 : index
        %swap3A_368 = tpu.vector_load %arg10[%swap3A_367] {strides = array<i32>} : memref<64xi32, #tpu.memory_space<vmem>>, vector<16xi32>,
        %swap3A_369 = vector.shape_cast %swap3A_368 : vector<16xi32> to vector<16xi32>
        %swap3A_370 = vector.shape_cast %and3A_366 : vector<16xi32> to vector<16xi32>
        tpu.vector_store %arg10[%swap3A_367], %swap3A_370 {strides = array<i32>} : memref<64xi32, #tpu.memory_space<vmem>>, vector<16xi32>,
        %shift_right_logical3A_371 = arith.constant 14 : i32
        %shift_right_logical3A_372 = vector.broadcast %shift_right_logical3A_371 : i32 to vector<16xi32>
        %shift_right_logical3A_373 = arith.shrui %get3A_363, %shift_right_logical3A_372 : vector<16xi32>
        %swap3A_374 = arith.constant 48 : index
        %swap3A_375 = tpu.vector_load %arg14[%swap3A_374] {strides = array<i32>} : memref<64xi32, #tpu.memory_space<vmem>>, vector<16xi32>,
        %swap3A_376 = vector.shape_cast %swap3A_375 : vector<16xi32> to vector<16xi32>
        %swap3A_377 = vector.shape_cast %shift_right_logical3A_373 : vector<16xi32> to vector<16xi32>
        tpu.vector_store %arg14[%swap3A_374], %swap3A_377 {strides = array<i32>} : memref<64xi32, #tpu.memory_space<vmem>>, vector<16xi32>,
        %dma_start3A_378 = arith.constant 0 : i32
        %dma_start3A_379 = arith.constant 0 : i32
        %dma_start3A_380 = tpu.memref_slice %arg2[%dma_start3A_378, %dma_start3A_379] : memref<10240x128xf32, #tpu.memory_space<hbm>> -> memref<10240x128xf32, #tpu.memory_space<hbm>>
        tpu.enqueue_indirect_dma source(%dma_start3A_380 : memref<10240x128xf32, #tpu.memory_space<hbm>>) target(%arg18 : memref<64x128xf32, #tpu.memory_space<vmem>>) offsets(%arg10 : memref<64xi32, #tpu.memory_space<vmem>>) semaphore(%arg23 : memref<!tpu.dma_semaphore, #tpu.memory_space<semaphore_mem>>)
      } else {
      }
      %mul3A_258 = arith.constant 4 : i32
      %mul3A_259 = arith.muli %scan3A_217, %mul3A_258 : i32
      %add3A_260 = arith.constant 2 : i32
      %add3A_261 = arith.addi %mul3A_259, %add3A_260 : i32
      %dma_wait3A_262 = arith.constant 0 : i32
      %dma_wait3A_263 = arith.constant 0 : i32
      %dma_wait3A_264 = tpu.memref_slice %arg2[%dma_wait3A_262, %dma_wait3A_263] : memref<10240x128xf32, #tpu.memory_space<hbm>> -> memref<10240x128xf32, #tpu.memory_space<hbm>>
      tpu.wait_indirect_dma semaphore(%arg22 : memref<!tpu.dma_semaphore, #tpu.memory_space<semaphore_mem>>) src(%dma_wait3A_264 : memref<10240x128xf32, #tpu.memory_space<hbm>>) dst(%arg17 : memref<64x128xf32, #tpu.memory_space<vmem>>)
      %dma_start3A_265 = arith.constant 0 : i32
      %dma_start3A_266 = arith.constant 0 : i32
      %dma_start3A_267 = tpu.memref_slice %arg19[%dma_start3A_265, %dma_start3A_266] : memref<10240x128xf32, #tpu.memory_space<vmem_shared>> -> memref<10240x128xf32, #tpu.memory_space<vmem_shared>>
      tpu.enqueue_indirect_dma source(%arg17 : memref<64x128xf32, #tpu.memory_space<vmem>>) target(%dma_start3A_267 : memref<10240x128xf32, #tpu.memory_space<vmem_shared>>) offsets(%arg13 : memref<64xi32, #tpu.memory_space<vmem>>) semaphore(%arg26 : memref<!tpu.dma_semaphore, #tpu.memory_space<semaphore_mem>>) {add = true}
      %ge3A_268 = arith.constant 2 : i32
      %ge3A_269 = arith.cmpi sge, %add3A_261, %ge3A_268 : i32
      %convert_element_type3A_270 = arith.extui %ge3A_269 : i1 to i32
      %cond3A_271 = arith.constant 0 : i32
      %cond3A_272 = arith.cmpi ne, %convert_element_type3A_270, %cond3A_271 : i32
      scf.if %cond3A_272 {
        %dma_wait3A_302 = arith.constant 0 : i32
        %dma_wait3A_303 = arith.constant 0 : i32
        %dma_wait3A_304 = tpu.memref_slice %arg19[%dma_wait3A_302, %dma_wait3A_303] : memref<10240x128xf32, #tpu.memory_space<vmem_shared>> -> memref<10240x128xf32, #tpu.memory_space<vmem_shared>>
        tpu.wait_indirect_dma semaphore(%arg24 : memref<!tpu.dma_semaphore, #tpu.memory_space<semaphore_mem>>) src(%arg15 : memref<64x128xf32, #tpu.memory_space<vmem>>) dst(%dma_wait3A_304 : memref<10240x128xf32, #tpu.memory_space<vmem_shared>>)
      } else {
      }
      %add3A_273 = arith.constant 2 : i32
      %add3A_274 = arith.addi %add3A_261, %add3A_273 : i32
      %lt3A_275 = arith.constant 164 : i32
      %lt3A_276 = arith.cmpi slt, %add3A_274, %lt3A_275 : i32
      %convert_element_type3A_277 = arith.extui %lt3A_276 : i1 to i32
      %cond3A_278 = arith.constant 0 : i32
      %cond3A_279 = arith.cmpi ne, %convert_element_type3A_277, %cond3A_278 : i32
      scf.if %cond3A_279 {
        %mul3A_302 = arith.constant 2 : i32
        %mul3A_303 = arith.muli %scan3A_217, %mul3A_302 : i32
        %add3A_304 = arith.constant 2 : i32
        %add3A_305 = arith.addi %mul3A_303, %add3A_304 : i32
        %get3A_306 = arith.index_cast %add3A_305 : i32 to index
        %get3A_307 = arith.constant 0 : index
        %get3A_308 = tpu.vector_load %arg6[%get3A_306, %get3A_307] {strides = array<i32>} : memref<82x128xi32, #tpu.memory_space<vmem>>, vector<1x16xi32>,
        %get3A_309 = vector.shape_cast %get3A_308 : vector<1x16xi32> to vector<16xi32>
        %and3A_310 = arith.constant 16383 : i32
        %and3A_311 = vector.broadcast %and3A_310 : i32 to vector<16xi32>
        %and3A_312 = arith.andi %get3A_309, %and3A_311 : vector<16xi32>
        %swap3A_313 = arith.constant 0 : index
        %swap3A_314 = tpu.vector_load %arg7[%swap3A_313] {strides = array<i32>} : memref<64xi32, #tpu.memory_space<vmem>>, vector<16xi32>,
        %swap3A_315 = vector.shape_cast %swap3A_314 : vector<16xi32> to vector<16xi32>
        %swap3A_316 = vector.shape_cast %and3A_312 : vector<16xi32> to vector<16xi32>
        tpu.vector_store %arg7[%swap3A_313], %swap3A_316 {strides = array<i32>} : memref<64xi32, #tpu.memory_space<vmem>>, vector<16xi32>,
        %shift_right_logical3A_317 = arith.constant 14 : i32
        %shift_right_logical3A_318 = vector.broadcast %shift_right_logical3A_317 : i32 to vector<16xi32>
        %shift_right_logical3A_319 = arith.shrui %get3A_309, %shift_right_logical3A_318 : vector<16xi32>
        %swap3A_320 = arith.constant 0 : index
        %swap3A_321 = tpu.vector_load %arg11[%swap3A_320] {strides = array<i32>} : memref<64xi32, #tpu.memory_space<vmem>>, vector<16xi32>,
        %swap3A_322 = vector.shape_cast %swap3A_321 : vector<16xi32> to vector<16xi32>
        %swap3A_323 = vector.shape_cast %shift_right_logical3A_319 : vector<16xi32> to vector<16xi32>
        tpu.vector_store %arg11[%swap3A_320], %swap3A_323 {strides = array<i32>} : memref<64xi32, #tpu.memory_space<vmem>>, vector<16xi32>,
        %get3A_324 = arith.index_cast %add3A_305 : i32 to index
        %get3A_325 = arith.constant 16 : index
        %get3A_326 = tpu.vector_load %arg6[%get3A_324, %get3A_325] {strides = array<i32>} : memref<82x128xi32, #tpu.memory_space<vmem>>, vector<1x16xi32>,
        %get3A_327 = vector.shape_cast %get3A_326 : vector<1x16xi32> to vector<16xi32>
        %and3A_328 = arith.constant 16383 : i32
        %and3A_329 = vector.broadcast %and3A_328 : i32 to vector<16xi32>
        %and3A_330 = arith.andi %get3A_327, %and3A_329 : vector<16xi32>
        %swap3A_331 = arith.constant 16 : index
        %swap3A_332 = tpu.vector_load %arg7[%swap3A_331] {strides = array<i32>} : memref<64xi32, #tpu.memory_space<vmem>>, vector<16xi32>,
        %swap3A_333 = vector.shape_cast %swap3A_332 : vector<16xi32> to vector<16xi32>
        %swap3A_334 = vector.shape_cast %and3A_330 : vector<16xi32> to vector<16xi32>
        tpu.vector_store %arg7[%swap3A_331], %swap3A_334 {strides = array<i32>} : memref<64xi32, #tpu.memory_space<vmem>>, vector<16xi32>,
        %shift_right_logical3A_335 = arith.constant 14 : i32
        %shift_right_logical3A_336 = vector.broadcast %shift_right_logical3A_335 : i32 to vector<16xi32>
        %shift_right_logical3A_337 = arith.shrui %get3A_327, %shift_right_logical3A_336 : vector<16xi32>
        %swap3A_338 = arith.constant 16 : index
        %swap3A_339 = tpu.vector_load %arg11[%swap3A_338] {strides = array<i32>} : memref<64xi32, #tpu.memory_space<vmem>>, vector<16xi32>,
        %swap3A_340 = vector.shape_cast %swap3A_339 : vector<16xi32> to vector<16xi32>
        %swap3A_341 = vector.shape_cast %shift_right_logical3A_337 : vector<16xi32> to vector<16xi32>
        tpu.vector_store %arg11[%swap3A_338], %swap3A_341 {strides = array<i32>} : memref<64xi32, #tpu.memory_space<vmem>>, vector<16xi32>,
        %get3A_342 = arith.index_cast %add3A_305 : i32 to index
        %get3A_343 = arith.constant 32 : index
        %get3A_344 = tpu.vector_load %arg6[%get3A_342, %get3A_343] {strides = array<i32>} : memref<82x128xi32, #tpu.memory_space<vmem>>, vector<1x16xi32>,
        %get3A_345 = vector.shape_cast %get3A_344 : vector<1x16xi32> to vector<16xi32>
        %and3A_346 = arith.constant 16383 : i32
        %and3A_347 = vector.broadcast %and3A_346 : i32 to vector<16xi32>
        %and3A_348 = arith.andi %get3A_345, %and3A_347 : vector<16xi32>
        %swap3A_349 = arith.constant 32 : index
        %swap3A_350 = tpu.vector_load %arg7[%swap3A_349] {strides = array<i32>} : memref<64xi32, #tpu.memory_space<vmem>>, vector<16xi32>,
        %swap3A_351 = vector.shape_cast %swap3A_350 : vector<16xi32> to vector<16xi32>
        %swap3A_352 = vector.shape_cast %and3A_348 : vector<16xi32> to vector<16xi32>
        tpu.vector_store %arg7[%swap3A_349], %swap3A_352 {strides = array<i32>} : memref<64xi32, #tpu.memory_space<vmem>>, vector<16xi32>,
        %shift_right_logical3A_353 = arith.constant 14 : i32
        %shift_right_logical3A_354 = vector.broadcast %shift_right_logical3A_353 : i32 to vector<16xi32>
        %shift_right_logical3A_355 = arith.shrui %get3A_345, %shift_right_logical3A_354 : vector<16xi32>
        %swap3A_356 = arith.constant 32 : index
        %swap3A_357 = tpu.vector_load %arg11[%swap3A_356] {strides = array<i32>} : memref<64xi32, #tpu.memory_space<vmem>>, vector<16xi32>,
        %swap3A_358 = vector.shape_cast %swap3A_357 : vector<16xi32> to vector<16xi32>
        %swap3A_359 = vector.shape_cast %shift_right_logical3A_355 : vector<16xi32> to vector<16xi32>
        tpu.vector_store %arg11[%swap3A_356], %swap3A_359 {strides = array<i32>} : memref<64xi32, #tpu.memory_space<vmem>>, vector<16xi32>,
        %get3A_360 = arith.index_cast %add3A_305 : i32 to index
        %get3A_361 = arith.constant 48 : index
        %get3A_362 = tpu.vector_load %arg6[%get3A_360, %get3A_361] {strides = array<i32>} : memref<82x128xi32, #tpu.memory_space<vmem>>, vector<1x16xi32>,
        %get3A_363 = vector.shape_cast %get3A_362 : vector<1x16xi32> to vector<16xi32>
        %and3A_364 = arith.constant 16383 : i32
        %and3A_365 = vector.broadcast %and3A_364 : i32 to vector<16xi32>
        %and3A_366 = arith.andi %get3A_363, %and3A_365 : vector<16xi32>
        %swap3A_367 = arith.constant 48 : index
        %swap3A_368 = tpu.vector_load %arg7[%swap3A_367] {strides = array<i32>} : memref<64xi32, #tpu.memory_space<vmem>>, vector<16xi32>,
        %swap3A_369 = vector.shape_cast %swap3A_368 : vector<16xi32> to vector<16xi32>
        %swap3A_370 = vector.shape_cast %and3A_366 : vector<16xi32> to vector<16xi32>
        tpu.vector_store %arg7[%swap3A_367], %swap3A_370 {strides = array<i32>} : memref<64xi32, #tpu.memory_space<vmem>>, vector<16xi32>,
        %shift_right_logical3A_371 = arith.constant 14 : i32
        %shift_right_logical3A_372 = vector.broadcast %shift_right_logical3A_371 : i32 to vector<16xi32>
        %shift_right_logical3A_373 = arith.shrui %get3A_363, %shift_right_logical3A_372 : vector<16xi32>
        %swap3A_374 = arith.constant 48 : index
        %swap3A_375 = tpu.vector_load %arg11[%swap3A_374] {strides = array<i32>} : memref<64xi32, #tpu.memory_space<vmem>>, vector<16xi32>,
        %swap3A_376 = vector.shape_cast %swap3A_375 : vector<16xi32> to vector<16xi32>
        %swap3A_377 = vector.shape_cast %shift_right_logical3A_373 : vector<16xi32> to vector<16xi32>
        tpu.vector_store %arg11[%swap3A_374], %swap3A_377 {strides = array<i32>} : memref<64xi32, #tpu.memory_space<vmem>>, vector<16xi32>,
        %dma_start3A_378 = arith.constant 0 : i32
        %dma_start3A_379 = arith.constant 0 : i32
        %dma_start3A_380 = tpu.memref_slice %arg2[%dma_start3A_378, %dma_start3A_379] : memref<10240x128xf32, #tpu.memory_space<hbm>> -> memref<10240x128xf32, #tpu.memory_space<hbm>>
        tpu.enqueue_indirect_dma source(%dma_start3A_380 : memref<10240x128xf32, #tpu.memory_space<hbm>>) target(%arg15 : memref<64x128xf32, #tpu.memory_space<vmem>>) offsets(%arg7 : memref<64xi32, #tpu.memory_space<vmem>>) semaphore(%arg20 : memref<!tpu.dma_semaphore, #tpu.memory_space<semaphore_mem>>)
      } else {
      }
      %mul3A_280 = arith.constant 4 : i32
      %mul3A_281 = arith.muli %scan3A_217, %mul3A_280 : i32
      %add3A_282 = arith.constant 3 : i32
      %add3A_283 = arith.addi %mul3A_281, %add3A_282 : i32
      %dma_wait3A_284 = arith.constant 0 : i32
      %dma_wait3A_285 = arith.constant 0 : i32
      %dma_wait3A_286 = tpu.memref_slice %arg2[%dma_wait3A_284, %dma_wait3A_285] : memref<10240x128xf32, #tpu.memory_space<hbm>> -> memref<10240x128xf32, #tpu.memory_space<hbm>>
      tpu.wait_indirect_dma semaphore(%arg23 : memref<!tpu.dma_semaphore, #tpu.memory_space<semaphore_mem>>) src(%dma_wait3A_286 : memref<10240x128xf32, #tpu.memory_space<hbm>>) dst(%arg18 : memref<64x128xf32, #tpu.memory_space<vmem>>)
      %dma_start3A_287 = arith.constant 0 : i32
      %dma_start3A_288 = arith.constant 0 : i32
      %dma_start3A_289 = tpu.memref_slice %arg19[%dma_start3A_287, %dma_start3A_288] : memref<10240x128xf32, #tpu.memory_space<vmem_shared>> -> memref<10240x128xf32, #tpu.memory_space<vmem_shared>>
      tpu.enqueue_indirect_dma source(%arg18 : memref<64x128xf32, #tpu.memory_space<vmem>>) target(%dma_start3A_289 : memref<10240x128xf32, #tpu.memory_space<vmem_shared>>) offsets(%arg14 : memref<64xi32, #tpu.memory_space<vmem>>) semaphore(%arg27 : memref<!tpu.dma_semaphore, #tpu.memory_space<semaphore_mem>>) {add = true}
      %ge3A_290 = arith.constant 2 : i32
      %ge3A_291 = arith.cmpi sge, %add3A_283, %ge3A_290 : i32
      %convert_element_type3A_292 = arith.extui %ge3A_291 : i1 to i32
      %cond3A_293 = arith.constant 0 : i32
      %cond3A_294 = arith.cmpi ne, %convert_element_type3A_292, %cond3A_293 : i32
      scf.if %cond3A_294 {
        %dma_wait3A_302 = arith.constant 0 : i32
        %dma_wait3A_303 = arith.constant 0 : i32
        %dma_wait3A_304 = tpu.memref_slice %arg19[%dma_wait3A_302, %dma_wait3A_303] : memref<10240x128xf32, #tpu.memory_space<vmem_shared>> -> memref<10240x128xf32, #tpu.memory_space<vmem_shared>>
        tpu.wait_indirect_dma semaphore(%arg25 : memref<!tpu.dma_semaphore, #tpu.memory_space<semaphore_mem>>) src(%arg16 : memref<64x128xf32, #tpu.memory_space<vmem>>) dst(%dma_wait3A_304 : memref<10240x128xf32, #tpu.memory_space<vmem_shared>>)
      } else {
      }
      %add3A_295 = arith.constant 2 : i32
      %add3A_296 = arith.addi %add3A_283, %add3A_295 : i32
      %lt3A_297 = arith.constant 164 : i32
      %lt3A_298 = arith.cmpi slt, %add3A_296, %lt3A_297 : i32
      %convert_element_type3A_299 = arith.extui %lt3A_298 : i1 to i32
      %cond3A_300 = arith.constant 0 : i32
      %cond3A_301 = arith.cmpi ne, %convert_element_type3A_299, %cond3A_300 : i32
      scf.if %cond3A_301 {
        %mul3A_302 = arith.constant 2 : i32
        %mul3A_303 = arith.muli %scan3A_217, %mul3A_302 : i32
        %add3A_304 = arith.constant 2 : i32
        %add3A_305 = arith.addi %mul3A_303, %add3A_304 : i32
        %get3A_306 = arith.index_cast %add3A_305 : i32 to index
        %get3A_307 = arith.constant 64 : index
        %get3A_308 = tpu.vector_load %arg6[%get3A_306, %get3A_307] {strides = array<i32>} : memref<82x128xi32, #tpu.memory_space<vmem>>, vector<1x16xi32>,
        %get3A_309 = vector.shape_cast %get3A_308 : vector<1x16xi32> to vector<16xi32>
        %and3A_310 = arith.constant 16383 : i32
        %and3A_311 = vector.broadcast %and3A_310 : i32 to vector<16xi32>
        %and3A_312 = arith.andi %get3A_309, %and3A_311 : vector<16xi32>
        %swap3A_313 = arith.constant 0 : index
        %swap3A_314 = tpu.vector_load %arg8[%swap3A_313] {strides = array<i32>} : memref<64xi32, #tpu.memory_space<vmem>>, vector<16xi32>,
        %swap3A_315 = vector.shape_cast %swap3A_314 : vector<16xi32> to vector<16xi32>
        %swap3A_316 = vector.shape_cast %and3A_312 : vector<16xi32> to vector<16xi32>
        tpu.vector_store %arg8[%swap3A_313], %swap3A_316 {strides = array<i32>} : memref<64xi32, #tpu.memory_space<vmem>>, vector<16xi32>,
        %shift_right_logical3A_317 = arith.constant 14 : i32
        %shift_right_logical3A_318 = vector.broadcast %shift_right_logical3A_317 : i32 to vector<16xi32>
        %shift_right_logical3A_319 = arith.shrui %get3A_309, %shift_right_logical3A_318 : vector<16xi32>
        %swap3A_320 = arith.constant 0 : index
        %swap3A_321 = tpu.vector_load %arg12[%swap3A_320] {strides = array<i32>} : memref<64xi32, #tpu.memory_space<vmem>>, vector<16xi32>,
        %swap3A_322 = vector.shape_cast %swap3A_321 : vector<16xi32> to vector<16xi32>
        %swap3A_323 = vector.shape_cast %shift_right_logical3A_319 : vector<16xi32> to vector<16xi32>
        tpu.vector_store %arg12[%swap3A_320], %swap3A_323 {strides = array<i32>} : memref<64xi32, #tpu.memory_space<vmem>>, vector<16xi32>,
        %get3A_324 = arith.index_cast %add3A_305 : i32 to index
        %get3A_325 = arith.constant 80 : index
        %get3A_326 = tpu.vector_load %arg6[%get3A_324, %get3A_325] {strides = array<i32>} : memref<82x128xi32, #tpu.memory_space<vmem>>, vector<1x16xi32>,
        %get3A_327 = vector.shape_cast %get3A_326 : vector<1x16xi32> to vector<16xi32>
        %and3A_328 = arith.constant 16383 : i32
        %and3A_329 = vector.broadcast %and3A_328 : i32 to vector<16xi32>
        %and3A_330 = arith.andi %get3A_327, %and3A_329 : vector<16xi32>
        %swap3A_331 = arith.constant 16 : index
        %swap3A_332 = tpu.vector_load %arg8[%swap3A_331] {strides = array<i32>} : memref<64xi32, #tpu.memory_space<vmem>>, vector<16xi32>,
        %swap3A_333 = vector.shape_cast %swap3A_332 : vector<16xi32> to vector<16xi32>
        %swap3A_334 = vector.shape_cast %and3A_330 : vector<16xi32> to vector<16xi32>
        tpu.vector_store %arg8[%swap3A_331], %swap3A_334 {strides = array<i32>} : memref<64xi32, #tpu.memory_space<vmem>>, vector<16xi32>,
        %shift_right_logical3A_335 = arith.constant 14 : i32
        %shift_right_logical3A_336 = vector.broadcast %shift_right_logical3A_335 : i32 to vector<16xi32>
        %shift_right_logical3A_337 = arith.shrui %get3A_327, %shift_right_logical3A_336 : vector<16xi32>
        %swap3A_338 = arith.constant 16 : index
        %swap3A_339 = tpu.vector_load %arg12[%swap3A_338] {strides = array<i32>} : memref<64xi32, #tpu.memory_space<vmem>>, vector<16xi32>,
        %swap3A_340 = vector.shape_cast %swap3A_339 : vector<16xi32> to vector<16xi32>
        %swap3A_341 = vector.shape_cast %shift_right_logical3A_337 : vector<16xi32> to vector<16xi32>
        tpu.vector_store %arg12[%swap3A_338], %swap3A_341 {strides = array<i32>} : memref<64xi32, #tpu.memory_space<vmem>>, vector<16xi32>,
        %get3A_342 = arith.index_cast %add3A_305 : i32 to index
        %get3A_343 = arith.constant 96 : index
        %get3A_344 = tpu.vector_load %arg6[%get3A_342, %get3A_343] {strides = array<i32>} : memref<82x128xi32, #tpu.memory_space<vmem>>, vector<1x16xi32>,
        %get3A_345 = vector.shape_cast %get3A_344 : vector<1x16xi32> to vector<16xi32>
        %and3A_346 = arith.constant 16383 : i32
        %and3A_347 = vector.broadcast %and3A_346 : i32 to vector<16xi32>
        %and3A_348 = arith.andi %get3A_345, %and3A_347 : vector<16xi32>
        %swap3A_349 = arith.constant 32 : index
        %swap3A_350 = tpu.vector_load %arg8[%swap3A_349] {strides = array<i32>} : memref<64xi32, #tpu.memory_space<vmem>>, vector<16xi32>,
        %swap3A_351 = vector.shape_cast %swap3A_350 : vector<16xi32> to vector<16xi32>
        %swap3A_352 = vector.shape_cast %and3A_348 : vector<16xi32> to vector<16xi32>
        tpu.vector_store %arg8[%swap3A_349], %swap3A_352 {strides = array<i32>} : memref<64xi32, #tpu.memory_space<vmem>>, vector<16xi32>,
        %shift_right_logical3A_353 = arith.constant 14 : i32
        %shift_right_logical3A_354 = vector.broadcast %shift_right_logical3A_353 : i32 to vector<16xi32>
        %shift_right_logical3A_355 = arith.shrui %get3A_345, %shift_right_logical3A_354 : vector<16xi32>
        %swap3A_356 = arith.constant 32 : index
        %swap3A_357 = tpu.vector_load %arg12[%swap3A_356] {strides = array<i32>} : memref<64xi32, #tpu.memory_space<vmem>>, vector<16xi32>,
        %swap3A_358 = vector.shape_cast %swap3A_357 : vector<16xi32> to vector<16xi32>
        %swap3A_359 = vector.shape_cast %shift_right_logical3A_355 : vector<16xi32> to vector<16xi32>
        tpu.vector_store %arg12[%swap3A_356], %swap3A_359 {strides = array<i32>} : memref<64xi32, #tpu.memory_space<vmem>>, vector<16xi32>,
        %get3A_360 = arith.index_cast %add3A_305 : i32 to index
        %get3A_361 = arith.constant 112 : index
        %get3A_362 = tpu.vector_load %arg6[%get3A_360, %get3A_361] {strides = array<i32>} : memref<82x128xi32, #tpu.memory_space<vmem>>, vector<1x16xi32>,
        %get3A_363 = vector.shape_cast %get3A_362 : vector<1x16xi32> to vector<16xi32>
        %and3A_364 = arith.constant 16383 : i32
        %and3A_365 = vector.broadcast %and3A_364 : i32 to vector<16xi32>
        %and3A_366 = arith.andi %get3A_363, %and3A_365 : vector<16xi32>
        %swap3A_367 = arith.constant 48 : index
        %swap3A_368 = tpu.vector_load %arg8[%swap3A_367] {strides = array<i32>} : memref<64xi32, #tpu.memory_space<vmem>>, vector<16xi32>,
        %swap3A_369 = vector.shape_cast %swap3A_368 : vector<16xi32> to vector<16xi32>
        %swap3A_370 = vector.shape_cast %and3A_366 : vector<16xi32> to vector<16xi32>
        tpu.vector_store %arg8[%swap3A_367], %swap3A_370 {strides = array<i32>} : memref<64xi32, #tpu.memory_space<vmem>>, vector<16xi32>,
        %shift_right_logical3A_371 = arith.constant 14 : i32
        %shift_right_logical3A_372 = vector.broadcast %shift_right_logical3A_371 : i32 to vector<16xi32>
        %shift_right_logical3A_373 = arith.shrui %get3A_363, %shift_right_logical3A_372 : vector<16xi32>
        %swap3A_374 = arith.constant 48 : index
        %swap3A_375 = tpu.vector_load %arg12[%swap3A_374] {strides = array<i32>} : memref<64xi32, #tpu.memory_space<vmem>>, vector<16xi32>,
        %swap3A_376 = vector.shape_cast %swap3A_375 : vector<16xi32> to vector<16xi32>
        %swap3A_377 = vector.shape_cast %shift_right_logical3A_373 : vector<16xi32> to vector<16xi32>
        tpu.vector_store %arg12[%swap3A_374], %swap3A_377 {strides = array<i32>} : memref<64xi32, #tpu.memory_space<vmem>>, vector<16xi32>,
        %dma_start3A_378 = arith.constant 0 : i32
        %dma_start3A_379 = arith.constant 0 : i32
        %dma_start3A_380 = tpu.memref_slice %arg2[%dma_start3A_378, %dma_start3A_379] : memref<10240x128xf32, #tpu.memory_space<hbm>> -> memref<10240x128xf32, #tpu.memory_space<hbm>>
        tpu.enqueue_indirect_dma source(%dma_start3A_380 : memref<10240x128xf32, #tpu.memory_space<hbm>>) target(%arg16 : memref<64x128xf32, #tpu.memory_space<vmem>>) offsets(%arg8 : memref<64xi32, #tpu.memory_space<vmem>>) semaphore(%arg21 : memref<!tpu.dma_semaphore, #tpu.memory_space<semaphore_mem>>)
      } else {
      }
    }
    %scan3A_207 = arith.constant 41 : i32
    %dma_wait3A = arith.constant 0 : i32
    %dma_wait3A_208 = arith.constant 0 : i32
    %dma_wait3A_209 = tpu.memref_slice %arg19[%dma_wait3A, %dma_wait3A_208] : memref<10240x128xf32, #tpu.memory_space<vmem_shared>> -> memref<10240x128xf32, #tpu.memory_space<vmem_shared>>
    tpu.wait_indirect_dma semaphore(%arg26 : memref<!tpu.dma_semaphore, #tpu.memory_space<semaphore_mem>>) src(%arg17 : memref<64x128xf32, #tpu.memory_space<vmem>>) dst(%dma_wait3A_209 : memref<10240x128xf32, #tpu.memory_space<vmem_shared>>)
    %dma_wait3A_210 = arith.constant 0 : i32
    %dma_wait3A_211 = arith.constant 0 : i32
    %dma_wait3A_212 = tpu.memref_slice %arg19[%dma_wait3A_210, %dma_wait3A_211] : memref<10240x128xf32, #tpu.memory_space<vmem_shared>> -> memref<10240x128xf32, #tpu.memory_space<vmem_shared>>
    tpu.wait_indirect_dma semaphore(%arg27 : memref<!tpu.dma_semaphore, #tpu.memory_space<semaphore_mem>>) src(%arg18 : memref<64x128xf32, #tpu.memory_space<vmem>>) dst(%dma_wait3A_212 : memref<10240x128xf32, #tpu.memory_space<vmem_shared>>)
    %barrier3A_213 = arith.constant 0 : index
    tpu.barrier barrier_id(%barrier3A_213)
    %mul3A_214 = arith.constant 640 : i32
    %mul3A_215 = arith.muli %arg1, %mul3A_214 : i32
    %multiple_of3A_216 = tpu.assume_multiple %mul3A_215, 8 : i32
    "tpu.region"() ({
      %run_scoped3A = tpu.sem_alloc : memref<!tpu.dma_semaphore, #tpu.memory_space<semaphore_mem>>
      %dma_start3A_217 = arith.constant 0 : i32
      %dma_start3A_218 = tpu.memref_slice %arg5[%arg0, %multiple_of3A_216, %dma_start3A_217] : memref<2x10240x128xf32, #tpu.memory_space<hbm>> -> memref<1x640x128xf32, #tpu.memory_space<hbm>>
      %dma_start3A_219 = tpu.memref_squeeze %dma_start3A_218 : memref<1x640x128xf32, #tpu.memory_space<hbm>> -> memref<640x128xf32, #tpu.memory_space<hbm>>
      %dma_start3A_220 = arith.constant 0 : i32
      %dma_start3A_221 = tpu.memref_slice %arg19[%multiple_of3A_216, %dma_start3A_220] : memref<10240x128xf32, #tpu.memory_space<vmem_shared>> -> memref<640x128xf32, #tpu.memory_space<vmem_shared>>
      tpu.enqueue_dma source(%dma_start3A_221 : memref<640x128xf32, #tpu.memory_space<vmem_shared>>) target(%dma_start3A_219 : memref<640x128xf32, #tpu.memory_space<hbm>>) target_semaphore(%run_scoped3A : memref<!tpu.dma_semaphore, #tpu.memory_space<semaphore_mem>>)
      %dma_wait3A_222 = arith.constant 0 : i32
      %dma_wait3A_223 = tpu.memref_slice %arg5[%arg0, %multiple_of3A_216, %dma_wait3A_222] : memref<2x10240x128xf32, #tpu.memory_space<hbm>> -> memref<1x640x128xf32, #tpu.memory_space<hbm>>
      %dma_wait3A_224 = tpu.memref_squeeze %dma_wait3A_223 : memref<1x640x128xf32, #tpu.memory_space<hbm>> -> memref<640x128xf32, #tpu.memory_space<hbm>>
      %dma_wait3A_225 = arith.constant 0 : i32
      %dma_wait3A_226 = tpu.memref_slice %arg19[%multiple_of3A_216, %dma_wait3A_225] : memref<10240x128xf32, #tpu.memory_space<vmem_shared>> -> memref<640x128xf32, #tpu.memory_space<vmem_shared>>
      tpu.wait_dma2 semaphore(%run_scoped3A : memref<!tpu.dma_semaphore, #tpu.memory_space<semaphore_mem>>) src(%dma_wait3A_226 : memref<640x128xf32, #tpu.memory_space<vmem_shared>>) dst(%dma_wait3A_224 : memref<640x128xf32, #tpu.memory_space<hbm>>)
      tpu.yield
    }) : () -> ()
    return
  }
}

module attributes {stable_mosaic.version = 14 : i64} {
  func.func @body(%arg0: i32, %arg1: memref<2x1280x16xf32, #tpu.memory_space<vmem>>, %arg2: memref<1280x128xf32, #tpu.memory_space<vmem>>, %arg3: memref<128x128xf32, #tpu.memory_space<vmem>>, %arg4: memref<1280x1xf32, #tpu.memory_space<vmem>>, %arg5: memref<1280x128xf32, #tpu.memory_space<vmem>>) attributes {dimension_semantics = [#tpu.dimension_semantics<arbitrary>], iteration_bounds = array<i64: 8>, scalar_prefetch = 0 : i64, scratch_operands = 0 : i64, tpu.core_type = #tpu.core_type<tc>, window_params = [{transform_indices = @transform_0, window_bounds = array<i64: 2, 1280, 16>}, {transform_indices = @transform_1, window_bounds = array<i64: 1280, 128>}, {pipeline_mode = #tpu.pipeline_mode<synchronous>, transform_indices = @transform_2, window_bounds = array<i64: 128, 128>}, {transform_indices = @transform_3, window_bounds = array<i64: 1280, 1>}, {transform_indices = @transform_4, window_bounds = array<i64: 1280, 128>}]} {
    %get3A = arith.constant 0 : index
    %get3A_0 = arith.constant 0 : index
    %get3A_1 = arith.constant 0 : index
    %get3A_2 = vector.load %arg1[%get3A, %get3A_0, %get3A_1] : memref<2x1280x16xf32, #tpu.memory_space<vmem>>, vector<1x1280x1xf32>
    %get3A_3 = vector.shape_cast %get3A_2 : vector<1x1280x1xf32> to vector<1280x1xf32>
    %get3A_4 = arith.constant 1 : index
    %get3A_5 = arith.constant 0 : index
    %get3A_6 = arith.constant 0 : index
    %get3A_7 = vector.load %arg1[%get3A_4, %get3A_5, %get3A_6] : memref<2x1280x16xf32, #tpu.memory_space<vmem>>, vector<1x1280x1xf32>
    %get3A_8 = vector.shape_cast %get3A_7 : vector<1x1280x1xf32> to vector<1280x1xf32>
    %add3A = arith.addf %get3A_3, %get3A_8 : vector<1280x1xf32>
    %gt3A = arith.constant 0.000000e+00 : f32
    %gt3A_9 = vector.broadcast %gt3A : f32 to vector<1280x1xf32>
    %gt3A_10 = arith.cmpf ogt, %add3A, %gt3A_9 : vector<1280x1xf32>
    %rsqrt3A = math.rsqrt %add3A : vector<1280x1xf32>
    %jit3A = arith.constant 0.000000e+00 : f32
    %broadcast_in_dim3A = vector.broadcast %jit3A : f32 to vector<1280x1xf32>
    %select_n3A = arith.select %gt3A_10, %rsqrt3A, %broadcast_in_dim3A : vector<1280x1xi1>, vector<1280x1xf32>
    %swap3A = arith.constant 0 : index
    %swap3A_11 = arith.constant 0 : index
    %swap3A_12 = vector.load %arg4[%swap3A, %swap3A_11] : memref<1280x1xf32, #tpu.memory_space<vmem>>, vector<1280x1xf32>
    tpu.vector_store %arg4[%swap3A, %swap3A_11], %select_n3A {strides = array<i32>} : memref<1280x1xf32, #tpu.memory_space<vmem>>, vector<1280x1xf32>,
    %get3A_13 = arith.constant 0 : index
    %get3A_14 = arith.constant 0 : index
    %get3A_15 = vector.load %arg2[%get3A_13, %get3A_14] : memref<1280x128xf32, #tpu.memory_space<vmem>>, vector<1280x128xf32>
    %get3A_16 = arith.constant 0 : index
    %get3A_17 = arith.constant 0 : index
    %get3A_18 = vector.load %arg3[%get3A_16, %get3A_17] : memref<128x128xf32, #tpu.memory_space<vmem>>, vector<128x128xf32>
    %dot_general3A = arith.constant dense<0.000000e+00> : vector<1280x128xf32>
    %dot_general3A_19 = tpu.matmul %get3A_15, %get3A_18, %dot_general3A {dimension_numbers = #tpu.dot_dimension_numbers<[1], [0], [0], [1], [0, 0, 1, 1], [], []>, transpose_lhs_hint = false} : vector<1280x128xf32>, vector<128x128xf32>, vector<1280x128xf32> -> vector<1280x128xf32>
    %mul3A = vector.broadcast %select_n3A : vector<1280x1xf32> to vector<1280x128xf32>
    %mul3A_20 = arith.mulf %mul3A, %dot_general3A_19 : vector<1280x128xf32>
    %swap3A_21 = arith.constant 0 : index
    %swap3A_22 = arith.constant 0 : index
    %swap3A_23 = vector.load %arg5[%swap3A_21, %swap3A_22] : memref<1280x128xf32, #tpu.memory_space<vmem>>, vector<1280x128xf32>
    tpu.vector_store %arg5[%swap3A_21, %swap3A_22], %mul3A_20 {strides = array<i32>} : memref<1280x128xf32, #tpu.memory_space<vmem>>, vector<1280x128xf32>,
    return
  }
  func.func @transform_0(%arg0: i32) -> (i32, i32, i32) {
    %c0_i32 = arith.constant 0 : i32
    %c0_i32_0 = arith.constant 0 : i32
    %c0_i32_1 = arith.constant 0 : i32
    return %c0_i32, %arg0, %c0_i32_0 : i32, i32, i32
  }
  func.func @transform_1(%arg0: i32) -> (i32, i32) {
    %c0_i32 = arith.constant 0 : i32
    %c0_i32_0 = arith.constant 0 : i32
    return %arg0, %c0_i32 : i32, i32
  }
  func.func @transform_2(%arg0: i32) -> (i32, i32) {
    %c0_i32 = arith.constant 0 : i32
    %c0_i32_0 = arith.constant 0 : i32
    %c0_i32_1 = arith.constant 0 : i32
    return %c0_i32, %c0_i32_0 : i32, i32
  }
  func.func @transform_3(%arg0: i32) -> (i32, i32) {
    %c0_i32 = arith.constant 0 : i32
    %c0_i32_0 = arith.constant 0 : i32
    return %arg0, %c0_i32 : i32, i32
  }
  func.func @transform_4(%arg0: i32) -> (i32, i32) {
    %c0_i32 = arith.constant 0 : i32
    %c0_i32_0 = arith.constant 0 : i32
    return %arg0, %c0_i32 : i32, i32
  }
}

module attributes {stable_mosaic.version = 14 : i64} {
  func.func @body(%arg0: i32, %arg1: memref<2x1280x128xf32, #tpu.memory_space<vmem>>, %arg2: memref<1280x1xf32, #tpu.memory_space<vmem>>, %arg3: memref<1x128xf32, #tpu.memory_space<vmem>>, %arg4: memref<128x128xf32, #tpu.memory_space<vmem>>, %arg5: memref<1280x128xf32, #tpu.memory_space<vmem>>) attributes {dimension_semantics = [#tpu.dimension_semantics<arbitrary>], iteration_bounds = array<i64: 8>, scalar_prefetch = 0 : i64, scratch_operands = 0 : i64, tpu.core_type = #tpu.core_type<tc>, window_params = [{transform_indices = @transform_0, window_bounds = array<i64: 2, 1280, 128>}, {transform_indices = @transform_1, window_bounds = array<i64: 1280, 1>}, {pipeline_mode = #tpu.pipeline_mode<synchronous>, transform_indices = @transform_2, window_bounds = array<i64: 1, 128>}, {pipeline_mode = #tpu.pipeline_mode<synchronous>, transform_indices = @transform_3, window_bounds = array<i64: 128, 128>}, {transform_indices = @transform_4, window_bounds = array<i64: 1280, 128>}]} {
    %get3A = arith.constant 0 : index
    %get3A_0 = arith.constant 0 : index
    %get3A_1 = vector.load %arg2[%get3A, %get3A_0] : memref<1280x1xf32, #tpu.memory_space<vmem>>, vector<1280x1xf32>
    %get3A_2 = arith.constant 0 : index
    %get3A_3 = arith.constant 0 : index
    %get3A_4 = arith.constant 0 : index
    %get3A_5 = vector.load %arg1[%get3A_2, %get3A_3, %get3A_4] : memref<2x1280x128xf32, #tpu.memory_space<vmem>>, vector<1x1280x128xf32>
    %get3A_6 = vector.shape_cast %get3A_5 : vector<1x1280x128xf32> to vector<1280x128xf32>
    %get3A_7 = arith.constant 1 : index
    %get3A_8 = arith.constant 0 : index
    %get3A_9 = arith.constant 0 : index
    %get3A_10 = vector.load %arg1[%get3A_7, %get3A_8, %get3A_9] : memref<2x1280x128xf32, #tpu.memory_space<vmem>>, vector<1x1280x128xf32>
    %get3A_11 = vector.shape_cast %get3A_10 : vector<1x1280x128xf32> to vector<1280x128xf32>
    %add3A = arith.addf %get3A_6, %get3A_11 : vector<1280x128xf32>
    %mul3A = vector.broadcast %get3A_1 : vector<1280x1xf32> to vector<1280x128xf32>
    %mul3A_12 = arith.mulf %mul3A, %add3A : vector<1280x128xf32>
    %get3A_13 = arith.constant 0 : index
    %get3A_14 = arith.constant 0 : index
    %get3A_15 = vector.load %arg3[%get3A_13, %get3A_14] : memref<1x128xf32, #tpu.memory_space<vmem>>, vector<1x128xf32>
    %add3A_16 = vector.broadcast %get3A_15 : vector<1x128xf32> to vector<1280x128xf32>
    %add3A_17 = arith.addf %mul3A_12, %add3A_16 : vector<1280x128xf32>
    %max3A = arith.constant 0.000000e+00 : f32
    %max3A_18 = vector.broadcast %max3A : f32 to vector<1280x128xf32>
    %max3A_19 = arith.maximumf %add3A_17, %max3A_18 : vector<1280x128xf32>
    %get3A_20 = arith.constant 0 : index
    %get3A_21 = arith.constant 0 : index
    %get3A_22 = vector.load %arg4[%get3A_20, %get3A_21] : memref<128x128xf32, #tpu.memory_space<vmem>>, vector<128x128xf32>
    %dot_general3A = arith.constant dense<0.000000e+00> : vector<1280x128xf32>
    %dot_general3A_23 = tpu.matmul %max3A_19, %get3A_22, %dot_general3A {dimension_numbers = #tpu.dot_dimension_numbers<[1], [0], [0], [1], [0, 0, 1, 1], [], []>, transpose_lhs_hint = false} : vector<1280x128xf32>, vector<128x128xf32>, vector<1280x128xf32> -> vector<1280x128xf32>
    %mul3A_24 = vector.broadcast %get3A_1 : vector<1280x1xf32> to vector<1280x128xf32>
    %mul3A_25 = arith.mulf %mul3A_24, %dot_general3A_23 : vector<1280x128xf32>
    %swap3A = arith.constant 0 : index
    %swap3A_26 = arith.constant 0 : index
    %swap3A_27 = vector.load %arg5[%swap3A, %swap3A_26] : memref<1280x128xf32, #tpu.memory_space<vmem>>, vector<1280x128xf32>
    tpu.vector_store %arg5[%swap3A, %swap3A_26], %mul3A_25 {strides = array<i32>} : memref<1280x128xf32, #tpu.memory_space<vmem>>, vector<1280x128xf32>,
    return
  }
  func.func @transform_0(%arg0: i32) -> (i32, i32, i32) {
    %c0_i32 = arith.constant 0 : i32
    %c0_i32_0 = arith.constant 0 : i32
    %c0_i32_1 = arith.constant 0 : i32
    return %c0_i32, %arg0, %c0_i32_0 : i32, i32, i32
  }
  func.func @transform_1(%arg0: i32) -> (i32, i32) {
    %c0_i32 = arith.constant 0 : i32
    %c0_i32_0 = arith.constant 0 : i32
    return %arg0, %c0_i32 : i32, i32
  }
  func.func @transform_2(%arg0: i32) -> (i32, i32) {
    %c0_i32 = arith.constant 0 : i32
    %c0_i32_0 = arith.constant 0 : i32
    %c0_i32_1 = arith.constant 0 : i32
    return %c0_i32, %c0_i32_0 : i32, i32
  }
  func.func @transform_3(%arg0: i32) -> (i32, i32) {
    %c0_i32 = arith.constant 0 : i32
    %c0_i32_0 = arith.constant 0 : i32
    %c0_i32_1 = arith.constant 0 : i32
    return %c0_i32, %c0_i32_0 : i32, i32
  }
  func.func @transform_4(%arg0: i32) -> (i32, i32) {
    %c0_i32 = arith.constant 0 : i32
    %c0_i32_0 = arith.constant 0 : i32
    return %arg0, %c0_i32 : i32, i32
  }
}

module attributes {stable_mosaic.version = 14 : i64} {
  func.func @body(%arg0: i32, %arg1: memref<2x1280x128xf32, #tpu.memory_space<vmem>>, %arg2: memref<1280x1xf32, #tpu.memory_space<vmem>>, %arg3: memref<1x128xf32, #tpu.memory_space<vmem>>, %arg4: memref<1280x128xf32, #tpu.memory_space<vmem>>, %arg5: memref<128x64xf32, #tpu.memory_space<vmem>>, %arg6: memref<128x64xf32, #tpu.memory_space<vmem>>, %arg7: memref<1280x128xf32, #tpu.memory_space<vmem>>) attributes {dimension_semantics = [#tpu.dimension_semantics<arbitrary>], iteration_bounds = array<i64: 8>, scalar_prefetch = 0 : i64, scratch_operands = 0 : i64, tpu.core_type = #tpu.core_type<tc>, window_params = [{transform_indices = @transform_0, window_bounds = array<i64: 2, 1280, 128>}, {transform_indices = @transform_1, window_bounds = array<i64: 1280, 1>}, {pipeline_mode = #tpu.pipeline_mode<synchronous>, transform_indices = @transform_2, window_bounds = array<i64: 1, 128>}, {transform_indices = @transform_3, window_bounds = array<i64: 1280, 128>}, {pipeline_mode = #tpu.pipeline_mode<synchronous>, transform_indices = @transform_4, window_bounds = array<i64: 128, 64>}, {pipeline_mode = #tpu.pipeline_mode<synchronous>, transform_indices = @transform_5, window_bounds = array<i64: 128, 64>}, {transform_indices = @transform_6, window_bounds = array<i64: 1280, 128>}]} {
    %get3A = arith.constant 0 : index
    %get3A_0 = arith.constant 0 : index
    %get3A_1 = vector.load %arg2[%get3A, %get3A_0] : memref<1280x1xf32, #tpu.memory_space<vmem>>, vector<1280x1xf32>
    %get3A_2 = arith.constant 0 : index
    %get3A_3 = arith.constant 0 : index
    %get3A_4 = arith.constant 0 : index
    %get3A_5 = vector.load %arg1[%get3A_2, %get3A_3, %get3A_4] : memref<2x1280x128xf32, #tpu.memory_space<vmem>>, vector<1x1280x128xf32>
    %get3A_6 = vector.shape_cast %get3A_5 : vector<1x1280x128xf32> to vector<1280x128xf32>
    %get3A_7 = arith.constant 1 : index
    %get3A_8 = arith.constant 0 : index
    %get3A_9 = arith.constant 0 : index
    %get3A_10 = vector.load %arg1[%get3A_7, %get3A_8, %get3A_9] : memref<2x1280x128xf32, #tpu.memory_space<vmem>>, vector<1x1280x128xf32>
    %get3A_11 = vector.shape_cast %get3A_10 : vector<1x1280x128xf32> to vector<1280x128xf32>
    %add3A = arith.addf %get3A_6, %get3A_11 : vector<1280x128xf32>
    %mul3A = vector.broadcast %get3A_1 : vector<1280x1xf32> to vector<1280x128xf32>
    %mul3A_12 = arith.mulf %mul3A, %add3A : vector<1280x128xf32>
    %get3A_13 = arith.constant 0 : index
    %get3A_14 = arith.constant 0 : index
    %get3A_15 = vector.load %arg3[%get3A_13, %get3A_14] : memref<1x128xf32, #tpu.memory_space<vmem>>, vector<1x128xf32>
    %add3A_16 = vector.broadcast %get3A_15 : vector<1x128xf32> to vector<1280x128xf32>
    %add3A_17 = arith.addf %mul3A_12, %add3A_16 : vector<1280x128xf32>
    %max3A = arith.constant 0.000000e+00 : f32
    %max3A_18 = vector.broadcast %max3A : f32 to vector<1280x128xf32>
    %max3A_19 = arith.maximumf %add3A_17, %max3A_18 : vector<1280x128xf32>
    %get3A_20 = arith.constant 0 : index
    %get3A_21 = arith.constant 0 : index
    %get3A_22 = vector.load %arg5[%get3A_20, %get3A_21] : memref<128x64xf32, #tpu.memory_space<vmem>>, vector<128x64xf32>
    %dot_general3A = arith.constant dense<0.000000e+00> : vector<1280x64xf32>
    %dot_general3A_23 = tpu.matmul %max3A_19, %get3A_22, %dot_general3A {dimension_numbers = #tpu.dot_dimension_numbers<[1], [0], [0], [1], [0, 0, 1, 1], [], []>, transpose_lhs_hint = false} : vector<1280x128xf32>, vector<128x64xf32>, vector<1280x64xf32> -> vector<1280x64xf32>
    %get3A_24 = arith.constant 0 : index
    %get3A_25 = arith.constant 0 : index
    %get3A_26 = vector.load %arg4[%get3A_24, %get3A_25] : memref<1280x128xf32, #tpu.memory_space<vmem>>, vector<1280x128xf32>
    %get3A_27 = arith.constant 0 : index
    %get3A_28 = arith.constant 0 : index
    %get3A_29 = vector.load %arg6[%get3A_27, %get3A_28] : memref<128x64xf32, #tpu.memory_space<vmem>>, vector<128x64xf32>
    %dot_general3A_30 = arith.constant dense<0.000000e+00> : vector<1280x64xf32>
    %dot_general3A_31 = tpu.matmul %get3A_26, %get3A_29, %dot_general3A_30 {dimension_numbers = #tpu.dot_dimension_numbers<[1], [0], [0], [1], [0, 0, 1, 1], [], []>, transpose_lhs_hint = false} : vector<1280x128xf32>, vector<128x64xf32>, vector<1280x64xf32> -> vector<1280x64xf32>
    %add3A_32 = arith.addf %dot_general3A_23, %dot_general3A_31 : vector<1280x64xf32>
    %mul3A_33 = vector.broadcast %get3A_1 : vector<1280x1xf32> to vector<1280x64xf32>
    %mul3A_34 = arith.mulf %mul3A_33, %add3A_32 : vector<1280x64xf32>
    %broadcast_in_dim3A = arith.constant 0.000000e+00 : f32
    %broadcast_in_dim3A_35 = vector.broadcast %broadcast_in_dim3A : f32 to vector<1280x64xf32>
    %concatenate3A = tpu.concatenate %mul3A_34, %broadcast_in_dim3A_35 in 1 : vector<1280x64xf32>, vector<1280x64xf32> -> vector<1280x128xf32>
    %swap3A = arith.constant 0 : index
    %swap3A_36 = arith.constant 0 : index
    %swap3A_37 = vector.load %arg7[%swap3A, %swap3A_36] : memref<1280x128xf32, #tpu.memory_space<vmem>>, vector<1280x128xf32>
    tpu.vector_store %arg7[%swap3A, %swap3A_36], %concatenate3A {strides = array<i32>} : memref<1280x128xf32, #tpu.memory_space<vmem>>, vector<1280x128xf32>,
    return
  }
  func.func @transform_0(%arg0: i32) -> (i32, i32, i32) {
    %c0_i32 = arith.constant 0 : i32
    %c0_i32_0 = arith.constant 0 : i32
    %c0_i32_1 = arith.constant 0 : i32
    return %c0_i32, %arg0, %c0_i32_0 : i32, i32, i32
  }
  func.func @transform_1(%arg0: i32) -> (i32, i32) {
    %c0_i32 = arith.constant 0 : i32
    %c0_i32_0 = arith.constant 0 : i32
    return %arg0, %c0_i32 : i32, i32
  }
  func.func @transform_2(%arg0: i32) -> (i32, i32) {
    %c0_i32 = arith.constant 0 : i32
    %c0_i32_0 = arith.constant 0 : i32
    %c0_i32_1 = arith.constant 0 : i32
    return %c0_i32, %c0_i32_0 : i32, i32
  }
  func.func @transform_3(%arg0: i32) -> (i32, i32) {
    %c0_i32 = arith.constant 0 : i32
    %c0_i32_0 = arith.constant 0 : i32
    return %arg0, %c0_i32 : i32, i32
  }
  func.func @transform_4(%arg0: i32) -> (i32, i32) {
    %c0_i32 = arith.constant 0 : i32
    %c0_i32_0 = arith.constant 0 : i32
    %c0_i32_1 = arith.constant 0 : i32
    return %c0_i32, %c0_i32_0 : i32, i32
  }
  func.func @transform_5(%arg0: i32) -> (i32, i32) {
    %c0_i32 = arith.constant 0 : i32
    %c0_i32_0 = arith.constant 0 : i32
    %c0_i32_1 = arith.constant 0 : i32
    return %c0_i32, %c0_i32_0 : i32, i32
  }
  func.func @transform_6(%arg0: i32) -> (i32, i32) {
    %c0_i32 = arith.constant 0 : i32
    %c0_i32_0 = arith.constant 0 : i32
    return %arg0, %c0_i32 : i32, i32
  }
}

module attributes {stable_mosaic.version = 14 : i64} {
  func.func @body(%arg0: memref<2x10240x128xf32, #tpu.memory_space<vmem>>, %arg1: memref<10240x1xf32, #tpu.memory_space<vmem>>, %arg2: memref<1x64xf32, #tpu.memory_space<vmem>>, %arg3: memref<64x1xf32, #tpu.memory_space<vmem>>, %arg4: memref<1x1xf32, #tpu.memory_space<vmem>>, %arg5: memref<10240x1xi32, #tpu.memory_space<vmem>>, %arg6: memref<16x64xf32, #tpu.memory_space<vmem>>) attributes {dimension_semantics = [], scalar_prefetch = 0 : i64, scratch_operands = 0 : i64, tpu.core_type = #tpu.core_type<tc>} {
    %get3A = arith.constant 0 : index
    %get3A_0 = arith.constant 0 : index
    %get3A_1 = vector.load %arg1[%get3A, %get3A_0] : memref<10240x1xf32, #tpu.memory_space<vmem>>, vector<10240x1xf32>
    %get3A_2 = arith.constant 0 : index
    %get3A_3 = arith.constant 0 : index
    %get3A_4 = arith.constant 0 : index
    %get3A_5 = vector.load %arg0[%get3A_2, %get3A_3, %get3A_4] : memref<2x10240x128xf32, #tpu.memory_space<vmem>>, vector<1x10240x64xf32>
    %get3A_6 = vector.shape_cast %get3A_5 : vector<1x10240x64xf32> to vector<10240x64xf32>
    %get3A_7 = arith.constant 1 : index
    %get3A_8 = arith.constant 0 : index
    %get3A_9 = arith.constant 0 : index
    %get3A_10 = vector.load %arg0[%get3A_7, %get3A_8, %get3A_9] : memref<2x10240x128xf32, #tpu.memory_space<vmem>>, vector<1x10240x64xf32>
    %get3A_11 = vector.shape_cast %get3A_10 : vector<1x10240x64xf32> to vector<10240x64xf32>
    %add3A = arith.addf %get3A_6, %get3A_11 : vector<10240x64xf32>
    %mul3A = vector.broadcast %get3A_1 : vector<10240x1xf32> to vector<10240x64xf32>
    %mul3A_12 = arith.mulf %mul3A, %add3A : vector<10240x64xf32>
    %get3A_13 = arith.constant 0 : index
    %get3A_14 = arith.constant 0 : index
    %get3A_15 = vector.load %arg2[%get3A_13, %get3A_14] : memref<1x64xf32, #tpu.memory_space<vmem>>, vector<1x64xf32>
    %add3A_16 = vector.broadcast %get3A_15 : vector<1x64xf32> to vector<10240x64xf32>
    %add3A_17 = arith.addf %mul3A_12, %add3A_16 : vector<10240x64xf32>
    %get3A_18 = arith.constant 0 : index
    %get3A_19 = arith.constant 0 : index
    %get3A_20 = vector.load %arg3[%get3A_18, %get3A_19] : memref<64x1xf32, #tpu.memory_space<vmem>>, vector<64x1xf32>
    %dot_general3A = arith.constant dense<0.000000e+00> : vector<10240x1xf32>
    %dot_general3A_21 = tpu.matmul %add3A_17, %get3A_20, %dot_general3A {dimension_numbers = #tpu.dot_dimension_numbers<[1], [0], [0], [1], [0, 0, 1, 1], [], []>, transpose_lhs_hint = false} : vector<10240x64xf32>, vector<64x1xf32>, vector<10240x1xf32> -> vector<10240x1xf32>
    %get3A_22 = arith.constant 0 : index
    %get3A_23 = arith.constant 0 : index
    %get3A_24 = vector.load %arg4[%get3A_22, %get3A_23] : memref<1x1xf32, #tpu.memory_space<vmem>>, vector<1x1xf32>
    %get3A_25 = vector.extract %get3A_24[0, 0] : f32 from vector<1x1xf32>
    %add3A_26 = vector.broadcast %get3A_25 : f32 to vector<10240x1xf32>
    %add3A_27 = arith.addf %dot_general3A_21, %add3A_26 : vector<10240x1xf32>
    %iota3A = tpu.iota {dimensions = array<i32: 1>} : vector<1x16xi32>
    %get3A_28 = arith.constant 0 : index
    %get3A_29 = arith.constant 0 : index
    %get3A_30 = vector.load %arg5[%get3A_28, %get3A_29] : memref<10240x1xi32, #tpu.memory_space<vmem>>, vector<10240x1xi32>
    %eq3A = vector.broadcast %get3A_30 : vector<10240x1xi32> to vector<10240x16xi32>
    %eq3A_31 = vector.broadcast %iota3A : vector<1x16xi32> to vector<10240x16xi32>
    %eq3A_32 = arith.cmpi eq, %eq3A, %eq3A_31 : vector<10240x16xi32>
    %jit3A = arith.constant -1.000000e+30 : f32
    %broadcast_in_dim3A = vector.shape_cast %add3A_27 : vector<10240x1xf32> to vector<10240x1xf32>
    %broadcast_in_dim3A_33 = vector.broadcast %broadcast_in_dim3A : vector<10240x1xf32> to vector<10240x16xf32>
    %broadcast_in_dim3A_34 = vector.broadcast %jit3A : f32 to vector<10240x16xf32>
    %select_n3A = arith.select %eq3A_32, %broadcast_in_dim3A_33, %broadcast_in_dim3A_34 : vector<10240x16xi1>, vector<10240x16xf32>
    %reduce_max3A = arith.constant dense<0xFF800000> : vector<16xf32>
    %reduce_max3A_35 = vector.multi_reduction <maximumf>, %select_n3A, %reduce_max3A [0] : vector<10240x16xf32> to vector<16xf32>
    %broadcast_in_dim3A_36 = vector.shape_cast %reduce_max3A_35 : vector<16xf32> to vector<1x16xf32>
    %sub3A = vector.broadcast %add3A_27 : vector<10240x1xf32> to vector<10240x16xf32>
    %sub3A_37 = vector.broadcast %broadcast_in_dim3A_36 : vector<1x16xf32> to vector<10240x16xf32>
    %sub3A_38 = arith.subf %sub3A, %sub3A_37 : vector<10240x16xf32>
    %exp3A = math.exp %sub3A_38 : vector<10240x16xf32>
    %jit3A_39 = arith.constant 0.000000e+00 : f32
    %broadcast_in_dim3A_40 = vector.broadcast %jit3A_39 : f32 to vector<10240x16xf32>
    %select_n3A_41 = arith.select %eq3A_32, %exp3A, %broadcast_in_dim3A_40 : vector<10240x16xi1>, vector<10240x16xf32>
    %reduce_sum3A = arith.constant dense<0.000000e+00> : vector<16xf32>
    %reduce_sum3A_42 = vector.multi_reduction <add>, %select_n3A_41, %reduce_sum3A [0] : vector<10240x16xf32> to vector<16xf32>
    %broadcast_in_dim3A_43 = vector.shape_cast %reduce_sum3A_42 : vector<16xf32> to vector<1x16xf32>
    %add3A_44 = arith.constant 1.000000e-16 : f32
    %add3A_45 = vector.broadcast %add3A_44 : f32 to vector<1x16xf32>
    %add3A_46 = arith.addf %broadcast_in_dim3A_43, %add3A_45 : vector<1x16xf32>
    %div3A = vector.broadcast %add3A_46 : vector<1x16xf32> to vector<10240x16xf32>
    %div3A_47 = arith.divf %select_n3A_41, %div3A : vector<10240x16xf32>
    %dot_general3A_48 = arith.constant dense<0.000000e+00> : vector<16x64xf32>
    %dot_general3A_49 = tpu.matmul %div3A_47, %add3A_17, %dot_general3A_48 {dimension_numbers = #tpu.dot_dimension_numbers<[0], [0], [1], [1], [0, 1, 1, 1], [], []>, transpose_lhs_hint = false} : vector<10240x16xf32>, vector<10240x64xf32>, vector<16x64xf32> -> vector<16x64xf32>
    %reduce_max3A_50 = arith.constant dense<0xFF800000> : vector<16xf32>
    %reduce_max3A_51 = vector.multi_reduction <maximumf>, %dot_general3A_49, %reduce_max3A_50 [1] : vector<16x64xf32> to vector<16xf32>
    %broadcast_in_dim3A_52 = vector.shape_cast %reduce_max3A_51 : vector<16xf32> to vector<16x1xf32>
    %sub3A_53 = vector.broadcast %broadcast_in_dim3A_52 : vector<16x1xf32> to vector<16x64xf32>
    %sub3A_54 = arith.subf %dot_general3A_49, %sub3A_53 : vector<16x64xf32>
    %exp3A_55 = math.exp %sub3A_54 : vector<16x64xf32>
    %reduce_sum3A_56 = arith.constant dense<0.000000e+00> : vector<16xf32>
    %reduce_sum3A_57 = vector.multi_reduction <add>, %exp3A_55, %reduce_sum3A_56 [1] : vector<16x64xf32> to vector<16xf32>
    %broadcast_in_dim3A_58 = vector.shape_cast %reduce_sum3A_57 : vector<16xf32> to vector<16x1xf32>
    %log3A = math.log %broadcast_in_dim3A_58 : vector<16x1xf32>
    %sub3A_59 = vector.broadcast %broadcast_in_dim3A_52 : vector<16x1xf32> to vector<16x64xf32>
    %sub3A_60 = arith.subf %dot_general3A_49, %sub3A_59 : vector<16x64xf32>
    %sub3A_61 = vector.broadcast %log3A : vector<16x1xf32> to vector<16x64xf32>
    %sub3A_62 = arith.subf %sub3A_60, %sub3A_61 : vector<16x64xf32>
    %swap3A = arith.constant 0 : index
    %swap3A_63 = arith.constant 0 : index
    %swap3A_64 = vector.load %arg6[%swap3A, %swap3A_63] : memref<16x64xf32, #tpu.memory_space<vmem>>, vector<16x64xf32>
    tpu.vector_store %arg6[%swap3A, %swap3A_63], %sub3A_62 {strides = array<i32>} : memref<16x64xf32, #tpu.memory_space<vmem>>, vector<16x64xf32>,
    return
  }
}

</mosaic_0001>

<sc_bundles>
// kernel: kernel.10.cloned.1.call-start
scs
__scs_entry_jumppad:
0x0: {  	(pc) =	sbr.rel $0x88, $3  }
0x1: {  	(tag) =	ssettag $0x0;
	lr =	simm.s32 $0x1  }
0x2: {  	[smem:$0x3F96] =	sst lr;
	_ =	strace $0xD0000000  }
0x3: {  	_ = 	snop  }
0x4: {  	_ = 	snop  }
0x5: {  	_ = 	snop  }
0x6: {  	_ = 	snop  }
0x7: {  	_ = 	snop  }
__scs_overlays_trampoline_lowered:
0x8: {  	[smem:$0x3FA5] =	sst s0  }
0x9: {  	[smem:$0x3FA6] =	sst s1  }
0xa: {  	[smem:$0x3FA7] =	sst s2  }
0xb: {  	[smem:$0x3FA8] =	sst s3  }
0xc: {  	[smem:$0x3FA9] =	sst s4  }
0xd: {  	[smem:$0x3FAA] =	sst s5  }
0xe: {  	[smem:$0x3FAB] =	sst s6  }
0xf: {  	[smem:$0x3FAC] =	sst s7  }
0x10: {  	[smem:$0x3FAD] =	sst s8  }
0x11: {  	[smem:$0x3FAE] =	sst s9;
	s0 =	simm.s32 @!p0 $0x0  }
0x12: {  	s1 =	sld [smem:$0x3F94];
	s0 =	simm.s32 @p0 $0x1  }
0x13: {  	[smem:$0x3FAF] =	sst s0;
	s0 =	simm.s32 @!p1 $0x0  }
0x14: {  	s2 =	sld [smem:$0x3F93];
	s0 =	simm.s32 @p1 $0x1  }
0x15: {  	[smem:$0x3FB0] =	sst s0;
	s0 =	simm.s32 @!p2 $0x0  }
0x16: {  	s3 =	sld [smem:$0x3FDB];
	s0 =	simm.s32 @p2 $0x1  }
0x17: {  	s4 =	simm.s32 $0x1BF5;
	[smem:$0x3FB2] =	sst s0  }
0x18: {  	s0 =	sld [smem:$0x3F95];
	_ =	swait.ge [sflag:s4], $0x0  }
0x19: {  	s7 =	sld [smem:$0x3F96]  }
0x1a: {  	s8 =	sadd.s32 $0xFFFFE003, lr  }
0x1b: {  	s9 =	sadd.s32 $0xFFFFFEF7, lr;
	s5 =	simm.s32 $0xFFFFFFFF;
	p2 =	slt.u32 s8, $0xFFFFF086  }
0x1c: {  	p1 =	slt.u32 s9, $0xF7A;
	s5 =	simm.s32 @!p2 $0x0  }
0x1d: {  	s5 =	simm.s32 @p1 $0x1;
	p0 =	seq.s32 s7, s2  }
0x1e: {  	s7 =	smul.u32 @!p0 $0xF7A, s2;
	p2 =	seq.s32 @!p0 s5, $0x0  }
0x1f: {  	s9 =	smul.u32 $0xF7A, s1;
	s8 =	simm.s32 @!p0 $0x1BF5;
	p2 =	por !p2, p0  }
0x20: {  	[sflag:s8] =	ssyncset.s32 @!p0 $0xFFFFF086;
	s6 =	sadd.s32 @!p0 s3, s7;
	s7 =	simm.s32 @!p0 $0x108  }
0x21: {  	s3 =	sadd.s32 s3, s9;
	s6 =	sadd.s32 @!p0 $0x88, s6;
	s7 =	simm.s32 @p2 $0x1082  }
0x22: {  	[simem:s7], [sflag:s8] =	dma.local @!p0 [hbm:s6], $0xF7A  }
0x23: {  	s9 =	sor.u32 $0xD0000000, s2;
	s6 =	simm.s32 $0x108;
	_ =	swait.ge @!p0 [sflag:s8], $0x0  }
0x24: {  	s3 =	sadd.s32 $0x88, s3;
	s6 =	simm.s32 @!p1 $0x1082;
	[sflag:s4] =	ssyncset.s32 $0xFFFFF086  }
0x25: {  	[simem:s6], [sflag:s4] =	dma.local [hbm:s3], $0xF7A  }
0x26: {  	[smem:$0x3F96] =	sst s1;
	(tag) =	ssettag s2;
	_ =	strace s9  }
0x27: {  	s1 =	sld [smem:$0x3FA6]  }
0x28: {  	s2 =	sld [smem:$0x3FA7]  }
0x29: {  	s4 =	sld [smem:$0x3FA9]  }
0x2a: {  	p0 =	seq.s32 s5, $0x0;
	s5 =	sld [smem:$0x3FAA]  }
0x2b: {  	s6 =	sld [smem:$0x3FAB]  }
0x2c: {  	s7 =	sld [smem:$0x3FAC]  }
0x2d: {  	s3 =	simm.s32 $0x108;
	s8 =	sld [smem:$0x3FAD]  }
0x2e: {  	s3 =	simm.s32 @!p0 $0x1082;
	s9 =	sld [smem:$0x3FAE]  }
0x2f: {  	lr =	sadd.s32 s0, s3;
	s0 =	sld [smem:$0x3FA5]  }
0x30: {  	s3 =	sld [smem:$0x3FA8]  }
0x31: {  	[smem:$0x3FB1] =	sst s10  }
0x32: {  	s10 =	sld [smem:$0x3FAF];
	_ =	sdelay $0x3  }
0x33: {  	p0 =	seq.s32 s10, $0x1;
	s10 =	sld [smem:$0x3FB1];
	_ =	sdelay $0x3  }
0x34: {  	[smem:$0x3FB1] =	sst s10  }
0x35: {  	s10 =	sld [smem:$0x3FB0];
	_ =	sdelay $0x3  }
0x36: {  	p1 =	seq.s32 s10, $0x1;
	s10 =	sld [smem:$0x3FB1];
	_ =	sdelay $0x3  }
0x37: {  	[smem:$0x3FB1] =	sst s10  }
0x38: {  	s10 =	sld [smem:$0x3FB2]  }
0x39: {  	_ = 	snop;
	(pc) =	sbr.ind lr, $3  }
0x3a: {  	_ = 	snop  }
0x3b: {  	_ = 	snop  }
0x3c: {  	p2 =	seq.s32 s10, $0x1;
	s10 =	sld [smem:$0x3FB1]  }
0x3d: {  	_ =	shalt  }
0x3e: {  	_ =	shalt  }
0x3f: {  	_ =	shalt  }
0x40: {  	_ =	shalt  }
0x41: {  	_ =	shalt  }
0x42: {  	_ =	shalt  }
0x43: {  	_ =	shalt  }
0x44: {  	_ =	shalt  }
0x45: {  	_ =	shalt  }
0x46: {  	_ =	shalt  }
0x47: {  	_ =	shalt  }
0x48: {  	_ =	shalt  }
0x49: {  	_ =	shalt  }
0x4a: {  	_ =	shalt  }
0x4b: {  	_ =	shalt  }
0x4c: {  	_ =	shalt  }
0x4d: {  	_ =	shalt  }
0x4e: {  	_ =	shalt  }
0x4f: {  	_ =	shalt  }
0x50: {  	_ =	shalt  }
0x51: {  	_ =	shalt  }
0x52: {  	_ =	shalt  }
0x53: {  	_ =	shalt  }
0x54: {  	_ =	shalt  }
0x55: {  	_ =	shalt  }
0x56: {  	_ =	shalt  }
0x57: {  	_ =	shalt  }
0x58: {  	_ =	shalt  }
0x59: {  	_ =	shalt  }
0x5a: {  	_ =	shalt  }
0x5b: {  	_ =	shalt  }
0x5c: {  	_ =	shalt  }
0x5d: {  	_ =	shalt  }
0x5e: {  	_ =	shalt  }
0x5f: {  	_ =	shalt  }
0x60: {  	_ =	shalt  }
0x61: {  	_ =	shalt  }
0x62: {  	_ =	shalt  }
0x63: {  	_ =	shalt  }
0x64: {  	_ =	shalt  }
0x65: {  	_ =	shalt  }
0x66: {  	_ =	shalt  }
0x67: {  	_ =	shalt  }
0x68: {  	_ =	shalt  }
0x69: {  	_ =	shalt  }
0x6a: {  	_ =	shalt  }
0x6b: {  	_ =	shalt  }
0x6c: {  	_ =	shalt  }
0x6d: {  	_ =	shalt  }
0x6e: {  	_ =	shalt  }
0x6f: {  	_ =	shalt  }
0x70: {  	_ =	shalt  }
0x71: {  	_ =	shalt  }
0x72: {  	_ =	shalt  }
0x73: {  	_ =	shalt  }
0x74: {  	_ =	shalt  }
0x75: {  	_ =	shalt  }
0x76: {  	_ =	shalt  }
0x77: {  	_ =	shalt  }
0x78: {  	_ =	shalt  }
0x79: {  	_ =	shalt  }
0x7a: {  	_ =	shalt  }
0x7b: {  	_ =	shalt  }
0x7c: {  	_ =	shalt  }
0x7d: {  	_ =	shalt  }
0x7e: {  	_ =	shalt  }
0x7f: {  	_ =	shalt  }
0x80: {  	_ =	shalt  }
0x81: {  	_ =	shalt  }
0x82: {  	_ =	shalt  }
0x83: {  	_ =	shalt  }
0x84: {  	_ =	shalt  }
0x85: {  	_ =	shalt  }
0x86: {  	_ =	shalt  }
0x87: {  	_ =	shalt  }
.Lfunc_end0:
.L_simem_size_0:
called_computation_lowered:
.L_overlay_start_0:
0x88: {  	s2 =	sld [smem:$0x3FD9]  }
0x89: {  	s3 =	sld [smem:$0x3FFE];
	_ =	sdelay $0x1  }
0x8a: {  	s1 =	srdreg.scid  }
0x8b: {  	s0 =	sand.u32 $0x1, s1  }
0x8c: {  	s16 =	sshll.u32 s0, $0xA;
	s2 =	sadd.s32 s3, s2  }
0x8d: {  	s2 =	sadd.s32 s2, s16  }
0x8e: {  	[smem:$0x3FBD] =	sst s2  }
0x8f: {  	_ = 	snop  }
0x90: {  	(tm) =	ssettm $0x1  }
0x91: {  	s17 =	sld [smem:$0x3FFB];
	_ =	sdelay $0x3  }
0x92: {  	_ =	strace s17  }
0x93: {  	s2 =	sld [smem:$0x3FFC];
	_ =	sdelay $0x3  }
0x94: {  	_ =	strace s2  }
0x95: {  	s2 =	sld [smem:$0x3FFD];
	_ =	sdelay $0x3  }
0x96: {  	_ =	strace s2  }
0x97: {  	_ =	strace $0x8FFFFFFF  }
0x98: {  	s18 =	sld [smem:$0x3FDB];
	_ =	sdelay $0x1  }
0x99: {  	s19 =	simm.s32 $_scs_section_size  }
0x9a: {  	s4 =	simm.s32 $_size__tile_overlayer_lowered;
	s5 =	simm.s32 $_tile_overlayer_lowered  }
0x9b: {  	s22 =	simm.s32 $0x1BFF;
	s21 =	sshll.u32 s5, $0x1;
	s2 =	sadd.s32 s19, s18  }
0x9c: {  	s6 =	simm.s32 $0x0;
	s20 =	sshll.u32 s4, $0x1;
	s4 =	sadd.s32 s21, s2  }
0x9d: {  	[timem:s6], [sflag:s22] =	dma.local [hbm:s4], s20  }
0x9e: {  	_ =	swait.ge [sflag:s22], s20  }
0x9f: {  	s3 =	ssub.s32 $0x0, s20;
	[sflag:s22] =	ssyncset.done $0x0  }
0xa0: {  	[sflag:s22] =	ssyncadd.s32 s3;
	_ =	sdelay $0x1  }
0xa1: {  	s23 =	simm.s32 $0x1B8B  }
0xa2: {  	_ =	swait.ge [sflag:s23], $0x1  }
0xa3: {  	[sflag:s23] =	ssyncset.done $0x0  }
0xa4: {  	s25 =	simm.s32 $0x1B8E;
	s24 =	sld [smem:$0x3FFE];
	[sflag:s23] =	ssyncadd.s32 $0xFFFFFFFF  }
0xa5: {  	s26 =	simm.s32 $execute0_lowered;
	[smem:$0x3FD2] =	sst s25  }
0xa6: {  	s4 =	sshll.u32 s26, $0x1;
	_ =	strace $0x80000046;
	[dreg:$0x1] =	wrdreg $0xFFFFFFFF  }
0xa7: {  	s28 =	simm.s32 $_size_execute0_lowered;
	s2 =	sadd.s32 s2, s4;
	[dreg:$0x0] =	wrdreg $0x0  }
0xa8: {  	s4 =	sshll.u32 s28, $0x1;
	[dreg:$0x2] =	wrdreg s2  }
0xa9: {  	[dreg:$0x3] =	wrdreg s4  }
0xaa: {  	[dreg:$0x4] =	wrdreg $0xC0  }
0xab: {  	_ =	task [dreg:s6], $0x5FFFF  }
0xac: {  	[dreg:$0x1] =	wrdreg $0xFFFFFFFF  }
0xad: {  	[dreg:$0x0] =	wrdreg $0x60  }
0xae: {  	[dreg:$0x2] =	wrdreg s24  }
0xaf: {  	[dreg:$0x3] =	wrdreg $0x94000  }
0xb0: {  	[dreg:$0x4] =	wrdreg $0x9  }
0xb1: {  	_ =	task.clear_ibuf [dreg:s6], $0x5FFFF;
	_ =	strace $0x90000046  }
0xb2: {  	s29 =	simm.s32 $0x9;
	_ =	strace $0x80000048  }
0xb3: {  	_ =	swait.ge [sflag:s29], $0x1  }
0xb4: {  	[sflag:s29] =	ssyncadd.s32 $0xFFFFFFFF  }
0xb5: {  	_ =	strace $0x90000048  }
0xb6: {  	_ =	sfence  }
0xb7: {  	s30 =	sld [smem:$0x0];
	_ =	sdelay $0x2  }
0xb8: {  	s31 =	sshll.u32 s1, $0xD;
	s1 =	sshrl.u32 s1, $0x2  }
0xb9: {  	s3 =	sand.u32 $0x4000, s31;
	s1 =	sadd.s32 s1, s30  }
0xba: {  	s0 =	sor.u32 s3, s0;
	s1 =	sshll.u32 s1, $0x11  }
0xbb: {  	s0 =	sor.u32 s1, s0  }
0xbc: {  	s0 =	sadd.s32 $0x8F2B, s0  }
0xbd: {  	[sflag:s0] =	ssyncadd.remote.s32 $0x1  }
0xbe: {  	_ =	sfence.sel $0xFFFF  }
0xbf: {  	[dreg:$0x0] =	wrdreg $0xFFFFFFFF;
	(pc) =	sbr.abs _section_cstart, $3  }
0xc0: {  	[dreg:$0x1] =	wrdreg $0xFFFFFFFF  }
0xc1: {  	_ =	task.clear_ibuf [dreg:s6], $0x2FFFF;
	_ =	strace $0x9FFFFFFF  }
0xc2: {  	(tm) =	ssettm $0x7FFFFFFF  }
0xc3: {  	_ =	shalt  }
tec
execute0_lowered:
.L_overlay_start_1:
0x0: {  	(tag) =	ssettag $0x1  }
0x1: {  	s1 =	srdreg.scid;
	s6 =	rddreg [dreg:$0x0]  }
0x2: {  	s0 =	stileid.u32;
	s2 =	rddreg [dreg:$0x1];
	s3 =	simm.s32 $0x0  }
0x3: {  	s19 =	simm.s32 $0x2;
	s20 =	simm.s32 $0x7400;
	s21 =	simm.s32 $0x5400  }
0x4: {  	s22 =	simm.s32 $0x40;
	s23 =	simm.s32 $0x1;
	s26 =	simm.s32 $0x0  }
0x5: {  	s7 =	sand.u32 $0x1, s1;
	s1 =	rddreg [dreg:$0x2];
	s9 =	smul.u32 $0x14000, s0  }
0x6: {  	s30 =	sshll.u32 s0, $0x1;
	[smem:$0x7FF] =	sst s3;
	s11 =	smul.u32 $0x50000, s0  }
0x7: {  	s5 =	sadd.s32 $0x17E00, s6;
	s24 =	sshll.u32 s0, $0x6;
	s4 =	sor.u32 s7, s30  }
0x8: {  	s8 =	smul.u32 $0x140000, s7;
	_ =	strace $0x80000047;
	s7 =	ssub.s32 $0x2, s7  }
0x9: {  	s24 =	sor.u32 $0x1C02, s24;
	s4 =	smul.u32 $0xA80, s4;
	s31 =	sshrl.u32 s7, $0x1  }
0xa: {  	s11 =	sshrl.u32 s11, $0x2;
	s8 =	sadd.s32 s9, s8;
	s18 =	ssub.s32 s7, s31  }
0xb: {  	s10 =	sadd.s32 s4, s6;
	s4 =	sadd.s32 $0x18200, s6;
	s8 =	sshrl.u32 s8, $0x3  }
0xc: {  	s18 =	smax.u32 s18, $0x1;
	s17 =	sadd.s32 s8, s6;
	s6 =	sadd.s32 s11, s2  }
0xd: {  	s7 =	sadd.s32 $0x2E00, s10;
	s8 =	sadd.s32 $0x2000, s6;
	s9 =	sadd.s32 $0x4000, s6  }
0xe: {  	s10 =	sadd.s32 $0x6000, s6;
	s11 =	sadd.s32 $0x8000, s6;
	s12 =	sadd.s32 $0xA000, s6  }
0xf: {  	s13 =	sadd.s32 $0xC000, s6;
	s14 =	sadd.s32 $0xE000, s6;
	s15 =	sadd.s32 $0x10000, s6  }
0x10: {  	s16 =	sadd.s32 $0x12000, s6;
	s17 =	sadd.s32 $0x18600, s17;
	s25 =	sshrl.u32 s6, $0x3  }
.LBB2_1:
0x11: {  	[tilespmem:s3], [sflag:$0x2] =	stream.linear.gather [hbm4b:s7+s3], $0x5200, $0x38;
	[tilespmem:$0xBC00] =	vst v63  }
0x12: {  	_ =	swait.ge [sflag:s19], $0x5200  }
0x13: {  	[sflag:s19] =	ssyncset.done $0x0  }
0x14: {  	[sflag:s19] =	ssyncadd.s32 $0xFFFFAE00  }
0x15: {  	[tilespmem:s20], [sflag:$0x2] =	stream.linear.gather [hbm4b:s5+s3], $0x2000, $0x38;
	[tilespmem:$0xBC00] =	vst v63  }
0x16: {  	_ =	swait.ge [sflag:s19], $0x2000  }
0x17: {  	[sflag:s19] =	ssyncset.done $0x0  }
0x18: {  	[sflag:s19] =	ssyncadd.s32 $0xFFFFE000  }
0x19: {  	[tilespmem:s21], [sflag:$0x2] =	stream.linear.gather [hbm4b:s4+s3], $0x2000, $0x38;
	[tilespmem:$0xBC00] =	vst v63  }
0x1a: {  	_ =	swait.ge [sflag:s19], $0x2000  }
0x1b: {  	[sflag:s19] =	ssyncset.done $0x0  }
0x1c: {  	[sflag:s19] =	ssyncadd.s32 $0xFFFFE000  }
0x1d: {  	[spmem:s6] =	stream.linear.scatter [tilespmem:s20], [sflag:$0x2], $0x2000, $0x38;
	[tilespmem:$0xBC00] =	vst v63  }
0x1e: {  	_ =	swait.ge [sflag:s19], $0x2000  }
0x1f: {  	[sflag:s19] =	ssyncset.done $0x0  }
0x20: {  	[sflag:s19] =	ssyncadd.s32 $0xFFFFE000  }
0x21: {  	[spmem:s8] =	stream.linear.scatter [tilespmem:s20], [sflag:$0x2], $0x2000, $0x38;
	[tilespmem:$0xBC00] =	vst v63  }
0x22: {  	_ =	swait.ge [sflag:s19], $0x2000  }
0x23: {  	[sflag:s19] =	ssyncset.done $0x0  }
0x24: {  	[sflag:s19] =	ssyncadd.s32 $0xFFFFE000  }
0x25: {  	[spmem:s9] =	stream.linear.scatter [tilespmem:s20], [sflag:$0x2], $0x2000, $0x38;
	[tilespmem:$0xBC00] =	vst v63  }
0x26: {  	_ =	swait.ge [sflag:s19], $0x2000  }
0x27: {  	[sflag:s19] =	ssyncset.done $0x0  }
0x28: {  	[sflag:s19] =	ssyncadd.s32 $0xFFFFE000  }
0x29: {  	[spmem:s10] =	stream.linear.scatter [tilespmem:s20], [sflag:$0x2], $0x2000, $0x38;
	[tilespmem:$0xBC00] =	vst v63  }
0x2a: {  	_ =	swait.ge [sflag:s19], $0x2000  }
0x2b: {  	[sflag:s19] =	ssyncset.done $0x0  }
0x2c: {  	[sflag:s19] =	ssyncadd.s32 $0xFFFFE000  }
0x2d: {  	[spmem:s11] =	stream.linear.scatter [tilespmem:s20], [sflag:$0x2], $0x2000, $0x38;
	[tilespmem:$0xBC00] =	vst v63  }
0x2e: {  	_ =	swait.ge [sflag:s19], $0x2000  }
0x2f: {  	[sflag:s19] =	ssyncset.done $0x0  }
0x30: {  	[sflag:s19] =	ssyncadd.s32 $0xFFFFE000  }
0x31: {  	[spmem:s12] =	stream.linear.scatter [tilespmem:s20], [sflag:$0x2], $0x2000, $0x38;
	[tilespmem:$0xBC00] =	vst v63  }
0x32: {  	_ =	swait.ge [sflag:s19], $0x2000  }
0x33: {  	[sflag:s19] =	ssyncset.done $0x0  }
0x34: {  	[sflag:s19] =	ssyncadd.s32 $0xFFFFE000  }
0x35: {  	[spmem:s13] =	stream.linear.scatter [tilespmem:s20], [sflag:$0x2], $0x2000, $0x38;
	[tilespmem:$0xBC00] =	vst v63  }
0x36: {  	_ =	swait.ge [sflag:s19], $0x2000  }
0x37: {  	[sflag:s19] =	ssyncset.done $0x0  }
0x38: {  	[sflag:s19] =	ssyncadd.s32 $0xFFFFE000  }
0x39: {  	[spmem:s14] =	stream.linear.scatter [tilespmem:s20], [sflag:$0x2], $0x2000, $0x38;
	[tilespmem:$0xBC00] =	vst v63  }
0x3a: {  	_ =	swait.ge [sflag:s19], $0x2000  }
0x3b: {  	[sflag:s19] =	ssyncset.done $0x0  }
0x3c: {  	[sflag:s19] =	ssyncadd.s32 $0xFFFFE000  }
0x3d: {  	[spmem:s15] =	stream.linear.scatter [tilespmem:s20], [sflag:$0x2], $0x2000, $0x38;
	[tilespmem:$0xBC00] =	vst v63  }
0x3e: {  	_ =	swait.ge [sflag:s19], $0x2000  }
0x3f: {  	[sflag:s19] =	ssyncset.done $0x0  }
0x40: {  	[sflag:s19] =	ssyncadd.s32 $0xFFFFE000  }
0x41: {  	[spmem:s16] =	stream.linear.scatter [tilespmem:s20], [sflag:$0x2], $0x2000, $0x38;
	[tilespmem:$0xBC00] =	vst v63  }
0x42: {  	_ =	swait.ge [sflag:s19], $0x2000  }
0x43: {  	[sflag:s19] =	ssyncset.done $0x0  }
0x44: {  	[sflag:s19] =	ssyncadd.s32 $0xFFFFE000  }
0x45: {  	s28 =	simm.s32 $0x0;
	[bflag:$0x0] =	sbarrier.arrive $0xFFFF  }
.LBB2_2:
0x46: {  	p0 =	sne.s32 s28, $0x14600  }
.Ltmp0:
0x47: {  	_ = 	snop;
	(pc) =	sbr.rel @p0 .LBB2_2-.Ltmp0, $3  }
0x48: {  	_ =	sdelay $0x1  }
0x49: {  	s29 =	sshra.s32 s28, $0x2;
	s28 =	sadd.s32 $0x200, s28  }
0x4a: {  	[spmem:s2] =	stream.indirect.scatter.add.f32 [tilespmem:s21], [sflag:$0x1], $0x10, s29, s22, $0xb8;
	[tilespmem:$0xBC00] =	vst v63  }
0x4b: {  	_ =	swait.ge [sflag:s23], $0x400  }
0x4c: {  	s28 =	simm.s32 $0xA3;
	[sflag:s23] =	ssyncset.done $0x0  }
.LBB2_4:
0x4d: {  	p0 =	sne.s32 s28, $0x1;
	s28 =	sadd.s32 $0xFFFFFFFF, s28;
	[sflag:s23] =	ssyncadd.s32 $0xFFFFFC00  }
.Ltmp1:
0x4e: {  	(pc) =	sbr.rel @p0 .LBB2_4-.Ltmp1, $3  }
0x4f: {  	_ =	sdelay $0x1  }
0x50: {  	_ =	swait.ge [sflag:s23], $0x400  }
0x51: {  	[sflag:s23] =	ssyncset.done $0x0  }
0x52: {  	s26 =	sadd.s32 $0x1, s26  }
0x53: {  	[sflag:s23] =	ssyncadd.s32 $0xFFFFFC00;
	p0 =	sne.s32 s26, s18  }
.Ltmp2:
0x54: {  	[bflag:$0x0] =	sbarrier.arrive $0xFFFF;
	(pc) =	sbr.rel @p0 .LBB2_1-.Ltmp2, $4  }
0x55: {  	[hbm:s17], [sflag:s24] =	dma.local [spmem:s25], $0x2800  }
0x56: {  	_ =	swait.ge [sflag:s19], $0x2800  }
0x57: {  	[sflag:s19] =	ssyncset.done $0x0  }
0x58: {  	[sflag:s19] =	ssyncadd.s32 $0xFFFFD800  }
0x59: {  	_ =	sfence.sel $0x180000  }
0x5a: {  	[bflag:$0x0] =	sbarrier.arrive $0xFFFF  }
0x5b: {  	p0 =	sne.s32 s0, $0x0;
	_ =	strace $0x90000047  }
0x5c: {  	s0 =	sadd.s32 @!p0 $0x100000, s1;
	[bflag:$0x2] =	sbarrier.arrive $0xFFFF  }
0x5d: {  	[sflag:s0] =	ssyncadd.tile.s32 @!p0 $0x1;
	_ =	shalt  }
.Lfunc_end2:
_tile_overlayer_lowered:
.L_overlay_start_2:
0x5e: {  	(tag) =	ssettag $0x2  }
0x5f: {  	s0 =	rddreg [dreg:$0x0];
	s2 =	stileid.u32  }
0x60: {  	s1 =	rddreg [dreg:$0x1];
	p0 =	sne.s32 s2, $0x0  }
0x61: {  	s3 =	rddreg [dreg:$0x2];
	[bflag:$0x3] =	sbarrier.arrive $0xFFFF;
	s2 =	simm.s32 @!p0 $0x1C02  }
0x62: {  	[timem:s3], [sflag:s2] =	dma.local @!p0 [hbm:s0], s1  }
0x63: {  	s0 =	simm.s32 @!p0 $0x2  }
0x64: {  	_ =	swait.ge @!p0 [sflag:s0], s1  }
0x65: {  	s1 =	ssub.s32 @!p0 $0x0, s1;
	[sflag:s0] =	ssyncset.done @!p0 $0x0  }
0x66: {  	[sflag:s0] =	ssyncadd.s32 @!p0 s1  }
0x67: {  	[bflag:$0x3] =	sbarrier.arrive $0xFFFF  }
0x68: {  	_ =	shalt  }

// kernel: kernel.13.cloned.1.call-start
scs
__scs_entry_jumppad:
0x0: {  	(pc) =	sbr.rel $0x88, $3  }
0x1: {  	(tag) =	ssettag $0x0;
	lr =	simm.s32 $0x1  }
0x2: {  	[smem:$0x3F96] =	sst lr;
	_ =	strace $0xD0000000  }
0x3: {  	_ = 	snop  }
0x4: {  	_ = 	snop  }
0x5: {  	_ = 	snop  }
0x6: {  	_ = 	snop  }
0x7: {  	_ = 	snop  }
__scs_overlays_trampoline_lowered:
0x8: {  	[smem:$0x3FA5] =	sst s0  }
0x9: {  	[smem:$0x3FA6] =	sst s1  }
0xa: {  	[smem:$0x3FA7] =	sst s2  }
0xb: {  	[smem:$0x3FA8] =	sst s3  }
0xc: {  	[smem:$0x3FA9] =	sst s4  }
0xd: {  	[smem:$0x3FAA] =	sst s5  }
0xe: {  	[smem:$0x3FAB] =	sst s6  }
0xf: {  	[smem:$0x3FAC] =	sst s7  }
0x10: {  	[smem:$0x3FAD] =	sst s8  }
0x11: {  	[smem:$0x3FAE] =	sst s9;
	s0 =	simm.s32 @!p0 $0x0  }
0x12: {  	s1 =	sld [smem:$0x3F94];
	s0 =	simm.s32 @p0 $0x1  }
0x13: {  	[smem:$0x3FAF] =	sst s0;
	s0 =	simm.s32 @!p1 $0x0  }
0x14: {  	s2 =	sld [smem:$0x3F93];
	s0 =	simm.s32 @p1 $0x1  }
0x15: {  	[smem:$0x3FB0] =	sst s0;
	s0 =	simm.s32 @!p2 $0x0  }
0x16: {  	s3 =	sld [smem:$0x3FDB];
	s0 =	simm.s32 @p2 $0x1  }
0x17: {  	s4 =	simm.s32 $0x1BF5;
	[smem:$0x3FB2] =	sst s0  }
0x18: {  	s0 =	sld [smem:$0x3F95];
	_ =	swait.ge [sflag:s4], $0x0  }
0x19: {  	s7 =	sld [smem:$0x3F96]  }
0x1a: {  	s8 =	sadd.s32 $0xFFFFE003, lr  }
0x1b: {  	s9 =	sadd.s32 $0xFFFFFEF7, lr;
	s5 =	simm.s32 $0xFFFFFFFF;
	p2 =	slt.u32 s8, $0xFFFFF086  }
0x1c: {  	p1 =	slt.u32 s9, $0xF7A;
	s5 =	simm.s32 @!p2 $0x0  }
0x1d: {  	s5 =	simm.s32 @p1 $0x1;
	p0 =	seq.s32 s7, s2  }
0x1e: {  	s7 =	smul.u32 @!p0 $0xF7A, s2;
	p2 =	seq.s32 @!p0 s5, $0x0  }
0x1f: {  	s9 =	smul.u32 $0xF7A, s1;
	s8 =	simm.s32 @!p0 $0x1BF5;
	p2 =	por !p2, p0  }
0x20: {  	[sflag:s8] =	ssyncset.s32 @!p0 $0xFFFFF086;
	s6 =	sadd.s32 @!p0 s3, s7;
	s7 =	simm.s32 @!p0 $0x108  }
0x21: {  	s3 =	sadd.s32 s3, s9;
	s6 =	sadd.s32 @!p0 $0x88, s6;
	s7 =	simm.s32 @p2 $0x1082  }
0x22: {  	[simem:s7], [sflag:s8] =	dma.local @!p0 [hbm:s6], $0xF7A  }
0x23: {  	s9 =	sor.u32 $0xD0000000, s2;
	s6 =	simm.s32 $0x108;
	_ =	swait.ge @!p0 [sflag:s8], $0x0  }
0x24: {  	s3 =	sadd.s32 $0x88, s3;
	s6 =	simm.s32 @!p1 $0x1082;
	[sflag:s4] =	ssyncset.s32 $0xFFFFF086  }
0x25: {  	[simem:s6], [sflag:s4] =	dma.local [hbm:s3], $0xF7A  }
0x26: {  	[smem:$0x3F96] =	sst s1;
	(tag) =	ssettag s2;
	_ =	strace s9  }
0x27: {  	s1 =	sld [smem:$0x3FA6]  }
0x28: {  	s2 =	sld [smem:$0x3FA7]  }
0x29: {  	s4 =	sld [smem:$0x3FA9]  }
0x2a: {  	p0 =	seq.s32 s5, $0x0;
	s5 =	sld [smem:$0x3FAA]  }
0x2b: {  	s6 =	sld [smem:$0x3FAB]  }
0x2c: {  	s7 =	sld [smem:$0x3FAC]  }
0x2d: {  	s3 =	simm.s32 $0x108;
	s8 =	sld [smem:$0x3FAD]  }
0x2e: {  	s3 =	simm.s32 @!p0 $0x1082;
	s9 =	sld [smem:$0x3FAE]  }
0x2f: {  	lr =	sadd.s32 s0, s3;
	s0 =	sld [smem:$0x3FA5]  }
0x30: {  	s3 =	sld [smem:$0x3FA8]  }
0x31: {  	[smem:$0x3FB1] =	sst s10  }
0x32: {  	s10 =	sld [smem:$0x3FAF];
	_ =	sdelay $0x3  }
0x33: {  	p0 =	seq.s32 s10, $0x1;
	s10 =	sld [smem:$0x3FB1];
	_ =	sdelay $0x3  }
0x34: {  	[smem:$0x3FB1] =	sst s10  }
0x35: {  	s10 =	sld [smem:$0x3FB0];
	_ =	sdelay $0x3  }
0x36: {  	p1 =	seq.s32 s10, $0x1;
	s10 =	sld [smem:$0x3FB1];
	_ =	sdelay $0x3  }
0x37: {  	[smem:$0x3FB1] =	sst s10  }
0x38: {  	s10 =	sld [smem:$0x3FB2]  }
0x39: {  	_ = 	snop;
	(pc) =	sbr.ind lr, $3  }
0x3a: {  	_ = 	snop  }
0x3b: {  	_ = 	snop  }
0x3c: {  	p2 =	seq.s32 s10, $0x1;
	s10 =	sld [smem:$0x3FB1]  }
0x3d: {  	_ =	shalt  }
0x3e: {  	_ =	shalt  }
0x3f: {  	_ =	shalt  }
0x40: {  	_ =	shalt  }
0x41: {  	_ =	shalt  }
0x42: {  	_ =	shalt  }
0x43: {  	_ =	shalt  }
0x44: {  	_ =	shalt  }
0x45: {  	_ =	shalt  }
0x46: {  	_ =	shalt  }
0x47: {  	_ =	shalt  }
0x48: {  	_ =	shalt  }
0x49: {  	_ =	shalt  }
0x4a: {  	_ =	shalt  }
0x4b: {  	_ =	shalt  }
0x4c: {  	_ =	shalt  }
0x4d: {  	_ =	shalt  }
0x4e: {  	_ =	shalt  }
0x4f: {  	_ =	shalt  }
0x50: {  	_ =	shalt  }
0x51: {  	_ =	shalt  }
0x52: {  	_ =	shalt  }
0x53: {  	_ =	shalt  }
0x54: {  	_ =	shalt  }
0x55: {  	_ =	shalt  }
0x56: {  	_ =	shalt  }
0x57: {  	_ =	shalt  }
0x58: {  	_ =	shalt  }
0x59: {  	_ =	shalt  }
0x5a: {  	_ =	shalt  }
0x5b: {  	_ =	shalt  }
0x5c: {  	_ =	shalt  }
0x5d: {  	_ =	shalt  }
0x5e: {  	_ =	shalt  }
0x5f: {  	_ =	shalt  }
0x60: {  	_ =	shalt  }
0x61: {  	_ =	shalt  }
0x62: {  	_ =	shalt  }
0x63: {  	_ =	shalt  }
0x64: {  	_ =	shalt  }
0x65: {  	_ =	shalt  }
0x66: {  	_ =	shalt  }
0x67: {  	_ =	shalt  }
0x68: {  	_ =	shalt  }
0x69: {  	_ =	shalt  }
0x6a: {  	_ =	shalt  }
0x6b: {  	_ =	shalt  }
0x6c: {  	_ =	shalt  }
0x6d: {  	_ =	shalt  }
0x6e: {  	_ =	shalt  }
0x6f: {  	_ =	shalt  }
0x70: {  	_ =	shalt  }
0x71: {  	_ =	shalt  }
0x72: {  	_ =	shalt  }
0x73: {  	_ =	shalt  }
0x74: {  	_ =	shalt  }
0x75: {  	_ =	shalt  }
0x76: {  	_ =	shalt  }
0x77: {  	_ =	shalt  }
0x78: {  	_ =	shalt  }
0x79: {  	_ =	shalt  }
0x7a: {  	_ =	shalt  }
0x7b: {  	_ =	shalt  }
0x7c: {  	_ =	shalt  }
0x7d: {  	_ =	shalt  }
0x7e: {  	_ =	shalt  }
0x7f: {  	_ =	shalt  }
0x80: {  	_ =	shalt  }
0x81: {  	_ =	shalt  }
0x82: {  	_ =	shalt  }
0x83: {  	_ =	shalt  }
0x84: {  	_ =	shalt  }
0x85: {  	_ =	shalt  }
0x86: {  	_ =	shalt  }
0x87: {  	_ =	shalt  }
.Lfunc_end0:
.L_simem_size_0:
called_computation.1_lowered:
.L_overlay_start_0:
0x88: {  	s2 =	sld [smem:$0x3FD9]  }
0x89: {  	s3 =	sld [smem:$0x3FFE];
	_ =	sdelay $0x1  }
0x8a: {  	s1 =	srdreg.scid  }
0x8b: {  	s0 =	sand.u32 $0x1, s1  }
0x8c: {  	s16 =	sshll.u32 s0, $0xA;
	s2 =	sadd.s32 s3, s2  }
0x8d: {  	s2 =	sadd.s32 s2, s16  }
0x8e: {  	[smem:$0x3FBD] =	sst s2  }
0x8f: {  	_ = 	snop  }
0x90: {  	(tm) =	ssettm $0x1  }
0x91: {  	s17 =	sld [smem:$0x3FFB];
	_ =	sdelay $0x3  }
0x92: {  	_ =	strace s17  }
0x93: {  	s2 =	sld [smem:$0x3FFC];
	_ =	sdelay $0x3  }
0x94: {  	_ =	strace s2  }
0x95: {  	s2 =	sld [smem:$0x3FFD];
	_ =	sdelay $0x3  }
0x96: {  	_ =	strace s2  }
0x97: {  	_ =	strace $0x8FFFFFFF  }
0x98: {  	s18 =	sld [smem:$0x3FDB];
	_ =	sdelay $0x1  }
0x99: {  	s19 =	simm.s32 $_scs_section_size  }
0x9a: {  	s4 =	simm.s32 $_size__tile_overlayer_lowered;
	s5 =	simm.s32 $_tile_overlayer_lowered  }
0x9b: {  	s22 =	simm.s32 $0x1BFF;
	s21 =	sshll.u32 s5, $0x1;
	s2 =	sadd.s32 s19, s18  }
0x9c: {  	s6 =	simm.s32 $0x0;
	s20 =	sshll.u32 s4, $0x1;
	s4 =	sadd.s32 s21, s2  }
0x9d: {  	[timem:s6], [sflag:s22] =	dma.local [hbm:s4], s20  }
0x9e: {  	_ =	swait.ge [sflag:s22], s20  }
0x9f: {  	s3 =	ssub.s32 $0x0, s20;
	[sflag:s22] =	ssyncset.done $0x0  }
0xa0: {  	[sflag:s22] =	ssyncadd.s32 s3;
	_ =	sdelay $0x1  }
0xa1: {  	s23 =	simm.s32 $0x1B8B  }
0xa2: {  	_ =	swait.ge [sflag:s23], $0x1  }
0xa3: {  	[sflag:s23] =	ssyncset.done $0x0  }
0xa4: {  	s25 =	simm.s32 $0x1B8E;
	s24 =	sld [smem:$0x3FFE];
	[sflag:s23] =	ssyncadd.s32 $0xFFFFFFFF  }
0xa5: {  	s26 =	simm.s32 $execute0_lowered;
	[smem:$0x3FD2] =	sst s25  }
0xa6: {  	s4 =	sshll.u32 s26, $0x1;
	_ =	strace $0x80000049;
	[dreg:$0x1] =	wrdreg $0xFFFFFFFF  }
0xa7: {  	s28 =	simm.s32 $_size_execute0_lowered;
	s2 =	sadd.s32 s2, s4;
	[dreg:$0x0] =	wrdreg $0x0  }
0xa8: {  	s4 =	sshll.u32 s28, $0x1;
	[dreg:$0x2] =	wrdreg s2  }
0xa9: {  	[dreg:$0x3] =	wrdreg s4  }
0xaa: {  	[dreg:$0x4] =	wrdreg $0xC0  }
0xab: {  	_ =	task [dreg:s6], $0x5FFFF  }
0xac: {  	[dreg:$0x1] =	wrdreg $0xFFFFFFFF  }
0xad: {  	[dreg:$0x0] =	wrdreg $0x60  }
0xae: {  	[dreg:$0x2] =	wrdreg s24  }
0xaf: {  	[dreg:$0x3] =	wrdreg $0xB0000  }
0xb0: {  	[dreg:$0x4] =	wrdreg $0x9  }
0xb1: {  	_ =	task.clear_ibuf [dreg:s6], $0x5FFFF;
	_ =	strace $0x90000049  }
0xb2: {  	s29 =	simm.s32 $0x9;
	_ =	strace $0x8000004B  }
0xb3: {  	_ =	swait.ge [sflag:s29], $0x1  }
0xb4: {  	[sflag:s29] =	ssyncadd.s32 $0xFFFFFFFF  }
0xb5: {  	_ =	strace $0x9000004B  }
0xb6: {  	_ =	sfence  }
0xb7: {  	s30 =	sld [smem:$0x0];
	_ =	sdelay $0x2  }
0xb8: {  	s31 =	sshll.u32 s1, $0xD;
	s1 =	sshrl.u32 s1, $0x2  }
0xb9: {  	s3 =	sand.u32 $0x4000, s31;
	s1 =	sadd.s32 s1, s30  }
0xba: {  	s0 =	sor.u32 s3, s0;
	s1 =	sshll.u32 s1, $0x11  }
0xbb: {  	s0 =	sor.u32 s1, s0  }
0xbc: {  	s0 =	sadd.s32 $0x8F2B, s0  }
0xbd: {  	[sflag:s0] =	ssyncadd.remote.s32 $0x1  }
0xbe: {  	_ =	sfence.sel $0xFFFF  }
0xbf: {  	[dreg:$0x0] =	wrdreg $0xFFFFFFFF;
	(pc) =	sbr.abs _section_cstart, $3  }
0xc0: {  	[dreg:$0x1] =	wrdreg $0xFFFFFFFF  }
0xc1: {  	_ =	task.clear_ibuf [dreg:s6], $0x2FFFF;
	_ =	strace $0x9FFFFFFF  }
0xc2: {  	(tm) =	ssettm $0x7FFFFFFF  }
0xc3: {  	_ =	shalt  }
tec
execute0_lowered:
.L_overlay_start_1:
0x0: {  	(tag) =	ssettag $0x1  }
0x1: {  	s0 =	srdreg.scid  }
0x2: {  	s7 =	stileid.u32;
	s3 =	rddreg [dreg:$0x0]  }
0x3: {  	s2 =	rddreg [dreg:$0x1];
	s4 =	simm.s32 $0x0;
	s28 =	simm.s32 $0x2E00  }
0x4: {  	s29 =	simm.s32 $0x2D00;
	s30 =	simm.s32 $0x7000;
	s31 =	simm.s32 $0x2  }
0x5: {  	s9 =	simm.s32 $0x2F80;
	s10 =	simm.s32 $0x6;
	s11 =	simm.s32 $0x7  }
0x6: {  	s12 =	simm.s32 $0x8;
	s13 =	simm.s32 $0x0;
	s6 =	smul.u32 $0x14000, s7  }
0x7: {  	s0 =	sand.u32 $0x1, s0;
	s1 =	sshll.u32 s7, $0x1;
	s7 =	smul.u32 $0x50000, s7  }
0x8: {  	[smem:$0x7FF] =	sst s4;
	s4 =	sadd.s32 $0x2E00, s3;
	s5 =	smul.u32 $0x140000, s0  }
0x9: {  	s8 =	sadd.s32 $0x2AE00, s3;
	s1 =	sor.u32 s0, s1;
	s16 =	sshrl.u32 s7, $0x2  }
0xa: {  	_ =	strace $0x8000004A;
	s5 =	sadd.s32 s6, s5;
	s6 =	sadd.s32 s16, s2  }
0xb: {  	[dreg:$0x3] =	wrdreg s8;
	s0 =	ssub.s32 $0x2, s0;
	s18 =	sadd.s32 $0x2000, s6  }
0xc: {  	s8 =	simm.s32 $0x4;
	s19 =	sadd.s32 $0x4000, s6;
	[dreg:$0x5] =	wrdreg s18  }
0xd: {  	s1 =	smul.u32 $0x580, s1;
	s20 =	sadd.s32 $0x6000, s6;
	[dreg:$0x6] =	wrdreg s19  }
0xe: {  	s17 =	sshrl.u32 s0, $0x1;
	s21 =	sadd.s32 $0x8000, s6;
	[dreg:$0x7] =	wrdreg s20  }
0xf: {  	s7 =	simm.s32 $0x5;
	s22 =	sadd.s32 $0xA000, s6;
	[dreg:$0x8] =	wrdreg s21  }
0x10: {  	s0 =	ssub.s32 s0, s17;
	s23 =	sadd.s32 $0xC000, s6;
	[dreg:$0x9] =	wrdreg s22  }
0x11: {  	s1 =	sadd.s32 s1, s3;
	s24 =	sadd.s32 $0xE000, s6;
	[dreg:$0xa] =	wrdreg s23  }
0x12: {  	s5 =	sshrl.u32 s5, $0x3;
	s25 =	sadd.s32 $0x10000, s6;
	[dreg:$0xb] =	wrdreg s24  }
0x13: {  	s26 =	sadd.s32 $0x12000, s6;
	s3 =	sadd.s32 s5, s3;
	[dreg:$0xc] =	wrdreg s25  }
0x14: {  	s1 =	sadd.s32 $0x68600, s1;
	[dreg:$0xd] =	wrdreg s26;
	s18 =	smax.u32 s0, $0x1  }
.Ltmp0:
0x15: {  	s19 =	simm.s32 $0x9;
	s20 =	simm.s32 $0x40;
	(pc) =	sbr.rel .LBB2_1-.Ltmp0, $4  }
0x16: {  	s21 =	simm.s32 $0x2C00;
	s22 =	simm.s32 $0x3000;
	s23 =	simm.s32 $0x2C80  }
0x17: {  	s24 =	simm.s32 $0x5000;
	s25 =	simm.s32 $0x9000;
	s26 =	simm.s32 $0x1  }
0x18: {  	s0 =	simm.s32 $0x2D80;
	s5 =	simm.s32 $0x2F00;
	[dreg:$0x4] =	wrdreg s1  }
0x19: {  	s17 =	sadd.s32 $0x73600, s3;
	s1 =	simm.s32 $0x2E80;
	s3 =	simm.s32 $0x3  }
.LBB2_4:
0x1a: {  	_ =	swait.ge [sflag:s8], $0x2000  }
0x1b: {  	[sflag:s8] =	ssyncset.done $0x0  }
0x1c: {  	[sflag:s8] =	ssyncadd.s32 $0xFFFFE000  }
0x1d: {  	[spmem:s2] =	stream.indirect.scatter.add.f32 [tilespmem:s25], [sflag:$0x8], $0x80, s9, s20, $0xb8;
	[tilespmem:$0x1F000] =	vst v63  }
0x1e: {  	_ =	swait.ge [sflag:s10], $0x2000  }
0x1f: {  	[sflag:s10] =	ssyncset.done $0x0  }
0x20: {  	[sflag:s10] =	ssyncadd.s32 $0xFFFFE000  }
0x21: {  	_ =	swait.ge [sflag:s11], $0x2000  }
0x22: {  	[sflag:s11] =	ssyncset.done $0x0  }
0x23: {  	[sflag:s11] =	ssyncadd.s32 $0xFFFFE000  }
0x24: {  	s14 =	stileid.u32;
	_ =	swait.ge [sflag:s12], $0x2000  }
0x25: {  	s15 =	sshrl.u32 s6, $0x3;
	s13 =	sadd.s32 $0x1, s13;
	[sflag:s12] =	ssyncset.done $0x0  }
0x26: {  	s14 =	sshll.u32 s14, $0x6;
	p0 =	sne.s32 s13, s18;
	[sflag:s12] =	ssyncadd.s32 $0xFFFFE000  }
.Ltmp1:
0x27: {  	s14 =	sor.u32 $0x1C09, s14;
	[bflag:$0x0] =	sbarrier.arrive $0xFFFF;
	(pc) =	sbr.rel @!p0 .LBB2_5-.Ltmp1, $4  }
0x28: {  	[hbm:s17], [sflag:s14] =	dma.local [spmem:s15], $0x2800  }
0x29: {  	_ =	swait.ge [sflag:s19], $0x2800  }
0x2a: {  	[sflag:s19] =	ssyncset.done $0x0  }
0x2b: {  	[sflag:s19] =	ssyncadd.s32 $0xFFFFD800  }
.LBB2_1:
0x2c: {  	s14 =	simm.s32 $0x0;
	s15 =	rddreg [dreg:$0x4]  }
0x2d: {  	[tilespmem:s14], [sflag:$0x9] =	stream.linear.gather [hbm4b:s15+s14], $0x2900, $0x38;
	[tilespmem:$0x1F000] =	vst v63  }
0x2e: {  	_ =	swait.ge [sflag:s19], $0x2900  }
0x2f: {  	[sflag:s19] =	ssyncset.done $0x0  }
0x30: {  	[sflag:s19] =	ssyncadd.s32 $0xFFFFD700  }
0x31: {  	v0 =	vld [tilespmem:$0x0];
	_ =	sdelay $0x1  }
0x32: {  	v1 =	vld [tilespmem:$0x10];
	_ =	sdelay $0x1  }
0x33: {  	v2 =	vld [tilespmem:$0x20]  }
0x34: {  	v3 =	vand.u32 $0x3FFF, v0  }
0x35: {  	v45 =	vld [tilespmem:$0x30];
	v0 =	vshrl.u32 v0, $0xE;
	[tilespmem:$0x2C00] =	vst v3  }
0x36: {  	v46 =	vand.u32 $0x3FFF, v1;
	[tilespmem:$0x2E00] =	vst v0  }
0x37: {  	v48 =	vld [tilespmem:$0x40];
	v47 =	vshrl.u32 v1, $0xE;
	[tilespmem:$0x2C10] =	vst v46  }
0x38: {  	v49 =	vand.u32 $0x3FFF, v2;
	[tilespmem:$0x2E10] =	vst v47  }
0x39: {  	v51 =	vld [tilespmem:$0x50];
	v50 =	vshrl.u32 v2, $0xE;
	[tilespmem:$0x2C20] =	vst v49  }
0x3a: {  	v52 =	vand.u32 $0x3FFF, v45;
	[tilespmem:$0x2E20] =	vst v50  }
0x3b: {  	v54 =	vld [tilespmem:$0x60];
	v53 =	vshrl.u32 v45, $0xE;
	[tilespmem:$0x2C30] =	vst v52  }
0x3c: {  	v55 =	vand.u32 $0x3FFF, v48;
	[tilespmem:$0x2E30] =	vst v53  }
0x3d: {  	v57 =	vld [tilespmem:$0x70];
	v56 =	vshrl.u32 v48, $0xE;
	[tilespmem:$0x2C80] =	vst v55  }
0x3e: {  	v58 =	vand.u32 $0x3FFF, v51;
	[tilespmem:$0x2E80] =	vst v56  }
0x3f: {  	v59 =	vshrl.u32 v51, $0xE;
	[tilespmem:$0x2C90] =	vst v58  }
0x40: {  	v60 =	vand.u32 $0x3FFF, v54;
	[tilespmem:$0x2E90] =	vst v59  }
0x41: {  	v61 =	vshrl.u32 v54, $0xE;
	[tilespmem:$0x2CA0] =	vst v60  }
0x42: {  	v62 =	vand.u32 $0x3FFF, v57;
	[tilespmem:$0x2EA0] =	vst v61  }
0x43: {  	v63 =	vshrl.u32 v57, $0xE;
	[tilespmem:$0x2CB0] =	vst v62  }
0x44: {  	[tilespmem:$0x2EB0] =	vst v63  }
0x45: {  	[tilespmem:s22], [sflag:$0x1] =	stream.indirect.gather [hbm4b:s4+s20], $0x80, s21, s20, $0xb8;
	[tilespmem:$0x1F000] =	vst v63  }
0x46: {  	_ = 	snop  }
0x47: {  	[tilespmem:s24], [sflag:$0x2] =	stream.indirect.gather [hbm4b:s4+s20], $0x80, s23, s20, $0xb8;
	[tilespmem:$0x1F000] =	vst v63  }
0x48: {  	s16 =	rddreg [dreg:$0x3]  }
0x49: {  	[tilespmem:s25], [sflag:$0x9] =	stream.linear.gather [hbm4b:s16+s14], $0x2000, $0x38;
	[tilespmem:$0x1F000] =	vst v63  }
0x4a: {  	_ =	swait.ge [sflag:s19], $0x2000  }
0x4b: {  	[sflag:s19] =	ssyncset.done $0x0  }
0x4c: {  	[sflag:s19] =	ssyncadd.s32 $0xFFFFE000  }
0x4d: {  	[spmem:s6] =	stream.linear.scatter [tilespmem:s25], [sflag:$0x9], $0x2000, $0x38;
	[tilespmem:$0x1F000] =	vst v63  }
0x4e: {  	_ =	swait.ge [sflag:s19], $0x2000  }
0x4f: {  	[sflag:s19] =	ssyncset.done $0x0  }
0x50: {  	s16 =	rddreg [dreg:$0x5];
	[sflag:s19] =	ssyncadd.s32 $0xFFFFE000  }
0x51: {  	[spmem:s16] =	stream.linear.scatter [tilespmem:s25], [sflag:$0x9], $0x2000, $0x38;
	[tilespmem:$0x1F000] =	vst v63  }
0x52: {  	_ =	swait.ge [sflag:s19], $0x2000  }
0x53: {  	[sflag:s19] =	ssyncset.done $0x0  }
0x54: {  	s15 =	rddreg [dreg:$0x6];
	[sflag:s19] =	ssyncadd.s32 $0xFFFFE000  }
0x55: {  	[spmem:s15] =	stream.linear.scatter [tilespmem:s25], [sflag:$0x9], $0x2000, $0x38;
	[tilespmem:$0x1F000] =	vst v63  }
0x56: {  	_ =	swait.ge [sflag:s19], $0x2000  }
0x57: {  	[sflag:s19] =	ssyncset.done $0x0  }
0x58: {  	s16 =	rddreg [dreg:$0x7];
	[sflag:s19] =	ssyncadd.s32 $0xFFFFE000  }
0x59: {  	[spmem:s16] =	stream.linear.scatter [tilespmem:s25], [sflag:$0x9], $0x2000, $0x38;
	[tilespmem:$0x1F000] =	vst v63  }
0x5a: {  	_ =	swait.ge [sflag:s19], $0x2000  }
0x5b: {  	[sflag:s19] =	ssyncset.done $0x0  }
0x5c: {  	s15 =	rddreg [dreg:$0x8];
	[sflag:s19] =	ssyncadd.s32 $0xFFFFE000  }
0x5d: {  	[spmem:s15] =	stream.linear.scatter [tilespmem:s25], [sflag:$0x9], $0x2000, $0x38;
	[tilespmem:$0x1F000] =	vst v63  }
0x5e: {  	_ =	swait.ge [sflag:s19], $0x2000  }
0x5f: {  	[sflag:s19] =	ssyncset.done $0x0  }
0x60: {  	s16 =	rddreg [dreg:$0x9];
	[sflag:s19] =	ssyncadd.s32 $0xFFFFE000  }
0x61: {  	[spmem:s16] =	stream.linear.scatter [tilespmem:s25], [sflag:$0x9], $0x2000, $0x38;
	[tilespmem:$0x1F000] =	vst v63  }
0x62: {  	_ =	swait.ge [sflag:s19], $0x2000  }
0x63: {  	[sflag:s19] =	ssyncset.done $0x0  }
0x64: {  	s15 =	rddreg [dreg:$0xa];
	[sflag:s19] =	ssyncadd.s32 $0xFFFFE000  }
0x65: {  	[spmem:s15] =	stream.linear.scatter [tilespmem:s25], [sflag:$0x9], $0x2000, $0x38;
	[tilespmem:$0x1F000] =	vst v63  }
0x66: {  	_ =	swait.ge [sflag:s19], $0x2000  }
0x67: {  	[sflag:s19] =	ssyncset.done $0x0  }
0x68: {  	s16 =	rddreg [dreg:$0xb];
	[sflag:s19] =	ssyncadd.s32 $0xFFFFE000  }
0x69: {  	[spmem:s16] =	stream.linear.scatter [tilespmem:s25], [sflag:$0x9], $0x2000, $0x38;
	[tilespmem:$0x1F000] =	vst v63  }
0x6a: {  	_ =	swait.ge [sflag:s19], $0x2000  }
0x6b: {  	[sflag:s19] =	ssyncset.done $0x0  }
0x6c: {  	s15 =	rddreg [dreg:$0xc];
	[sflag:s19] =	ssyncadd.s32 $0xFFFFE000  }
0x6d: {  	[spmem:s15] =	stream.linear.scatter [tilespmem:s25], [sflag:$0x9], $0x2000, $0x38;
	[tilespmem:$0x1F000] =	vst v63  }
0x6e: {  	_ =	swait.ge [sflag:s19], $0x2000  }
0x6f: {  	[sflag:s19] =	ssyncset.done $0x0  }
0x70: {  	s16 =	rddreg [dreg:$0xd];
	[sflag:s19] =	ssyncadd.s32 $0xFFFFE000  }
0x71: {  	[spmem:s16] =	stream.linear.scatter [tilespmem:s25], [sflag:$0x9], $0x2000, $0x38;
	[tilespmem:$0x1F000] =	vst v63  }
0x72: {  	_ =	swait.ge [sflag:s19], $0x2000  }
0x73: {  	[sflag:s19] =	ssyncset.done $0x0  }
0x74: {  	[sflag:s19] =	ssyncadd.s32 $0xFFFFE000  }
0x75: {  	s14 =	simm.s32 $0x0;
	[bflag:$0x0] =	sbarrier.arrive $0xFFFF  }
.LBB2_2:
0x76: {  	_ =	swait.ge [sflag:s26], $0x2000  }
0x77: {  	p0 =	seq.s32 s14, $0x0;
	[sflag:s26] =	ssyncset.done $0x0  }
0x78: {  	s15 =	simm.s32 @!p0 $0x7;
	[sflag:s26] =	ssyncadd.s32 $0xFFFFE000  }
0x79: {  	[spmem:s2] =	stream.indirect.scatter.add.f32 [tilespmem:s22], [sflag:$0x5], $0x80, s28, s20, $0xb8;
	[tilespmem:$0x1F000] =	vst v63  }
0x7a: {  	_ =	swait.ge @!p0 [sflag:s15], $0x2000  }
0x7b: {  	[sflag:s15] =	ssyncset.done @!p0 $0x0  }
0x7c: {  	[sflag:s15] =	ssyncadd.s32 @!p0 $0xFFFFE000;
	s15 =	sshra.s32 s14, $0x2  }
0x7d: {  	v0 =	vld [tilespmem:s15+$0x80];
	_ =	sdelay $0x4  }
0x7e: {  	v1 =	vand.u32 $0x3FFF, v0  }
0x7f: {  	v0 =	vshrl.u32 v0, $0xE;
	[tilespmem:$0x2D00] =	vst v1  }
0x80: {  	[tilespmem:$0x2F00] =	vst v0  }
0x81: {  	v0 =	vld [tilespmem:s15+$0x90];
	_ =	sdelay $0x4  }
0x82: {  	v56 =	vand.u32 $0x3FFF, v0  }
0x83: {  	v0 =	vshrl.u32 v0, $0xE;
	[tilespmem:$0x2D10] =	vst v56  }
0x84: {  	[tilespmem:$0x2F10] =	vst v0  }
0x85: {  	v0 =	vld [tilespmem:s15+$0xA0];
	_ =	sdelay $0x4  }
0x86: {  	v57 =	vand.u32 $0x3FFF, v0  }
0x87: {  	v0 =	vshrl.u32 v0, $0xE;
	[tilespmem:$0x2D20] =	vst v57  }
0x88: {  	[tilespmem:$0x2F20] =	vst v0  }
0x89: {  	v0 =	vld [tilespmem:s15+$0xB0];
	_ =	sdelay $0x4  }
0x8a: {  	v58 =	vand.u32 $0x3FFF, v0  }
0x8b: {  	v0 =	vshrl.u32 v0, $0xE;
	[tilespmem:$0x2D30] =	vst v58  }
0x8c: {  	[tilespmem:$0x2F30] =	vst v0  }
0x8d: {  	[tilespmem:s30], [sflag:$0x3] =	stream.indirect.gather [hbm4b:s4+s20], $0x80, s29, s20, $0xb8;
	[tilespmem:$0x1F000] =	vst v63  }
0x8e: {  	_ =	swait.ge [sflag:s31], $0x2000  }
0x8f: {  	[sflag:s31] =	ssyncset.done $0x0  }
0x90: {  	s16 =	simm.s32 @!p0 $0x8;
	[sflag:s31] =	ssyncadd.s32 $0xFFFFE000  }
0x91: {  	[spmem:s2] =	stream.indirect.scatter.add.f32 [tilespmem:s24], [sflag:$0x6], $0x80, s1, s20, $0xb8;
	[tilespmem:$0x1F000] =	vst v63  }
0x92: {  	_ =	swait.ge @!p0 [sflag:s16], $0x2000  }
0x93: {  	[sflag:s16] =	ssyncset.done @!p0 $0x0  }
0x94: {  	[sflag:s16] =	ssyncadd.s32 @!p0 $0xFFFFE000  }
0x95: {  	v59 =	vld [tilespmem:s15+$0xC0];
	_ =	sdelay $0x4  }
0x96: {  	v60 =	vand.u32 $0x3FFF, v59  }
0x97: {  	v0 =	vshrl.u32 v59, $0xE;
	[tilespmem:$0x2D80] =	vst v60  }
0x98: {  	[tilespmem:$0x2F80] =	vst v0  }
0x99: {  	v0 =	vld [tilespmem:s15+$0xD0];
	_ =	sdelay $0x4  }
0x9a: {  	v61 =	vand.u32 $0x3FFF, v0  }
0x9b: {  	v0 =	vshrl.u32 v0, $0xE;
	[tilespmem:$0x2D90] =	vst v61  }
0x9c: {  	[tilespmem:$0x2F90] =	vst v0  }
0x9d: {  	v0 =	vld [tilespmem:s15+$0xE0];
	_ =	sdelay $0x4  }
0x9e: {  	v62 =	vand.u32 $0x3FFF, v0  }
0x9f: {  	v0 =	vshrl.u32 v0, $0xE;
	[tilespmem:$0x2DA0] =	vst v62  }
0xa0: {  	[tilespmem:$0x2FA0] =	vst v0  }
0xa1: {  	v0 =	vld [tilespmem:s15+$0xF0];
	_ =	sdelay $0x4  }
0xa2: {  	v63 =	vand.u32 $0x3FFF, v0  }
0xa3: {  	v0 =	vshrl.u32 v0, $0xE;
	[tilespmem:$0x2DB0] =	vst v63  }
0xa4: {  	[tilespmem:$0x2FB0] =	vst v0  }
0xa5: {  	[tilespmem:s25], [sflag:$0x4] =	stream.indirect.gather [hbm4b:s4+s20], $0x80, s0, s20, $0xb8;
	[tilespmem:$0x1F000] =	vst v63  }
0xa6: {  	_ =	swait.ge [sflag:s3], $0x2000  }
0xa7: {  	p0 =	seq.s32 s14, $0xA000;
	[sflag:s3] =	ssyncset.done $0x0  }
.Ltmp2:
0xa8: {  	[sflag:s3] =	ssyncadd.s32 $0xFFFFE000;
	(pc) =	sbr.rel @p0 .LBB2_4-.Ltmp2, $4  }
0xa9: {  	[spmem:s2] =	stream.indirect.scatter.add.f32 [tilespmem:s30], [sflag:$0x7], $0x80, s5, s20, $0xb8;
	[tilespmem:$0x1F000] =	vst v63  }
0xaa: {  	_ =	swait.ge [sflag:s7], $0x2000  }
0xab: {  	[sflag:s7] =	ssyncset.done $0x0  }
0xac: {  	[sflag:s7] =	ssyncadd.s32 $0xFFFFE000  }
0xad: {  	v0 =	vld [tilespmem:s15+$0x100];
	_ =	sdelay $0x4  }
0xae: {  	v1 =	vand.u32 $0x3FFF, v0  }
0xaf: {  	v0 =	vshrl.u32 v0, $0xE;
	[tilespmem:$0x2C00] =	vst v1  }
0xb0: {  	[tilespmem:$0x2E00] =	vst v0  }
0xb1: {  	v0 =	vld [tilespmem:s15+$0x110];
	_ =	sdelay $0x4  }
0xb2: {  	v56 =	vand.u32 $0x3FFF, v0  }
0xb3: {  	v0 =	vshrl.u32 v0, $0xE;
	[tilespmem:$0x2C10] =	vst v56  }
0xb4: {  	[tilespmem:$0x2E10] =	vst v0  }
0xb5: {  	v0 =	vld [tilespmem:s15+$0x120];
	_ =	sdelay $0x4  }
0xb6: {  	v57 =	vand.u32 $0x3FFF, v0  }
0xb7: {  	v0 =	vshrl.u32 v0, $0xE;
	[tilespmem:$0x2C20] =	vst v57  }
0xb8: {  	[tilespmem:$0x2E20] =	vst v0  }
0xb9: {  	v0 =	vld [tilespmem:s15+$0x130];
	_ =	sdelay $0x4  }
0xba: {  	v58 =	vand.u32 $0x3FFF, v0  }
0xbb: {  	v0 =	vshrl.u32 v0, $0xE;
	[tilespmem:$0x2C30] =	vst v58  }
0xbc: {  	[tilespmem:$0x2E30] =	vst v0  }
0xbd: {  	[tilespmem:s22], [sflag:$0x1] =	stream.indirect.gather [hbm4b:s4+s20], $0x80, s21, s20, $0xb8;
	[tilespmem:$0x1F000] =	vst v63  }
0xbe: {  	_ =	swait.ge [sflag:s8], $0x2000  }
0xbf: {  	[sflag:s8] =	ssyncset.done $0x0  }
0xc0: {  	[sflag:s8] =	ssyncadd.s32 $0xFFFFE000  }
0xc1: {  	[spmem:s2] =	stream.indirect.scatter.add.f32 [tilespmem:s25], [sflag:$0x8], $0x80, s9, s20, $0xb8;
	[tilespmem:$0x1F000] =	vst v63  }
0xc2: {  	_ =	swait.ge [sflag:s10], $0x2000  }
0xc3: {  	[sflag:s10] =	ssyncset.done $0x0  }
0xc4: {  	[sflag:s10] =	ssyncadd.s32 $0xFFFFE000  }
0xc5: {  	v59 =	vld [tilespmem:s15+$0x140];
	_ =	sdelay $0x4  }
0xc6: {  	v60 =	vand.u32 $0x3FFF, v59  }
0xc7: {  	v0 =	vshrl.u32 v59, $0xE;
	[tilespmem:$0x2C80] =	vst v60  }
0xc8: {  	[tilespmem:$0x2E80] =	vst v0  }
0xc9: {  	v0 =	vld [tilespmem:s15+$0x150];
	_ =	sdelay $0x4  }
0xca: {  	v61 =	vand.u32 $0x3FFF, v0  }
0xcb: {  	v0 =	vshrl.u32 v0, $0xE;
	[tilespmem:$0x2C90] =	vst v61  }
0xcc: {  	[tilespmem:$0x2E90] =	vst v0  }
0xcd: {  	v0 =	vld [tilespmem:s15+$0x160];
	_ =	sdelay $0x4  }
0xce: {  	v62 =	vand.u32 $0x3FFF, v0  }
0xcf: {  	v0 =	vshrl.u32 v0, $0xE;
	[tilespmem:$0x2CA0] =	vst v62  }
0xd0: {  	[tilespmem:$0x2EA0] =	vst v0  }
0xd1: {  	v0 =	vld [tilespmem:s15+$0x170];
	_ =	sdelay $0x3  }
.Ltmp3:
0xd2: {  	_ = 	snop;
	(pc) =	sbr.rel .LBB2_2-.Ltmp3, $4  }
0xd3: {  	v63 =	vand.u32 $0x3FFF, v0  }
0xd4: {  	v0 =	vshrl.u32 v0, $0xE;
	[tilespmem:$0x2CB0] =	vst v63  }
0xd5: {  	s14 =	sadd.s32 $0x400, s14;
	[tilespmem:$0x2EB0] =	vst v0  }
0xd6: {  	[tilespmem:s24], [sflag:$0x2] =	stream.indirect.gather [hbm4b:s4+s20], $0x80, s23, s20, $0xb8;
	[tilespmem:$0x1F000] =	vst v63  }
.LBB2_5:
0xd7: {  	_ =	sfence.sel $0x180000  }
0xd8: {  	[bflag:$0x0] =	sbarrier.arrive $0xFFFF  }
0xd9: {  	_ =	strace $0x9000004A  }
0xda: {  	s0 =	stileid.u32;
	[bflag:$0x2] =	sbarrier.arrive $0xFFFF  }
0xdb: {  	p0 =	sne.s32 s0, $0x0;
	s0 =	rddreg [dreg:$0x2]  }
0xdc: {  	s0 =	sadd.s32 @!p0 $0x100000, s0  }
0xdd: {  	[sflag:s0] =	ssyncadd.tile.s32 @!p0 $0x1;
	_ =	shalt  }
.Lfunc_end2:
_tile_overlayer_lowered:
.L_overlay_start_2:
0xde: {  	(tag) =	ssettag $0x2  }
0xdf: {  	s0 =	rddreg [dreg:$0x0];
	s2 =	stileid.u32  }
0xe0: {  	s1 =	rddreg [dreg:$0x1];
	p0 =	sne.s32 s2, $0x0  }
0xe1: {  	s3 =	rddreg [dreg:$0x2];
	[bflag:$0x3] =	sbarrier.arrive $0xFFFF;
	s2 =	simm.s32 @!p0 $0x1C09  }
0xe2: {  	[timem:s3], [sflag:s2] =	dma.local @!p0 [hbm:s0], s1  }
0xe3: {  	s0 =	simm.s32 @!p0 $0x9  }
0xe4: {  	_ =	swait.ge @!p0 [sflag:s0], s1  }
0xe5: {  	s1 =	ssub.s32 @!p0 $0x0, s1;
	[sflag:s0] =	ssyncset.done @!p0 $0x0  }
0xe6: {  	[sflag:s0] =	ssyncadd.s32 @!p0 s1  }
0xe7: {  	[bflag:$0x3] =	sbarrier.arrive $0xFFFF  }
0xe8: {  	_ =	shalt  }

// kernel: kernel.16.cloned.1.call-start
scs
__scs_entry_jumppad:
0x0: {  	(pc) =	sbr.rel $0x88, $3  }
0x1: {  	(tag) =	ssettag $0x0;
	lr =	simm.s32 $0x1  }
0x2: {  	[smem:$0x3F96] =	sst lr;
	_ =	strace $0xD0000000  }
0x3: {  	_ = 	snop  }
0x4: {  	_ = 	snop  }
0x5: {  	_ = 	snop  }
0x6: {  	_ = 	snop  }
0x7: {  	_ = 	snop  }
__scs_overlays_trampoline_lowered:
0x8: {  	[smem:$0x3FA5] =	sst s0  }
0x9: {  	[smem:$0x3FA6] =	sst s1  }
0xa: {  	[smem:$0x3FA7] =	sst s2  }
0xb: {  	[smem:$0x3FA8] =	sst s3  }
0xc: {  	[smem:$0x3FA9] =	sst s4  }
0xd: {  	[smem:$0x3FAA] =	sst s5  }
0xe: {  	[smem:$0x3FAB] =	sst s6  }
0xf: {  	[smem:$0x3FAC] =	sst s7  }
0x10: {  	[smem:$0x3FAD] =	sst s8  }
0x11: {  	[smem:$0x3FAE] =	sst s9;
	s0 =	simm.s32 @!p0 $0x0  }
0x12: {  	s1 =	sld [smem:$0x3F94];
	s0 =	simm.s32 @p0 $0x1  }
0x13: {  	[smem:$0x3FAF] =	sst s0;
	s0 =	simm.s32 @!p1 $0x0  }
0x14: {  	s2 =	sld [smem:$0x3F93];
	s0 =	simm.s32 @p1 $0x1  }
0x15: {  	[smem:$0x3FB0] =	sst s0;
	s0 =	simm.s32 @!p2 $0x0  }
0x16: {  	s3 =	sld [smem:$0x3FDB];
	s0 =	simm.s32 @p2 $0x1  }
0x17: {  	s4 =	simm.s32 $0x1BF5;
	[smem:$0x3FB2] =	sst s0  }
0x18: {  	s0 =	sld [smem:$0x3F95];
	_ =	swait.ge [sflag:s4], $0x0  }
0x19: {  	s7 =	sld [smem:$0x3F96]  }
0x1a: {  	s8 =	sadd.s32 $0xFFFFE003, lr  }
0x1b: {  	s9 =	sadd.s32 $0xFFFFFEF7, lr;
	s5 =	simm.s32 $0xFFFFFFFF;
	p2 =	slt.u32 s8, $0xFFFFF086  }
0x1c: {  	p1 =	slt.u32 s9, $0xF7A;
	s5 =	simm.s32 @!p2 $0x0  }
0x1d: {  	s5 =	simm.s32 @p1 $0x1;
	p0 =	seq.s32 s7, s2  }
0x1e: {  	s7 =	smul.u32 @!p0 $0xF7A, s2;
	p2 =	seq.s32 @!p0 s5, $0x0  }
0x1f: {  	s9 =	smul.u32 $0xF7A, s1;
	s8 =	simm.s32 @!p0 $0x1BF5;
	p2 =	por !p2, p0  }
0x20: {  	[sflag:s8] =	ssyncset.s32 @!p0 $0xFFFFF086;
	s6 =	sadd.s32 @!p0 s3, s7;
	s7 =	simm.s32 @!p0 $0x108  }
0x21: {  	s3 =	sadd.s32 s3, s9;
	s6 =	sadd.s32 @!p0 $0x88, s6;
	s7 =	simm.s32 @p2 $0x1082  }
0x22: {  	[simem:s7], [sflag:s8] =	dma.local @!p0 [hbm:s6], $0xF7A  }
0x23: {  	s9 =	sor.u32 $0xD0000000, s2;
	s6 =	simm.s32 $0x108;
	_ =	swait.ge @!p0 [sflag:s8], $0x0  }
0x24: {  	s3 =	sadd.s32 $0x88, s3;
	s6 =	simm.s32 @!p1 $0x1082;
	[sflag:s4] =	ssyncset.s32 $0xFFFFF086  }
0x25: {  	[simem:s6], [sflag:s4] =	dma.local [hbm:s3], $0xF7A  }
0x26: {  	[smem:$0x3F96] =	sst s1;
	(tag) =	ssettag s2;
	_ =	strace s9  }
0x27: {  	s1 =	sld [smem:$0x3FA6]  }
0x28: {  	s2 =	sld [smem:$0x3FA7]  }
0x29: {  	s4 =	sld [smem:$0x3FA9]  }
0x2a: {  	p0 =	seq.s32 s5, $0x0;
	s5 =	sld [smem:$0x3FAA]  }
0x2b: {  	s6 =	sld [smem:$0x3FAB]  }
0x2c: {  	s7 =	sld [smem:$0x3FAC]  }
0x2d: {  	s3 =	simm.s32 $0x108;
	s8 =	sld [smem:$0x3FAD]  }
0x2e: {  	s3 =	simm.s32 @!p0 $0x1082;
	s9 =	sld [smem:$0x3FAE]  }
0x2f: {  	lr =	sadd.s32 s0, s3;
	s0 =	sld [smem:$0x3FA5]  }
0x30: {  	s3 =	sld [smem:$0x3FA8]  }
0x31: {  	[smem:$0x3FB1] =	sst s10  }
0x32: {  	s10 =	sld [smem:$0x3FAF];
	_ =	sdelay $0x3  }
0x33: {  	p0 =	seq.s32 s10, $0x1;
	s10 =	sld [smem:$0x3FB1];
	_ =	sdelay $0x3  }
0x34: {  	[smem:$0x3FB1] =	sst s10  }
0x35: {  	s10 =	sld [smem:$0x3FB0];
	_ =	sdelay $0x3  }
0x36: {  	p1 =	seq.s32 s10, $0x1;
	s10 =	sld [smem:$0x3FB1];
	_ =	sdelay $0x3  }
0x37: {  	[smem:$0x3FB1] =	sst s10  }
0x38: {  	s10 =	sld [smem:$0x3FB2]  }
0x39: {  	_ = 	snop;
	(pc) =	sbr.ind lr, $3  }
0x3a: {  	_ = 	snop  }
0x3b: {  	_ = 	snop  }
0x3c: {  	p2 =	seq.s32 s10, $0x1;
	s10 =	sld [smem:$0x3FB1]  }
0x3d: {  	_ =	shalt  }
0x3e: {  	_ =	shalt  }
0x3f: {  	_ =	shalt  }
0x40: {  	_ =	shalt  }
0x41: {  	_ =	shalt  }
0x42: {  	_ =	shalt  }
0x43: {  	_ =	shalt  }
0x44: {  	_ =	shalt  }
0x45: {  	_ =	shalt  }
0x46: {  	_ =	shalt  }
0x47: {  	_ =	shalt  }
0x48: {  	_ =	shalt  }
0x49: {  	_ =	shalt  }
0x4a: {  	_ =	shalt  }
0x4b: {  	_ =	shalt  }
0x4c: {  	_ =	shalt  }
0x4d: {  	_ =	shalt  }
0x4e: {  	_ =	shalt  }
0x4f: {  	_ =	shalt  }
0x50: {  	_ =	shalt  }
0x51: {  	_ =	shalt  }
0x52: {  	_ =	shalt  }
0x53: {  	_ =	shalt  }
0x54: {  	_ =	shalt  }
0x55: {  	_ =	shalt  }
0x56: {  	_ =	shalt  }
0x57: {  	_ =	shalt  }
0x58: {  	_ =	shalt  }
0x59: {  	_ =	shalt  }
0x5a: {  	_ =	shalt  }
0x5b: {  	_ =	shalt  }
0x5c: {  	_ =	shalt  }
0x5d: {  	_ =	shalt  }
0x5e: {  	_ =	shalt  }
0x5f: {  	_ =	shalt  }
0x60: {  	_ =	shalt  }
0x61: {  	_ =	shalt  }
0x62: {  	_ =	shalt  }
0x63: {  	_ =	shalt  }
0x64: {  	_ =	shalt  }
0x65: {  	_ =	shalt  }
0x66: {  	_ =	shalt  }
0x67: {  	_ =	shalt  }
0x68: {  	_ =	shalt  }
0x69: {  	_ =	shalt  }
0x6a: {  	_ =	shalt  }
0x6b: {  	_ =	shalt  }
0x6c: {  	_ =	shalt  }
0x6d: {  	_ =	shalt  }
0x6e: {  	_ =	shalt  }
0x6f: {  	_ =	shalt  }
0x70: {  	_ =	shalt  }
0x71: {  	_ =	shalt  }
0x72: {  	_ =	shalt  }
0x73: {  	_ =	shalt  }
0x74: {  	_ =	shalt  }
0x75: {  	_ =	shalt  }
0x76: {  	_ =	shalt  }
0x77: {  	_ =	shalt  }
0x78: {  	_ =	shalt  }
0x79: {  	_ =	shalt  }
0x7a: {  	_ =	shalt  }
0x7b: {  	_ =	shalt  }
0x7c: {  	_ =	shalt  }
0x7d: {  	_ =	shalt  }
0x7e: {  	_ =	shalt  }
0x7f: {  	_ =	shalt  }
0x80: {  	_ =	shalt  }
0x81: {  	_ =	shalt  }
0x82: {  	_ =	shalt  }
0x83: {  	_ =	shalt  }
0x84: {  	_ =	shalt  }
0x85: {  	_ =	shalt  }
0x86: {  	_ =	shalt  }
0x87: {  	_ =	shalt  }
.Lfunc_end0:
.L_simem_size_0:
called_computation.2_lowered:
.L_overlay_start_0:
0x88: {  	s2 =	sld [smem:$0x3FD9]  }
0x89: {  	s3 =	sld [smem:$0x3FFE];
	_ =	sdelay $0x1  }
0x8a: {  	s1 =	srdreg.scid  }
0x8b: {  	s0 =	sand.u32 $0x1, s1  }
0x8c: {  	s16 =	sshll.u32 s0, $0xA;
	s2 =	sadd.s32 s3, s2  }
0x8d: {  	s2 =	sadd.s32 s2, s16  }
0x8e: {  	[smem:$0x3FBD] =	sst s2  }
0x8f: {  	_ = 	snop  }
0x90: {  	(tm) =	ssettm $0x1  }
0x91: {  	s17 =	sld [smem:$0x3FFB];
	_ =	sdelay $0x3  }
0x92: {  	_ =	strace s17  }
0x93: {  	s2 =	sld [smem:$0x3FFC];
	_ =	sdelay $0x3  }
0x94: {  	_ =	strace s2  }
0x95: {  	s2 =	sld [smem:$0x3FFD];
	_ =	sdelay $0x3  }
0x96: {  	_ =	strace s2  }
0x97: {  	_ =	strace $0x8FFFFFFF  }
0x98: {  	s18 =	sld [smem:$0x3FDB];
	_ =	sdelay $0x1  }
0x99: {  	s19 =	simm.s32 $_scs_section_size  }
0x9a: {  	s4 =	simm.s32 $_size__tile_overlayer_lowered;
	s5 =	simm.s32 $_tile_overlayer_lowered  }
0x9b: {  	s22 =	simm.s32 $0x1BFF;
	s21 =	sshll.u32 s5, $0x1;
	s2 =	sadd.s32 s19, s18  }
0x9c: {  	s6 =	simm.s32 $0x0;
	s20 =	sshll.u32 s4, $0x1;
	s4 =	sadd.s32 s21, s2  }
0x9d: {  	[timem:s6], [sflag:s22] =	dma.local [hbm:s4], s20  }
0x9e: {  	_ =	swait.ge [sflag:s22], s20  }
0x9f: {  	s3 =	ssub.s32 $0x0, s20;
	[sflag:s22] =	ssyncset.done $0x0  }
0xa0: {  	[sflag:s22] =	ssyncadd.s32 s3;
	_ =	sdelay $0x1  }
0xa1: {  	s23 =	simm.s32 $0x1B8B  }
0xa2: {  	_ =	swait.ge [sflag:s23], $0x1  }
0xa3: {  	[sflag:s23] =	ssyncset.done $0x0  }
0xa4: {  	s25 =	simm.s32 $0x1B8E;
	s24 =	sld [smem:$0x3FFE];
	[sflag:s23] =	ssyncadd.s32 $0xFFFFFFFF  }
0xa5: {  	s26 =	simm.s32 $execute0_lowered;
	[smem:$0x3FD2] =	sst s25  }
0xa6: {  	s4 =	sshll.u32 s26, $0x1;
	_ =	strace $0x8000004C;
	[dreg:$0x1] =	wrdreg $0xFFFFFFFF  }
0xa7: {  	s28 =	simm.s32 $_size_execute0_lowered;
	s2 =	sadd.s32 s2, s4;
	[dreg:$0x0] =	wrdreg $0x0  }
0xa8: {  	s4 =	sshll.u32 s28, $0x1;
	[dreg:$0x2] =	wrdreg s2  }
0xa9: {  	[dreg:$0x3] =	wrdreg s4  }
0xaa: {  	[dreg:$0x4] =	wrdreg $0xC0  }
0xab: {  	_ =	task [dreg:s6], $0x5FFFF  }
0xac: {  	[dreg:$0x1] =	wrdreg $0xFFFFFFFF  }
0xad: {  	[dreg:$0x0] =	wrdreg $0x60  }
0xae: {  	[dreg:$0x2] =	wrdreg s24  }
0xaf: {  	[dreg:$0x3] =	wrdreg $0xB0000  }
0xb0: {  	[dreg:$0x4] =	wrdreg $0x9  }
0xb1: {  	_ =	task.clear_ibuf [dreg:s6], $0x5FFFF;
	_ =	strace $0x9000004C  }
0xb2: {  	s29 =	simm.s32 $0x9;
	_ =	strace $0x8000004E  }
0xb3: {  	_ =	swait.ge [sflag:s29], $0x1  }
0xb4: {  	[sflag:s29] =	ssyncadd.s32 $0xFFFFFFFF  }
0xb5: {  	_ =	strace $0x9000004E  }
0xb6: {  	_ =	sfence  }
0xb7: {  	s30 =	sld [smem:$0x0];
	_ =	sdelay $0x2  }
0xb8: {  	s31 =	sshll.u32 s1, $0xD;
	s1 =	sshrl.u32 s1, $0x2  }
0xb9: {  	s3 =	sand.u32 $0x4000, s31;
	s1 =	sadd.s32 s1, s30  }
0xba: {  	s0 =	sor.u32 s3, s0;
	s1 =	sshll.u32 s1, $0x11  }
0xbb: {  	s0 =	sor.u32 s1, s0  }
0xbc: {  	s0 =	sadd.s32 $0x8F2B, s0  }
0xbd: {  	[sflag:s0] =	ssyncadd.remote.s32 $0x1  }
0xbe: {  	_ =	sfence.sel $0xFFFF  }
0xbf: {  	[dreg:$0x0] =	wrdreg $0xFFFFFFFF;
	(pc) =	sbr.abs _section_cstart, $3  }
0xc0: {  	[dreg:$0x1] =	wrdreg $0xFFFFFFFF  }
0xc1: {  	_ =	task.clear_ibuf [dreg:s6], $0x2FFFF;
	_ =	strace $0x9FFFFFFF  }
0xc2: {  	(tm) =	ssettm $0x7FFFFFFF  }
0xc3: {  	_ =	shalt  }
tec
execute0_lowered:
.L_overlay_start_1:
0x0: {  	(tag) =	ssettag $0x1  }
0x1: {  	s0 =	srdreg.scid  }
0x2: {  	s7 =	stileid.u32;
	s3 =	rddreg [dreg:$0x0]  }
0x3: {  	s2 =	rddreg [dreg:$0x1];
	s4 =	simm.s32 $0x0;
	s28 =	simm.s32 $0x2E00  }
0x4: {  	s29 =	simm.s32 $0x2D00;
	s30 =	simm.s32 $0x7000;
	s31 =	simm.s32 $0x2  }
0x5: {  	s9 =	simm.s32 $0x2F80;
	s10 =	simm.s32 $0x6;
	s11 =	simm.s32 $0x7  }
0x6: {  	s12 =	simm.s32 $0x8;
	s13 =	simm.s32 $0x0;
	s6 =	smul.u32 $0x14000, s7  }
0x7: {  	s0 =	sand.u32 $0x1, s0;
	s1 =	sshll.u32 s7, $0x1;
	s7 =	smul.u32 $0x50000, s7  }
0x8: {  	[smem:$0x7FF] =	sst s4;
	s4 =	sadd.s32 $0x2E00, s3;
	s5 =	smul.u32 $0x140000, s0  }
0x9: {  	s8 =	sadd.s32 $0x2AE00, s3;
	s1 =	sor.u32 s0, s1;
	s16 =	sshrl.u32 s7, $0x2  }
0xa: {  	_ =	strace $0x8000004D;
	s5 =	sadd.s32 s6, s5;
	s6 =	sadd.s32 s16, s2  }
0xb: {  	[dreg:$0x3] =	wrdreg s8;
	s0 =	ssub.s32 $0x2, s0;
	s18 =	sadd.s32 $0x2000, s6  }
0xc: {  	s8 =	simm.s32 $0x4;
	s19 =	sadd.s32 $0x4000, s6;
	[dreg:$0x5] =	wrdreg s18  }
0xd: {  	s1 =	smul.u32 $0x580, s1;
	s20 =	sadd.s32 $0x6000, s6;
	[dreg:$0x6] =	wrdreg s19  }
0xe: {  	s17 =	sshrl.u32 s0, $0x1;
	s21 =	sadd.s32 $0x8000, s6;
	[dreg:$0x7] =	wrdreg s20  }
0xf: {  	s7 =	simm.s32 $0x5;
	s22 =	sadd.s32 $0xA000, s6;
	[dreg:$0x8] =	wrdreg s21  }
0x10: {  	s0 =	ssub.s32 s0, s17;
	s23 =	sadd.s32 $0xC000, s6;
	[dreg:$0x9] =	wrdreg s22  }
0x11: {  	s1 =	sadd.s32 s1, s3;
	s24 =	sadd.s32 $0xE000, s6;
	[dreg:$0xa] =	wrdreg s23  }
0x12: {  	s5 =	sshrl.u32 s5, $0x3;
	s25 =	sadd.s32 $0x10000, s6;
	[dreg:$0xb] =	wrdreg s24  }
0x13: {  	s26 =	sadd.s32 $0x12000, s6;
	s3 =	sadd.s32 s5, s3;
	[dreg:$0xc] =	wrdreg s25  }
0x14: {  	s1 =	sadd.s32 $0x68600, s1;
	[dreg:$0xd] =	wrdreg s26;
	s18 =	smax.u32 s0, $0x1  }
.Ltmp0:
0x15: {  	s19 =	simm.s32 $0x9;
	s20 =	simm.s32 $0x40;
	(pc) =	sbr.rel .LBB2_1-.Ltmp0, $4  }
0x16: {  	s21 =	simm.s32 $0x2C00;
	s22 =	simm.s32 $0x3000;
	s23 =	simm.s32 $0x2C80  }
0x17: {  	s24 =	simm.s32 $0x5000;
	s25 =	simm.s32 $0x9000;
	s26 =	simm.s32 $0x1  }
0x18: {  	s0 =	simm.s32 $0x2D80;
	s5 =	simm.s32 $0x2F00;
	[dreg:$0x4] =	wrdreg s1  }
0x19: {  	s17 =	sadd.s32 $0x73600, s3;
	s1 =	simm.s32 $0x2E80;
	s3 =	simm.s32 $0x3  }
.LBB2_4:
0x1a: {  	_ =	swait.ge [sflag:s8], $0x2000  }
0x1b: {  	[sflag:s8] =	ssyncset.done $0x0  }
0x1c: {  	[sflag:s8] =	ssyncadd.s32 $0xFFFFE000  }
0x1d: {  	[spmem:s2] =	stream.indirect.scatter.add.f32 [tilespmem:s25], [sflag:$0x8], $0x80, s9, s20, $0xb8;
	[tilespmem:$0x1F000] =	vst v63  }
0x1e: {  	_ =	swait.ge [sflag:s10], $0x2000  }
0x1f: {  	[sflag:s10] =	ssyncset.done $0x0  }
0x20: {  	[sflag:s10] =	ssyncadd.s32 $0xFFFFE000  }
0x21: {  	_ =	swait.ge [sflag:s11], $0x2000  }
0x22: {  	[sflag:s11] =	ssyncset.done $0x0  }
0x23: {  	[sflag:s11] =	ssyncadd.s32 $0xFFFFE000  }
0x24: {  	s14 =	stileid.u32;
	_ =	swait.ge [sflag:s12], $0x2000  }
0x25: {  	s15 =	sshrl.u32 s6, $0x3;
	s13 =	sadd.s32 $0x1, s13;
	[sflag:s12] =	ssyncset.done $0x0  }
0x26: {  	s14 =	sshll.u32 s14, $0x6;
	p0 =	sne.s32 s13, s18;
	[sflag:s12] =	ssyncadd.s32 $0xFFFFE000  }
.Ltmp1:
0x27: {  	s14 =	sor.u32 $0x1C09, s14;
	[bflag:$0x0] =	sbarrier.arrive $0xFFFF;
	(pc) =	sbr.rel @!p0 .LBB2_5-.Ltmp1, $4  }
0x28: {  	[hbm:s17], [sflag:s14] =	dma.local [spmem:s15], $0x2800  }
0x29: {  	_ =	swait.ge [sflag:s19], $0x2800  }
0x2a: {  	[sflag:s19] =	ssyncset.done $0x0  }
0x2b: {  	[sflag:s19] =	ssyncadd.s32 $0xFFFFD800  }
.LBB2_1:
0x2c: {  	s14 =	simm.s32 $0x0;
	s15 =	rddreg [dreg:$0x4]  }
0x2d: {  	[tilespmem:s14], [sflag:$0x9] =	stream.linear.gather [hbm4b:s15+s14], $0x2900, $0x38;
	[tilespmem:$0x1F000] =	vst v63  }
0x2e: {  	_ =	swait.ge [sflag:s19], $0x2900  }
0x2f: {  	[sflag:s19] =	ssyncset.done $0x0  }
0x30: {  	[sflag:s19] =	ssyncadd.s32 $0xFFFFD700  }
0x31: {  	v0 =	vld [tilespmem:$0x0];
	_ =	sdelay $0x1  }
0x32: {  	v1 =	vld [tilespmem:$0x10];
	_ =	sdelay $0x1  }
0x33: {  	v2 =	vld [tilespmem:$0x20]  }
0x34: {  	v3 =	vand.u32 $0x3FFF, v0  }
0x35: {  	v45 =	vld [tilespmem:$0x30];
	v0 =	vshrl.u32 v0, $0xE;
	[tilespmem:$0x2C00] =	vst v3  }
0x36: {  	v46 =	vand.u32 $0x3FFF, v1;
	[tilespmem:$0x2E00] =	vst v0  }
0x37: {  	v48 =	vld [tilespmem:$0x40];
	v47 =	vshrl.u32 v1, $0xE;
	[tilespmem:$0x2C10] =	vst v46  }
0x38: {  	v49 =	vand.u32 $0x3FFF, v2;
	[tilespmem:$0x2E10] =	vst v47  }
0x39: {  	v51 =	vld [tilespmem:$0x50];
	v50 =	vshrl.u32 v2, $0xE;
	[tilespmem:$0x2C20] =	vst v49  }
0x3a: {  	v52 =	vand.u32 $0x3FFF, v45;
	[tilespmem:$0x2E20] =	vst v50  }
0x3b: {  	v54 =	vld [tilespmem:$0x60];
	v53 =	vshrl.u32 v45, $0xE;
	[tilespmem:$0x2C30] =	vst v52  }
0x3c: {  	v55 =	vand.u32 $0x3FFF, v48;
	[tilespmem:$0x2E30] =	vst v53  }
0x3d: {  	v57 =	vld [tilespmem:$0x70];
	v56 =	vshrl.u32 v48, $0xE;
	[tilespmem:$0x2C80] =	vst v55  }
0x3e: {  	v58 =	vand.u32 $0x3FFF, v51;
	[tilespmem:$0x2E80] =	vst v56  }
0x3f: {  	v59 =	vshrl.u32 v51, $0xE;
	[tilespmem:$0x2C90] =	vst v58  }
0x40: {  	v60 =	vand.u32 $0x3FFF, v54;
	[tilespmem:$0x2E90] =	vst v59  }
0x41: {  	v61 =	vshrl.u32 v54, $0xE;
	[tilespmem:$0x2CA0] =	vst v60  }
0x42: {  	v62 =	vand.u32 $0x3FFF, v57;
	[tilespmem:$0x2EA0] =	vst v61  }
0x43: {  	v63 =	vshrl.u32 v57, $0xE;
	[tilespmem:$0x2CB0] =	vst v62  }
0x44: {  	[tilespmem:$0x2EB0] =	vst v63  }
0x45: {  	[tilespmem:s22], [sflag:$0x1] =	stream.indirect.gather [hbm4b:s4+s20], $0x80, s21, s20, $0xb8;
	[tilespmem:$0x1F000] =	vst v63  }
0x46: {  	_ = 	snop  }
0x47: {  	[tilespmem:s24], [sflag:$0x2] =	stream.indirect.gather [hbm4b:s4+s20], $0x80, s23, s20, $0xb8;
	[tilespmem:$0x1F000] =	vst v63  }
0x48: {  	s16 =	rddreg [dreg:$0x3]  }
0x49: {  	[tilespmem:s25], [sflag:$0x9] =	stream.linear.gather [hbm4b:s16+s14], $0x2000, $0x38;
	[tilespmem:$0x1F000] =	vst v63  }
0x4a: {  	_ =	swait.ge [sflag:s19], $0x2000  }
0x4b: {  	[sflag:s19] =	ssyncset.done $0x0  }
0x4c: {  	[sflag:s19] =	ssyncadd.s32 $0xFFFFE000  }
0x4d: {  	[spmem:s6] =	stream.linear.scatter [tilespmem:s25], [sflag:$0x9], $0x2000, $0x38;
	[tilespmem:$0x1F000] =	vst v63  }
0x4e: {  	_ =	swait.ge [sflag:s19], $0x2000  }
0x4f: {  	[sflag:s19] =	ssyncset.done $0x0  }
0x50: {  	s16 =	rddreg [dreg:$0x5];
	[sflag:s19] =	ssyncadd.s32 $0xFFFFE000  }
0x51: {  	[spmem:s16] =	stream.linear.scatter [tilespmem:s25], [sflag:$0x9], $0x2000, $0x38;
	[tilespmem:$0x1F000] =	vst v63  }
0x52: {  	_ =	swait.ge [sflag:s19], $0x2000  }
0x53: {  	[sflag:s19] =	ssyncset.done $0x0  }
0x54: {  	s15 =	rddreg [dreg:$0x6];
	[sflag:s19] =	ssyncadd.s32 $0xFFFFE000  }
0x55: {  	[spmem:s15] =	stream.linear.scatter [tilespmem:s25], [sflag:$0x9], $0x2000, $0x38;
	[tilespmem:$0x1F000] =	vst v63  }
0x56: {  	_ =	swait.ge [sflag:s19], $0x2000  }
0x57: {  	[sflag:s19] =	ssyncset.done $0x0  }
0x58: {  	s16 =	rddreg [dreg:$0x7];
	[sflag:s19] =	ssyncadd.s32 $0xFFFFE000  }
0x59: {  	[spmem:s16] =	stream.linear.scatter [tilespmem:s25], [sflag:$0x9], $0x2000, $0x38;
	[tilespmem:$0x1F000] =	vst v63  }
0x5a: {  	_ =	swait.ge [sflag:s19], $0x2000  }
0x5b: {  	[sflag:s19] =	ssyncset.done $0x0  }
0x5c: {  	s15 =	rddreg [dreg:$0x8];
	[sflag:s19] =	ssyncadd.s32 $0xFFFFE000  }
0x5d: {  	[spmem:s15] =	stream.linear.scatter [tilespmem:s25], [sflag:$0x9], $0x2000, $0x38;
	[tilespmem:$0x1F000] =	vst v63  }
0x5e: {  	_ =	swait.ge [sflag:s19], $0x2000  }
0x5f: {  	[sflag:s19] =	ssyncset.done $0x0  }
0x60: {  	s16 =	rddreg [dreg:$0x9];
	[sflag:s19] =	ssyncadd.s32 $0xFFFFE000  }
0x61: {  	[spmem:s16] =	stream.linear.scatter [tilespmem:s25], [sflag:$0x9], $0x2000, $0x38;
	[tilespmem:$0x1F000] =	vst v63  }
0x62: {  	_ =	swait.ge [sflag:s19], $0x2000  }
0x63: {  	[sflag:s19] =	ssyncset.done $0x0  }
0x64: {  	s15 =	rddreg [dreg:$0xa];
	[sflag:s19] =	ssyncadd.s32 $0xFFFFE000  }
0x65: {  	[spmem:s15] =	stream.linear.scatter [tilespmem:s25], [sflag:$0x9], $0x2000, $0x38;
	[tilespmem:$0x1F000] =	vst v63  }
0x66: {  	_ =	swait.ge [sflag:s19], $0x2000  }
0x67: {  	[sflag:s19] =	ssyncset.done $0x0  }
0x68: {  	s16 =	rddreg [dreg:$0xb];
	[sflag:s19] =	ssyncadd.s32 $0xFFFFE000  }
0x69: {  	[spmem:s16] =	stream.linear.scatter [tilespmem:s25], [sflag:$0x9], $0x2000, $0x38;
	[tilespmem:$0x1F000] =	vst v63  }
0x6a: {  	_ =	swait.ge [sflag:s19], $0x2000  }
0x6b: {  	[sflag:s19] =	ssyncset.done $0x0  }
0x6c: {  	s15 =	rddreg [dreg:$0xc];
	[sflag:s19] =	ssyncadd.s32 $0xFFFFE000  }
0x6d: {  	[spmem:s15] =	stream.linear.scatter [tilespmem:s25], [sflag:$0x9], $0x2000, $0x38;
	[tilespmem:$0x1F000] =	vst v63  }
0x6e: {  	_ =	swait.ge [sflag:s19], $0x2000  }
0x6f: {  	[sflag:s19] =	ssyncset.done $0x0  }
0x70: {  	s16 =	rddreg [dreg:$0xd];
	[sflag:s19] =	ssyncadd.s32 $0xFFFFE000  }
0x71: {  	[spmem:s16] =	stream.linear.scatter [tilespmem:s25], [sflag:$0x9], $0x2000, $0x38;
	[tilespmem:$0x1F000] =	vst v63  }
0x72: {  	_ =	swait.ge [sflag:s19], $0x2000  }
0x73: {  	[sflag:s19] =	ssyncset.done $0x0  }
0x74: {  	[sflag:s19] =	ssyncadd.s32 $0xFFFFE000  }
0x75: {  	s14 =	simm.s32 $0x0;
	[bflag:$0x0] =	sbarrier.arrive $0xFFFF  }
.LBB2_2:
0x76: {  	_ =	swait.ge [sflag:s26], $0x2000  }
0x77: {  	p0 =	seq.s32 s14, $0x0;
	[sflag:s26] =	ssyncset.done $0x0  }
0x78: {  	s15 =	simm.s32 @!p0 $0x7;
	[sflag:s26] =	ssyncadd.s32 $0xFFFFE000  }
0x79: {  	[spmem:s2] =	stream.indirect.scatter.add.f32 [tilespmem:s22], [sflag:$0x5], $0x80, s28, s20, $0xb8;
	[tilespmem:$0x1F000] =	vst v63  }
0x7a: {  	_ =	swait.ge @!p0 [sflag:s15], $0x2000  }
0x7b: {  	[sflag:s15] =	ssyncset.done @!p0 $0x0  }
0x7c: {  	[sflag:s15] =	ssyncadd.s32 @!p0 $0xFFFFE000;
	s15 =	sshra.s32 s14, $0x2  }
0x7d: {  	v0 =	vld [tilespmem:s15+$0x80];
	_ =	sdelay $0x4  }
0x7e: {  	v1 =	vand.u32 $0x3FFF, v0  }
0x7f: {  	v0 =	vshrl.u32 v0, $0xE;
	[tilespmem:$0x2D00] =	vst v1  }
0x80: {  	[tilespmem:$0x2F00] =	vst v0  }
0x81: {  	v0 =	vld [tilespmem:s15+$0x90];
	_ =	sdelay $0x4  }
0x82: {  	v56 =	vand.u32 $0x3FFF, v0  }
0x83: {  	v0 =	vshrl.u32 v0, $0xE;
	[tilespmem:$0x2D10] =	vst v56  }
0x84: {  	[tilespmem:$0x2F10] =	vst v0  }
0x85: {  	v0 =	vld [tilespmem:s15+$0xA0];
	_ =	sdelay $0x4  }
0x86: {  	v57 =	vand.u32 $0x3FFF, v0  }
0x87: {  	v0 =	vshrl.u32 v0, $0xE;
	[tilespmem:$0x2D20] =	vst v57  }
0x88: {  	[tilespmem:$0x2F20] =	vst v0  }
0x89: {  	v0 =	vld [tilespmem:s15+$0xB0];
	_ =	sdelay $0x4  }
0x8a: {  	v58 =	vand.u32 $0x3FFF, v0  }
0x8b: {  	v0 =	vshrl.u32 v0, $0xE;
	[tilespmem:$0x2D30] =	vst v58  }
0x8c: {  	[tilespmem:$0x2F30] =	vst v0  }
0x8d: {  	[tilespmem:s30], [sflag:$0x3] =	stream.indirect.gather [hbm4b:s4+s20], $0x80, s29, s20, $0xb8;
	[tilespmem:$0x1F000] =	vst v63  }
0x8e: {  	_ =	swait.ge [sflag:s31], $0x2000  }
0x8f: {  	[sflag:s31] =	ssyncset.done $0x0  }
0x90: {  	s16 =	simm.s32 @!p0 $0x8;
	[sflag:s31] =	ssyncadd.s32 $0xFFFFE000  }
0x91: {  	[spmem:s2] =	stream.indirect.scatter.add.f32 [tilespmem:s24], [sflag:$0x6], $0x80, s1, s20, $0xb8;
	[tilespmem:$0x1F000] =	vst v63  }
0x92: {  	_ =	swait.ge @!p0 [sflag:s16], $0x2000  }
0x93: {  	[sflag:s16] =	ssyncset.done @!p0 $0x0  }
0x94: {  	[sflag:s16] =	ssyncadd.s32 @!p0 $0xFFFFE000  }
0x95: {  	v59 =	vld [tilespmem:s15+$0xC0];
	_ =	sdelay $0x4  }
0x96: {  	v60 =	vand.u32 $0x3FFF, v59  }
0x97: {  	v0 =	vshrl.u32 v59, $0xE;
	[tilespmem:$0x2D80] =	vst v60  }
0x98: {  	[tilespmem:$0x2F80] =	vst v0  }
0x99: {  	v0 =	vld [tilespmem:s15+$0xD0];
	_ =	sdelay $0x4  }
0x9a: {  	v61 =	vand.u32 $0x3FFF, v0  }
0x9b: {  	v0 =	vshrl.u32 v0, $0xE;
	[tilespmem:$0x2D90] =	vst v61  }
0x9c: {  	[tilespmem:$0x2F90] =	vst v0  }
0x9d: {  	v0 =	vld [tilespmem:s15+$0xE0];
	_ =	sdelay $0x4  }
0x9e: {  	v62 =	vand.u32 $0x3FFF, v0  }
0x9f: {  	v0 =	vshrl.u32 v0, $0xE;
	[tilespmem:$0x2DA0] =	vst v62  }
0xa0: {  	[tilespmem:$0x2FA0] =	vst v0  }
0xa1: {  	v0 =	vld [tilespmem:s15+$0xF0];
	_ =	sdelay $0x4  }
0xa2: {  	v63 =	vand.u32 $0x3FFF, v0  }
0xa3: {  	v0 =	vshrl.u32 v0, $0xE;
	[tilespmem:$0x2DB0] =	vst v63  }
0xa4: {  	[tilespmem:$0x2FB0] =	vst v0  }
0xa5: {  	[tilespmem:s25], [sflag:$0x4] =	stream.indirect.gather [hbm4b:s4+s20], $0x80, s0, s20, $0xb8;
	[tilespmem:$0x1F000] =	vst v63  }
0xa6: {  	_ =	swait.ge [sflag:s3], $0x2000  }
0xa7: {  	p0 =	seq.s32 s14, $0xA000;
	[sflag:s3] =	ssyncset.done $0x0  }
.Ltmp2:
0xa8: {  	[sflag:s3] =	ssyncadd.s32 $0xFFFFE000;
	(pc) =	sbr.rel @p0 .LBB2_4-.Ltmp2, $4  }
0xa9: {  	[spmem:s2] =	stream.indirect.scatter.add.f32 [tilespmem:s30], [sflag:$0x7], $0x80, s5, s20, $0xb8;
	[tilespmem:$0x1F000] =	vst v63  }
0xaa: {  	_ =	swait.ge [sflag:s7], $0x2000  }
0xab: {  	[sflag:s7] =	ssyncset.done $0x0  }
0xac: {  	[sflag:s7] =	ssyncadd.s32 $0xFFFFE000  }
0xad: {  	v0 =	vld [tilespmem:s15+$0x100];
	_ =	sdelay $0x4  }
0xae: {  	v1 =	vand.u32 $0x3FFF, v0  }
0xaf: {  	v0 =	vshrl.u32 v0, $0xE;
	[tilespmem:$0x2C00] =	vst v1  }
0xb0: {  	[tilespmem:$0x2E00] =	vst v0  }
0xb1: {  	v0 =	vld [tilespmem:s15+$0x110];
	_ =	sdelay $0x4  }
0xb2: {  	v56 =	vand.u32 $0x3FFF, v0  }
0xb3: {  	v0 =	vshrl.u32 v0, $0xE;
	[tilespmem:$0x2C10] =	vst v56  }
0xb4: {  	[tilespmem:$0x2E10] =	vst v0  }
0xb5: {  	v0 =	vld [tilespmem:s15+$0x120];
	_ =	sdelay $0x4  }
0xb6: {  	v57 =	vand.u32 $0x3FFF, v0  }
0xb7: {  	v0 =	vshrl.u32 v0, $0xE;
	[tilespmem:$0x2C20] =	vst v57  }
0xb8: {  	[tilespmem:$0x2E20] =	vst v0  }
0xb9: {  	v0 =	vld [tilespmem:s15+$0x130];
	_ =	sdelay $0x4  }
0xba: {  	v58 =	vand.u32 $0x3FFF, v0  }
0xbb: {  	v0 =	vshrl.u32 v0, $0xE;
	[tilespmem:$0x2C30] =	vst v58  }
0xbc: {  	[tilespmem:$0x2E30] =	vst v0  }
0xbd: {  	[tilespmem:s22], [sflag:$0x1] =	stream.indirect.gather [hbm4b:s4+s20], $0x80, s21, s20, $0xb8;
	[tilespmem:$0x1F000] =	vst v63  }
0xbe: {  	_ =	swait.ge [sflag:s8], $0x2000  }
0xbf: {  	[sflag:s8] =	ssyncset.done $0x0  }
0xc0: {  	[sflag:s8] =	ssyncadd.s32 $0xFFFFE000  }
0xc1: {  	[spmem:s2] =	stream.indirect.scatter.add.f32 [tilespmem:s25], [sflag:$0x8], $0x80, s9, s20, $0xb8;
	[tilespmem:$0x1F000] =	vst v63  }
0xc2: {  	_ =	swait.ge [sflag:s10], $0x2000  }
0xc3: {  	[sflag:s10] =	ssyncset.done $0x0  }
0xc4: {  	[sflag:s10] =	ssyncadd.s32 $0xFFFFE000  }
0xc5: {  	v59 =	vld [tilespmem:s15+$0x140];
	_ =	sdelay $0x4  }
0xc6: {  	v60 =	vand.u32 $0x3FFF, v59  }
0xc7: {  	v0 =	vshrl.u32 v59, $0xE;
	[tilespmem:$0x2C80] =	vst v60  }
0xc8: {  	[tilespmem:$0x2E80] =	vst v0  }
0xc9: {  	v0 =	vld [tilespmem:s15+$0x150];
	_ =	sdelay $0x4  }
0xca: {  	v61 =	vand.u32 $0x3FFF, v0  }
0xcb: {  	v0 =	vshrl.u32 v0, $0xE;
	[tilespmem:$0x2C90] =	vst v61  }
0xcc: {  	[tilespmem:$0x2E90] =	vst v0  }
0xcd: {  	v0 =	vld [tilespmem:s15+$0x160];
	_ =	sdelay $0x4  }
0xce: {  	v62 =	vand.u32 $0x3FFF, v0  }
0xcf: {  	v0 =	vshrl.u32 v0, $0xE;
	[tilespmem:$0x2CA0] =	vst v62  }
0xd0: {  	[tilespmem:$0x2EA0] =	vst v0  }
0xd1: {  	v0 =	vld [tilespmem:s15+$0x170];
	_ =	sdelay $0x3  }
.Ltmp3:
0xd2: {  	_ = 	snop;
	(pc) =	sbr.rel .LBB2_2-.Ltmp3, $4  }
0xd3: {  	v63 =	vand.u32 $0x3FFF, v0  }
0xd4: {  	v0 =	vshrl.u32 v0, $0xE;
	[tilespmem:$0x2CB0] =	vst v63  }
0xd5: {  	s14 =	sadd.s32 $0x400, s14;
	[tilespmem:$0x2EB0] =	vst v0  }
0xd6: {  	[tilespmem:s24], [sflag:$0x2] =	stream.indirect.gather [hbm4b:s4+s20], $0x80, s23, s20, $0xb8;
	[tilespmem:$0x1F000] =	vst v63  }
.LBB2_5:
0xd7: {  	_ =	sfence.sel $0x180000  }
0xd8: {  	[bflag:$0x0] =	sbarrier.arrive $0xFFFF  }
0xd9: {  	_ =	strace $0x9000004D  }
0xda: {  	s0 =	stileid.u32;
	[bflag:$0x2] =	sbarrier.arrive $0xFFFF  }
0xdb: {  	p0 =	sne.s32 s0, $0x0;
	s0 =	rddreg [dreg:$0x2]  }
0xdc: {  	s0 =	sadd.s32 @!p0 $0x100000, s0  }
0xdd: {  	[sflag:s0] =	ssyncadd.tile.s32 @!p0 $0x1;
	_ =	shalt  }
.Lfunc_end2:
_tile_overlayer_lowered:
.L_overlay_start_2:
0xde: {  	(tag) =	ssettag $0x2  }
0xdf: {  	s0 =	rddreg [dreg:$0x0];
	s2 =	stileid.u32  }
0xe0: {  	s1 =	rddreg [dreg:$0x1];
	p0 =	sne.s32 s2, $0x0  }
0xe1: {  	s3 =	rddreg [dreg:$0x2];
	[bflag:$0x3] =	sbarrier.arrive $0xFFFF;
	s2 =	simm.s32 @!p0 $0x1C09  }
0xe2: {  	[timem:s3], [sflag:s2] =	dma.local @!p0 [hbm:s0], s1  }
0xe3: {  	s0 =	simm.s32 @!p0 $0x9  }
0xe4: {  	_ =	swait.ge @!p0 [sflag:s0], s1  }
0xe5: {  	s1 =	ssub.s32 @!p0 $0x0, s1;
	[sflag:s0] =	ssyncset.done @!p0 $0x0  }
0xe6: {  	[sflag:s0] =	ssyncadd.s32 @!p0 s1  }
0xe7: {  	[bflag:$0x3] =	sbarrier.arrive $0xFFFF  }
0xe8: {  	_ =	shalt  }

// kernel: kernel.19.cloned.1.call-start
scs
__scs_entry_jumppad:
0x0: {  	(pc) =	sbr.rel $0x88, $3  }
0x1: {  	(tag) =	ssettag $0x0;
	lr =	simm.s32 $0x1  }
0x2: {  	[smem:$0x3F96] =	sst lr;
	_ =	strace $0xD0000000  }
0x3: {  	_ = 	snop  }
0x4: {  	_ = 	snop  }
0x5: {  	_ = 	snop  }
0x6: {  	_ = 	snop  }
0x7: {  	_ = 	snop  }
__scs_overlays_trampoline_lowered:
0x8: {  	[smem:$0x3FA5] =	sst s0  }
0x9: {  	[smem:$0x3FA6] =	sst s1  }
0xa: {  	[smem:$0x3FA7] =	sst s2  }
0xb: {  	[smem:$0x3FA8] =	sst s3  }
0xc: {  	[smem:$0x3FA9] =	sst s4  }
0xd: {  	[smem:$0x3FAA] =	sst s5  }
0xe: {  	[smem:$0x3FAB] =	sst s6  }
0xf: {  	[smem:$0x3FAC] =	sst s7  }
0x10: {  	[smem:$0x3FAD] =	sst s8  }
0x11: {  	[smem:$0x3FAE] =	sst s9;
	s0 =	simm.s32 @!p0 $0x0  }
0x12: {  	s1 =	sld [smem:$0x3F94];
	s0 =	simm.s32 @p0 $0x1  }
0x13: {  	[smem:$0x3FAF] =	sst s0;
	s0 =	simm.s32 @!p1 $0x0  }
0x14: {  	s2 =	sld [smem:$0x3F93];
	s0 =	simm.s32 @p1 $0x1  }
0x15: {  	[smem:$0x3FB0] =	sst s0;
	s0 =	simm.s32 @!p2 $0x0  }
0x16: {  	s3 =	sld [smem:$0x3FDB];
	s0 =	simm.s32 @p2 $0x1  }
0x17: {  	s4 =	simm.s32 $0x1BF5;
	[smem:$0x3FB2] =	sst s0  }
0x18: {  	s0 =	sld [smem:$0x3F95];
	_ =	swait.ge [sflag:s4], $0x0  }
0x19: {  	s7 =	sld [smem:$0x3F96]  }
0x1a: {  	s8 =	sadd.s32 $0xFFFFE003, lr  }
0x1b: {  	s9 =	sadd.s32 $0xFFFFFEF7, lr;
	s5 =	simm.s32 $0xFFFFFFFF;
	p2 =	slt.u32 s8, $0xFFFFF086  }
0x1c: {  	p1 =	slt.u32 s9, $0xF7A;
	s5 =	simm.s32 @!p2 $0x0  }
0x1d: {  	s5 =	simm.s32 @p1 $0x1;
	p0 =	seq.s32 s7, s2  }
0x1e: {  	s7 =	smul.u32 @!p0 $0xF7A, s2;
	p2 =	seq.s32 @!p0 s5, $0x0  }
0x1f: {  	s9 =	smul.u32 $0xF7A, s1;
	s8 =	simm.s32 @!p0 $0x1BF5;
	p2 =	por !p2, p0  }
0x20: {  	[sflag:s8] =	ssyncset.s32 @!p0 $0xFFFFF086;
	s6 =	sadd.s32 @!p0 s3, s7;
	s7 =	simm.s32 @!p0 $0x108  }
0x21: {  	s3 =	sadd.s32 s3, s9;
	s6 =	sadd.s32 @!p0 $0x88, s6;
	s7 =	simm.s32 @p2 $0x1082  }
0x22: {  	[simem:s7], [sflag:s8] =	dma.local @!p0 [hbm:s6], $0xF7A  }
0x23: {  	s9 =	sor.u32 $0xD0000000, s2;
	s6 =	simm.s32 $0x108;
	_ =	swait.ge @!p0 [sflag:s8], $0x0  }
0x24: {  	s3 =	sadd.s32 $0x88, s3;
	s6 =	simm.s32 @!p1 $0x1082;
	[sflag:s4] =	ssyncset.s32 $0xFFFFF086  }
0x25: {  	[simem:s6], [sflag:s4] =	dma.local [hbm:s3], $0xF7A  }
0x26: {  	[smem:$0x3F96] =	sst s1;
	(tag) =	ssettag s2;
	_ =	strace s9  }
0x27: {  	s1 =	sld [smem:$0x3FA6]  }
0x28: {  	s2 =	sld [smem:$0x3FA7]  }
0x29: {  	s4 =	sld [smem:$0x3FA9]  }
0x2a: {  	p0 =	seq.s32 s5, $0x0;
	s5 =	sld [smem:$0x3FAA]  }
0x2b: {  	s6 =	sld [smem:$0x3FAB]  }
0x2c: {  	s7 =	sld [smem:$0x3FAC]  }
0x2d: {  	s3 =	simm.s32 $0x108;
	s8 =	sld [smem:$0x3FAD]  }
0x2e: {  	s3 =	simm.s32 @!p0 $0x1082;
	s9 =	sld [smem:$0x3FAE]  }
0x2f: {  	lr =	sadd.s32 s0, s3;
	s0 =	sld [smem:$0x3FA5]  }
0x30: {  	s3 =	sld [smem:$0x3FA8]  }
0x31: {  	[smem:$0x3FB1] =	sst s10  }
0x32: {  	s10 =	sld [smem:$0x3FAF];
	_ =	sdelay $0x3  }
0x33: {  	p0 =	seq.s32 s10, $0x1;
	s10 =	sld [smem:$0x3FB1];
	_ =	sdelay $0x3  }
0x34: {  	[smem:$0x3FB1] =	sst s10  }
0x35: {  	s10 =	sld [smem:$0x3FB0];
	_ =	sdelay $0x3  }
0x36: {  	p1 =	seq.s32 s10, $0x1;
	s10 =	sld [smem:$0x3FB1];
	_ =	sdelay $0x3  }
0x37: {  	[smem:$0x3FB1] =	sst s10  }
0x38: {  	s10 =	sld [smem:$0x3FB2]  }
0x39: {  	_ = 	snop;
	(pc) =	sbr.ind lr, $3  }
0x3a: {  	_ = 	snop  }
0x3b: {  	_ = 	snop  }
0x3c: {  	p2 =	seq.s32 s10, $0x1;
	s10 =	sld [smem:$0x3FB1]  }
0x3d: {  	_ =	shalt  }
0x3e: {  	_ =	shalt  }
0x3f: {  	_ =	shalt  }
0x40: {  	_ =	shalt  }
0x41: {  	_ =	shalt  }
0x42: {  	_ =	shalt  }
0x43: {  	_ =	shalt  }
0x44: {  	_ =	shalt  }
0x45: {  	_ =	shalt  }
0x46: {  	_ =	shalt  }
0x47: {  	_ =	shalt  }
0x48: {  	_ =	shalt  }
0x49: {  	_ =	shalt  }
0x4a: {  	_ =	shalt  }
0x4b: {  	_ =	shalt  }
0x4c: {  	_ =	shalt  }
0x4d: {  	_ =	shalt  }
0x4e: {  	_ =	shalt  }
0x4f: {  	_ =	shalt  }
0x50: {  	_ =	shalt  }
0x51: {  	_ =	shalt  }
0x52: {  	_ =	shalt  }
0x53: {  	_ =	shalt  }
0x54: {  	_ =	shalt  }
0x55: {  	_ =	shalt  }
0x56: {  	_ =	shalt  }
0x57: {  	_ =	shalt  }
0x58: {  	_ =	shalt  }
0x59: {  	_ =	shalt  }
0x5a: {  	_ =	shalt  }
0x5b: {  	_ =	shalt  }
0x5c: {  	_ =	shalt  }
0x5d: {  	_ =	shalt  }
0x5e: {  	_ =	shalt  }
0x5f: {  	_ =	shalt  }
0x60: {  	_ =	shalt  }
0x61: {  	_ =	shalt  }
0x62: {  	_ =	shalt  }
0x63: {  	_ =	shalt  }
0x64: {  	_ =	shalt  }
0x65: {  	_ =	shalt  }
0x66: {  	_ =	shalt  }
0x67: {  	_ =	shalt  }
0x68: {  	_ =	shalt  }
0x69: {  	_ =	shalt  }
0x6a: {  	_ =	shalt  }
0x6b: {  	_ =	shalt  }
0x6c: {  	_ =	shalt  }
0x6d: {  	_ =	shalt  }
0x6e: {  	_ =	shalt  }
0x6f: {  	_ =	shalt  }
0x70: {  	_ =	shalt  }
0x71: {  	_ =	shalt  }
0x72: {  	_ =	shalt  }
0x73: {  	_ =	shalt  }
0x74: {  	_ =	shalt  }
0x75: {  	_ =	shalt  }
0x76: {  	_ =	shalt  }
0x77: {  	_ =	shalt  }
0x78: {  	_ =	shalt  }
0x79: {  	_ =	shalt  }
0x7a: {  	_ =	shalt  }
0x7b: {  	_ =	shalt  }
0x7c: {  	_ =	shalt  }
0x7d: {  	_ =	shalt  }
0x7e: {  	_ =	shalt  }
0x7f: {  	_ =	shalt  }
0x80: {  	_ =	shalt  }
0x81: {  	_ =	shalt  }
0x82: {  	_ =	shalt  }
0x83: {  	_ =	shalt  }
0x84: {  	_ =	shalt  }
0x85: {  	_ =	shalt  }
0x86: {  	_ =	shalt  }
0x87: {  	_ =	shalt  }
.Lfunc_end0:
.L_simem_size_0:
called_computation.3_lowered:
.L_overlay_start_0:
0x88: {  	s2 =	sld [smem:$0x3FD9]  }
0x89: {  	s3 =	sld [smem:$0x3FFE];
	_ =	sdelay $0x1  }
0x8a: {  	s1 =	srdreg.scid  }
0x8b: {  	s0 =	sand.u32 $0x1, s1  }
0x8c: {  	s16 =	sshll.u32 s0, $0xA;
	s2 =	sadd.s32 s3, s2  }
0x8d: {  	s2 =	sadd.s32 s2, s16  }
0x8e: {  	[smem:$0x3FBD] =	sst s2  }
0x8f: {  	_ = 	snop  }
0x90: {  	(tm) =	ssettm $0x1  }
0x91: {  	s17 =	sld [smem:$0x3FFB];
	_ =	sdelay $0x3  }
0x92: {  	_ =	strace s17  }
0x93: {  	s2 =	sld [smem:$0x3FFC];
	_ =	sdelay $0x3  }
0x94: {  	_ =	strace s2  }
0x95: {  	s2 =	sld [smem:$0x3FFD];
	_ =	sdelay $0x3  }
0x96: {  	_ =	strace s2  }
0x97: {  	_ =	strace $0x8FFFFFFF  }
0x98: {  	s18 =	sld [smem:$0x3FDB];
	_ =	sdelay $0x1  }
0x99: {  	s19 =	simm.s32 $_scs_section_size  }
0x9a: {  	s4 =	simm.s32 $_size__tile_overlayer_lowered;
	s5 =	simm.s32 $_tile_overlayer_lowered  }
0x9b: {  	s22 =	simm.s32 $0x1BFF;
	s21 =	sshll.u32 s5, $0x1;
	s2 =	sadd.s32 s19, s18  }
0x9c: {  	s6 =	simm.s32 $0x0;
	s20 =	sshll.u32 s4, $0x1;
	s4 =	sadd.s32 s21, s2  }
0x9d: {  	[timem:s6], [sflag:s22] =	dma.local [hbm:s4], s20  }
0x9e: {  	_ =	swait.ge [sflag:s22], s20  }
0x9f: {  	s3 =	ssub.s32 $0x0, s20;
	[sflag:s22] =	ssyncset.done $0x0  }
0xa0: {  	[sflag:s22] =	ssyncadd.s32 s3;
	_ =	sdelay $0x1  }
0xa1: {  	s23 =	simm.s32 $0x1B8B  }
0xa2: {  	_ =	swait.ge [sflag:s23], $0x1  }
0xa3: {  	[sflag:s23] =	ssyncset.done $0x0  }
0xa4: {  	s25 =	simm.s32 $0x1B8E;
	s24 =	sld [smem:$0x3FFE];
	[sflag:s23] =	ssyncadd.s32 $0xFFFFFFFF  }
0xa5: {  	s26 =	simm.s32 $execute0_lowered;
	[smem:$0x3FD2] =	sst s25  }
0xa6: {  	s4 =	sshll.u32 s26, $0x1;
	_ =	strace $0x8000004F;
	[dreg:$0x1] =	wrdreg $0xFFFFFFFF  }
0xa7: {  	s28 =	simm.s32 $_size_execute0_lowered;
	s2 =	sadd.s32 s2, s4;
	[dreg:$0x0] =	wrdreg $0x0  }
0xa8: {  	s4 =	sshll.u32 s28, $0x1;
	[dreg:$0x2] =	wrdreg s2  }
0xa9: {  	[dreg:$0x3] =	wrdreg s4  }
0xaa: {  	[dreg:$0x4] =	wrdreg $0xC0  }
0xab: {  	_ =	task [dreg:s6], $0x5FFFF  }
0xac: {  	[dreg:$0x1] =	wrdreg $0xFFFFFFFF  }
0xad: {  	[dreg:$0x0] =	wrdreg $0x60  }
0xae: {  	[dreg:$0x2] =	wrdreg s24  }
0xaf: {  	[dreg:$0x3] =	wrdreg $0xB0000  }
0xb0: {  	[dreg:$0x4] =	wrdreg $0x9  }
0xb1: {  	_ =	task.clear_ibuf [dreg:s6], $0x5FFFF;
	_ =	strace $0x9000004F  }
0xb2: {  	s29 =	simm.s32 $0x9;
	_ =	strace $0x80000051  }
0xb3: {  	_ =	swait.ge [sflag:s29], $0x1  }
0xb4: {  	[sflag:s29] =	ssyncadd.s32 $0xFFFFFFFF  }
0xb5: {  	_ =	strace $0x90000051  }
0xb6: {  	_ =	sfence  }
0xb7: {  	s30 =	sld [smem:$0x0];
	_ =	sdelay $0x2  }
0xb8: {  	s31 =	sshll.u32 s1, $0xD;
	s1 =	sshrl.u32 s1, $0x2  }
0xb9: {  	s3 =	sand.u32 $0x4000, s31;
	s1 =	sadd.s32 s1, s30  }
0xba: {  	s0 =	sor.u32 s3, s0;
	s1 =	sshll.u32 s1, $0x11  }
0xbb: {  	s0 =	sor.u32 s1, s0  }
0xbc: {  	s0 =	sadd.s32 $0x8F2B, s0  }
0xbd: {  	[sflag:s0] =	ssyncadd.remote.s32 $0x1  }
0xbe: {  	_ =	sfence.sel $0xFFFF  }
0xbf: {  	[dreg:$0x0] =	wrdreg $0xFFFFFFFF;
	(pc) =	sbr.abs _section_cstart, $3  }
0xc0: {  	[dreg:$0x1] =	wrdreg $0xFFFFFFFF  }
0xc1: {  	_ =	task.clear_ibuf [dreg:s6], $0x2FFFF;
	_ =	strace $0x9FFFFFFF  }
0xc2: {  	(tm) =	ssettm $0x7FFFFFFF  }
0xc3: {  	_ =	shalt  }
tec
execute0_lowered:
.L_overlay_start_1:
0x0: {  	(tag) =	ssettag $0x1  }
0x1: {  	s0 =	srdreg.scid  }
0x2: {  	s7 =	stileid.u32;
	s3 =	rddreg [dreg:$0x0]  }
0x3: {  	s2 =	rddreg [dreg:$0x1];
	s4 =	simm.s32 $0x0;
	s28 =	simm.s32 $0x2E00  }
0x4: {  	s29 =	simm.s32 $0x2D00;
	s30 =	simm.s32 $0x7000;
	s31 =	simm.s32 $0x2  }
0x5: {  	s9 =	simm.s32 $0x2F80;
	s10 =	simm.s32 $0x6;
	s11 =	simm.s32 $0x7  }
0x6: {  	s12 =	simm.s32 $0x8;
	s13 =	simm.s32 $0x0;
	s6 =	smul.u32 $0x14000, s7  }
0x7: {  	s0 =	sand.u32 $0x1, s0;
	s1 =	sshll.u32 s7, $0x1;
	s7 =	smul.u32 $0x50000, s7  }
0x8: {  	[smem:$0x7FF] =	sst s4;
	s4 =	sadd.s32 $0x2E00, s3;
	s5 =	smul.u32 $0x140000, s0  }
0x9: {  	s8 =	sadd.s32 $0x2AE00, s3;
	s1 =	sor.u32 s0, s1;
	s16 =	sshrl.u32 s7, $0x2  }
0xa: {  	_ =	strace $0x80000050;
	s5 =	sadd.s32 s6, s5;
	s6 =	sadd.s32 s16, s2  }
0xb: {  	[dreg:$0x3] =	wrdreg s8;
	s0 =	ssub.s32 $0x2, s0;
	s18 =	sadd.s32 $0x2000, s6  }
0xc: {  	s8 =	simm.s32 $0x4;
	s19 =	sadd.s32 $0x4000, s6;
	[dreg:$0x5] =	wrdreg s18  }
0xd: {  	s1 =	smul.u32 $0x580, s1;
	s20 =	sadd.s32 $0x6000, s6;
	[dreg:$0x6] =	wrdreg s19  }
0xe: {  	s17 =	sshrl.u32 s0, $0x1;
	s21 =	sadd.s32 $0x8000, s6;
	[dreg:$0x7] =	wrdreg s20  }
0xf: {  	s7 =	simm.s32 $0x5;
	s22 =	sadd.s32 $0xA000, s6;
	[dreg:$0x8] =	wrdreg s21  }
0x10: {  	s0 =	ssub.s32 s0, s17;
	s23 =	sadd.s32 $0xC000, s6;
	[dreg:$0x9] =	wrdreg s22  }
0x11: {  	s1 =	sadd.s32 s1, s3;
	s24 =	sadd.s32 $0xE000, s6;
	[dreg:$0xa] =	wrdreg s23  }
0x12: {  	s5 =	sshrl.u32 s5, $0x3;
	s25 =	sadd.s32 $0x10000, s6;
	[dreg:$0xb] =	wrdreg s24  }
0x13: {  	s26 =	sadd.s32 $0x12000, s6;
	s3 =	sadd.s32 s5, s3;
	[dreg:$0xc] =	wrdreg s25  }
0x14: {  	s1 =	sadd.s32 $0x68600, s1;
	[dreg:$0xd] =	wrdreg s26;
	s18 =	smax.u32 s0, $0x1  }
.Ltmp0:
0x15: {  	s19 =	simm.s32 $0x9;
	s20 =	simm.s32 $0x40;
	(pc) =	sbr.rel .LBB2_1-.Ltmp0, $4  }
0x16: {  	s21 =	simm.s32 $0x2C00;
	s22 =	simm.s32 $0x3000;
	s23 =	simm.s32 $0x2C80  }
0x17: {  	s24 =	simm.s32 $0x5000;
	s25 =	simm.s32 $0x9000;
	s26 =	simm.s32 $0x1  }
0x18: {  	s0 =	simm.s32 $0x2D80;
	s5 =	simm.s32 $0x2F00;
	[dreg:$0x4] =	wrdreg s1  }
0x19: {  	s17 =	sadd.s32 $0x73600, s3;
	s1 =	simm.s32 $0x2E80;
	s3 =	simm.s32 $0x3  }
.LBB2_4:
0x1a: {  	_ =	swait.ge [sflag:s8], $0x2000  }
0x1b: {  	[sflag:s8] =	ssyncset.done $0x0  }
0x1c: {  	[sflag:s8] =	ssyncadd.s32 $0xFFFFE000  }
0x1d: {  	[spmem:s2] =	stream.indirect.scatter.add.f32 [tilespmem:s25], [sflag:$0x8], $0x80, s9, s20, $0xb8;
	[tilespmem:$0x1F000] =	vst v63  }
0x1e: {  	_ =	swait.ge [sflag:s10], $0x2000  }
0x1f: {  	[sflag:s10] =	ssyncset.done $0x0  }
0x20: {  	[sflag:s10] =	ssyncadd.s32 $0xFFFFE000  }
0x21: {  	_ =	swait.ge [sflag:s11], $0x2000  }
0x22: {  	[sflag:s11] =	ssyncset.done $0x0  }
0x23: {  	[sflag:s11] =	ssyncadd.s32 $0xFFFFE000  }
0x24: {  	s14 =	stileid.u32;
	_ =	swait.ge [sflag:s12], $0x2000  }
0x25: {  	s15 =	sshrl.u32 s6, $0x3;
	s13 =	sadd.s32 $0x1, s13;
	[sflag:s12] =	ssyncset.done $0x0  }
0x26: {  	s14 =	sshll.u32 s14, $0x6;
	p0 =	sne.s32 s13, s18;
	[sflag:s12] =	ssyncadd.s32 $0xFFFFE000  }
.Ltmp1:
0x27: {  	s14 =	sor.u32 $0x1C09, s14;
	[bflag:$0x0] =	sbarrier.arrive $0xFFFF;
	(pc) =	sbr.rel @!p0 .LBB2_5-.Ltmp1, $4  }
0x28: {  	[hbm:s17], [sflag:s14] =	dma.local [spmem:s15], $0x2800  }
0x29: {  	_ =	swait.ge [sflag:s19], $0x2800  }
0x2a: {  	[sflag:s19] =	ssyncset.done $0x0  }
0x2b: {  	[sflag:s19] =	ssyncadd.s32 $0xFFFFD800  }
.LBB2_1:
0x2c: {  	s14 =	simm.s32 $0x0;
	s15 =	rddreg [dreg:$0x4]  }
0x2d: {  	[tilespmem:s14], [sflag:$0x9] =	stream.linear.gather [hbm4b:s15+s14], $0x2900, $0x38;
	[tilespmem:$0x1F000] =	vst v63  }
0x2e: {  	_ =	swait.ge [sflag:s19], $0x2900  }
0x2f: {  	[sflag:s19] =	ssyncset.done $0x0  }
0x30: {  	[sflag:s19] =	ssyncadd.s32 $0xFFFFD700  }
0x31: {  	v0 =	vld [tilespmem:$0x0];
	_ =	sdelay $0x1  }
0x32: {  	v1 =	vld [tilespmem:$0x10];
	_ =	sdelay $0x1  }
0x33: {  	v2 =	vld [tilespmem:$0x20]  }
0x34: {  	v3 =	vand.u32 $0x3FFF, v0  }
0x35: {  	v45 =	vld [tilespmem:$0x30];
	v0 =	vshrl.u32 v0, $0xE;
	[tilespmem:$0x2C00] =	vst v3  }
0x36: {  	v46 =	vand.u32 $0x3FFF, v1;
	[tilespmem:$0x2E00] =	vst v0  }
0x37: {  	v48 =	vld [tilespmem:$0x40];
	v47 =	vshrl.u32 v1, $0xE;
	[tilespmem:$0x2C10] =	vst v46  }
0x38: {  	v49 =	vand.u32 $0x3FFF, v2;
	[tilespmem:$0x2E10] =	vst v47  }
0x39: {  	v51 =	vld [tilespmem:$0x50];
	v50 =	vshrl.u32 v2, $0xE;
	[tilespmem:$0x2C20] =	vst v49  }
0x3a: {  	v52 =	vand.u32 $0x3FFF, v45;
	[tilespmem:$0x2E20] =	vst v50  }
0x3b: {  	v54 =	vld [tilespmem:$0x60];
	v53 =	vshrl.u32 v45, $0xE;
	[tilespmem:$0x2C30] =	vst v52  }
0x3c: {  	v55 =	vand.u32 $0x3FFF, v48;
	[tilespmem:$0x2E30] =	vst v53  }
0x3d: {  	v57 =	vld [tilespmem:$0x70];
	v56 =	vshrl.u32 v48, $0xE;
	[tilespmem:$0x2C80] =	vst v55  }
0x3e: {  	v58 =	vand.u32 $0x3FFF, v51;
	[tilespmem:$0x2E80] =	vst v56  }
0x3f: {  	v59 =	vshrl.u32 v51, $0xE;
	[tilespmem:$0x2C90] =	vst v58  }
0x40: {  	v60 =	vand.u32 $0x3FFF, v54;
	[tilespmem:$0x2E90] =	vst v59  }
0x41: {  	v61 =	vshrl.u32 v54, $0xE;
	[tilespmem:$0x2CA0] =	vst v60  }
0x42: {  	v62 =	vand.u32 $0x3FFF, v57;
	[tilespmem:$0x2EA0] =	vst v61  }
0x43: {  	v63 =	vshrl.u32 v57, $0xE;
	[tilespmem:$0x2CB0] =	vst v62  }
0x44: {  	[tilespmem:$0x2EB0] =	vst v63  }
0x45: {  	[tilespmem:s22], [sflag:$0x1] =	stream.indirect.gather [hbm4b:s4+s20], $0x80, s21, s20, $0xb8;
	[tilespmem:$0x1F000] =	vst v63  }
0x46: {  	_ = 	snop  }
0x47: {  	[tilespmem:s24], [sflag:$0x2] =	stream.indirect.gather [hbm4b:s4+s20], $0x80, s23, s20, $0xb8;
	[tilespmem:$0x1F000] =	vst v63  }
0x48: {  	s16 =	rddreg [dreg:$0x3]  }
0x49: {  	[tilespmem:s25], [sflag:$0x9] =	stream.linear.gather [hbm4b:s16+s14], $0x2000, $0x38;
	[tilespmem:$0x1F000] =	vst v63  }
0x4a: {  	_ =	swait.ge [sflag:s19], $0x2000  }
0x4b: {  	[sflag:s19] =	ssyncset.done $0x0  }
0x4c: {  	[sflag:s19] =	ssyncadd.s32 $0xFFFFE000  }
0x4d: {  	[spmem:s6] =	stream.linear.scatter [tilespmem:s25], [sflag:$0x9], $0x2000, $0x38;
	[tilespmem:$0x1F000] =	vst v63  }
0x4e: {  	_ =	swait.ge [sflag:s19], $0x2000  }
0x4f: {  	[sflag:s19] =	ssyncset.done $0x0  }
0x50: {  	s16 =	rddreg [dreg:$0x5];
	[sflag:s19] =	ssyncadd.s32 $0xFFFFE000  }
0x51: {  	[spmem:s16] =	stream.linear.scatter [tilespmem:s25], [sflag:$0x9], $0x2000, $0x38;
	[tilespmem:$0x1F000] =	vst v63  }
0x52: {  	_ =	swait.ge [sflag:s19], $0x2000  }
0x53: {  	[sflag:s19] =	ssyncset.done $0x0  }
0x54: {  	s15 =	rddreg [dreg:$0x6];
	[sflag:s19] =	ssyncadd.s32 $0xFFFFE000  }
0x55: {  	[spmem:s15] =	stream.linear.scatter [tilespmem:s25], [sflag:$0x9], $0x2000, $0x38;
	[tilespmem:$0x1F000] =	vst v63  }
0x56: {  	_ =	swait.ge [sflag:s19], $0x2000  }
0x57: {  	[sflag:s19] =	ssyncset.done $0x0  }
0x58: {  	s16 =	rddreg [dreg:$0x7];
	[sflag:s19] =	ssyncadd.s32 $0xFFFFE000  }
0x59: {  	[spmem:s16] =	stream.linear.scatter [tilespmem:s25], [sflag:$0x9], $0x2000, $0x38;
	[tilespmem:$0x1F000] =	vst v63  }
0x5a: {  	_ =	swait.ge [sflag:s19], $0x2000  }
0x5b: {  	[sflag:s19] =	ssyncset.done $0x0  }
0x5c: {  	s15 =	rddreg [dreg:$0x8];
	[sflag:s19] =	ssyncadd.s32 $0xFFFFE000  }
0x5d: {  	[spmem:s15] =	stream.linear.scatter [tilespmem:s25], [sflag:$0x9], $0x2000, $0x38;
	[tilespmem:$0x1F000] =	vst v63  }
0x5e: {  	_ =	swait.ge [sflag:s19], $0x2000  }
0x5f: {  	[sflag:s19] =	ssyncset.done $0x0  }
0x60: {  	s16 =	rddreg [dreg:$0x9];
	[sflag:s19] =	ssyncadd.s32 $0xFFFFE000  }
0x61: {  	[spmem:s16] =	stream.linear.scatter [tilespmem:s25], [sflag:$0x9], $0x2000, $0x38;
	[tilespmem:$0x1F000] =	vst v63  }
0x62: {  	_ =	swait.ge [sflag:s19], $0x2000  }
0x63: {  	[sflag:s19] =	ssyncset.done $0x0  }
0x64: {  	s15 =	rddreg [dreg:$0xa];
	[sflag:s19] =	ssyncadd.s32 $0xFFFFE000  }
0x65: {  	[spmem:s15] =	stream.linear.scatter [tilespmem:s25], [sflag:$0x9], $0x2000, $0x38;
	[tilespmem:$0x1F000] =	vst v63  }
0x66: {  	_ =	swait.ge [sflag:s19], $0x2000  }
0x67: {  	[sflag:s19] =	ssyncset.done $0x0  }
0x68: {  	s16 =	rddreg [dreg:$0xb];
	[sflag:s19] =	ssyncadd.s32 $0xFFFFE000  }
0x69: {  	[spmem:s16] =	stream.linear.scatter [tilespmem:s25], [sflag:$0x9], $0x2000, $0x38;
	[tilespmem:$0x1F000] =	vst v63  }
0x6a: {  	_ =	swait.ge [sflag:s19], $0x2000  }
0x6b: {  	[sflag:s19] =	ssyncset.done $0x0  }
0x6c: {  	s15 =	rddreg [dreg:$0xc];
	[sflag:s19] =	ssyncadd.s32 $0xFFFFE000  }
0x6d: {  	[spmem:s15] =	stream.linear.scatter [tilespmem:s25], [sflag:$0x9], $0x2000, $0x38;
	[tilespmem:$0x1F000] =	vst v63  }
0x6e: {  	_ =	swait.ge [sflag:s19], $0x2000  }
0x6f: {  	[sflag:s19] =	ssyncset.done $0x0  }
0x70: {  	s16 =	rddreg [dreg:$0xd];
	[sflag:s19] =	ssyncadd.s32 $0xFFFFE000  }
0x71: {  	[spmem:s16] =	stream.linear.scatter [tilespmem:s25], [sflag:$0x9], $0x2000, $0x38;
	[tilespmem:$0x1F000] =	vst v63  }
0x72: {  	_ =	swait.ge [sflag:s19], $0x2000  }
0x73: {  	[sflag:s19] =	ssyncset.done $0x0  }
0x74: {  	[sflag:s19] =	ssyncadd.s32 $0xFFFFE000  }
0x75: {  	s14 =	simm.s32 $0x0;
	[bflag:$0x0] =	sbarrier.arrive $0xFFFF  }
.LBB2_2:
0x76: {  	_ =	swait.ge [sflag:s26], $0x2000  }
0x77: {  	p0 =	seq.s32 s14, $0x0;
	[sflag:s26] =	ssyncset.done $0x0  }
0x78: {  	s15 =	simm.s32 @!p0 $0x7;
	[sflag:s26] =	ssyncadd.s32 $0xFFFFE000  }
0x79: {  	[spmem:s2] =	stream.indirect.scatter.add.f32 [tilespmem:s22], [sflag:$0x5], $0x80, s28, s20, $0xb8;
	[tilespmem:$0x1F000] =	vst v63  }
0x7a: {  	_ =	swait.ge @!p0 [sflag:s15], $0x2000  }
0x7b: {  	[sflag:s15] =	ssyncset.done @!p0 $0x0  }
0x7c: {  	[sflag:s15] =	ssyncadd.s32 @!p0 $0xFFFFE000;
	s15 =	sshra.s32 s14, $0x2  }
0x7d: {  	v0 =	vld [tilespmem:s15+$0x80];
	_ =	sdelay $0x4  }
0x7e: {  	v1 =	vand.u32 $0x3FFF, v0  }
0x7f: {  	v0 =	vshrl.u32 v0, $0xE;
	[tilespmem:$0x2D00] =	vst v1  }
0x80: {  	[tilespmem:$0x2F00] =	vst v0  }
0x81: {  	v0 =	vld [tilespmem:s15+$0x90];
	_ =	sdelay $0x4  }
0x82: {  	v56 =	vand.u32 $0x3FFF, v0  }
0x83: {  	v0 =	vshrl.u32 v0, $0xE;
	[tilespmem:$0x2D10] =	vst v56  }
0x84: {  	[tilespmem:$0x2F10] =	vst v0  }
0x85: {  	v0 =	vld [tilespmem:s15+$0xA0];
	_ =	sdelay $0x4  }
0x86: {  	v57 =	vand.u32 $0x3FFF, v0  }
0x87: {  	v0 =	vshrl.u32 v0, $0xE;
	[tilespmem:$0x2D20] =	vst v57  }
0x88: {  	[tilespmem:$0x2F20] =	vst v0  }
0x89: {  	v0 =	vld [tilespmem:s15+$0xB0];
	_ =	sdelay $0x4  }
0x8a: {  	v58 =	vand.u32 $0x3FFF, v0  }
0x8b: {  	v0 =	vshrl.u32 v0, $0xE;
	[tilespmem:$0x2D30] =	vst v58  }
0x8c: {  	[tilespmem:$0x2F30] =	vst v0  }
0x8d: {  	[tilespmem:s30], [sflag:$0x3] =	stream.indirect.gather [hbm4b:s4+s20], $0x80, s29, s20, $0xb8;
	[tilespmem:$0x1F000] =	vst v63  }
0x8e: {  	_ =	swait.ge [sflag:s31], $0x2000  }
0x8f: {  	[sflag:s31] =	ssyncset.done $0x0  }
0x90: {  	s16 =	simm.s32 @!p0 $0x8;
	[sflag:s31] =	ssyncadd.s32 $0xFFFFE000  }
0x91: {  	[spmem:s2] =	stream.indirect.scatter.add.f32 [tilespmem:s24], [sflag:$0x6], $0x80, s1, s20, $0xb8;
	[tilespmem:$0x1F000] =	vst v63  }
0x92: {  	_ =	swait.ge @!p0 [sflag:s16], $0x2000  }
0x93: {  	[sflag:s16] =	ssyncset.done @!p0 $0x0  }
0x94: {  	[sflag:s16] =	ssyncadd.s32 @!p0 $0xFFFFE000  }
0x95: {  	v59 =	vld [tilespmem:s15+$0xC0];
	_ =	sdelay $0x4  }
0x96: {  	v60 =	vand.u32 $0x3FFF, v59  }
0x97: {  	v0 =	vshrl.u32 v59, $0xE;
	[tilespmem:$0x2D80] =	vst v60  }
0x98: {  	[tilespmem:$0x2F80] =	vst v0  }
0x99: {  	v0 =	vld [tilespmem:s15+$0xD0];
	_ =	sdelay $0x4  }
0x9a: {  	v61 =	vand.u32 $0x3FFF, v0  }
0x9b: {  	v0 =	vshrl.u32 v0, $0xE;
	[tilespmem:$0x2D90] =	vst v61  }
0x9c: {  	[tilespmem:$0x2F90] =	vst v0  }
0x9d: {  	v0 =	vld [tilespmem:s15+$0xE0];
	_ =	sdelay $0x4  }
0x9e: {  	v62 =	vand.u32 $0x3FFF, v0  }
0x9f: {  	v0 =	vshrl.u32 v0, $0xE;
	[tilespmem:$0x2DA0] =	vst v62  }
0xa0: {  	[tilespmem:$0x2FA0] =	vst v0  }
0xa1: {  	v0 =	vld [tilespmem:s15+$0xF0];
	_ =	sdelay $0x4  }
0xa2: {  	v63 =	vand.u32 $0x3FFF, v0  }
0xa3: {  	v0 =	vshrl.u32 v0, $0xE;
	[tilespmem:$0x2DB0] =	vst v63  }
0xa4: {  	[tilespmem:$0x2FB0] =	vst v0  }
0xa5: {  	[tilespmem:s25], [sflag:$0x4] =	stream.indirect.gather [hbm4b:s4+s20], $0x80, s0, s20, $0xb8;
	[tilespmem:$0x1F000] =	vst v63  }
0xa6: {  	_ =	swait.ge [sflag:s3], $0x2000  }
0xa7: {  	p0 =	seq.s32 s14, $0xA000;
	[sflag:s3] =	ssyncset.done $0x0  }
.Ltmp2:
0xa8: {  	[sflag:s3] =	ssyncadd.s32 $0xFFFFE000;
	(pc) =	sbr.rel @p0 .LBB2_4-.Ltmp2, $4  }
0xa9: {  	[spmem:s2] =	stream.indirect.scatter.add.f32 [tilespmem:s30], [sflag:$0x7], $0x80, s5, s20, $0xb8;
	[tilespmem:$0x1F000] =	vst v63  }
0xaa: {  	_ =	swait.ge [sflag:s7], $0x2000  }
0xab: {  	[sflag:s7] =	ssyncset.done $0x0  }
0xac: {  	[sflag:s7] =	ssyncadd.s32 $0xFFFFE000  }
0xad: {  	v0 =	vld [tilespmem:s15+$0x100];
	_ =	sdelay $0x4  }
0xae: {  	v1 =	vand.u32 $0x3FFF, v0  }
0xaf: {  	v0 =	vshrl.u32 v0, $0xE;
	[tilespmem:$0x2C00] =	vst v1  }
0xb0: {  	[tilespmem:$0x2E00] =	vst v0  }
0xb1: {  	v0 =	vld [tilespmem:s15+$0x110];
	_ =	sdelay $0x4  }
0xb2: {  	v56 =	vand.u32 $0x3FFF, v0  }
0xb3: {  	v0 =	vshrl.u32 v0, $0xE;
	[tilespmem:$0x2C10] =	vst v56  }
0xb4: {  	[tilespmem:$0x2E10] =	vst v0  }
0xb5: {  	v0 =	vld [tilespmem:s15+$0x120];
	_ =	sdelay $0x4  }
0xb6: {  	v57 =	vand.u32 $0x3FFF, v0  }
0xb7: {  	v0 =	vshrl.u32 v0, $0xE;
	[tilespmem:$0x2C20] =	vst v57  }
0xb8: {  	[tilespmem:$0x2E20] =	vst v0  }
0xb9: {  	v0 =	vld [tilespmem:s15+$0x130];
	_ =	sdelay $0x4  }
0xba: {  	v58 =	vand.u32 $0x3FFF, v0  }
0xbb: {  	v0 =	vshrl.u32 v0, $0xE;
	[tilespmem:$0x2C30] =	vst v58  }
0xbc: {  	[tilespmem:$0x2E30] =	vst v0  }
0xbd: {  	[tilespmem:s22], [sflag:$0x1] =	stream.indirect.gather [hbm4b:s4+s20], $0x80, s21, s20, $0xb8;
	[tilespmem:$0x1F000] =	vst v63  }
0xbe: {  	_ =	swait.ge [sflag:s8], $0x2000  }
0xbf: {  	[sflag:s8] =	ssyncset.done $0x0  }
0xc0: {  	[sflag:s8] =	ssyncadd.s32 $0xFFFFE000  }
0xc1: {  	[spmem:s2] =	stream.indirect.scatter.add.f32 [tilespmem:s25], [sflag:$0x8], $0x80, s9, s20, $0xb8;
	[tilespmem:$0x1F000] =	vst v63  }
0xc2: {  	_ =	swait.ge [sflag:s10], $0x2000  }
0xc3: {  	[sflag:s10] =	ssyncset.done $0x0  }
0xc4: {  	[sflag:s10] =	ssyncadd.s32 $0xFFFFE000  }
0xc5: {  	v59 =	vld [tilespmem:s15+$0x140];
	_ =	sdelay $0x4  }
0xc6: {  	v60 =	vand.u32 $0x3FFF, v59  }
0xc7: {  	v0 =	vshrl.u32 v59, $0xE;
	[tilespmem:$0x2C80] =	vst v60  }
0xc8: {  	[tilespmem:$0x2E80] =	vst v0  }
0xc9: {  	v0 =	vld [tilespmem:s15+$0x150];
	_ =	sdelay $0x4  }
0xca: {  	v61 =	vand.u32 $0x3FFF, v0  }
0xcb: {  	v0 =	vshrl.u32 v0, $0xE;
	[tilespmem:$0x2C90] =	vst v61  }
0xcc: {  	[tilespmem:$0x2E90] =	vst v0  }
0xcd: {  	v0 =	vld [tilespmem:s15+$0x160];
	_ =	sdelay $0x4  }
0xce: {  	v62 =	vand.u32 $0x3FFF, v0  }
0xcf: {  	v0 =	vshrl.u32 v0, $0xE;
	[tilespmem:$0x2CA0] =	vst v62  }
0xd0: {  	[tilespmem:$0x2EA0] =	vst v0  }
0xd1: {  	v0 =	vld [tilespmem:s15+$0x170];
	_ =	sdelay $0x3  }
.Ltmp3:
0xd2: {  	_ = 	snop;
	(pc) =	sbr.rel .LBB2_2-.Ltmp3, $4  }
0xd3: {  	v63 =	vand.u32 $0x3FFF, v0  }
0xd4: {  	v0 =	vshrl.u32 v0, $0xE;
	[tilespmem:$0x2CB0] =	vst v63  }
0xd5: {  	s14 =	sadd.s32 $0x400, s14;
	[tilespmem:$0x2EB0] =	vst v0  }
0xd6: {  	[tilespmem:s24], [sflag:$0x2] =	stream.indirect.gather [hbm4b:s4+s20], $0x80, s23, s20, $0xb8;
	[tilespmem:$0x1F000] =	vst v63  }
.LBB2_5:
0xd7: {  	_ =	sfence.sel $0x180000  }
0xd8: {  	[bflag:$0x0] =	sbarrier.arrive $0xFFFF  }
0xd9: {  	_ =	strace $0x90000050  }
0xda: {  	s0 =	stileid.u32;
	[bflag:$0x2] =	sbarrier.arrive $0xFFFF  }
0xdb: {  	p0 =	sne.s32 s0, $0x0;
	s0 =	rddreg [dreg:$0x2]  }
0xdc: {  	s0 =	sadd.s32 @!p0 $0x100000, s0  }
0xdd: {  	[sflag:s0] =	ssyncadd.tile.s32 @!p0 $0x1;
	_ =	shalt  }
.Lfunc_end2:
_tile_overlayer_lowered:
.L_overlay_start_2:
0xde: {  	(tag) =	ssettag $0x2  }
0xdf: {  	s0 =	rddreg [dreg:$0x0];
	s2 =	stileid.u32  }
0xe0: {  	s1 =	rddreg [dreg:$0x1];
	p0 =	sne.s32 s2, $0x0  }
0xe1: {  	s3 =	rddreg [dreg:$0x2];
	[bflag:$0x3] =	sbarrier.arrive $0xFFFF;
	s2 =	simm.s32 @!p0 $0x1C09  }
0xe2: {  	[timem:s3], [sflag:s2] =	dma.local @!p0 [hbm:s0], s1  }
0xe3: {  	s0 =	simm.s32 @!p0 $0x9  }
0xe4: {  	_ =	swait.ge @!p0 [sflag:s0], s1  }
0xe5: {  	s1 =	ssub.s32 @!p0 $0x0, s1;
	[sflag:s0] =	ssyncset.done @!p0 $0x0  }
0xe6: {  	[sflag:s0] =	ssyncadd.s32 @!p0 s1  }
0xe7: {  	[bflag:$0x3] =	sbarrier.arrive $0xFFFF  }
0xe8: {  	_ =	shalt  }

</sc_bundles>
